<compile_context>
chip_gen: v7x
topology: tpu7x:2x2x1
jax: 0.10.2.dev20260603
libtpu: 0.0.44.dev20260713+nightly
codegen_flags: <defaults>
</compile_context>

<pallas_src>
import dataclasses
import functools

import jax
import jax.numpy as jnp
from jax import lax
from jax.experimental import pallas as pl
from jax.experimental.pallas import tpu as pltpu
from jax.experimental.pallas import tpu_sc as plsc

V = 1000
C = 1000
CP = 1024
B = 1024
T = 200
N = B * T
NC = 2
NS = 16
NW = NC * NS
L = 16
NB = 8
TCK = T // NB
RPC = TCK * B
W = 40
KB = 640


def _row_lse_body(tab_ref, out_ref):
    x = tab_ref[...]
    m = jnp.max(x, axis=1, keepdims=True)
    s = jnp.sum(jnp.exp(x - m), axis=1, keepdims=True)
    out_ref[...] = jnp.log(s) + m


def _loss_body(part_ref, out_ref):
    out_ref[...] = (jnp.sum(part_ref[...]) / N).reshape(1, 1)


def _transpose_strips(in_ref, out_ref):
    for j in range(4):
        out_ref[0, :, pl.ds(j * 256, 256)] = (
            jnp.transpose(in_ref[pl.ds(j * 256, 256), :])[:C, :])


def _transpose_body(carry_ref, in_ref, out_ref):
    del carry_ref
    _transpose_strips(in_ref, out_ref)


def _transpose_body0(in_ref, out_ref):
    _transpose_strips(in_ref, out_ref)


def _sc_gather_body(table_hbm, idx_hbm, out_hbm, idx_v, buf0, buf1,
                    gsem, psem):
    wid = lax.axis_index(("c", "s"))
    npw = RPC // NW
    steps = npw // W
    base = wid * npw

    pltpu.sync_copy(idx_hbm.at[pl.ds(base, npw)], idx_v)

    def start_gather(s, buf):
        pltpu.async_copy(table_hbm.at[idx_v.at[pl.ds(s * W, W)]], buf, gsem)

    def wait_gather(buf):
        pltpu.make_async_copy(table_hbm.at[idx_v.at[pl.ds(0, W)]], buf,
                              gsem).wait()

    def start_put(s, buf):
        pltpu.async_copy(buf, out_hbm.at[pl.ds(base + s * W, W)], psem)

    def wait_put():
        pltpu.make_async_copy(buf0, out_hbm.at[pl.ds(base, W)], psem).wait()

    def stage(s, buf, other):
        wait_gather(buf)

        @pl.when(s >= 1)
        def _():
            wait_put()

        @pl.when(s + 1 < steps)
        def _():
            start_gather(s + 1, other)

        start_put(s, buf)

    start_gather(0, buf0)

    @pl.loop(0, steps, step=2)
    def _(s):
        stage(s, buf0, buf1)
        stage(s + 1, buf1, buf0)

    wait_put()


def _sc_loss_body(tabf_hbm, lse_hbm, fidx_hbm, idx_hbm, part_hbm,
                  pick_v, lse_v, acc_v, sem):
    wid = lax.axis_index(("c", "s"))
    npw = N // NW
    chunks = npw // KB
    base = wid * npw

    acc_v[...] = jnp.zeros((L,), jnp.float32)

    def run_scoped_body(fidx_v, iidx_v):
        @pl.loop(0, chunks)
        def _(k):
            pltpu.sync_copy(fidx_hbm.at[pl.ds(base + k * KB, KB)], fidx_v)
            pltpu.sync_copy(idx_hbm.at[pl.ds(base + k * KB, KB)], iidx_v)
            pltpu.async_copy(tabf_hbm.at[fidx_v], pick_v, sem).wait()
            pltpu.async_copy(lse_hbm.at[iidx_v], lse_v, sem).wait()
            for g in range(KB // L):
                acc_v[...] += (lse_v[pl.ds(g * L, L)]
                               - pick_v[pl.ds(g * L, L)])

    pl.run_scoped(run_scoped_body,
                  pltpu.VMEM((KB,), jnp.int32),
                  pltpu.VMEM((KB,), jnp.int32))
    pltpu.sync_copy(acc_v, part_hbm.at[wid])


@jax.jit
def kernel(emb_table, idx, targets):
    row_lse = pl.pallas_call(
        _row_lse_body,
        out_shape=jax.ShapeDtypeStruct((V, 1), jnp.float32),
    )(emb_table)
    lse_flat = jnp.zeros((B,), jnp.float32).at[:V].set(row_lse[:, 0])

    table_pad = jnp.pad(emb_table, ((0, 0), (0, CP - C)))
    idx_flat = idx.astype(jnp.int32).reshape(N)
    tgt_flat = targets.astype(jnp.int32).reshape(N)
    fidx = idx_flat * CP + tgt_flat
    idx_t = jnp.transpose(idx.astype(jnp.int32)).reshape(N)

    mesh = plsc.VectorSubcoreMesh(core_axis_name="c", subcore_axis_name="s")
    cp_gather = dataclasses.replace(pltpu.CompilerParams(),
                                    needs_layout_passes=False)
    cp_loss = dataclasses.replace(pltpu.CompilerParams(),
                                  needs_layout_passes=False,
                                  use_tc_tiling_on_sc=False)

    sc_gather = pl.kernel(
        _sc_gather_body,
        out_type=jax.ShapeDtypeStruct((RPC, CP), jnp.float32),
        mesh=mesh,
        compiler_params=cp_gather,
        scratch_types=[
            pltpu.VMEM((RPC // NW,), jnp.int32),
            pltpu.VMEM((W, CP), jnp.float32),
            pltpu.VMEM((W, CP), jnp.float32),
            pltpu.SemaphoreType.DMA,
            pltpu.SemaphoreType.DMA,
        ],
    )
    chunks = [sc_gather(table_pad, idx_t[k * RPC:(k + 1) * RPC])
              for k in range(NB)]

    sc_loss = pl.kernel(
        _sc_loss_body,
        out_type=jax.ShapeDtypeStruct((NW, L), jnp.float32),
        mesh=mesh,
        compiler_params=cp_loss,
        scratch_types=[
            pltpu.VMEM((KB,), jnp.float32),
            pltpu.VMEM((KB,), jnp.float32),
            pltpu.VMEM((L,), jnp.float32),
            pltpu.SemaphoreType.DMA,
        ],
    )
    lse_dep = lse_flat.at[V].add(chunks[-1][0, 0] * 0.0)
    partials = sc_loss(table_pad.reshape(V * CP), lse_dep, fidx, idx_flat)

    def transpose_chunk(k, carry, chunk):
        return pl.pallas_call(
            _transpose_body,
            grid=(TCK,),
            in_specs=[
                pl.BlockSpec(memory_space=pl.ANY),
                pl.BlockSpec((B, CP), lambda i: (i, 0)),
            ],
            out_specs=pl.BlockSpec((1, C, B), lambda i, k=k: (k * TCK + i,
                                                              0, 0)),
            out_shape=jax.ShapeDtypeStruct((T, C, B), jnp.float32),
            input_output_aliases={0: 0},
        )(carry, chunk)

    acc = pl.pallas_call(
        _transpose_body0,
        grid=(TCK,),
        in_specs=[pl.BlockSpec((B, CP), lambda i: (i, 0))],
        out_specs=pl.BlockSpec((1, C, B), lambda i: (i, 0, 0)),
        out_shape=jax.ShapeDtypeStruct((T, C, B), jnp.float32),
    )(chunks[0])
    for k in range(1, NB):
        acc = transpose_chunk(k, acc, chunks[k])

    loss = pl.pallas_call(
        _loss_body,
        out_shape=jax.ShapeDtypeStruct((1, 1), jnp.float32),
    )(partials)[0, 0]

    return jnp.transpose(acc, (2, 0, 1)), loss

# --- scband reference (transcript-rebuilt; emitter-appended) ---
"""Pipeline reference for scband-bigram-language-model-33638183862752 (READ-ONLY COPY).

The authoritative reference and input builder live on the scoring server;
editing this copy changes nothing except your own understanding.
"""

import jax, jax.numpy as jnp
import numpy as np

VOCAB = 1000
B = 1024
T = 200

def setup_inputs(seed: int = 0) -> dict:
    key = jax.random.key(seed)
    k1, k2, k3 = jax.random.split(key, 3)
    idx = jax.random.randint(k1, (B, T), 0, VOCAB)
    targets = jax.random.randint(k2, (B, T), 0, VOCAB)
    emb_table = jax.random.normal(k3, (VOCAB, VOCAB), dtype=jnp.float32) * 0.02
    return {"emb_table": emb_table, "idx": idx, "targets": targets}

def reference(emb_table, idx, targets):
    # logits = self.emb_table(idx)  -> gather rows of the [vocab, vocab] table
    logits = jnp.take(emb_table, idx, axis=0)  # [B, T, C]
    Bv, Tv, C = logits.shape
    logits_flat = logits.reshape(Bv * Tv, C)
    targets_flat = targets.reshape(Bv * Tv)
    # CrossEntropyLoss (mean reduction): mean(logsumexp(logits) - logits[target])
    lse = jax.scipy.special.logsumexp(logits_flat, axis=-1)
    picked = jnp.take_along_axis(logits_flat, targets_flat[:, None], axis=1)[:, 0]
    loss = jnp.mean(lse - picked)
    return (logits, loss)

if __name__ == "__main__":
    import jax
    _d = setup_inputs()
    print(jax.jit(kernel)(*tuple(_d.values())))

</pallas_src>

<mosaic_0001>
#map = affine_map<(d0, d1) -> (0, 0)>
#map1 = affine_map<(d0, d1) -> (0)>
module attributes {stable_mosaic.version = 14 : i64} {
  func.func @_sc_gather_body(%arg0: i32, %arg1: i32, %arg2: memref<1000x1024xf32, #tpu.memory_space<hbm>>, %arg3: memref<25600xi32, #tpu.memory_space<hbm>>, %arg4: memref<25600x1024xf32, #tpu.memory_space<hbm>>, %arg5: memref<800xi32, #tpu.memory_space<vmem>>, %arg6: memref<40x1024xf32, #tpu.memory_space<vmem>>, %arg7: memref<40x1024xf32, #tpu.memory_space<vmem>>, %arg8: memref<!tpu.dma_semaphore, #tpu.memory_space<semaphore_mem>>, %arg9: memref<!tpu.dma_semaphore, #tpu.memory_space<semaphore_mem>>) attributes {dimension_semantics = [#tpu.dimension_semantics<core_parallel>, #tpu.dimension_semantics<subcore_parallel>], iteration_bounds = array<i64: 2, 16>, scalar_prefetch = 0 : i64, scratch_operands = 5 : i64, tpu.core_type = #tpu.core_type<sc_vector_subcore>, window_params = [{transform_indices = #map}, {transform_indices = #map1}, {transform_indices = #map}]} {
    %mul3A = arith.constant 1 : i32
    %mul3A_0 = arith.muli %arg1, %mul3A : i32
    %add3A = arith.constant 0 : i32
    %add3A_1 = arith.addi %add3A, %mul3A_0 : i32
    %mul3A_2 = arith.constant 16 : i32
    %mul3A_3 = arith.muli %arg0, %mul3A_2 : i32
    %add3A_4 = arith.addi %add3A_1, %mul3A_3 : i32
    %mul3A_5 = arith.constant 800 : i32
    %mul3A_6 = arith.muli %add3A_4, %mul3A_5 : i32
    "tpu.region"() ({
      %run_scoped3A = tpu.sem_alloc : memref<!tpu.dma_semaphore, #tpu.memory_space<semaphore_mem>>
      %dma_start3A_18 = tpu.memref_slice %arg3[%mul3A_6] : memref<25600xi32, #tpu.memory_space<hbm>> -> memref<800xi32, #tpu.memory_space<hbm>>
      %dma_start3A_19 = tpu.memref_slice %arg3[%mul3A_6] : memref<25600xi32, #tpu.memory_space<hbm>> -> memref<800xi32, #tpu.memory_space<hbm>>
      tpu.enqueue_dma source(%dma_start3A_19 : memref<800xi32, #tpu.memory_space<hbm>>) target(%arg5 : memref<800xi32, #tpu.memory_space<vmem>>) target_semaphore(%run_scoped3A : memref<!tpu.dma_semaphore, #tpu.memory_space<semaphore_mem>>)
      %dma_wait3A_20 = tpu.memref_slice %arg3[%mul3A_6] : memref<25600xi32, #tpu.memory_space<hbm>> -> memref<800xi32, #tpu.memory_space<hbm>>
      %dma_wait3A_21 = tpu.memref_slice %arg3[%mul3A_6] : memref<25600xi32, #tpu.memory_space<hbm>> -> memref<800xi32, #tpu.memory_space<hbm>>
      tpu.wait_dma2 semaphore(%run_scoped3A : memref<!tpu.dma_semaphore, #tpu.memory_space<semaphore_mem>>) src(%dma_wait3A_21 : memref<800xi32, #tpu.memory_space<hbm>>) dst(%arg5 : memref<800xi32, #tpu.memory_space<vmem>>)
      tpu.yield
    }) : () -> ()
    %dma_start3A = arith.constant 0 : i32
    %dma_start3A_7 = tpu.memref_slice %arg5[%dma_start3A] : memref<800xi32, #tpu.memory_space<vmem>> -> memref<40xi32, #tpu.memory_space<vmem>>
    %dma_start3A_8 = arith.constant 0 : i32
    %dma_start3A_9 = arith.constant 0 : i32
    %dma_start3A_10 = tpu.memref_slice %arg2[%dma_start3A_8, %dma_start3A_9] : memref<1000x1024xf32, #tpu.memory_space<hbm>> -> memref<1000x1024xf32, #tpu.memory_space<hbm>>
    tpu.enqueue_indirect_dma source(%dma_start3A_10 : memref<1000x1024xf32, #tpu.memory_space<hbm>>) target(%arg6 : memref<40x1024xf32, #tpu.memory_space<vmem>>) offsets(%dma_start3A_7 : memref<40xi32, #tpu.memory_space<vmem>>) semaphore(%arg8 : memref<!tpu.dma_semaphore, #tpu.memory_space<semaphore_mem>>)
    %scan3A = arith.constant 0 : i32
    %scan3A_11 = arith.constant 10 : i32
    %scan3A_12 = arith.addi %scan3A, %scan3A_11 : i32
    %scan3A_13 = arith.constant 1 : i32
    scf.for %scan3A_18 = %scan3A to %scan3A_12 step %scan3A_13  : i32 {
      %mul3A_19 = arith.constant 2 : i32
      %mul3A_20 = arith.muli %scan3A_18, %mul3A_19 : i32
      %add3A_21 = arith.constant 0 : i32
      %add3A_22 = arith.addi %add3A_21, %mul3A_20 : i32
      %dma_wait3A_23 = arith.constant 0 : i32
      %dma_wait3A_24 = tpu.memref_slice %arg5[%dma_wait3A_23] : memref<800xi32, #tpu.memory_space<vmem>> -> memref<40xi32, #tpu.memory_space<vmem>>
      %dma_wait3A_25 = arith.constant 0 : i32
      %dma_wait3A_26 = arith.constant 0 : i32
      %dma_wait3A_27 = tpu.memref_slice %arg2[%dma_wait3A_25, %dma_wait3A_26] : memref<1000x1024xf32, #tpu.memory_space<hbm>> -> memref<1000x1024xf32, #tpu.memory_space<hbm>>
      tpu.wait_indirect_dma semaphore(%arg8 : memref<!tpu.dma_semaphore, #tpu.memory_space<semaphore_mem>>) src(%dma_wait3A_27 : memref<1000x1024xf32, #tpu.memory_space<hbm>>) dst(%arg6 : memref<40x1024xf32, #tpu.memory_space<vmem>>)
      %ge3A = arith.constant 1 : i32
      %ge3A_28 = arith.cmpi sge, %add3A_22, %ge3A : i32
      %convert_element_type3A = arith.extui %ge3A_28 : i1 to i32
      %cond3A = arith.constant 0 : i32
      %cond3A_29 = arith.cmpi ne, %convert_element_type3A, %cond3A : i32
      scf.if %cond3A_29 {
        %dma_wait3A_69 = arith.constant 0 : i32
        %dma_wait3A_70 = tpu.memref_slice %arg4[%mul3A_6, %dma_wait3A_69] : memref<25600x1024xf32, #tpu.memory_space<hbm>> -> memref<40x1024xf32, #tpu.memory_space<hbm>>
        %dma_wait3A_71 = arith.constant 0 : i32
        %dma_wait3A_72 = tpu.memref_slice %arg4[%mul3A_6, %dma_wait3A_71] : memref<25600x1024xf32, #tpu.memory_space<hbm>> -> memref<40x1024xf32, #tpu.memory_space<hbm>>
        tpu.wait_dma2 semaphore(%arg9 : memref<!tpu.dma_semaphore, #tpu.memory_space<semaphore_mem>>) src(%arg6 : memref<40x1024xf32, #tpu.memory_space<vmem>>) dst(%dma_wait3A_72 : memref<40x1024xf32, #tpu.memory_space<hbm>>)
      } else {
      }
      %add3A_30 = arith.constant 1 : i32
      %add3A_31 = arith.addi %add3A_22, %add3A_30 : i32
      %lt3A = arith.constant 20 : i32
      %lt3A_32 = arith.cmpi slt, %add3A_31, %lt3A : i32
      %convert_element_type3A_33 = arith.extui %lt3A_32 : i1 to i32
      %cond3A_34 = arith.constant 0 : i32
      %cond3A_35 = arith.cmpi ne, %convert_element_type3A_33, %cond3A_34 : i32
      scf.if %cond3A_35 {
        %add3A_69 = arith.constant 1 : i32
        %add3A_70 = arith.addi %add3A_22, %add3A_69 : i32
        %mul3A_71 = arith.constant 40 : i32
        %mul3A_72 = arith.muli %add3A_70, %mul3A_71 : i32
        %dma_start3A_73 = tpu.memref_slice %arg5[%mul3A_72] : memref<800xi32, #tpu.memory_space<vmem>> -> memref<40xi32, #tpu.memory_space<vmem>>
        %dma_start3A_74 = arith.constant 0 : i32
        %dma_start3A_75 = arith.constant 0 : i32
        %dma_start3A_76 = tpu.memref_slice %arg2[%dma_start3A_74, %dma_start3A_75] : memref<1000x1024xf32, #tpu.memory_space<hbm>> -> memref<1000x1024xf32, #tpu.memory_space<hbm>>
        tpu.enqueue_indirect_dma source(%dma_start3A_76 : memref<1000x1024xf32, #tpu.memory_space<hbm>>) target(%arg7 : memref<40x1024xf32, #tpu.memory_space<vmem>>) offsets(%dma_start3A_73 : memref<40xi32, #tpu.memory_space<vmem>>) semaphore(%arg8 : memref<!tpu.dma_semaphore, #tpu.memory_space<semaphore_mem>>)
      } else {
      }
      %mul3A_36 = arith.constant 40 : i32
      %mul3A_37 = arith.muli %add3A_22, %mul3A_36 : i32
      %add3A_38 = arith.addi %mul3A_6, %mul3A_37 : i32
      %dma_start3A_39 = arith.constant 0 : i32
      %dma_start3A_40 = tpu.memref_slice %arg4[%add3A_38, %dma_start3A_39] : memref<25600x1024xf32, #tpu.memory_space<hbm>> -> memref<40x1024xf32, #tpu.memory_space<hbm>>
      %dma_start3A_41 = arith.constant 0 : i32
      %dma_start3A_42 = tpu.memref_slice %arg4[%add3A_38, %dma_start3A_41] : memref<25600x1024xf32, #tpu.memory_space<hbm>> -> memref<40x1024xf32, #tpu.memory_space<hbm>>
      tpu.enqueue_dma source(%arg6 : memref<40x1024xf32, #tpu.memory_space<vmem>>) target(%dma_start3A_42 : memref<40x1024xf32, #tpu.memory_space<hbm>>) target_semaphore(%arg9 : memref<!tpu.dma_semaphore, #tpu.memory_space<semaphore_mem>>)
      %add3A_43 = arith.constant 1 : i32
      %add3A_44 = arith.addi %add3A_22, %add3A_43 : i32
      %dma_wait3A_45 = arith.constant 0 : i32
      %dma_wait3A_46 = tpu.memref_slice %arg5[%dma_wait3A_45] : memref<800xi32, #tpu.memory_space<vmem>> -> memref<40xi32, #tpu.memory_space<vmem>>
      %dma_wait3A_47 = arith.constant 0 : i32
      %dma_wait3A_48 = arith.constant 0 : i32
      %dma_wait3A_49 = tpu.memref_slice %arg2[%dma_wait3A_47, %dma_wait3A_48] : memref<1000x1024xf32, #tpu.memory_space<hbm>> -> memref<1000x1024xf32, #tpu.memory_space<hbm>>
      tpu.wait_indirect_dma semaphore(%arg8 : memref<!tpu.dma_semaphore, #tpu.memory_space<semaphore_mem>>) src(%dma_wait3A_49 : memref<1000x1024xf32, #tpu.memory_space<hbm>>) dst(%arg7 : memref<40x1024xf32, #tpu.memory_space<vmem>>)
      %ge3A_50 = arith.constant 1 : i32
      %ge3A_51 = arith.cmpi sge, %add3A_44, %ge3A_50 : i32
      %convert_element_type3A_52 = arith.extui %ge3A_51 : i1 to i32
      %cond3A_53 = arith.constant 0 : i32
      %cond3A_54 = arith.cmpi ne, %convert_element_type3A_52, %cond3A_53 : i32
      scf.if %cond3A_54 {
        %dma_wait3A_69 = arith.constant 0 : i32
        %dma_wait3A_70 = tpu.memref_slice %arg4[%mul3A_6, %dma_wait3A_69] : memref<25600x1024xf32, #tpu.memory_space<hbm>> -> memref<40x1024xf32, #tpu.memory_space<hbm>>
        %dma_wait3A_71 = arith.constant 0 : i32
        %dma_wait3A_72 = tpu.memref_slice %arg4[%mul3A_6, %dma_wait3A_71] : memref<25600x1024xf32, #tpu.memory_space<hbm>> -> memref<40x1024xf32, #tpu.memory_space<hbm>>
        tpu.wait_dma2 semaphore(%arg9 : memref<!tpu.dma_semaphore, #tpu.memory_space<semaphore_mem>>) src(%arg6 : memref<40x1024xf32, #tpu.memory_space<vmem>>) dst(%dma_wait3A_72 : memref<40x1024xf32, #tpu.memory_space<hbm>>)
      } else {
      }
      %add3A_55 = arith.constant 1 : i32
      %add3A_56 = arith.addi %add3A_44, %add3A_55 : i32
      %lt3A_57 = arith.constant 20 : i32
      %lt3A_58 = arith.cmpi slt, %add3A_56, %lt3A_57 : i32
      %convert_element_type3A_59 = arith.extui %lt3A_58 : i1 to i32
      %cond3A_60 = arith.constant 0 : i32
      %cond3A_61 = arith.cmpi ne, %convert_element_type3A_59, %cond3A_60 : i32
      scf.if %cond3A_61 {
        %add3A_69 = arith.constant 1 : i32
        %add3A_70 = arith.addi %add3A_44, %add3A_69 : i32
        %mul3A_71 = arith.constant 40 : i32
        %mul3A_72 = arith.muli %add3A_70, %mul3A_71 : i32
        %dma_start3A_73 = tpu.memref_slice %arg5[%mul3A_72] : memref<800xi32, #tpu.memory_space<vmem>> -> memref<40xi32, #tpu.memory_space<vmem>>
        %dma_start3A_74 = arith.constant 0 : i32
        %dma_start3A_75 = arith.constant 0 : i32
        %dma_start3A_76 = tpu.memref_slice %arg2[%dma_start3A_74, %dma_start3A_75] : memref<1000x1024xf32, #tpu.memory_space<hbm>> -> memref<1000x1024xf32, #tpu.memory_space<hbm>>
        tpu.enqueue_indirect_dma source(%dma_start3A_76 : memref<1000x1024xf32, #tpu.memory_space<hbm>>) target(%arg6 : memref<40x1024xf32, #tpu.memory_space<vmem>>) offsets(%dma_start3A_73 : memref<40xi32, #tpu.memory_space<vmem>>) semaphore(%arg8 : memref<!tpu.dma_semaphore, #tpu.memory_space<semaphore_mem>>)
      } else {
      }
      %mul3A_62 = arith.constant 40 : i32
      %mul3A_63 = arith.muli %add3A_44, %mul3A_62 : i32
      %add3A_64 = arith.addi %mul3A_6, %mul3A_63 : i32
      %dma_start3A_65 = arith.constant 0 : i32
      %dma_start3A_66 = tpu.memref_slice %arg4[%add3A_64, %dma_start3A_65] : memref<25600x1024xf32, #tpu.memory_space<hbm>> -> memref<40x1024xf32, #tpu.memory_space<hbm>>
      %dma_start3A_67 = arith.constant 0 : i32
      %dma_start3A_68 = tpu.memref_slice %arg4[%add3A_64, %dma_start3A_67] : memref<25600x1024xf32, #tpu.memory_space<hbm>> -> memref<40x1024xf32, #tpu.memory_space<hbm>>
      tpu.enqueue_dma source(%arg7 : memref<40x1024xf32, #tpu.memory_space<vmem>>) target(%dma_start3A_68 : memref<40x1024xf32, #tpu.memory_space<hbm>>) target_semaphore(%arg9 : memref<!tpu.dma_semaphore, #tpu.memory_space<semaphore_mem>>)
    }
    %scan3A_14 = arith.constant 10 : i32
    %dma_wait3A = arith.constant 0 : i32
    %dma_wait3A_15 = tpu.memref_slice %arg4[%mul3A_6, %dma_wait3A] : memref<25600x1024xf32, #tpu.memory_space<hbm>> -> memref<40x1024xf32, #tpu.memory_space<hbm>>
    %dma_wait3A_16 = arith.constant 0 : i32
    %dma_wait3A_17 = tpu.memref_slice %arg4[%mul3A_6, %dma_wait3A_16] : memref<25600x1024xf32, #tpu.memory_space<hbm>> -> memref<40x1024xf32, #tpu.memory_space<hbm>>
    tpu.wait_dma2 semaphore(%arg9 : memref<!tpu.dma_semaphore, #tpu.memory_space<semaphore_mem>>) src(%arg6 : memref<40x1024xf32, #tpu.memory_space<vmem>>) dst(%dma_wait3A_17 : memref<40x1024xf32, #tpu.memory_space<hbm>>)
    return
  }
}

#map = affine_map<(d0, d1) -> (0, 0)>
#map1 = affine_map<(d0, d1) -> (0)>
module attributes {stable_mosaic.version = 14 : i64} {
  func.func @_sc_gather_body(%arg0: i32, %arg1: i32, %arg2: memref<1000x1024xf32, #tpu.memory_space<hbm>>, %arg3: memref<25600xi32, #tpu.memory_space<hbm>>, %arg4: memref<25600x1024xf32, #tpu.memory_space<hbm>>, %arg5: memref<800xi32, #tpu.memory_space<vmem>>, %arg6: memref<40x1024xf32, #tpu.memory_space<vmem>>, %arg7: memref<40x1024xf32, #tpu.memory_space<vmem>>, %arg8: memref<!tpu.dma_semaphore, #tpu.memory_space<semaphore_mem>>, %arg9: memref<!tpu.dma_semaphore, #tpu.memory_space<semaphore_mem>>) attributes {dimension_semantics = [#tpu.dimension_semantics<core_parallel>, #tpu.dimension_semantics<subcore_parallel>], iteration_bounds = array<i64: 2, 16>, scalar_prefetch = 0 : i64, scratch_operands = 5 : i64, tpu.core_type = #tpu.core_type<sc_vector_subcore>, window_params = [{transform_indices = #map}, {transform_indices = #map1}, {transform_indices = #map}]} {
    %mul3A = arith.constant 1 : i32
    %mul3A_0 = arith.muli %arg1, %mul3A : i32
    %add3A = arith.constant 0 : i32
    %add3A_1 = arith.addi %add3A, %mul3A_0 : i32
    %mul3A_2 = arith.constant 16 : i32
    %mul3A_3 = arith.muli %arg0, %mul3A_2 : i32
    %add3A_4 = arith.addi %add3A_1, %mul3A_3 : i32
    %mul3A_5 = arith.constant 800 : i32
    %mul3A_6 = arith.muli %add3A_4, %mul3A_5 : i32
    "tpu.region"() ({
      %run_scoped3A = tpu.sem_alloc : memref<!tpu.dma_semaphore, #tpu.memory_space<semaphore_mem>>
      %dma_start3A_18 = tpu.memref_slice %arg3[%mul3A_6] : memref<25600xi32, #tpu.memory_space<hbm>> -> memref<800xi32, #tpu.memory_space<hbm>>
      %dma_start3A_19 = tpu.memref_slice %arg3[%mul3A_6] : memref<25600xi32, #tpu.memory_space<hbm>> -> memref<800xi32, #tpu.memory_space<hbm>>
      tpu.enqueue_dma source(%dma_start3A_19 : memref<800xi32, #tpu.memory_space<hbm>>) target(%arg5 : memref<800xi32, #tpu.memory_space<vmem>>) target_semaphore(%run_scoped3A : memref<!tpu.dma_semaphore, #tpu.memory_space<semaphore_mem>>)
      %dma_wait3A_20 = tpu.memref_slice %arg3[%mul3A_6] : memref<25600xi32, #tpu.memory_space<hbm>> -> memref<800xi32, #tpu.memory_space<hbm>>
      %dma_wait3A_21 = tpu.memref_slice %arg3[%mul3A_6] : memref<25600xi32, #tpu.memory_space<hbm>> -> memref<800xi32, #tpu.memory_space<hbm>>
      tpu.wait_dma2 semaphore(%run_scoped3A : memref<!tpu.dma_semaphore, #tpu.memory_space<semaphore_mem>>) src(%dma_wait3A_21 : memref<800xi32, #tpu.memory_space<hbm>>) dst(%arg5 : memref<800xi32, #tpu.memory_space<vmem>>)
      tpu.yield
    }) : () -> ()
    %dma_start3A = arith.constant 0 : i32
    %dma_start3A_7 = tpu.memref_slice %arg5[%dma_start3A] : memref<800xi32, #tpu.memory_space<vmem>> -> memref<40xi32, #tpu.memory_space<vmem>>
    %dma_start3A_8 = arith.constant 0 : i32
    %dma_start3A_9 = arith.constant 0 : i32
    %dma_start3A_10 = tpu.memref_slice %arg2[%dma_start3A_8, %dma_start3A_9] : memref<1000x1024xf32, #tpu.memory_space<hbm>> -> memref<1000x1024xf32, #tpu.memory_space<hbm>>
    tpu.enqueue_indirect_dma source(%dma_start3A_10 : memref<1000x1024xf32, #tpu.memory_space<hbm>>) target(%arg6 : memref<40x1024xf32, #tpu.memory_space<vmem>>) offsets(%dma_start3A_7 : memref<40xi32, #tpu.memory_space<vmem>>) semaphore(%arg8 : memref<!tpu.dma_semaphore, #tpu.memory_space<semaphore_mem>>)
    %scan3A = arith.constant 0 : i32
    %scan3A_11 = arith.constant 10 : i32
    %scan3A_12 = arith.addi %scan3A, %scan3A_11 : i32
    %scan3A_13 = arith.constant 1 : i32
    scf.for %scan3A_18 = %scan3A to %scan3A_12 step %scan3A_13  : i32 {
      %mul3A_19 = arith.constant 2 : i32
      %mul3A_20 = arith.muli %scan3A_18, %mul3A_19 : i32
      %add3A_21 = arith.constant 0 : i32
      %add3A_22 = arith.addi %add3A_21, %mul3A_20 : i32
      %dma_wait3A_23 = arith.constant 0 : i32
      %dma_wait3A_24 = tpu.memref_slice %arg5[%dma_wait3A_23] : memref<800xi32, #tpu.memory_space<vmem>> -> memref<40xi32, #tpu.memory_space<vmem>>
      %dma_wait3A_25 = arith.constant 0 : i32
      %dma_wait3A_26 = arith.constant 0 : i32
      %dma_wait3A_27 = tpu.memref_slice %arg2[%dma_wait3A_25, %dma_wait3A_26] : memref<1000x1024xf32, #tpu.memory_space<hbm>> -> memref<1000x1024xf32, #tpu.memory_space<hbm>>
      tpu.wait_indirect_dma semaphore(%arg8 : memref<!tpu.dma_semaphore, #tpu.memory_space<semaphore_mem>>) src(%dma_wait3A_27 : memref<1000x1024xf32, #tpu.memory_space<hbm>>) dst(%arg6 : memref<40x1024xf32, #tpu.memory_space<vmem>>)
      %ge3A = arith.constant 1 : i32
      %ge3A_28 = arith.cmpi sge, %add3A_22, %ge3A : i32
      %convert_element_type3A = arith.extui %ge3A_28 : i1 to i32
      %cond3A = arith.constant 0 : i32
      %cond3A_29 = arith.cmpi ne, %convert_element_type3A, %cond3A : i32
      scf.if %cond3A_29 {
        %dma_wait3A_69 = arith.constant 0 : i32
        %dma_wait3A_70 = tpu.memref_slice %arg4[%mul3A_6, %dma_wait3A_69] : memref<25600x1024xf32, #tpu.memory_space<hbm>> -> memref<40x1024xf32, #tpu.memory_space<hbm>>
        %dma_wait3A_71 = arith.constant 0 : i32
        %dma_wait3A_72 = tpu.memref_slice %arg4[%mul3A_6, %dma_wait3A_71] : memref<25600x1024xf32, #tpu.memory_space<hbm>> -> memref<40x1024xf32, #tpu.memory_space<hbm>>
        tpu.wait_dma2 semaphore(%arg9 : memref<!tpu.dma_semaphore, #tpu.memory_space<semaphore_mem>>) src(%arg6 : memref<40x1024xf32, #tpu.memory_space<vmem>>) dst(%dma_wait3A_72 : memref<40x1024xf32, #tpu.memory_space<hbm>>)
      } else {
      }
      %add3A_30 = arith.constant 1 : i32
      %add3A_31 = arith.addi %add3A_22, %add3A_30 : i32
      %lt3A = arith.constant 20 : i32
      %lt3A_32 = arith.cmpi slt, %add3A_31, %lt3A : i32
      %convert_element_type3A_33 = arith.extui %lt3A_32 : i1 to i32
      %cond3A_34 = arith.constant 0 : i32
      %cond3A_35 = arith.cmpi ne, %convert_element_type3A_33, %cond3A_34 : i32
      scf.if %cond3A_35 {
        %add3A_69 = arith.constant 1 : i32
        %add3A_70 = arith.addi %add3A_22, %add3A_69 : i32
        %mul3A_71 = arith.constant 40 : i32
        %mul3A_72 = arith.muli %add3A_70, %mul3A_71 : i32
        %dma_start3A_73 = tpu.memref_slice %arg5[%mul3A_72] : memref<800xi32, #tpu.memory_space<vmem>> -> memref<40xi32, #tpu.memory_space<vmem>>
        %dma_start3A_74 = arith.constant 0 : i32
        %dma_start3A_75 = arith.constant 0 : i32
        %dma_start3A_76 = tpu.memref_slice %arg2[%dma_start3A_74, %dma_start3A_75] : memref<1000x1024xf32, #tpu.memory_space<hbm>> -> memref<1000x1024xf32, #tpu.memory_space<hbm>>
        tpu.enqueue_indirect_dma source(%dma_start3A_76 : memref<1000x1024xf32, #tpu.memory_space<hbm>>) target(%arg7 : memref<40x1024xf32, #tpu.memory_space<vmem>>) offsets(%dma_start3A_73 : memref<40xi32, #tpu.memory_space<vmem>>) semaphore(%arg8 : memref<!tpu.dma_semaphore, #tpu.memory_space<semaphore_mem>>)
      } else {
      }
      %mul3A_36 = arith.constant 40 : i32
      %mul3A_37 = arith.muli %add3A_22, %mul3A_36 : i32
      %add3A_38 = arith.addi %mul3A_6, %mul3A_37 : i32
      %dma_start3A_39 = arith.constant 0 : i32
      %dma_start3A_40 = tpu.memref_slice %arg4[%add3A_38, %dma_start3A_39] : memref<25600x1024xf32, #tpu.memory_space<hbm>> -> memref<40x1024xf32, #tpu.memory_space<hbm>>
      %dma_start3A_41 = arith.constant 0 : i32
      %dma_start3A_42 = tpu.memref_slice %arg4[%add3A_38, %dma_start3A_41] : memref<25600x1024xf32, #tpu.memory_space<hbm>> -> memref<40x1024xf32, #tpu.memory_space<hbm>>
      tpu.enqueue_dma source(%arg6 : memref<40x1024xf32, #tpu.memory_space<vmem>>) target(%dma_start3A_42 : memref<40x1024xf32, #tpu.memory_space<hbm>>) target_semaphore(%arg9 : memref<!tpu.dma_semaphore, #tpu.memory_space<semaphore_mem>>)
      %add3A_43 = arith.constant 1 : i32
      %add3A_44 = arith.addi %add3A_22, %add3A_43 : i32
      %dma_wait3A_45 = arith.constant 0 : i32
      %dma_wait3A_46 = tpu.memref_slice %arg5[%dma_wait3A_45] : memref<800xi32, #tpu.memory_space<vmem>> -> memref<40xi32, #tpu.memory_space<vmem>>
      %dma_wait3A_47 = arith.constant 0 : i32
      %dma_wait3A_48 = arith.constant 0 : i32
      %dma_wait3A_49 = tpu.memref_slice %arg2[%dma_wait3A_47, %dma_wait3A_48] : memref<1000x1024xf32, #tpu.memory_space<hbm>> -> memref<1000x1024xf32, #tpu.memory_space<hbm>>
      tpu.wait_indirect_dma semaphore(%arg8 : memref<!tpu.dma_semaphore, #tpu.memory_space<semaphore_mem>>) src(%dma_wait3A_49 : memref<1000x1024xf32, #tpu.memory_space<hbm>>) dst(%arg7 : memref<40x1024xf32, #tpu.memory_space<vmem>>)
      %ge3A_50 = arith.constant 1 : i32
      %ge3A_51 = arith.cmpi sge, %add3A_44, %ge3A_50 : i32
      %convert_element_type3A_52 = arith.extui %ge3A_51 : i1 to i32
      %cond3A_53 = arith.constant 0 : i32
      %cond3A_54 = arith.cmpi ne, %convert_element_type3A_52, %cond3A_53 : i32
      scf.if %cond3A_54 {
        %dma_wait3A_69 = arith.constant 0 : i32
        %dma_wait3A_70 = tpu.memref_slice %arg4[%mul3A_6, %dma_wait3A_69] : memref<25600x1024xf32, #tpu.memory_space<hbm>> -> memref<40x1024xf32, #tpu.memory_space<hbm>>
        %dma_wait3A_71 = arith.constant 0 : i32
        %dma_wait3A_72 = tpu.memref_slice %arg4[%mul3A_6, %dma_wait3A_71] : memref<25600x1024xf32, #tpu.memory_space<hbm>> -> memref<40x1024xf32, #tpu.memory_space<hbm>>
        tpu.wait_dma2 semaphore(%arg9 : memref<!tpu.dma_semaphore, #tpu.memory_space<semaphore_mem>>) src(%arg6 : memref<40x1024xf32, #tpu.memory_space<vmem>>) dst(%dma_wait3A_72 : memref<40x1024xf32, #tpu.memory_space<hbm>>)
      } else {
      }
      %add3A_55 = arith.constant 1 : i32
      %add3A_56 = arith.addi %add3A_44, %add3A_55 : i32
      %lt3A_57 = arith.constant 20 : i32
      %lt3A_58 = arith.cmpi slt, %add3A_56, %lt3A_57 : i32
      %convert_element_type3A_59 = arith.extui %lt3A_58 : i1 to i32
      %cond3A_60 = arith.constant 0 : i32
      %cond3A_61 = arith.cmpi ne, %convert_element_type3A_59, %cond3A_60 : i32
      scf.if %cond3A_61 {
        %add3A_69 = arith.constant 1 : i32
        %add3A_70 = arith.addi %add3A_44, %add3A_69 : i32
        %mul3A_71 = arith.constant 40 : i32
        %mul3A_72 = arith.muli %add3A_70, %mul3A_71 : i32
        %dma_start3A_73 = tpu.memref_slice %arg5[%mul3A_72] : memref<800xi32, #tpu.memory_space<vmem>> -> memref<40xi32, #tpu.memory_space<vmem>>
        %dma_start3A_74 = arith.constant 0 : i32
        %dma_start3A_75 = arith.constant 0 : i32
        %dma_start3A_76 = tpu.memref_slice %arg2[%dma_start3A_74, %dma_start3A_75] : memref<1000x1024xf32, #tpu.memory_space<hbm>> -> memref<1000x1024xf32, #tpu.memory_space<hbm>>
        tpu.enqueue_indirect_dma source(%dma_start3A_76 : memref<1000x1024xf32, #tpu.memory_space<hbm>>) target(%arg6 : memref<40x1024xf32, #tpu.memory_space<vmem>>) offsets(%dma_start3A_73 : memref<40xi32, #tpu.memory_space<vmem>>) semaphore(%arg8 : memref<!tpu.dma_semaphore, #tpu.memory_space<semaphore_mem>>)
      } else {
      }
      %mul3A_62 = arith.constant 40 : i32
      %mul3A_63 = arith.muli %add3A_44, %mul3A_62 : i32
      %add3A_64 = arith.addi %mul3A_6, %mul3A_63 : i32
      %dma_start3A_65 = arith.constant 0 : i32
      %dma_start3A_66 = tpu.memref_slice %arg4[%add3A_64, %dma_start3A_65] : memref<25600x1024xf32, #tpu.memory_space<hbm>> -> memref<40x1024xf32, #tpu.memory_space<hbm>>
      %dma_start3A_67 = arith.constant 0 : i32
      %dma_start3A_68 = tpu.memref_slice %arg4[%add3A_64, %dma_start3A_67] : memref<25600x1024xf32, #tpu.memory_space<hbm>> -> memref<40x1024xf32, #tpu.memory_space<hbm>>
      tpu.enqueue_dma source(%arg7 : memref<40x1024xf32, #tpu.memory_space<vmem>>) target(%dma_start3A_68 : memref<40x1024xf32, #tpu.memory_space<hbm>>) target_semaphore(%arg9 : memref<!tpu.dma_semaphore, #tpu.memory_space<semaphore_mem>>)
    }
    %scan3A_14 = arith.constant 10 : i32
    %dma_wait3A = arith.constant 0 : i32
    %dma_wait3A_15 = tpu.memref_slice %arg4[%mul3A_6, %dma_wait3A] : memref<25600x1024xf32, #tpu.memory_space<hbm>> -> memref<40x1024xf32, #tpu.memory_space<hbm>>
    %dma_wait3A_16 = arith.constant 0 : i32
    %dma_wait3A_17 = tpu.memref_slice %arg4[%mul3A_6, %dma_wait3A_16] : memref<25600x1024xf32, #tpu.memory_space<hbm>> -> memref<40x1024xf32, #tpu.memory_space<hbm>>
    tpu.wait_dma2 semaphore(%arg9 : memref<!tpu.dma_semaphore, #tpu.memory_space<semaphore_mem>>) src(%arg6 : memref<40x1024xf32, #tpu.memory_space<vmem>>) dst(%dma_wait3A_17 : memref<40x1024xf32, #tpu.memory_space<hbm>>)
    return
  }
}

#map = affine_map<(d0, d1) -> (0, 0)>
#map1 = affine_map<(d0, d1) -> (0)>
module attributes {stable_mosaic.version = 14 : i64} {
  func.func @_sc_gather_body(%arg0: i32, %arg1: i32, %arg2: memref<1000x1024xf32, #tpu.memory_space<hbm>>, %arg3: memref<25600xi32, #tpu.memory_space<hbm>>, %arg4: memref<25600x1024xf32, #tpu.memory_space<hbm>>, %arg5: memref<800xi32, #tpu.memory_space<vmem>>, %arg6: memref<40x1024xf32, #tpu.memory_space<vmem>>, %arg7: memref<40x1024xf32, #tpu.memory_space<vmem>>, %arg8: memref<!tpu.dma_semaphore, #tpu.memory_space<semaphore_mem>>, %arg9: memref<!tpu.dma_semaphore, #tpu.memory_space<semaphore_mem>>) attributes {dimension_semantics = [#tpu.dimension_semantics<core_parallel>, #tpu.dimension_semantics<subcore_parallel>], iteration_bounds = array<i64: 2, 16>, scalar_prefetch = 0 : i64, scratch_operands = 5 : i64, tpu.core_type = #tpu.core_type<sc_vector_subcore>, window_params = [{transform_indices = #map}, {transform_indices = #map1}, {transform_indices = #map}]} {
    %mul3A = arith.constant 1 : i32
    %mul3A_0 = arith.muli %arg1, %mul3A : i32
    %add3A = arith.constant 0 : i32
    %add3A_1 = arith.addi %add3A, %mul3A_0 : i32
    %mul3A_2 = arith.constant 16 : i32
    %mul3A_3 = arith.muli %arg0, %mul3A_2 : i32
    %add3A_4 = arith.addi %add3A_1, %mul3A_3 : i32
    %mul3A_5 = arith.constant 800 : i32
    %mul3A_6 = arith.muli %add3A_4, %mul3A_5 : i32
    "tpu.region"() ({
      %run_scoped3A = tpu.sem_alloc : memref<!tpu.dma_semaphore, #tpu.memory_space<semaphore_mem>>
      %dma_start3A_18 = tpu.memref_slice %arg3[%mul3A_6] : memref<25600xi32, #tpu.memory_space<hbm>> -> memref<800xi32, #tpu.memory_space<hbm>>
      %dma_start3A_19 = tpu.memref_slice %arg3[%mul3A_6] : memref<25600xi32, #tpu.memory_space<hbm>> -> memref<800xi32, #tpu.memory_space<hbm>>
      tpu.enqueue_dma source(%dma_start3A_19 : memref<800xi32, #tpu.memory_space<hbm>>) target(%arg5 : memref<800xi32, #tpu.memory_space<vmem>>) target_semaphore(%run_scoped3A : memref<!tpu.dma_semaphore, #tpu.memory_space<semaphore_mem>>)
      %dma_wait3A_20 = tpu.memref_slice %arg3[%mul3A_6] : memref<25600xi32, #tpu.memory_space<hbm>> -> memref<800xi32, #tpu.memory_space<hbm>>
      %dma_wait3A_21 = tpu.memref_slice %arg3[%mul3A_6] : memref<25600xi32, #tpu.memory_space<hbm>> -> memref<800xi32, #tpu.memory_space<hbm>>
      tpu.wait_dma2 semaphore(%run_scoped3A : memref<!tpu.dma_semaphore, #tpu.memory_space<semaphore_mem>>) src(%dma_wait3A_21 : memref<800xi32, #tpu.memory_space<hbm>>) dst(%arg5 : memref<800xi32, #tpu.memory_space<vmem>>)
      tpu.yield
    }) : () -> ()
    %dma_start3A = arith.constant 0 : i32
    %dma_start3A_7 = tpu.memref_slice %arg5[%dma_start3A] : memref<800xi32, #tpu.memory_space<vmem>> -> memref<40xi32, #tpu.memory_space<vmem>>
    %dma_start3A_8 = arith.constant 0 : i32
    %dma_start3A_9 = arith.constant 0 : i32
    %dma_start3A_10 = tpu.memref_slice %arg2[%dma_start3A_8, %dma_start3A_9] : memref<1000x1024xf32, #tpu.memory_space<hbm>> -> memref<1000x1024xf32, #tpu.memory_space<hbm>>
    tpu.enqueue_indirect_dma source(%dma_start3A_10 : memref<1000x1024xf32, #tpu.memory_space<hbm>>) target(%arg6 : memref<40x1024xf32, #tpu.memory_space<vmem>>) offsets(%dma_start3A_7 : memref<40xi32, #tpu.memory_space<vmem>>) semaphore(%arg8 : memref<!tpu.dma_semaphore, #tpu.memory_space<semaphore_mem>>)
    %scan3A = arith.constant 0 : i32
    %scan3A_11 = arith.constant 10 : i32
    %scan3A_12 = arith.addi %scan3A, %scan3A_11 : i32
    %scan3A_13 = arith.constant 1 : i32
    scf.for %scan3A_18 = %scan3A to %scan3A_12 step %scan3A_13  : i32 {
      %mul3A_19 = arith.constant 2 : i32
      %mul3A_20 = arith.muli %scan3A_18, %mul3A_19 : i32
      %add3A_21 = arith.constant 0 : i32
      %add3A_22 = arith.addi %add3A_21, %mul3A_20 : i32
      %dma_wait3A_23 = arith.constant 0 : i32
      %dma_wait3A_24 = tpu.memref_slice %arg5[%dma_wait3A_23] : memref<800xi32, #tpu.memory_space<vmem>> -> memref<40xi32, #tpu.memory_space<vmem>>
      %dma_wait3A_25 = arith.constant 0 : i32
      %dma_wait3A_26 = arith.constant 0 : i32
      %dma_wait3A_27 = tpu.memref_slice %arg2[%dma_wait3A_25, %dma_wait3A_26] : memref<1000x1024xf32, #tpu.memory_space<hbm>> -> memref<1000x1024xf32, #tpu.memory_space<hbm>>
      tpu.wait_indirect_dma semaphore(%arg8 : memref<!tpu.dma_semaphore, #tpu.memory_space<semaphore_mem>>) src(%dma_wait3A_27 : memref<1000x1024xf32, #tpu.memory_space<hbm>>) dst(%arg6 : memref<40x1024xf32, #tpu.memory_space<vmem>>)
      %ge3A = arith.constant 1 : i32
      %ge3A_28 = arith.cmpi sge, %add3A_22, %ge3A : i32
      %convert_element_type3A = arith.extui %ge3A_28 : i1 to i32
      %cond3A = arith.constant 0 : i32
      %cond3A_29 = arith.cmpi ne, %convert_element_type3A, %cond3A : i32
      scf.if %cond3A_29 {
        %dma_wait3A_69 = arith.constant 0 : i32
        %dma_wait3A_70 = tpu.memref_slice %arg4[%mul3A_6, %dma_wait3A_69] : memref<25600x1024xf32, #tpu.memory_space<hbm>> -> memref<40x1024xf32, #tpu.memory_space<hbm>>
        %dma_wait3A_71 = arith.constant 0 : i32
        %dma_wait3A_72 = tpu.memref_slice %arg4[%mul3A_6, %dma_wait3A_71] : memref<25600x1024xf32, #tpu.memory_space<hbm>> -> memref<40x1024xf32, #tpu.memory_space<hbm>>
        tpu.wait_dma2 semaphore(%arg9 : memref<!tpu.dma_semaphore, #tpu.memory_space<semaphore_mem>>) src(%arg6 : memref<40x1024xf32, #tpu.memory_space<vmem>>) dst(%dma_wait3A_72 : memref<40x1024xf32, #tpu.memory_space<hbm>>)
      } else {
      }
      %add3A_30 = arith.constant 1 : i32
      %add3A_31 = arith.addi %add3A_22, %add3A_30 : i32
      %lt3A = arith.constant 20 : i32
      %lt3A_32 = arith.cmpi slt, %add3A_31, %lt3A : i32
      %convert_element_type3A_33 = arith.extui %lt3A_32 : i1 to i32
      %cond3A_34 = arith.constant 0 : i32
      %cond3A_35 = arith.cmpi ne, %convert_element_type3A_33, %cond3A_34 : i32
      scf.if %cond3A_35 {
        %add3A_69 = arith.constant 1 : i32
        %add3A_70 = arith.addi %add3A_22, %add3A_69 : i32
        %mul3A_71 = arith.constant 40 : i32
        %mul3A_72 = arith.muli %add3A_70, %mul3A_71 : i32
        %dma_start3A_73 = tpu.memref_slice %arg5[%mul3A_72] : memref<800xi32, #tpu.memory_space<vmem>> -> memref<40xi32, #tpu.memory_space<vmem>>
        %dma_start3A_74 = arith.constant 0 : i32
        %dma_start3A_75 = arith.constant 0 : i32
        %dma_start3A_76 = tpu.memref_slice %arg2[%dma_start3A_74, %dma_start3A_75] : memref<1000x1024xf32, #tpu.memory_space<hbm>> -> memref<1000x1024xf32, #tpu.memory_space<hbm>>
        tpu.enqueue_indirect_dma source(%dma_start3A_76 : memref<1000x1024xf32, #tpu.memory_space<hbm>>) target(%arg7 : memref<40x1024xf32, #tpu.memory_space<vmem>>) offsets(%dma_start3A_73 : memref<40xi32, #tpu.memory_space<vmem>>) semaphore(%arg8 : memref<!tpu.dma_semaphore, #tpu.memory_space<semaphore_mem>>)
      } else {
      }
      %mul3A_36 = arith.constant 40 : i32
      %mul3A_37 = arith.muli %add3A_22, %mul3A_36 : i32
      %add3A_38 = arith.addi %mul3A_6, %mul3A_37 : i32
      %dma_start3A_39 = arith.constant 0 : i32
      %dma_start3A_40 = tpu.memref_slice %arg4[%add3A_38, %dma_start3A_39] : memref<25600x1024xf32, #tpu.memory_space<hbm>> -> memref<40x1024xf32, #tpu.memory_space<hbm>>
      %dma_start3A_41 = arith.constant 0 : i32
      %dma_start3A_42 = tpu.memref_slice %arg4[%add3A_38, %dma_start3A_41] : memref<25600x1024xf32, #tpu.memory_space<hbm>> -> memref<40x1024xf32, #tpu.memory_space<hbm>>
      tpu.enqueue_dma source(%arg6 : memref<40x1024xf32, #tpu.memory_space<vmem>>) target(%dma_start3A_42 : memref<40x1024xf32, #tpu.memory_space<hbm>>) target_semaphore(%arg9 : memref<!tpu.dma_semaphore, #tpu.memory_space<semaphore_mem>>)
      %add3A_43 = arith.constant 1 : i32
      %add3A_44 = arith.addi %add3A_22, %add3A_43 : i32
      %dma_wait3A_45 = arith.constant 0 : i32
      %dma_wait3A_46 = tpu.memref_slice %arg5[%dma_wait3A_45] : memref<800xi32, #tpu.memory_space<vmem>> -> memref<40xi32, #tpu.memory_space<vmem>>
      %dma_wait3A_47 = arith.constant 0 : i32
      %dma_wait3A_48 = arith.constant 0 : i32
      %dma_wait3A_49 = tpu.memref_slice %arg2[%dma_wait3A_47, %dma_wait3A_48] : memref<1000x1024xf32, #tpu.memory_space<hbm>> -> memref<1000x1024xf32, #tpu.memory_space<hbm>>
      tpu.wait_indirect_dma semaphore(%arg8 : memref<!tpu.dma_semaphore, #tpu.memory_space<semaphore_mem>>) src(%dma_wait3A_49 : memref<1000x1024xf32, #tpu.memory_space<hbm>>) dst(%arg7 : memref<40x1024xf32, #tpu.memory_space<vmem>>)
      %ge3A_50 = arith.constant 1 : i32
      %ge3A_51 = arith.cmpi sge, %add3A_44, %ge3A_50 : i32
      %convert_element_type3A_52 = arith.extui %ge3A_51 : i1 to i32
      %cond3A_53 = arith.constant 0 : i32
      %cond3A_54 = arith.cmpi ne, %convert_element_type3A_52, %cond3A_53 : i32
      scf.if %cond3A_54 {
        %dma_wait3A_69 = arith.constant 0 : i32
        %dma_wait3A_70 = tpu.memref_slice %arg4[%mul3A_6, %dma_wait3A_69] : memref<25600x1024xf32, #tpu.memory_space<hbm>> -> memref<40x1024xf32, #tpu.memory_space<hbm>>
        %dma_wait3A_71 = arith.constant 0 : i32
        %dma_wait3A_72 = tpu.memref_slice %arg4[%mul3A_6, %dma_wait3A_71] : memref<25600x1024xf32, #tpu.memory_space<hbm>> -> memref<40x1024xf32, #tpu.memory_space<hbm>>
        tpu.wait_dma2 semaphore(%arg9 : memref<!tpu.dma_semaphore, #tpu.memory_space<semaphore_mem>>) src(%arg6 : memref<40x1024xf32, #tpu.memory_space<vmem>>) dst(%dma_wait3A_72 : memref<40x1024xf32, #tpu.memory_space<hbm>>)
      } else {
      }
      %add3A_55 = arith.constant 1 : i32
      %add3A_56 = arith.addi %add3A_44, %add3A_55 : i32
      %lt3A_57 = arith.constant 20 : i32
      %lt3A_58 = arith.cmpi slt, %add3A_56, %lt3A_57 : i32
      %convert_element_type3A_59 = arith.extui %lt3A_58 : i1 to i32
      %cond3A_60 = arith.constant 0 : i32
      %cond3A_61 = arith.cmpi ne, %convert_element_type3A_59, %cond3A_60 : i32
      scf.if %cond3A_61 {
        %add3A_69 = arith.constant 1 : i32
        %add3A_70 = arith.addi %add3A_44, %add3A_69 : i32
        %mul3A_71 = arith.constant 40 : i32
        %mul3A_72 = arith.muli %add3A_70, %mul3A_71 : i32
        %dma_start3A_73 = tpu.memref_slice %arg5[%mul3A_72] : memref<800xi32, #tpu.memory_space<vmem>> -> memref<40xi32, #tpu.memory_space<vmem>>
        %dma_start3A_74 = arith.constant 0 : i32
        %dma_start3A_75 = arith.constant 0 : i32
        %dma_start3A_76 = tpu.memref_slice %arg2[%dma_start3A_74, %dma_start3A_75] : memref<1000x1024xf32, #tpu.memory_space<hbm>> -> memref<1000x1024xf32, #tpu.memory_space<hbm>>
        tpu.enqueue_indirect_dma source(%dma_start3A_76 : memref<1000x1024xf32, #tpu.memory_space<hbm>>) target(%arg6 : memref<40x1024xf32, #tpu.memory_space<vmem>>) offsets(%dma_start3A_73 : memref<40xi32, #tpu.memory_space<vmem>>) semaphore(%arg8 : memref<!tpu.dma_semaphore, #tpu.memory_space<semaphore_mem>>)
      } else {
      }
      %mul3A_62 = arith.constant 40 : i32
      %mul3A_63 = arith.muli %add3A_44, %mul3A_62 : i32
      %add3A_64 = arith.addi %mul3A_6, %mul3A_63 : i32
      %dma_start3A_65 = arith.constant 0 : i32
      %dma_start3A_66 = tpu.memref_slice %arg4[%add3A_64, %dma_start3A_65] : memref<25600x1024xf32, #tpu.memory_space<hbm>> -> memref<40x1024xf32, #tpu.memory_space<hbm>>
      %dma_start3A_67 = arith.constant 0 : i32
      %dma_start3A_68 = tpu.memref_slice %arg4[%add3A_64, %dma_start3A_67] : memref<25600x1024xf32, #tpu.memory_space<hbm>> -> memref<40x1024xf32, #tpu.memory_space<hbm>>
      tpu.enqueue_dma source(%arg7 : memref<40x1024xf32, #tpu.memory_space<vmem>>) target(%dma_start3A_68 : memref<40x1024xf32, #tpu.memory_space<hbm>>) target_semaphore(%arg9 : memref<!tpu.dma_semaphore, #tpu.memory_space<semaphore_mem>>)
    }
    %scan3A_14 = arith.constant 10 : i32
    %dma_wait3A = arith.constant 0 : i32
    %dma_wait3A_15 = tpu.memref_slice %arg4[%mul3A_6, %dma_wait3A] : memref<25600x1024xf32, #tpu.memory_space<hbm>> -> memref<40x1024xf32, #tpu.memory_space<hbm>>
    %dma_wait3A_16 = arith.constant 0 : i32
    %dma_wait3A_17 = tpu.memref_slice %arg4[%mul3A_6, %dma_wait3A_16] : memref<25600x1024xf32, #tpu.memory_space<hbm>> -> memref<40x1024xf32, #tpu.memory_space<hbm>>
    tpu.wait_dma2 semaphore(%arg9 : memref<!tpu.dma_semaphore, #tpu.memory_space<semaphore_mem>>) src(%arg6 : memref<40x1024xf32, #tpu.memory_space<vmem>>) dst(%dma_wait3A_17 : memref<40x1024xf32, #tpu.memory_space<hbm>>)
    return
  }
}

#map = affine_map<(d0, d1) -> (0, 0)>
#map1 = affine_map<(d0, d1) -> (0)>
module attributes {stable_mosaic.version = 14 : i64} {
  func.func @_sc_gather_body(%arg0: i32, %arg1: i32, %arg2: memref<1000x1024xf32, #tpu.memory_space<hbm>>, %arg3: memref<25600xi32, #tpu.memory_space<hbm>>, %arg4: memref<25600x1024xf32, #tpu.memory_space<hbm>>, %arg5: memref<800xi32, #tpu.memory_space<vmem>>, %arg6: memref<40x1024xf32, #tpu.memory_space<vmem>>, %arg7: memref<40x1024xf32, #tpu.memory_space<vmem>>, %arg8: memref<!tpu.dma_semaphore, #tpu.memory_space<semaphore_mem>>, %arg9: memref<!tpu.dma_semaphore, #tpu.memory_space<semaphore_mem>>) attributes {dimension_semantics = [#tpu.dimension_semantics<core_parallel>, #tpu.dimension_semantics<subcore_parallel>], iteration_bounds = array<i64: 2, 16>, scalar_prefetch = 0 : i64, scratch_operands = 5 : i64, tpu.core_type = #tpu.core_type<sc_vector_subcore>, window_params = [{transform_indices = #map}, {transform_indices = #map1}, {transform_indices = #map}]} {
    %mul3A = arith.constant 1 : i32
    %mul3A_0 = arith.muli %arg1, %mul3A : i32
    %add3A = arith.constant 0 : i32
    %add3A_1 = arith.addi %add3A, %mul3A_0 : i32
    %mul3A_2 = arith.constant 16 : i32
    %mul3A_3 = arith.muli %arg0, %mul3A_2 : i32
    %add3A_4 = arith.addi %add3A_1, %mul3A_3 : i32
    %mul3A_5 = arith.constant 800 : i32
    %mul3A_6 = arith.muli %add3A_4, %mul3A_5 : i32
    "tpu.region"() ({
      %run_scoped3A = tpu.sem_alloc : memref<!tpu.dma_semaphore, #tpu.memory_space<semaphore_mem>>
      %dma_start3A_18 = tpu.memref_slice %arg3[%mul3A_6] : memref<25600xi32, #tpu.memory_space<hbm>> -> memref<800xi32, #tpu.memory_space<hbm>>
      %dma_start3A_19 = tpu.memref_slice %arg3[%mul3A_6] : memref<25600xi32, #tpu.memory_space<hbm>> -> memref<800xi32, #tpu.memory_space<hbm>>
      tpu.enqueue_dma source(%dma_start3A_19 : memref<800xi32, #tpu.memory_space<hbm>>) target(%arg5 : memref<800xi32, #tpu.memory_space<vmem>>) target_semaphore(%run_scoped3A : memref<!tpu.dma_semaphore, #tpu.memory_space<semaphore_mem>>)
      %dma_wait3A_20 = tpu.memref_slice %arg3[%mul3A_6] : memref<25600xi32, #tpu.memory_space<hbm>> -> memref<800xi32, #tpu.memory_space<hbm>>
      %dma_wait3A_21 = tpu.memref_slice %arg3[%mul3A_6] : memref<25600xi32, #tpu.memory_space<hbm>> -> memref<800xi32, #tpu.memory_space<hbm>>
      tpu.wait_dma2 semaphore(%run_scoped3A : memref<!tpu.dma_semaphore, #tpu.memory_space<semaphore_mem>>) src(%dma_wait3A_21 : memref<800xi32, #tpu.memory_space<hbm>>) dst(%arg5 : memref<800xi32, #tpu.memory_space<vmem>>)
      tpu.yield
    }) : () -> ()
    %dma_start3A = arith.constant 0 : i32
    %dma_start3A_7 = tpu.memref_slice %arg5[%dma_start3A] : memref<800xi32, #tpu.memory_space<vmem>> -> memref<40xi32, #tpu.memory_space<vmem>>
    %dma_start3A_8 = arith.constant 0 : i32
    %dma_start3A_9 = arith.constant 0 : i32
    %dma_start3A_10 = tpu.memref_slice %arg2[%dma_start3A_8, %dma_start3A_9] : memref<1000x1024xf32, #tpu.memory_space<hbm>> -> memref<1000x1024xf32, #tpu.memory_space<hbm>>
    tpu.enqueue_indirect_dma source(%dma_start3A_10 : memref<1000x1024xf32, #tpu.memory_space<hbm>>) target(%arg6 : memref<40x1024xf32, #tpu.memory_space<vmem>>) offsets(%dma_start3A_7 : memref<40xi32, #tpu.memory_space<vmem>>) semaphore(%arg8 : memref<!tpu.dma_semaphore, #tpu.memory_space<semaphore_mem>>)
    %scan3A = arith.constant 0 : i32
    %scan3A_11 = arith.constant 10 : i32
    %scan3A_12 = arith.addi %scan3A, %scan3A_11 : i32
    %scan3A_13 = arith.constant 1 : i32
    scf.for %scan3A_18 = %scan3A to %scan3A_12 step %scan3A_13  : i32 {
      %mul3A_19 = arith.constant 2 : i32
      %mul3A_20 = arith.muli %scan3A_18, %mul3A_19 : i32
      %add3A_21 = arith.constant 0 : i32
      %add3A_22 = arith.addi %add3A_21, %mul3A_20 : i32
      %dma_wait3A_23 = arith.constant 0 : i32
      %dma_wait3A_24 = tpu.memref_slice %arg5[%dma_wait3A_23] : memref<800xi32, #tpu.memory_space<vmem>> -> memref<40xi32, #tpu.memory_space<vmem>>
      %dma_wait3A_25 = arith.constant 0 : i32
      %dma_wait3A_26 = arith.constant 0 : i32
      %dma_wait3A_27 = tpu.memref_slice %arg2[%dma_wait3A_25, %dma_wait3A_26] : memref<1000x1024xf32, #tpu.memory_space<hbm>> -> memref<1000x1024xf32, #tpu.memory_space<hbm>>
      tpu.wait_indirect_dma semaphore(%arg8 : memref<!tpu.dma_semaphore, #tpu.memory_space<semaphore_mem>>) src(%dma_wait3A_27 : memref<1000x1024xf32, #tpu.memory_space<hbm>>) dst(%arg6 : memref<40x1024xf32, #tpu.memory_space<vmem>>)
      %ge3A = arith.constant 1 : i32
      %ge3A_28 = arith.cmpi sge, %add3A_22, %ge3A : i32
      %convert_element_type3A = arith.extui %ge3A_28 : i1 to i32
      %cond3A = arith.constant 0 : i32
      %cond3A_29 = arith.cmpi ne, %convert_element_type3A, %cond3A : i32
      scf.if %cond3A_29 {
        %dma_wait3A_69 = arith.constant 0 : i32
        %dma_wait3A_70 = tpu.memref_slice %arg4[%mul3A_6, %dma_wait3A_69] : memref<25600x1024xf32, #tpu.memory_space<hbm>> -> memref<40x1024xf32, #tpu.memory_space<hbm>>
        %dma_wait3A_71 = arith.constant 0 : i32
        %dma_wait3A_72 = tpu.memref_slice %arg4[%mul3A_6, %dma_wait3A_71] : memref<25600x1024xf32, #tpu.memory_space<hbm>> -> memref<40x1024xf32, #tpu.memory_space<hbm>>
        tpu.wait_dma2 semaphore(%arg9 : memref<!tpu.dma_semaphore, #tpu.memory_space<semaphore_mem>>) src(%arg6 : memref<40x1024xf32, #tpu.memory_space<vmem>>) dst(%dma_wait3A_72 : memref<40x1024xf32, #tpu.memory_space<hbm>>)
      } else {
      }
      %add3A_30 = arith.constant 1 : i32
      %add3A_31 = arith.addi %add3A_22, %add3A_30 : i32
      %lt3A = arith.constant 20 : i32
      %lt3A_32 = arith.cmpi slt, %add3A_31, %lt3A : i32
      %convert_element_type3A_33 = arith.extui %lt3A_32 : i1 to i32
      %cond3A_34 = arith.constant 0 : i32
      %cond3A_35 = arith.cmpi ne, %convert_element_type3A_33, %cond3A_34 : i32
      scf.if %cond3A_35 {
        %add3A_69 = arith.constant 1 : i32
        %add3A_70 = arith.addi %add3A_22, %add3A_69 : i32
        %mul3A_71 = arith.constant 40 : i32
        %mul3A_72 = arith.muli %add3A_70, %mul3A_71 : i32
        %dma_start3A_73 = tpu.memref_slice %arg5[%mul3A_72] : memref<800xi32, #tpu.memory_space<vmem>> -> memref<40xi32, #tpu.memory_space<vmem>>
        %dma_start3A_74 = arith.constant 0 : i32
        %dma_start3A_75 = arith.constant 0 : i32
        %dma_start3A_76 = tpu.memref_slice %arg2[%dma_start3A_74, %dma_start3A_75] : memref<1000x1024xf32, #tpu.memory_space<hbm>> -> memref<1000x1024xf32, #tpu.memory_space<hbm>>
        tpu.enqueue_indirect_dma source(%dma_start3A_76 : memref<1000x1024xf32, #tpu.memory_space<hbm>>) target(%arg7 : memref<40x1024xf32, #tpu.memory_space<vmem>>) offsets(%dma_start3A_73 : memref<40xi32, #tpu.memory_space<vmem>>) semaphore(%arg8 : memref<!tpu.dma_semaphore, #tpu.memory_space<semaphore_mem>>)
      } else {
      }
      %mul3A_36 = arith.constant 40 : i32
      %mul3A_37 = arith.muli %add3A_22, %mul3A_36 : i32
      %add3A_38 = arith.addi %mul3A_6, %mul3A_37 : i32
      %dma_start3A_39 = arith.constant 0 : i32
      %dma_start3A_40 = tpu.memref_slice %arg4[%add3A_38, %dma_start3A_39] : memref<25600x1024xf32, #tpu.memory_space<hbm>> -> memref<40x1024xf32, #tpu.memory_space<hbm>>
      %dma_start3A_41 = arith.constant 0 : i32
      %dma_start3A_42 = tpu.memref_slice %arg4[%add3A_38, %dma_start3A_41] : memref<25600x1024xf32, #tpu.memory_space<hbm>> -> memref<40x1024xf32, #tpu.memory_space<hbm>>
      tpu.enqueue_dma source(%arg6 : memref<40x1024xf32, #tpu.memory_space<vmem>>) target(%dma_start3A_42 : memref<40x1024xf32, #tpu.memory_space<hbm>>) target_semaphore(%arg9 : memref<!tpu.dma_semaphore, #tpu.memory_space<semaphore_mem>>)
      %add3A_43 = arith.constant 1 : i32
      %add3A_44 = arith.addi %add3A_22, %add3A_43 : i32
      %dma_wait3A_45 = arith.constant 0 : i32
      %dma_wait3A_46 = tpu.memref_slice %arg5[%dma_wait3A_45] : memref<800xi32, #tpu.memory_space<vmem>> -> memref<40xi32, #tpu.memory_space<vmem>>
      %dma_wait3A_47 = arith.constant 0 : i32
      %dma_wait3A_48 = arith.constant 0 : i32
      %dma_wait3A_49 = tpu.memref_slice %arg2[%dma_wait3A_47, %dma_wait3A_48] : memref<1000x1024xf32, #tpu.memory_space<hbm>> -> memref<1000x1024xf32, #tpu.memory_space<hbm>>
      tpu.wait_indirect_dma semaphore(%arg8 : memref<!tpu.dma_semaphore, #tpu.memory_space<semaphore_mem>>) src(%dma_wait3A_49 : memref<1000x1024xf32, #tpu.memory_space<hbm>>) dst(%arg7 : memref<40x1024xf32, #tpu.memory_space<vmem>>)
      %ge3A_50 = arith.constant 1 : i32
      %ge3A_51 = arith.cmpi sge, %add3A_44, %ge3A_50 : i32
      %convert_element_type3A_52 = arith.extui %ge3A_51 : i1 to i32
      %cond3A_53 = arith.constant 0 : i32
      %cond3A_54 = arith.cmpi ne, %convert_element_type3A_52, %cond3A_53 : i32
      scf.if %cond3A_54 {
        %dma_wait3A_69 = arith.constant 0 : i32
        %dma_wait3A_70 = tpu.memref_slice %arg4[%mul3A_6, %dma_wait3A_69] : memref<25600x1024xf32, #tpu.memory_space<hbm>> -> memref<40x1024xf32, #tpu.memory_space<hbm>>
        %dma_wait3A_71 = arith.constant 0 : i32
        %dma_wait3A_72 = tpu.memref_slice %arg4[%mul3A_6, %dma_wait3A_71] : memref<25600x1024xf32, #tpu.memory_space<hbm>> -> memref<40x1024xf32, #tpu.memory_space<hbm>>
        tpu.wait_dma2 semaphore(%arg9 : memref<!tpu.dma_semaphore, #tpu.memory_space<semaphore_mem>>) src(%arg6 : memref<40x1024xf32, #tpu.memory_space<vmem>>) dst(%dma_wait3A_72 : memref<40x1024xf32, #tpu.memory_space<hbm>>)
      } else {
      }
      %add3A_55 = arith.constant 1 : i32
      %add3A_56 = arith.addi %add3A_44, %add3A_55 : i32
      %lt3A_57 = arith.constant 20 : i32
      %lt3A_58 = arith.cmpi slt, %add3A_56, %lt3A_57 : i32
      %convert_element_type3A_59 = arith.extui %lt3A_58 : i1 to i32
      %cond3A_60 = arith.constant 0 : i32
      %cond3A_61 = arith.cmpi ne, %convert_element_type3A_59, %cond3A_60 : i32
      scf.if %cond3A_61 {
        %add3A_69 = arith.constant 1 : i32
        %add3A_70 = arith.addi %add3A_44, %add3A_69 : i32
        %mul3A_71 = arith.constant 40 : i32
        %mul3A_72 = arith.muli %add3A_70, %mul3A_71 : i32
        %dma_start3A_73 = tpu.memref_slice %arg5[%mul3A_72] : memref<800xi32, #tpu.memory_space<vmem>> -> memref<40xi32, #tpu.memory_space<vmem>>
        %dma_start3A_74 = arith.constant 0 : i32
        %dma_start3A_75 = arith.constant 0 : i32
        %dma_start3A_76 = tpu.memref_slice %arg2[%dma_start3A_74, %dma_start3A_75] : memref<1000x1024xf32, #tpu.memory_space<hbm>> -> memref<1000x1024xf32, #tpu.memory_space<hbm>>
        tpu.enqueue_indirect_dma source(%dma_start3A_76 : memref<1000x1024xf32, #tpu.memory_space<hbm>>) target(%arg6 : memref<40x1024xf32, #tpu.memory_space<vmem>>) offsets(%dma_start3A_73 : memref<40xi32, #tpu.memory_space<vmem>>) semaphore(%arg8 : memref<!tpu.dma_semaphore, #tpu.memory_space<semaphore_mem>>)
      } else {
      }
      %mul3A_62 = arith.constant 40 : i32
      %mul3A_63 = arith.muli %add3A_44, %mul3A_62 : i32
      %add3A_64 = arith.addi %mul3A_6, %mul3A_63 : i32
      %dma_start3A_65 = arith.constant 0 : i32
      %dma_start3A_66 = tpu.memref_slice %arg4[%add3A_64, %dma_start3A_65] : memref<25600x1024xf32, #tpu.memory_space<hbm>> -> memref<40x1024xf32, #tpu.memory_space<hbm>>
      %dma_start3A_67 = arith.constant 0 : i32
      %dma_start3A_68 = tpu.memref_slice %arg4[%add3A_64, %dma_start3A_67] : memref<25600x1024xf32, #tpu.memory_space<hbm>> -> memref<40x1024xf32, #tpu.memory_space<hbm>>
      tpu.enqueue_dma source(%arg7 : memref<40x1024xf32, #tpu.memory_space<vmem>>) target(%dma_start3A_68 : memref<40x1024xf32, #tpu.memory_space<hbm>>) target_semaphore(%arg9 : memref<!tpu.dma_semaphore, #tpu.memory_space<semaphore_mem>>)
    }
    %scan3A_14 = arith.constant 10 : i32
    %dma_wait3A = arith.constant 0 : i32
    %dma_wait3A_15 = tpu.memref_slice %arg4[%mul3A_6, %dma_wait3A] : memref<25600x1024xf32, #tpu.memory_space<hbm>> -> memref<40x1024xf32, #tpu.memory_space<hbm>>
    %dma_wait3A_16 = arith.constant 0 : i32
    %dma_wait3A_17 = tpu.memref_slice %arg4[%mul3A_6, %dma_wait3A_16] : memref<25600x1024xf32, #tpu.memory_space<hbm>> -> memref<40x1024xf32, #tpu.memory_space<hbm>>
    tpu.wait_dma2 semaphore(%arg9 : memref<!tpu.dma_semaphore, #tpu.memory_space<semaphore_mem>>) src(%arg6 : memref<40x1024xf32, #tpu.memory_space<vmem>>) dst(%dma_wait3A_17 : memref<40x1024xf32, #tpu.memory_space<hbm>>)
    return
  }
}

#map = affine_map<(d0, d1) -> (0, 0)>
#map1 = affine_map<(d0, d1) -> (0)>
module attributes {stable_mosaic.version = 14 : i64} {
  func.func @_sc_gather_body(%arg0: i32, %arg1: i32, %arg2: memref<1000x1024xf32, #tpu.memory_space<hbm>>, %arg3: memref<25600xi32, #tpu.memory_space<hbm>>, %arg4: memref<25600x1024xf32, #tpu.memory_space<hbm>>, %arg5: memref<800xi32, #tpu.memory_space<vmem>>, %arg6: memref<40x1024xf32, #tpu.memory_space<vmem>>, %arg7: memref<40x1024xf32, #tpu.memory_space<vmem>>, %arg8: memref<!tpu.dma_semaphore, #tpu.memory_space<semaphore_mem>>, %arg9: memref<!tpu.dma_semaphore, #tpu.memory_space<semaphore_mem>>) attributes {dimension_semantics = [#tpu.dimension_semantics<core_parallel>, #tpu.dimension_semantics<subcore_parallel>], iteration_bounds = array<i64: 2, 16>, scalar_prefetch = 0 : i64, scratch_operands = 5 : i64, tpu.core_type = #tpu.core_type<sc_vector_subcore>, window_params = [{transform_indices = #map}, {transform_indices = #map1}, {transform_indices = #map}]} {
    %mul3A = arith.constant 1 : i32
    %mul3A_0 = arith.muli %arg1, %mul3A : i32
    %add3A = arith.constant 0 : i32
    %add3A_1 = arith.addi %add3A, %mul3A_0 : i32
    %mul3A_2 = arith.constant 16 : i32
    %mul3A_3 = arith.muli %arg0, %mul3A_2 : i32
    %add3A_4 = arith.addi %add3A_1, %mul3A_3 : i32
    %mul3A_5 = arith.constant 800 : i32
    %mul3A_6 = arith.muli %add3A_4, %mul3A_5 : i32
    "tpu.region"() ({
      %run_scoped3A = tpu.sem_alloc : memref<!tpu.dma_semaphore, #tpu.memory_space<semaphore_mem>>
      %dma_start3A_18 = tpu.memref_slice %arg3[%mul3A_6] : memref<25600xi32, #tpu.memory_space<hbm>> -> memref<800xi32, #tpu.memory_space<hbm>>
      %dma_start3A_19 = tpu.memref_slice %arg3[%mul3A_6] : memref<25600xi32, #tpu.memory_space<hbm>> -> memref<800xi32, #tpu.memory_space<hbm>>
      tpu.enqueue_dma source(%dma_start3A_19 : memref<800xi32, #tpu.memory_space<hbm>>) target(%arg5 : memref<800xi32, #tpu.memory_space<vmem>>) target_semaphore(%run_scoped3A : memref<!tpu.dma_semaphore, #tpu.memory_space<semaphore_mem>>)
      %dma_wait3A_20 = tpu.memref_slice %arg3[%mul3A_6] : memref<25600xi32, #tpu.memory_space<hbm>> -> memref<800xi32, #tpu.memory_space<hbm>>
      %dma_wait3A_21 = tpu.memref_slice %arg3[%mul3A_6] : memref<25600xi32, #tpu.memory_space<hbm>> -> memref<800xi32, #tpu.memory_space<hbm>>
      tpu.wait_dma2 semaphore(%run_scoped3A : memref<!tpu.dma_semaphore, #tpu.memory_space<semaphore_mem>>) src(%dma_wait3A_21 : memref<800xi32, #tpu.memory_space<hbm>>) dst(%arg5 : memref<800xi32, #tpu.memory_space<vmem>>)
      tpu.yield
    }) : () -> ()
    %dma_start3A = arith.constant 0 : i32
    %dma_start3A_7 = tpu.memref_slice %arg5[%dma_start3A] : memref<800xi32, #tpu.memory_space<vmem>> -> memref<40xi32, #tpu.memory_space<vmem>>
    %dma_start3A_8 = arith.constant 0 : i32
    %dma_start3A_9 = arith.constant 0 : i32
    %dma_start3A_10 = tpu.memref_slice %arg2[%dma_start3A_8, %dma_start3A_9] : memref<1000x1024xf32, #tpu.memory_space<hbm>> -> memref<1000x1024xf32, #tpu.memory_space<hbm>>
    tpu.enqueue_indirect_dma source(%dma_start3A_10 : memref<1000x1024xf32, #tpu.memory_space<hbm>>) target(%arg6 : memref<40x1024xf32, #tpu.memory_space<vmem>>) offsets(%dma_start3A_7 : memref<40xi32, #tpu.memory_space<vmem>>) semaphore(%arg8 : memref<!tpu.dma_semaphore, #tpu.memory_space<semaphore_mem>>)
    %scan3A = arith.constant 0 : i32
    %scan3A_11 = arith.constant 10 : i32
    %scan3A_12 = arith.addi %scan3A, %scan3A_11 : i32
    %scan3A_13 = arith.constant 1 : i32
    scf.for %scan3A_18 = %scan3A to %scan3A_12 step %scan3A_13  : i32 {
      %mul3A_19 = arith.constant 2 : i32
      %mul3A_20 = arith.muli %scan3A_18, %mul3A_19 : i32
      %add3A_21 = arith.constant 0 : i32
      %add3A_22 = arith.addi %add3A_21, %mul3A_20 : i32
      %dma_wait3A_23 = arith.constant 0 : i32
      %dma_wait3A_24 = tpu.memref_slice %arg5[%dma_wait3A_23] : memref<800xi32, #tpu.memory_space<vmem>> -> memref<40xi32, #tpu.memory_space<vmem>>
      %dma_wait3A_25 = arith.constant 0 : i32
      %dma_wait3A_26 = arith.constant 0 : i32
      %dma_wait3A_27 = tpu.memref_slice %arg2[%dma_wait3A_25, %dma_wait3A_26] : memref<1000x1024xf32, #tpu.memory_space<hbm>> -> memref<1000x1024xf32, #tpu.memory_space<hbm>>
      tpu.wait_indirect_dma semaphore(%arg8 : memref<!tpu.dma_semaphore, #tpu.memory_space<semaphore_mem>>) src(%dma_wait3A_27 : memref<1000x1024xf32, #tpu.memory_space<hbm>>) dst(%arg6 : memref<40x1024xf32, #tpu.memory_space<vmem>>)
      %ge3A = arith.constant 1 : i32
      %ge3A_28 = arith.cmpi sge, %add3A_22, %ge3A : i32
      %convert_element_type3A = arith.extui %ge3A_28 : i1 to i32
      %cond3A = arith.constant 0 : i32
      %cond3A_29 = arith.cmpi ne, %convert_element_type3A, %cond3A : i32
      scf.if %cond3A_29 {
        %dma_wait3A_69 = arith.constant 0 : i32
        %dma_wait3A_70 = tpu.memref_slice %arg4[%mul3A_6, %dma_wait3A_69] : memref<25600x1024xf32, #tpu.memory_space<hbm>> -> memref<40x1024xf32, #tpu.memory_space<hbm>>
        %dma_wait3A_71 = arith.constant 0 : i32
        %dma_wait3A_72 = tpu.memref_slice %arg4[%mul3A_6, %dma_wait3A_71] : memref<25600x1024xf32, #tpu.memory_space<hbm>> -> memref<40x1024xf32, #tpu.memory_space<hbm>>
        tpu.wait_dma2 semaphore(%arg9 : memref<!tpu.dma_semaphore, #tpu.memory_space<semaphore_mem>>) src(%arg6 : memref<40x1024xf32, #tpu.memory_space<vmem>>) dst(%dma_wait3A_72 : memref<40x1024xf32, #tpu.memory_space<hbm>>)
      } else {
      }
      %add3A_30 = arith.constant 1 : i32
      %add3A_31 = arith.addi %add3A_22, %add3A_30 : i32
      %lt3A = arith.constant 20 : i32
      %lt3A_32 = arith.cmpi slt, %add3A_31, %lt3A : i32
      %convert_element_type3A_33 = arith.extui %lt3A_32 : i1 to i32
      %cond3A_34 = arith.constant 0 : i32
      %cond3A_35 = arith.cmpi ne, %convert_element_type3A_33, %cond3A_34 : i32
      scf.if %cond3A_35 {
        %add3A_69 = arith.constant 1 : i32
        %add3A_70 = arith.addi %add3A_22, %add3A_69 : i32
        %mul3A_71 = arith.constant 40 : i32
        %mul3A_72 = arith.muli %add3A_70, %mul3A_71 : i32
        %dma_start3A_73 = tpu.memref_slice %arg5[%mul3A_72] : memref<800xi32, #tpu.memory_space<vmem>> -> memref<40xi32, #tpu.memory_space<vmem>>
        %dma_start3A_74 = arith.constant 0 : i32
        %dma_start3A_75 = arith.constant 0 : i32
        %dma_start3A_76 = tpu.memref_slice %arg2[%dma_start3A_74, %dma_start3A_75] : memref<1000x1024xf32, #tpu.memory_space<hbm>> -> memref<1000x1024xf32, #tpu.memory_space<hbm>>
        tpu.enqueue_indirect_dma source(%dma_start3A_76 : memref<1000x1024xf32, #tpu.memory_space<hbm>>) target(%arg7 : memref<40x1024xf32, #tpu.memory_space<vmem>>) offsets(%dma_start3A_73 : memref<40xi32, #tpu.memory_space<vmem>>) semaphore(%arg8 : memref<!tpu.dma_semaphore, #tpu.memory_space<semaphore_mem>>)
      } else {
      }
      %mul3A_36 = arith.constant 40 : i32
      %mul3A_37 = arith.muli %add3A_22, %mul3A_36 : i32
      %add3A_38 = arith.addi %mul3A_6, %mul3A_37 : i32
      %dma_start3A_39 = arith.constant 0 : i32
      %dma_start3A_40 = tpu.memref_slice %arg4[%add3A_38, %dma_start3A_39] : memref<25600x1024xf32, #tpu.memory_space<hbm>> -> memref<40x1024xf32, #tpu.memory_space<hbm>>
      %dma_start3A_41 = arith.constant 0 : i32
      %dma_start3A_42 = tpu.memref_slice %arg4[%add3A_38, %dma_start3A_41] : memref<25600x1024xf32, #tpu.memory_space<hbm>> -> memref<40x1024xf32, #tpu.memory_space<hbm>>
      tpu.enqueue_dma source(%arg6 : memref<40x1024xf32, #tpu.memory_space<vmem>>) target(%dma_start3A_42 : memref<40x1024xf32, #tpu.memory_space<hbm>>) target_semaphore(%arg9 : memref<!tpu.dma_semaphore, #tpu.memory_space<semaphore_mem>>)
      %add3A_43 = arith.constant 1 : i32
      %add3A_44 = arith.addi %add3A_22, %add3A_43 : i32
      %dma_wait3A_45 = arith.constant 0 : i32
      %dma_wait3A_46 = tpu.memref_slice %arg5[%dma_wait3A_45] : memref<800xi32, #tpu.memory_space<vmem>> -> memref<40xi32, #tpu.memory_space<vmem>>
      %dma_wait3A_47 = arith.constant 0 : i32
      %dma_wait3A_48 = arith.constant 0 : i32
      %dma_wait3A_49 = tpu.memref_slice %arg2[%dma_wait3A_47, %dma_wait3A_48] : memref<1000x1024xf32, #tpu.memory_space<hbm>> -> memref<1000x1024xf32, #tpu.memory_space<hbm>>
      tpu.wait_indirect_dma semaphore(%arg8 : memref<!tpu.dma_semaphore, #tpu.memory_space<semaphore_mem>>) src(%dma_wait3A_49 : memref<1000x1024xf32, #tpu.memory_space<hbm>>) dst(%arg7 : memref<40x1024xf32, #tpu.memory_space<vmem>>)
      %ge3A_50 = arith.constant 1 : i32
      %ge3A_51 = arith.cmpi sge, %add3A_44, %ge3A_50 : i32
      %convert_element_type3A_52 = arith.extui %ge3A_51 : i1 to i32
      %cond3A_53 = arith.constant 0 : i32
      %cond3A_54 = arith.cmpi ne, %convert_element_type3A_52, %cond3A_53 : i32
      scf.if %cond3A_54 {
        %dma_wait3A_69 = arith.constant 0 : i32
        %dma_wait3A_70 = tpu.memref_slice %arg4[%mul3A_6, %dma_wait3A_69] : memref<25600x1024xf32, #tpu.memory_space<hbm>> -> memref<40x1024xf32, #tpu.memory_space<hbm>>
        %dma_wait3A_71 = arith.constant 0 : i32
        %dma_wait3A_72 = tpu.memref_slice %arg4[%mul3A_6, %dma_wait3A_71] : memref<25600x1024xf32, #tpu.memory_space<hbm>> -> memref<40x1024xf32, #tpu.memory_space<hbm>>
        tpu.wait_dma2 semaphore(%arg9 : memref<!tpu.dma_semaphore, #tpu.memory_space<semaphore_mem>>) src(%arg6 : memref<40x1024xf32, #tpu.memory_space<vmem>>) dst(%dma_wait3A_72 : memref<40x1024xf32, #tpu.memory_space<hbm>>)
      } else {
      }
      %add3A_55 = arith.constant 1 : i32
      %add3A_56 = arith.addi %add3A_44, %add3A_55 : i32
      %lt3A_57 = arith.constant 20 : i32
      %lt3A_58 = arith.cmpi slt, %add3A_56, %lt3A_57 : i32
      %convert_element_type3A_59 = arith.extui %lt3A_58 : i1 to i32
      %cond3A_60 = arith.constant 0 : i32
      %cond3A_61 = arith.cmpi ne, %convert_element_type3A_59, %cond3A_60 : i32
      scf.if %cond3A_61 {
        %add3A_69 = arith.constant 1 : i32
        %add3A_70 = arith.addi %add3A_44, %add3A_69 : i32
        %mul3A_71 = arith.constant 40 : i32
        %mul3A_72 = arith.muli %add3A_70, %mul3A_71 : i32
        %dma_start3A_73 = tpu.memref_slice %arg5[%mul3A_72] : memref<800xi32, #tpu.memory_space<vmem>> -> memref<40xi32, #tpu.memory_space<vmem>>
        %dma_start3A_74 = arith.constant 0 : i32
        %dma_start3A_75 = arith.constant 0 : i32
        %dma_start3A_76 = tpu.memref_slice %arg2[%dma_start3A_74, %dma_start3A_75] : memref<1000x1024xf32, #tpu.memory_space<hbm>> -> memref<1000x1024xf32, #tpu.memory_space<hbm>>
        tpu.enqueue_indirect_dma source(%dma_start3A_76 : memref<1000x1024xf32, #tpu.memory_space<hbm>>) target(%arg6 : memref<40x1024xf32, #tpu.memory_space<vmem>>) offsets(%dma_start3A_73 : memref<40xi32, #tpu.memory_space<vmem>>) semaphore(%arg8 : memref<!tpu.dma_semaphore, #tpu.memory_space<semaphore_mem>>)
      } else {
      }
      %mul3A_62 = arith.constant 40 : i32
      %mul3A_63 = arith.muli %add3A_44, %mul3A_62 : i32
      %add3A_64 = arith.addi %mul3A_6, %mul3A_63 : i32
      %dma_start3A_65 = arith.constant 0 : i32
      %dma_start3A_66 = tpu.memref_slice %arg4[%add3A_64, %dma_start3A_65] : memref<25600x1024xf32, #tpu.memory_space<hbm>> -> memref<40x1024xf32, #tpu.memory_space<hbm>>
      %dma_start3A_67 = arith.constant 0 : i32
      %dma_start3A_68 = tpu.memref_slice %arg4[%add3A_64, %dma_start3A_67] : memref<25600x1024xf32, #tpu.memory_space<hbm>> -> memref<40x1024xf32, #tpu.memory_space<hbm>>
      tpu.enqueue_dma source(%arg7 : memref<40x1024xf32, #tpu.memory_space<vmem>>) target(%dma_start3A_68 : memref<40x1024xf32, #tpu.memory_space<hbm>>) target_semaphore(%arg9 : memref<!tpu.dma_semaphore, #tpu.memory_space<semaphore_mem>>)
    }
    %scan3A_14 = arith.constant 10 : i32
    %dma_wait3A = arith.constant 0 : i32
    %dma_wait3A_15 = tpu.memref_slice %arg4[%mul3A_6, %dma_wait3A] : memref<25600x1024xf32, #tpu.memory_space<hbm>> -> memref<40x1024xf32, #tpu.memory_space<hbm>>
    %dma_wait3A_16 = arith.constant 0 : i32
    %dma_wait3A_17 = tpu.memref_slice %arg4[%mul3A_6, %dma_wait3A_16] : memref<25600x1024xf32, #tpu.memory_space<hbm>> -> memref<40x1024xf32, #tpu.memory_space<hbm>>
    tpu.wait_dma2 semaphore(%arg9 : memref<!tpu.dma_semaphore, #tpu.memory_space<semaphore_mem>>) src(%arg6 : memref<40x1024xf32, #tpu.memory_space<vmem>>) dst(%dma_wait3A_17 : memref<40x1024xf32, #tpu.memory_space<hbm>>)
    return
  }
}

#map = affine_map<(d0, d1) -> (0, 0)>
#map1 = affine_map<(d0, d1) -> (0)>
module attributes {stable_mosaic.version = 14 : i64} {
  func.func @_sc_gather_body(%arg0: i32, %arg1: i32, %arg2: memref<1000x1024xf32, #tpu.memory_space<hbm>>, %arg3: memref<25600xi32, #tpu.memory_space<hbm>>, %arg4: memref<25600x1024xf32, #tpu.memory_space<hbm>>, %arg5: memref<800xi32, #tpu.memory_space<vmem>>, %arg6: memref<40x1024xf32, #tpu.memory_space<vmem>>, %arg7: memref<40x1024xf32, #tpu.memory_space<vmem>>, %arg8: memref<!tpu.dma_semaphore, #tpu.memory_space<semaphore_mem>>, %arg9: memref<!tpu.dma_semaphore, #tpu.memory_space<semaphore_mem>>) attributes {dimension_semantics = [#tpu.dimension_semantics<core_parallel>, #tpu.dimension_semantics<subcore_parallel>], iteration_bounds = array<i64: 2, 16>, scalar_prefetch = 0 : i64, scratch_operands = 5 : i64, tpu.core_type = #tpu.core_type<sc_vector_subcore>, window_params = [{transform_indices = #map}, {transform_indices = #map1}, {transform_indices = #map}]} {
    %mul3A = arith.constant 1 : i32
    %mul3A_0 = arith.muli %arg1, %mul3A : i32
    %add3A = arith.constant 0 : i32
    %add3A_1 = arith.addi %add3A, %mul3A_0 : i32
    %mul3A_2 = arith.constant 16 : i32
    %mul3A_3 = arith.muli %arg0, %mul3A_2 : i32
    %add3A_4 = arith.addi %add3A_1, %mul3A_3 : i32
    %mul3A_5 = arith.constant 800 : i32
    %mul3A_6 = arith.muli %add3A_4, %mul3A_5 : i32
    "tpu.region"() ({
      %run_scoped3A = tpu.sem_alloc : memref<!tpu.dma_semaphore, #tpu.memory_space<semaphore_mem>>
      %dma_start3A_18 = tpu.memref_slice %arg3[%mul3A_6] : memref<25600xi32, #tpu.memory_space<hbm>> -> memref<800xi32, #tpu.memory_space<hbm>>
      %dma_start3A_19 = tpu.memref_slice %arg3[%mul3A_6] : memref<25600xi32, #tpu.memory_space<hbm>> -> memref<800xi32, #tpu.memory_space<hbm>>
      tpu.enqueue_dma source(%dma_start3A_19 : memref<800xi32, #tpu.memory_space<hbm>>) target(%arg5 : memref<800xi32, #tpu.memory_space<vmem>>) target_semaphore(%run_scoped3A : memref<!tpu.dma_semaphore, #tpu.memory_space<semaphore_mem>>)
      %dma_wait3A_20 = tpu.memref_slice %arg3[%mul3A_6] : memref<25600xi32, #tpu.memory_space<hbm>> -> memref<800xi32, #tpu.memory_space<hbm>>
      %dma_wait3A_21 = tpu.memref_slice %arg3[%mul3A_6] : memref<25600xi32, #tpu.memory_space<hbm>> -> memref<800xi32, #tpu.memory_space<hbm>>
      tpu.wait_dma2 semaphore(%run_scoped3A : memref<!tpu.dma_semaphore, #tpu.memory_space<semaphore_mem>>) src(%dma_wait3A_21 : memref<800xi32, #tpu.memory_space<hbm>>) dst(%arg5 : memref<800xi32, #tpu.memory_space<vmem>>)
      tpu.yield
    }) : () -> ()
    %dma_start3A = arith.constant 0 : i32
    %dma_start3A_7 = tpu.memref_slice %arg5[%dma_start3A] : memref<800xi32, #tpu.memory_space<vmem>> -> memref<40xi32, #tpu.memory_space<vmem>>
    %dma_start3A_8 = arith.constant 0 : i32
    %dma_start3A_9 = arith.constant 0 : i32
    %dma_start3A_10 = tpu.memref_slice %arg2[%dma_start3A_8, %dma_start3A_9] : memref<1000x1024xf32, #tpu.memory_space<hbm>> -> memref<1000x1024xf32, #tpu.memory_space<hbm>>
    tpu.enqueue_indirect_dma source(%dma_start3A_10 : memref<1000x1024xf32, #tpu.memory_space<hbm>>) target(%arg6 : memref<40x1024xf32, #tpu.memory_space<vmem>>) offsets(%dma_start3A_7 : memref<40xi32, #tpu.memory_space<vmem>>) semaphore(%arg8 : memref<!tpu.dma_semaphore, #tpu.memory_space<semaphore_mem>>)
    %scan3A = arith.constant 0 : i32
    %scan3A_11 = arith.constant 10 : i32
    %scan3A_12 = arith.addi %scan3A, %scan3A_11 : i32
    %scan3A_13 = arith.constant 1 : i32
    scf.for %scan3A_18 = %scan3A to %scan3A_12 step %scan3A_13  : i32 {
      %mul3A_19 = arith.constant 2 : i32
      %mul3A_20 = arith.muli %scan3A_18, %mul3A_19 : i32
      %add3A_21 = arith.constant 0 : i32
      %add3A_22 = arith.addi %add3A_21, %mul3A_20 : i32
      %dma_wait3A_23 = arith.constant 0 : i32
      %dma_wait3A_24 = tpu.memref_slice %arg5[%dma_wait3A_23] : memref<800xi32, #tpu.memory_space<vmem>> -> memref<40xi32, #tpu.memory_space<vmem>>
      %dma_wait3A_25 = arith.constant 0 : i32
      %dma_wait3A_26 = arith.constant 0 : i32
      %dma_wait3A_27 = tpu.memref_slice %arg2[%dma_wait3A_25, %dma_wait3A_26] : memref<1000x1024xf32, #tpu.memory_space<hbm>> -> memref<1000x1024xf32, #tpu.memory_space<hbm>>
      tpu.wait_indirect_dma semaphore(%arg8 : memref<!tpu.dma_semaphore, #tpu.memory_space<semaphore_mem>>) src(%dma_wait3A_27 : memref<1000x1024xf32, #tpu.memory_space<hbm>>) dst(%arg6 : memref<40x1024xf32, #tpu.memory_space<vmem>>)
      %ge3A = arith.constant 1 : i32
      %ge3A_28 = arith.cmpi sge, %add3A_22, %ge3A : i32
      %convert_element_type3A = arith.extui %ge3A_28 : i1 to i32
      %cond3A = arith.constant 0 : i32
      %cond3A_29 = arith.cmpi ne, %convert_element_type3A, %cond3A : i32
      scf.if %cond3A_29 {
        %dma_wait3A_69 = arith.constant 0 : i32
        %dma_wait3A_70 = tpu.memref_slice %arg4[%mul3A_6, %dma_wait3A_69] : memref<25600x1024xf32, #tpu.memory_space<hbm>> -> memref<40x1024xf32, #tpu.memory_space<hbm>>
        %dma_wait3A_71 = arith.constant 0 : i32
        %dma_wait3A_72 = tpu.memref_slice %arg4[%mul3A_6, %dma_wait3A_71] : memref<25600x1024xf32, #tpu.memory_space<hbm>> -> memref<40x1024xf32, #tpu.memory_space<hbm>>
        tpu.wait_dma2 semaphore(%arg9 : memref<!tpu.dma_semaphore, #tpu.memory_space<semaphore_mem>>) src(%arg6 : memref<40x1024xf32, #tpu.memory_space<vmem>>) dst(%dma_wait3A_72 : memref<40x1024xf32, #tpu.memory_space<hbm>>)
      } else {
      }
      %add3A_30 = arith.constant 1 : i32
      %add3A_31 = arith.addi %add3A_22, %add3A_30 : i32
      %lt3A = arith.constant 20 : i32
      %lt3A_32 = arith.cmpi slt, %add3A_31, %lt3A : i32
      %convert_element_type3A_33 = arith.extui %lt3A_32 : i1 to i32
      %cond3A_34 = arith.constant 0 : i32
      %cond3A_35 = arith.cmpi ne, %convert_element_type3A_33, %cond3A_34 : i32
      scf.if %cond3A_35 {
        %add3A_69 = arith.constant 1 : i32
        %add3A_70 = arith.addi %add3A_22, %add3A_69 : i32
        %mul3A_71 = arith.constant 40 : i32
        %mul3A_72 = arith.muli %add3A_70, %mul3A_71 : i32
        %dma_start3A_73 = tpu.memref_slice %arg5[%mul3A_72] : memref<800xi32, #tpu.memory_space<vmem>> -> memref<40xi32, #tpu.memory_space<vmem>>
        %dma_start3A_74 = arith.constant 0 : i32
        %dma_start3A_75 = arith.constant 0 : i32
        %dma_start3A_76 = tpu.memref_slice %arg2[%dma_start3A_74, %dma_start3A_75] : memref<1000x1024xf32, #tpu.memory_space<hbm>> -> memref<1000x1024xf32, #tpu.memory_space<hbm>>
        tpu.enqueue_indirect_dma source(%dma_start3A_76 : memref<1000x1024xf32, #tpu.memory_space<hbm>>) target(%arg7 : memref<40x1024xf32, #tpu.memory_space<vmem>>) offsets(%dma_start3A_73 : memref<40xi32, #tpu.memory_space<vmem>>) semaphore(%arg8 : memref<!tpu.dma_semaphore, #tpu.memory_space<semaphore_mem>>)
      } else {
      }
      %mul3A_36 = arith.constant 40 : i32
      %mul3A_37 = arith.muli %add3A_22, %mul3A_36 : i32
      %add3A_38 = arith.addi %mul3A_6, %mul3A_37 : i32
      %dma_start3A_39 = arith.constant 0 : i32
      %dma_start3A_40 = tpu.memref_slice %arg4[%add3A_38, %dma_start3A_39] : memref<25600x1024xf32, #tpu.memory_space<hbm>> -> memref<40x1024xf32, #tpu.memory_space<hbm>>
      %dma_start3A_41 = arith.constant 0 : i32
      %dma_start3A_42 = tpu.memref_slice %arg4[%add3A_38, %dma_start3A_41] : memref<25600x1024xf32, #tpu.memory_space<hbm>> -> memref<40x1024xf32, #tpu.memory_space<hbm>>
      tpu.enqueue_dma source(%arg6 : memref<40x1024xf32, #tpu.memory_space<vmem>>) target(%dma_start3A_42 : memref<40x1024xf32, #tpu.memory_space<hbm>>) target_semaphore(%arg9 : memref<!tpu.dma_semaphore, #tpu.memory_space<semaphore_mem>>)
      %add3A_43 = arith.constant 1 : i32
      %add3A_44 = arith.addi %add3A_22, %add3A_43 : i32
      %dma_wait3A_45 = arith.constant 0 : i32
      %dma_wait3A_46 = tpu.memref_slice %arg5[%dma_wait3A_45] : memref<800xi32, #tpu.memory_space<vmem>> -> memref<40xi32, #tpu.memory_space<vmem>>
      %dma_wait3A_47 = arith.constant 0 : i32
      %dma_wait3A_48 = arith.constant 0 : i32
      %dma_wait3A_49 = tpu.memref_slice %arg2[%dma_wait3A_47, %dma_wait3A_48] : memref<1000x1024xf32, #tpu.memory_space<hbm>> -> memref<1000x1024xf32, #tpu.memory_space<hbm>>
      tpu.wait_indirect_dma semaphore(%arg8 : memref<!tpu.dma_semaphore, #tpu.memory_space<semaphore_mem>>) src(%dma_wait3A_49 : memref<1000x1024xf32, #tpu.memory_space<hbm>>) dst(%arg7 : memref<40x1024xf32, #tpu.memory_space<vmem>>)
      %ge3A_50 = arith.constant 1 : i32
      %ge3A_51 = arith.cmpi sge, %add3A_44, %ge3A_50 : i32
      %convert_element_type3A_52 = arith.extui %ge3A_51 : i1 to i32
      %cond3A_53 = arith.constant 0 : i32
      %cond3A_54 = arith.cmpi ne, %convert_element_type3A_52, %cond3A_53 : i32
      scf.if %cond3A_54 {
        %dma_wait3A_69 = arith.constant 0 : i32
        %dma_wait3A_70 = tpu.memref_slice %arg4[%mul3A_6, %dma_wait3A_69] : memref<25600x1024xf32, #tpu.memory_space<hbm>> -> memref<40x1024xf32, #tpu.memory_space<hbm>>
        %dma_wait3A_71 = arith.constant 0 : i32
        %dma_wait3A_72 = tpu.memref_slice %arg4[%mul3A_6, %dma_wait3A_71] : memref<25600x1024xf32, #tpu.memory_space<hbm>> -> memref<40x1024xf32, #tpu.memory_space<hbm>>
        tpu.wait_dma2 semaphore(%arg9 : memref<!tpu.dma_semaphore, #tpu.memory_space<semaphore_mem>>) src(%arg6 : memref<40x1024xf32, #tpu.memory_space<vmem>>) dst(%dma_wait3A_72 : memref<40x1024xf32, #tpu.memory_space<hbm>>)
      } else {
      }
      %add3A_55 = arith.constant 1 : i32
      %add3A_56 = arith.addi %add3A_44, %add3A_55 : i32
      %lt3A_57 = arith.constant 20 : i32
      %lt3A_58 = arith.cmpi slt, %add3A_56, %lt3A_57 : i32
      %convert_element_type3A_59 = arith.extui %lt3A_58 : i1 to i32
      %cond3A_60 = arith.constant 0 : i32
      %cond3A_61 = arith.cmpi ne, %convert_element_type3A_59, %cond3A_60 : i32
      scf.if %cond3A_61 {
        %add3A_69 = arith.constant 1 : i32
        %add3A_70 = arith.addi %add3A_44, %add3A_69 : i32
        %mul3A_71 = arith.constant 40 : i32
        %mul3A_72 = arith.muli %add3A_70, %mul3A_71 : i32
        %dma_start3A_73 = tpu.memref_slice %arg5[%mul3A_72] : memref<800xi32, #tpu.memory_space<vmem>> -> memref<40xi32, #tpu.memory_space<vmem>>
        %dma_start3A_74 = arith.constant 0 : i32
        %dma_start3A_75 = arith.constant 0 : i32
        %dma_start3A_76 = tpu.memref_slice %arg2[%dma_start3A_74, %dma_start3A_75] : memref<1000x1024xf32, #tpu.memory_space<hbm>> -> memref<1000x1024xf32, #tpu.memory_space<hbm>>
        tpu.enqueue_indirect_dma source(%dma_start3A_76 : memref<1000x1024xf32, #tpu.memory_space<hbm>>) target(%arg6 : memref<40x1024xf32, #tpu.memory_space<vmem>>) offsets(%dma_start3A_73 : memref<40xi32, #tpu.memory_space<vmem>>) semaphore(%arg8 : memref<!tpu.dma_semaphore, #tpu.memory_space<semaphore_mem>>)
      } else {
      }
      %mul3A_62 = arith.constant 40 : i32
      %mul3A_63 = arith.muli %add3A_44, %mul3A_62 : i32
      %add3A_64 = arith.addi %mul3A_6, %mul3A_63 : i32
      %dma_start3A_65 = arith.constant 0 : i32
      %dma_start3A_66 = tpu.memref_slice %arg4[%add3A_64, %dma_start3A_65] : memref<25600x1024xf32, #tpu.memory_space<hbm>> -> memref<40x1024xf32, #tpu.memory_space<hbm>>
      %dma_start3A_67 = arith.constant 0 : i32
      %dma_start3A_68 = tpu.memref_slice %arg4[%add3A_64, %dma_start3A_67] : memref<25600x1024xf32, #tpu.memory_space<hbm>> -> memref<40x1024xf32, #tpu.memory_space<hbm>>
      tpu.enqueue_dma source(%arg7 : memref<40x1024xf32, #tpu.memory_space<vmem>>) target(%dma_start3A_68 : memref<40x1024xf32, #tpu.memory_space<hbm>>) target_semaphore(%arg9 : memref<!tpu.dma_semaphore, #tpu.memory_space<semaphore_mem>>)
    }
    %scan3A_14 = arith.constant 10 : i32
    %dma_wait3A = arith.constant 0 : i32
    %dma_wait3A_15 = tpu.memref_slice %arg4[%mul3A_6, %dma_wait3A] : memref<25600x1024xf32, #tpu.memory_space<hbm>> -> memref<40x1024xf32, #tpu.memory_space<hbm>>
    %dma_wait3A_16 = arith.constant 0 : i32
    %dma_wait3A_17 = tpu.memref_slice %arg4[%mul3A_6, %dma_wait3A_16] : memref<25600x1024xf32, #tpu.memory_space<hbm>> -> memref<40x1024xf32, #tpu.memory_space<hbm>>
    tpu.wait_dma2 semaphore(%arg9 : memref<!tpu.dma_semaphore, #tpu.memory_space<semaphore_mem>>) src(%arg6 : memref<40x1024xf32, #tpu.memory_space<vmem>>) dst(%dma_wait3A_17 : memref<40x1024xf32, #tpu.memory_space<hbm>>)
    return
  }
}

#map = affine_map<(d0, d1) -> (0, 0)>
#map1 = affine_map<(d0, d1) -> (0)>
module attributes {stable_mosaic.version = 14 : i64} {
  func.func @_sc_gather_body(%arg0: i32, %arg1: i32, %arg2: memref<1000x1024xf32, #tpu.memory_space<hbm>>, %arg3: memref<25600xi32, #tpu.memory_space<hbm>>, %arg4: memref<25600x1024xf32, #tpu.memory_space<hbm>>, %arg5: memref<800xi32, #tpu.memory_space<vmem>>, %arg6: memref<40x1024xf32, #tpu.memory_space<vmem>>, %arg7: memref<40x1024xf32, #tpu.memory_space<vmem>>, %arg8: memref<!tpu.dma_semaphore, #tpu.memory_space<semaphore_mem>>, %arg9: memref<!tpu.dma_semaphore, #tpu.memory_space<semaphore_mem>>) attributes {dimension_semantics = [#tpu.dimension_semantics<core_parallel>, #tpu.dimension_semantics<subcore_parallel>], iteration_bounds = array<i64: 2, 16>, scalar_prefetch = 0 : i64, scratch_operands = 5 : i64, tpu.core_type = #tpu.core_type<sc_vector_subcore>, window_params = [{transform_indices = #map}, {transform_indices = #map1}, {transform_indices = #map}]} {
    %mul3A = arith.constant 1 : i32
    %mul3A_0 = arith.muli %arg1, %mul3A : i32
    %add3A = arith.constant 0 : i32
    %add3A_1 = arith.addi %add3A, %mul3A_0 : i32
    %mul3A_2 = arith.constant 16 : i32
    %mul3A_3 = arith.muli %arg0, %mul3A_2 : i32
    %add3A_4 = arith.addi %add3A_1, %mul3A_3 : i32
    %mul3A_5 = arith.constant 800 : i32
    %mul3A_6 = arith.muli %add3A_4, %mul3A_5 : i32
    "tpu.region"() ({
      %run_scoped3A = tpu.sem_alloc : memref<!tpu.dma_semaphore, #tpu.memory_space<semaphore_mem>>
      %dma_start3A_18 = tpu.memref_slice %arg3[%mul3A_6] : memref<25600xi32, #tpu.memory_space<hbm>> -> memref<800xi32, #tpu.memory_space<hbm>>
      %dma_start3A_19 = tpu.memref_slice %arg3[%mul3A_6] : memref<25600xi32, #tpu.memory_space<hbm>> -> memref<800xi32, #tpu.memory_space<hbm>>
      tpu.enqueue_dma source(%dma_start3A_19 : memref<800xi32, #tpu.memory_space<hbm>>) target(%arg5 : memref<800xi32, #tpu.memory_space<vmem>>) target_semaphore(%run_scoped3A : memref<!tpu.dma_semaphore, #tpu.memory_space<semaphore_mem>>)
      %dma_wait3A_20 = tpu.memref_slice %arg3[%mul3A_6] : memref<25600xi32, #tpu.memory_space<hbm>> -> memref<800xi32, #tpu.memory_space<hbm>>
      %dma_wait3A_21 = tpu.memref_slice %arg3[%mul3A_6] : memref<25600xi32, #tpu.memory_space<hbm>> -> memref<800xi32, #tpu.memory_space<hbm>>
      tpu.wait_dma2 semaphore(%run_scoped3A : memref<!tpu.dma_semaphore, #tpu.memory_space<semaphore_mem>>) src(%dma_wait3A_21 : memref<800xi32, #tpu.memory_space<hbm>>) dst(%arg5 : memref<800xi32, #tpu.memory_space<vmem>>)
      tpu.yield
    }) : () -> ()
    %dma_start3A = arith.constant 0 : i32
    %dma_start3A_7 = tpu.memref_slice %arg5[%dma_start3A] : memref<800xi32, #tpu.memory_space<vmem>> -> memref<40xi32, #tpu.memory_space<vmem>>
    %dma_start3A_8 = arith.constant 0 : i32
    %dma_start3A_9 = arith.constant 0 : i32
    %dma_start3A_10 = tpu.memref_slice %arg2[%dma_start3A_8, %dma_start3A_9] : memref<1000x1024xf32, #tpu.memory_space<hbm>> -> memref<1000x1024xf32, #tpu.memory_space<hbm>>
    tpu.enqueue_indirect_dma source(%dma_start3A_10 : memref<1000x1024xf32, #tpu.memory_space<hbm>>) target(%arg6 : memref<40x1024xf32, #tpu.memory_space<vmem>>) offsets(%dma_start3A_7 : memref<40xi32, #tpu.memory_space<vmem>>) semaphore(%arg8 : memref<!tpu.dma_semaphore, #tpu.memory_space<semaphore_mem>>)
    %scan3A = arith.constant 0 : i32
    %scan3A_11 = arith.constant 10 : i32
    %scan3A_12 = arith.addi %scan3A, %scan3A_11 : i32
    %scan3A_13 = arith.constant 1 : i32
    scf.for %scan3A_18 = %scan3A to %scan3A_12 step %scan3A_13  : i32 {
      %mul3A_19 = arith.constant 2 : i32
      %mul3A_20 = arith.muli %scan3A_18, %mul3A_19 : i32
      %add3A_21 = arith.constant 0 : i32
      %add3A_22 = arith.addi %add3A_21, %mul3A_20 : i32
      %dma_wait3A_23 = arith.constant 0 : i32
      %dma_wait3A_24 = tpu.memref_slice %arg5[%dma_wait3A_23] : memref<800xi32, #tpu.memory_space<vmem>> -> memref<40xi32, #tpu.memory_space<vmem>>
      %dma_wait3A_25 = arith.constant 0 : i32
      %dma_wait3A_26 = arith.constant 0 : i32
      %dma_wait3A_27 = tpu.memref_slice %arg2[%dma_wait3A_25, %dma_wait3A_26] : memref<1000x1024xf32, #tpu.memory_space<hbm>> -> memref<1000x1024xf32, #tpu.memory_space<hbm>>
      tpu.wait_indirect_dma semaphore(%arg8 : memref<!tpu.dma_semaphore, #tpu.memory_space<semaphore_mem>>) src(%dma_wait3A_27 : memref<1000x1024xf32, #tpu.memory_space<hbm>>) dst(%arg6 : memref<40x1024xf32, #tpu.memory_space<vmem>>)
      %ge3A = arith.constant 1 : i32
      %ge3A_28 = arith.cmpi sge, %add3A_22, %ge3A : i32
      %convert_element_type3A = arith.extui %ge3A_28 : i1 to i32
      %cond3A = arith.constant 0 : i32
      %cond3A_29 = arith.cmpi ne, %convert_element_type3A, %cond3A : i32
      scf.if %cond3A_29 {
        %dma_wait3A_69 = arith.constant 0 : i32
        %dma_wait3A_70 = tpu.memref_slice %arg4[%mul3A_6, %dma_wait3A_69] : memref<25600x1024xf32, #tpu.memory_space<hbm>> -> memref<40x1024xf32, #tpu.memory_space<hbm>>
        %dma_wait3A_71 = arith.constant 0 : i32
        %dma_wait3A_72 = tpu.memref_slice %arg4[%mul3A_6, %dma_wait3A_71] : memref<25600x1024xf32, #tpu.memory_space<hbm>> -> memref<40x1024xf32, #tpu.memory_space<hbm>>
        tpu.wait_dma2 semaphore(%arg9 : memref<!tpu.dma_semaphore, #tpu.memory_space<semaphore_mem>>) src(%arg6 : memref<40x1024xf32, #tpu.memory_space<vmem>>) dst(%dma_wait3A_72 : memref<40x1024xf32, #tpu.memory_space<hbm>>)
      } else {
      }
      %add3A_30 = arith.constant 1 : i32
      %add3A_31 = arith.addi %add3A_22, %add3A_30 : i32
      %lt3A = arith.constant 20 : i32
      %lt3A_32 = arith.cmpi slt, %add3A_31, %lt3A : i32
      %convert_element_type3A_33 = arith.extui %lt3A_32 : i1 to i32
      %cond3A_34 = arith.constant 0 : i32
      %cond3A_35 = arith.cmpi ne, %convert_element_type3A_33, %cond3A_34 : i32
      scf.if %cond3A_35 {
        %add3A_69 = arith.constant 1 : i32
        %add3A_70 = arith.addi %add3A_22, %add3A_69 : i32
        %mul3A_71 = arith.constant 40 : i32
        %mul3A_72 = arith.muli %add3A_70, %mul3A_71 : i32
        %dma_start3A_73 = tpu.memref_slice %arg5[%mul3A_72] : memref<800xi32, #tpu.memory_space<vmem>> -> memref<40xi32, #tpu.memory_space<vmem>>
        %dma_start3A_74 = arith.constant 0 : i32
        %dma_start3A_75 = arith.constant 0 : i32
        %dma_start3A_76 = tpu.memref_slice %arg2[%dma_start3A_74, %dma_start3A_75] : memref<1000x1024xf32, #tpu.memory_space<hbm>> -> memref<1000x1024xf32, #tpu.memory_space<hbm>>
        tpu.enqueue_indirect_dma source(%dma_start3A_76 : memref<1000x1024xf32, #tpu.memory_space<hbm>>) target(%arg7 : memref<40x1024xf32, #tpu.memory_space<vmem>>) offsets(%dma_start3A_73 : memref<40xi32, #tpu.memory_space<vmem>>) semaphore(%arg8 : memref<!tpu.dma_semaphore, #tpu.memory_space<semaphore_mem>>)
      } else {
      }
      %mul3A_36 = arith.constant 40 : i32
      %mul3A_37 = arith.muli %add3A_22, %mul3A_36 : i32
      %add3A_38 = arith.addi %mul3A_6, %mul3A_37 : i32
      %dma_start3A_39 = arith.constant 0 : i32
      %dma_start3A_40 = tpu.memref_slice %arg4[%add3A_38, %dma_start3A_39] : memref<25600x1024xf32, #tpu.memory_space<hbm>> -> memref<40x1024xf32, #tpu.memory_space<hbm>>
      %dma_start3A_41 = arith.constant 0 : i32
      %dma_start3A_42 = tpu.memref_slice %arg4[%add3A_38, %dma_start3A_41] : memref<25600x1024xf32, #tpu.memory_space<hbm>> -> memref<40x1024xf32, #tpu.memory_space<hbm>>
      tpu.enqueue_dma source(%arg6 : memref<40x1024xf32, #tpu.memory_space<vmem>>) target(%dma_start3A_42 : memref<40x1024xf32, #tpu.memory_space<hbm>>) target_semaphore(%arg9 : memref<!tpu.dma_semaphore, #tpu.memory_space<semaphore_mem>>)
      %add3A_43 = arith.constant 1 : i32
      %add3A_44 = arith.addi %add3A_22, %add3A_43 : i32
      %dma_wait3A_45 = arith.constant 0 : i32
      %dma_wait3A_46 = tpu.memref_slice %arg5[%dma_wait3A_45] : memref<800xi32, #tpu.memory_space<vmem>> -> memref<40xi32, #tpu.memory_space<vmem>>
      %dma_wait3A_47 = arith.constant 0 : i32
      %dma_wait3A_48 = arith.constant 0 : i32
      %dma_wait3A_49 = tpu.memref_slice %arg2[%dma_wait3A_47, %dma_wait3A_48] : memref<1000x1024xf32, #tpu.memory_space<hbm>> -> memref<1000x1024xf32, #tpu.memory_space<hbm>>
      tpu.wait_indirect_dma semaphore(%arg8 : memref<!tpu.dma_semaphore, #tpu.memory_space<semaphore_mem>>) src(%dma_wait3A_49 : memref<1000x1024xf32, #tpu.memory_space<hbm>>) dst(%arg7 : memref<40x1024xf32, #tpu.memory_space<vmem>>)
      %ge3A_50 = arith.constant 1 : i32
      %ge3A_51 = arith.cmpi sge, %add3A_44, %ge3A_50 : i32
      %convert_element_type3A_52 = arith.extui %ge3A_51 : i1 to i32
      %cond3A_53 = arith.constant 0 : i32
      %cond3A_54 = arith.cmpi ne, %convert_element_type3A_52, %cond3A_53 : i32
      scf.if %cond3A_54 {
        %dma_wait3A_69 = arith.constant 0 : i32
        %dma_wait3A_70 = tpu.memref_slice %arg4[%mul3A_6, %dma_wait3A_69] : memref<25600x1024xf32, #tpu.memory_space<hbm>> -> memref<40x1024xf32, #tpu.memory_space<hbm>>
        %dma_wait3A_71 = arith.constant 0 : i32
        %dma_wait3A_72 = tpu.memref_slice %arg4[%mul3A_6, %dma_wait3A_71] : memref<25600x1024xf32, #tpu.memory_space<hbm>> -> memref<40x1024xf32, #tpu.memory_space<hbm>>
        tpu.wait_dma2 semaphore(%arg9 : memref<!tpu.dma_semaphore, #tpu.memory_space<semaphore_mem>>) src(%arg6 : memref<40x1024xf32, #tpu.memory_space<vmem>>) dst(%dma_wait3A_72 : memref<40x1024xf32, #tpu.memory_space<hbm>>)
      } else {
      }
      %add3A_55 = arith.constant 1 : i32
      %add3A_56 = arith.addi %add3A_44, %add3A_55 : i32
      %lt3A_57 = arith.constant 20 : i32
      %lt3A_58 = arith.cmpi slt, %add3A_56, %lt3A_57 : i32
      %convert_element_type3A_59 = arith.extui %lt3A_58 : i1 to i32
      %cond3A_60 = arith.constant 0 : i32
      %cond3A_61 = arith.cmpi ne, %convert_element_type3A_59, %cond3A_60 : i32
      scf.if %cond3A_61 {
        %add3A_69 = arith.constant 1 : i32
        %add3A_70 = arith.addi %add3A_44, %add3A_69 : i32
        %mul3A_71 = arith.constant 40 : i32
        %mul3A_72 = arith.muli %add3A_70, %mul3A_71 : i32
        %dma_start3A_73 = tpu.memref_slice %arg5[%mul3A_72] : memref<800xi32, #tpu.memory_space<vmem>> -> memref<40xi32, #tpu.memory_space<vmem>>
        %dma_start3A_74 = arith.constant 0 : i32
        %dma_start3A_75 = arith.constant 0 : i32
        %dma_start3A_76 = tpu.memref_slice %arg2[%dma_start3A_74, %dma_start3A_75] : memref<1000x1024xf32, #tpu.memory_space<hbm>> -> memref<1000x1024xf32, #tpu.memory_space<hbm>>
        tpu.enqueue_indirect_dma source(%dma_start3A_76 : memref<1000x1024xf32, #tpu.memory_space<hbm>>) target(%arg6 : memref<40x1024xf32, #tpu.memory_space<vmem>>) offsets(%dma_start3A_73 : memref<40xi32, #tpu.memory_space<vmem>>) semaphore(%arg8 : memref<!tpu.dma_semaphore, #tpu.memory_space<semaphore_mem>>)
      } else {
      }
      %mul3A_62 = arith.constant 40 : i32
      %mul3A_63 = arith.muli %add3A_44, %mul3A_62 : i32
      %add3A_64 = arith.addi %mul3A_6, %mul3A_63 : i32
      %dma_start3A_65 = arith.constant 0 : i32
      %dma_start3A_66 = tpu.memref_slice %arg4[%add3A_64, %dma_start3A_65] : memref<25600x1024xf32, #tpu.memory_space<hbm>> -> memref<40x1024xf32, #tpu.memory_space<hbm>>
      %dma_start3A_67 = arith.constant 0 : i32
      %dma_start3A_68 = tpu.memref_slice %arg4[%add3A_64, %dma_start3A_67] : memref<25600x1024xf32, #tpu.memory_space<hbm>> -> memref<40x1024xf32, #tpu.memory_space<hbm>>
      tpu.enqueue_dma source(%arg7 : memref<40x1024xf32, #tpu.memory_space<vmem>>) target(%dma_start3A_68 : memref<40x1024xf32, #tpu.memory_space<hbm>>) target_semaphore(%arg9 : memref<!tpu.dma_semaphore, #tpu.memory_space<semaphore_mem>>)
    }
    %scan3A_14 = arith.constant 10 : i32
    %dma_wait3A = arith.constant 0 : i32
    %dma_wait3A_15 = tpu.memref_slice %arg4[%mul3A_6, %dma_wait3A] : memref<25600x1024xf32, #tpu.memory_space<hbm>> -> memref<40x1024xf32, #tpu.memory_space<hbm>>
    %dma_wait3A_16 = arith.constant 0 : i32
    %dma_wait3A_17 = tpu.memref_slice %arg4[%mul3A_6, %dma_wait3A_16] : memref<25600x1024xf32, #tpu.memory_space<hbm>> -> memref<40x1024xf32, #tpu.memory_space<hbm>>
    tpu.wait_dma2 semaphore(%arg9 : memref<!tpu.dma_semaphore, #tpu.memory_space<semaphore_mem>>) src(%arg6 : memref<40x1024xf32, #tpu.memory_space<vmem>>) dst(%dma_wait3A_17 : memref<40x1024xf32, #tpu.memory_space<hbm>>)
    return
  }
}

#map = affine_map<(d0, d1) -> (0, 0)>
#map1 = affine_map<(d0, d1) -> (0)>
module attributes {stable_mosaic.version = 14 : i64} {
  func.func @_sc_gather_body(%arg0: i32, %arg1: i32, %arg2: memref<1000x1024xf32, #tpu.memory_space<hbm>>, %arg3: memref<25600xi32, #tpu.memory_space<hbm>>, %arg4: memref<25600x1024xf32, #tpu.memory_space<hbm>>, %arg5: memref<800xi32, #tpu.memory_space<vmem>>, %arg6: memref<40x1024xf32, #tpu.memory_space<vmem>>, %arg7: memref<40x1024xf32, #tpu.memory_space<vmem>>, %arg8: memref<!tpu.dma_semaphore, #tpu.memory_space<semaphore_mem>>, %arg9: memref<!tpu.dma_semaphore, #tpu.memory_space<semaphore_mem>>) attributes {dimension_semantics = [#tpu.dimension_semantics<core_parallel>, #tpu.dimension_semantics<subcore_parallel>], iteration_bounds = array<i64: 2, 16>, scalar_prefetch = 0 : i64, scratch_operands = 5 : i64, tpu.core_type = #tpu.core_type<sc_vector_subcore>, window_params = [{transform_indices = #map}, {transform_indices = #map1}, {transform_indices = #map}]} {
    %mul3A = arith.constant 1 : i32
    %mul3A_0 = arith.muli %arg1, %mul3A : i32
    %add3A = arith.constant 0 : i32
    %add3A_1 = arith.addi %add3A, %mul3A_0 : i32
    %mul3A_2 = arith.constant 16 : i32
    %mul3A_3 = arith.muli %arg0, %mul3A_2 : i32
    %add3A_4 = arith.addi %add3A_1, %mul3A_3 : i32
    %mul3A_5 = arith.constant 800 : i32
    %mul3A_6 = arith.muli %add3A_4, %mul3A_5 : i32
    "tpu.region"() ({
      %run_scoped3A = tpu.sem_alloc : memref<!tpu.dma_semaphore, #tpu.memory_space<semaphore_mem>>
      %dma_start3A_18 = tpu.memref_slice %arg3[%mul3A_6] : memref<25600xi32, #tpu.memory_space<hbm>> -> memref<800xi32, #tpu.memory_space<hbm>>
      %dma_start3A_19 = tpu.memref_slice %arg3[%mul3A_6] : memref<25600xi32, #tpu.memory_space<hbm>> -> memref<800xi32, #tpu.memory_space<hbm>>
      tpu.enqueue_dma source(%dma_start3A_19 : memref<800xi32, #tpu.memory_space<hbm>>) target(%arg5 : memref<800xi32, #tpu.memory_space<vmem>>) target_semaphore(%run_scoped3A : memref<!tpu.dma_semaphore, #tpu.memory_space<semaphore_mem>>)
      %dma_wait3A_20 = tpu.memref_slice %arg3[%mul3A_6] : memref<25600xi32, #tpu.memory_space<hbm>> -> memref<800xi32, #tpu.memory_space<hbm>>
      %dma_wait3A_21 = tpu.memref_slice %arg3[%mul3A_6] : memref<25600xi32, #tpu.memory_space<hbm>> -> memref<800xi32, #tpu.memory_space<hbm>>
      tpu.wait_dma2 semaphore(%run_scoped3A : memref<!tpu.dma_semaphore, #tpu.memory_space<semaphore_mem>>) src(%dma_wait3A_21 : memref<800xi32, #tpu.memory_space<hbm>>) dst(%arg5 : memref<800xi32, #tpu.memory_space<vmem>>)
      tpu.yield
    }) : () -> ()
    %dma_start3A = arith.constant 0 : i32
    %dma_start3A_7 = tpu.memref_slice %arg5[%dma_start3A] : memref<800xi32, #tpu.memory_space<vmem>> -> memref<40xi32, #tpu.memory_space<vmem>>
    %dma_start3A_8 = arith.constant 0 : i32
    %dma_start3A_9 = arith.constant 0 : i32
    %dma_start3A_10 = tpu.memref_slice %arg2[%dma_start3A_8, %dma_start3A_9] : memref<1000x1024xf32, #tpu.memory_space<hbm>> -> memref<1000x1024xf32, #tpu.memory_space<hbm>>
    tpu.enqueue_indirect_dma source(%dma_start3A_10 : memref<1000x1024xf32, #tpu.memory_space<hbm>>) target(%arg6 : memref<40x1024xf32, #tpu.memory_space<vmem>>) offsets(%dma_start3A_7 : memref<40xi32, #tpu.memory_space<vmem>>) semaphore(%arg8 : memref<!tpu.dma_semaphore, #tpu.memory_space<semaphore_mem>>)
    %scan3A = arith.constant 0 : i32
    %scan3A_11 = arith.constant 10 : i32
    %scan3A_12 = arith.addi %scan3A, %scan3A_11 : i32
    %scan3A_13 = arith.constant 1 : i32
    scf.for %scan3A_18 = %scan3A to %scan3A_12 step %scan3A_13  : i32 {
      %mul3A_19 = arith.constant 2 : i32
      %mul3A_20 = arith.muli %scan3A_18, %mul3A_19 : i32
      %add3A_21 = arith.constant 0 : i32
      %add3A_22 = arith.addi %add3A_21, %mul3A_20 : i32
      %dma_wait3A_23 = arith.constant 0 : i32
      %dma_wait3A_24 = tpu.memref_slice %arg5[%dma_wait3A_23] : memref<800xi32, #tpu.memory_space<vmem>> -> memref<40xi32, #tpu.memory_space<vmem>>
      %dma_wait3A_25 = arith.constant 0 : i32
      %dma_wait3A_26 = arith.constant 0 : i32
      %dma_wait3A_27 = tpu.memref_slice %arg2[%dma_wait3A_25, %dma_wait3A_26] : memref<1000x1024xf32, #tpu.memory_space<hbm>> -> memref<1000x1024xf32, #tpu.memory_space<hbm>>
      tpu.wait_indirect_dma semaphore(%arg8 : memref<!tpu.dma_semaphore, #tpu.memory_space<semaphore_mem>>) src(%dma_wait3A_27 : memref<1000x1024xf32, #tpu.memory_space<hbm>>) dst(%arg6 : memref<40x1024xf32, #tpu.memory_space<vmem>>)
      %ge3A = arith.constant 1 : i32
      %ge3A_28 = arith.cmpi sge, %add3A_22, %ge3A : i32
      %convert_element_type3A = arith.extui %ge3A_28 : i1 to i32
      %cond3A = arith.constant 0 : i32
      %cond3A_29 = arith.cmpi ne, %convert_element_type3A, %cond3A : i32
      scf.if %cond3A_29 {
        %dma_wait3A_69 = arith.constant 0 : i32
        %dma_wait3A_70 = tpu.memref_slice %arg4[%mul3A_6, %dma_wait3A_69] : memref<25600x1024xf32, #tpu.memory_space<hbm>> -> memref<40x1024xf32, #tpu.memory_space<hbm>>
        %dma_wait3A_71 = arith.constant 0 : i32
        %dma_wait3A_72 = tpu.memref_slice %arg4[%mul3A_6, %dma_wait3A_71] : memref<25600x1024xf32, #tpu.memory_space<hbm>> -> memref<40x1024xf32, #tpu.memory_space<hbm>>
        tpu.wait_dma2 semaphore(%arg9 : memref<!tpu.dma_semaphore, #tpu.memory_space<semaphore_mem>>) src(%arg6 : memref<40x1024xf32, #tpu.memory_space<vmem>>) dst(%dma_wait3A_72 : memref<40x1024xf32, #tpu.memory_space<hbm>>)
      } else {
      }
      %add3A_30 = arith.constant 1 : i32
      %add3A_31 = arith.addi %add3A_22, %add3A_30 : i32
      %lt3A = arith.constant 20 : i32
      %lt3A_32 = arith.cmpi slt, %add3A_31, %lt3A : i32
      %convert_element_type3A_33 = arith.extui %lt3A_32 : i1 to i32
      %cond3A_34 = arith.constant 0 : i32
      %cond3A_35 = arith.cmpi ne, %convert_element_type3A_33, %cond3A_34 : i32
      scf.if %cond3A_35 {
        %add3A_69 = arith.constant 1 : i32
        %add3A_70 = arith.addi %add3A_22, %add3A_69 : i32
        %mul3A_71 = arith.constant 40 : i32
        %mul3A_72 = arith.muli %add3A_70, %mul3A_71 : i32
        %dma_start3A_73 = tpu.memref_slice %arg5[%mul3A_72] : memref<800xi32, #tpu.memory_space<vmem>> -> memref<40xi32, #tpu.memory_space<vmem>>
        %dma_start3A_74 = arith.constant 0 : i32
        %dma_start3A_75 = arith.constant 0 : i32
        %dma_start3A_76 = tpu.memref_slice %arg2[%dma_start3A_74, %dma_start3A_75] : memref<1000x1024xf32, #tpu.memory_space<hbm>> -> memref<1000x1024xf32, #tpu.memory_space<hbm>>
        tpu.enqueue_indirect_dma source(%dma_start3A_76 : memref<1000x1024xf32, #tpu.memory_space<hbm>>) target(%arg7 : memref<40x1024xf32, #tpu.memory_space<vmem>>) offsets(%dma_start3A_73 : memref<40xi32, #tpu.memory_space<vmem>>) semaphore(%arg8 : memref<!tpu.dma_semaphore, #tpu.memory_space<semaphore_mem>>)
      } else {
      }
      %mul3A_36 = arith.constant 40 : i32
      %mul3A_37 = arith.muli %add3A_22, %mul3A_36 : i32
      %add3A_38 = arith.addi %mul3A_6, %mul3A_37 : i32
      %dma_start3A_39 = arith.constant 0 : i32
      %dma_start3A_40 = tpu.memref_slice %arg4[%add3A_38, %dma_start3A_39] : memref<25600x1024xf32, #tpu.memory_space<hbm>> -> memref<40x1024xf32, #tpu.memory_space<hbm>>
      %dma_start3A_41 = arith.constant 0 : i32
      %dma_start3A_42 = tpu.memref_slice %arg4[%add3A_38, %dma_start3A_41] : memref<25600x1024xf32, #tpu.memory_space<hbm>> -> memref<40x1024xf32, #tpu.memory_space<hbm>>
      tpu.enqueue_dma source(%arg6 : memref<40x1024xf32, #tpu.memory_space<vmem>>) target(%dma_start3A_42 : memref<40x1024xf32, #tpu.memory_space<hbm>>) target_semaphore(%arg9 : memref<!tpu.dma_semaphore, #tpu.memory_space<semaphore_mem>>)
      %add3A_43 = arith.constant 1 : i32
      %add3A_44 = arith.addi %add3A_22, %add3A_43 : i32
      %dma_wait3A_45 = arith.constant 0 : i32
      %dma_wait3A_46 = tpu.memref_slice %arg5[%dma_wait3A_45] : memref<800xi32, #tpu.memory_space<vmem>> -> memref<40xi32, #tpu.memory_space<vmem>>
      %dma_wait3A_47 = arith.constant 0 : i32
      %dma_wait3A_48 = arith.constant 0 : i32
      %dma_wait3A_49 = tpu.memref_slice %arg2[%dma_wait3A_47, %dma_wait3A_48] : memref<1000x1024xf32, #tpu.memory_space<hbm>> -> memref<1000x1024xf32, #tpu.memory_space<hbm>>
      tpu.wait_indirect_dma semaphore(%arg8 : memref<!tpu.dma_semaphore, #tpu.memory_space<semaphore_mem>>) src(%dma_wait3A_49 : memref<1000x1024xf32, #tpu.memory_space<hbm>>) dst(%arg7 : memref<40x1024xf32, #tpu.memory_space<vmem>>)
      %ge3A_50 = arith.constant 1 : i32
      %ge3A_51 = arith.cmpi sge, %add3A_44, %ge3A_50 : i32
      %convert_element_type3A_52 = arith.extui %ge3A_51 : i1 to i32
      %cond3A_53 = arith.constant 0 : i32
      %cond3A_54 = arith.cmpi ne, %convert_element_type3A_52, %cond3A_53 : i32
      scf.if %cond3A_54 {
        %dma_wait3A_69 = arith.constant 0 : i32
        %dma_wait3A_70 = tpu.memref_slice %arg4[%mul3A_6, %dma_wait3A_69] : memref<25600x1024xf32, #tpu.memory_space<hbm>> -> memref<40x1024xf32, #tpu.memory_space<hbm>>
        %dma_wait3A_71 = arith.constant 0 : i32
        %dma_wait3A_72 = tpu.memref_slice %arg4[%mul3A_6, %dma_wait3A_71] : memref<25600x1024xf32, #tpu.memory_space<hbm>> -> memref<40x1024xf32, #tpu.memory_space<hbm>>
        tpu.wait_dma2 semaphore(%arg9 : memref<!tpu.dma_semaphore, #tpu.memory_space<semaphore_mem>>) src(%arg6 : memref<40x1024xf32, #tpu.memory_space<vmem>>) dst(%dma_wait3A_72 : memref<40x1024xf32, #tpu.memory_space<hbm>>)
      } else {
      }
      %add3A_55 = arith.constant 1 : i32
      %add3A_56 = arith.addi %add3A_44, %add3A_55 : i32
      %lt3A_57 = arith.constant 20 : i32
      %lt3A_58 = arith.cmpi slt, %add3A_56, %lt3A_57 : i32
      %convert_element_type3A_59 = arith.extui %lt3A_58 : i1 to i32
      %cond3A_60 = arith.constant 0 : i32
      %cond3A_61 = arith.cmpi ne, %convert_element_type3A_59, %cond3A_60 : i32
      scf.if %cond3A_61 {
        %add3A_69 = arith.constant 1 : i32
        %add3A_70 = arith.addi %add3A_44, %add3A_69 : i32
        %mul3A_71 = arith.constant 40 : i32
        %mul3A_72 = arith.muli %add3A_70, %mul3A_71 : i32
        %dma_start3A_73 = tpu.memref_slice %arg5[%mul3A_72] : memref<800xi32, #tpu.memory_space<vmem>> -> memref<40xi32, #tpu.memory_space<vmem>>
        %dma_start3A_74 = arith.constant 0 : i32
        %dma_start3A_75 = arith.constant 0 : i32
        %dma_start3A_76 = tpu.memref_slice %arg2[%dma_start3A_74, %dma_start3A_75] : memref<1000x1024xf32, #tpu.memory_space<hbm>> -> memref<1000x1024xf32, #tpu.memory_space<hbm>>
        tpu.enqueue_indirect_dma source(%dma_start3A_76 : memref<1000x1024xf32, #tpu.memory_space<hbm>>) target(%arg6 : memref<40x1024xf32, #tpu.memory_space<vmem>>) offsets(%dma_start3A_73 : memref<40xi32, #tpu.memory_space<vmem>>) semaphore(%arg8 : memref<!tpu.dma_semaphore, #tpu.memory_space<semaphore_mem>>)
      } else {
      }
      %mul3A_62 = arith.constant 40 : i32
      %mul3A_63 = arith.muli %add3A_44, %mul3A_62 : i32
      %add3A_64 = arith.addi %mul3A_6, %mul3A_63 : i32
      %dma_start3A_65 = arith.constant 0 : i32
      %dma_start3A_66 = tpu.memref_slice %arg4[%add3A_64, %dma_start3A_65] : memref<25600x1024xf32, #tpu.memory_space<hbm>> -> memref<40x1024xf32, #tpu.memory_space<hbm>>
      %dma_start3A_67 = arith.constant 0 : i32
      %dma_start3A_68 = tpu.memref_slice %arg4[%add3A_64, %dma_start3A_67] : memref<25600x1024xf32, #tpu.memory_space<hbm>> -> memref<40x1024xf32, #tpu.memory_space<hbm>>
      tpu.enqueue_dma source(%arg7 : memref<40x1024xf32, #tpu.memory_space<vmem>>) target(%dma_start3A_68 : memref<40x1024xf32, #tpu.memory_space<hbm>>) target_semaphore(%arg9 : memref<!tpu.dma_semaphore, #tpu.memory_space<semaphore_mem>>)
    }
    %scan3A_14 = arith.constant 10 : i32
    %dma_wait3A = arith.constant 0 : i32
    %dma_wait3A_15 = tpu.memref_slice %arg4[%mul3A_6, %dma_wait3A] : memref<25600x1024xf32, #tpu.memory_space<hbm>> -> memref<40x1024xf32, #tpu.memory_space<hbm>>
    %dma_wait3A_16 = arith.constant 0 : i32
    %dma_wait3A_17 = tpu.memref_slice %arg4[%mul3A_6, %dma_wait3A_16] : memref<25600x1024xf32, #tpu.memory_space<hbm>> -> memref<40x1024xf32, #tpu.memory_space<hbm>>
    tpu.wait_dma2 semaphore(%arg9 : memref<!tpu.dma_semaphore, #tpu.memory_space<semaphore_mem>>) src(%arg6 : memref<40x1024xf32, #tpu.memory_space<vmem>>) dst(%dma_wait3A_17 : memref<40x1024xf32, #tpu.memory_space<hbm>>)
    return
  }
}

#map = affine_map<(d0, d1) -> (0)>
#map1 = affine_map<(d0, d1) -> (0, 0)>
module attributes {stable_mosaic.version = 14 : i64} {
  func.func @_sc_loss_body(%arg0: i32, %arg1: i32, %arg2: memref<1024000xf32, #tpu.memory_space<hbm>>, %arg3: memref<1024xf32, #tpu.memory_space<hbm>>, %arg4: memref<204800xi32, #tpu.memory_space<hbm>>, %arg5: memref<204800xi32, #tpu.memory_space<hbm>>, %arg6: memref<32x16xf32, #tpu.memory_space<hbm>>, %arg7: memref<640xf32, #tpu.memory_space<vmem>>, %arg8: memref<640xf32, #tpu.memory_space<vmem>>, %arg9: memref<16xf32, #tpu.memory_space<vmem>>, %arg10: memref<!tpu.dma_semaphore, #tpu.memory_space<semaphore_mem>>) attributes {dimension_semantics = [#tpu.dimension_semantics<core_parallel>, #tpu.dimension_semantics<subcore_parallel>], iteration_bounds = array<i64: 2, 16>, scalar_prefetch = 0 : i64, scratch_operands = 4 : i64, tpu.core_type = #tpu.core_type<sc_vector_subcore>, window_params = [{transform_indices = #map}, {transform_indices = #map}, {transform_indices = #map}, {transform_indices = #map}, {transform_indices = #map1}]} {
    %mul3A = arith.constant 1 : i32
    %mul3A_0 = arith.muli %arg1, %mul3A : i32
    %add3A = arith.constant 0 : i32
    %add3A_1 = arith.addi %add3A, %mul3A_0 : i32
    %mul3A_2 = arith.constant 16 : i32
    %mul3A_3 = arith.muli %arg0, %mul3A_2 : i32
    %add3A_4 = arith.addi %add3A_1, %mul3A_3 : i32
    %mul3A_5 = arith.constant 6400 : i32
    %mul3A_6 = arith.muli %add3A_4, %mul3A_5 : i32
    %broadcast_in_dim3A = arith.constant 0.000000e+00 : f32
    %broadcast_in_dim3A_7 = vector.broadcast %broadcast_in_dim3A : f32 to vector<16xf32>
    %swap3A = arith.constant 0 : index
    %swap3A_8 = tpu.vector_load %arg9[%swap3A] {strides = array<i32>} : memref<16xf32, #tpu.memory_space<vmem>>, vector<16xf32>,
    tpu.vector_store %arg9[%swap3A], %broadcast_in_dim3A_7 {strides = array<i32>} : memref<16xf32, #tpu.memory_space<vmem>>, vector<16xf32>,
    "tpu.region"() ({
      %run_scoped3A = memref.alloca() : memref<640xi32, #tpu.memory_space<vmem>>
      %run_scoped3A_9 = memref.alloca() : memref<640xi32, #tpu.memory_space<vmem>>
      %scan3A = arith.constant 0 : i32
      %scan3A_10 = arith.constant 10 : i32
      %scan3A_11 = arith.addi %scan3A, %scan3A_10 : i32
      %scan3A_12 = arith.constant 1 : i32
      scf.for %scan3A_14 = %scan3A to %scan3A_11 step %scan3A_12  : i32 {
        %mul3A_15 = arith.constant 1 : i32
        %mul3A_16 = arith.muli %scan3A_14, %mul3A_15 : i32
        %add3A_17 = arith.constant 0 : i32
        %add3A_18 = arith.addi %add3A_17, %mul3A_16 : i32
        %mul3A_19 = arith.constant 640 : i32
        %mul3A_20 = arith.muli %add3A_18, %mul3A_19 : i32
        %add3A_21 = arith.addi %mul3A_6, %mul3A_20 : i32
        "tpu.region"() ({
          %run_scoped3A_429 = tpu.sem_alloc : memref<!tpu.dma_semaphore, #tpu.memory_space<semaphore_mem>>
          %dma_start3A_430 = tpu.memref_slice %arg4[%add3A_21] : memref<204800xi32, #tpu.memory_space<hbm>> -> memref<640xi32, #tpu.memory_space<hbm>>
          %dma_start3A_431 = tpu.memref_slice %arg4[%add3A_21] : memref<204800xi32, #tpu.memory_space<hbm>> -> memref<640xi32, #tpu.memory_space<hbm>>
          tpu.enqueue_dma source(%dma_start3A_431 : memref<640xi32, #tpu.memory_space<hbm>>) target(%run_scoped3A : memref<640xi32, #tpu.memory_space<vmem>>) target_semaphore(%run_scoped3A_429 : memref<!tpu.dma_semaphore, #tpu.memory_space<semaphore_mem>>)
          %dma_wait3A_432 = tpu.memref_slice %arg4[%add3A_21] : memref<204800xi32, #tpu.memory_space<hbm>> -> memref<640xi32, #tpu.memory_space<hbm>>
          %dma_wait3A_433 = tpu.memref_slice %arg4[%add3A_21] : memref<204800xi32, #tpu.memory_space<hbm>> -> memref<640xi32, #tpu.memory_space<hbm>>
          tpu.wait_dma2 semaphore(%run_scoped3A_429 : memref<!tpu.dma_semaphore, #tpu.memory_space<semaphore_mem>>) src(%dma_wait3A_433 : memref<640xi32, #tpu.memory_space<hbm>>) dst(%run_scoped3A : memref<640xi32, #tpu.memory_space<vmem>>)
          tpu.yield
        }) : () -> ()
        %mul3A_22 = arith.constant 640 : i32
        %mul3A_23 = arith.muli %add3A_18, %mul3A_22 : i32
        %add3A_24 = arith.addi %mul3A_6, %mul3A_23 : i32
        "tpu.region"() ({
          %run_scoped3A_429 = tpu.sem_alloc : memref<!tpu.dma_semaphore, #tpu.memory_space<semaphore_mem>>
          %dma_start3A_430 = tpu.memref_slice %arg5[%add3A_24] : memref<204800xi32, #tpu.memory_space<hbm>> -> memref<640xi32, #tpu.memory_space<hbm>>
          %dma_start3A_431 = tpu.memref_slice %arg5[%add3A_24] : memref<204800xi32, #tpu.memory_space<hbm>> -> memref<640xi32, #tpu.memory_space<hbm>>
          tpu.enqueue_dma source(%dma_start3A_431 : memref<640xi32, #tpu.memory_space<hbm>>) target(%run_scoped3A_9 : memref<640xi32, #tpu.memory_space<vmem>>) target_semaphore(%run_scoped3A_429 : memref<!tpu.dma_semaphore, #tpu.memory_space<semaphore_mem>>)
          %dma_wait3A_432 = tpu.memref_slice %arg5[%add3A_24] : memref<204800xi32, #tpu.memory_space<hbm>> -> memref<640xi32, #tpu.memory_space<hbm>>
          %dma_wait3A_433 = tpu.memref_slice %arg5[%add3A_24] : memref<204800xi32, #tpu.memory_space<hbm>> -> memref<640xi32, #tpu.memory_space<hbm>>
          tpu.wait_dma2 semaphore(%run_scoped3A_429 : memref<!tpu.dma_semaphore, #tpu.memory_space<semaphore_mem>>) src(%dma_wait3A_433 : memref<640xi32, #tpu.memory_space<hbm>>) dst(%run_scoped3A_9 : memref<640xi32, #tpu.memory_space<vmem>>)
          tpu.yield
        }) : () -> ()
        %dma_start3A = arith.constant 0 : i32
        %dma_start3A_25 = tpu.memref_slice %arg2[%dma_start3A] : memref<1024000xf32, #tpu.memory_space<hbm>> -> memref<1024000xf32, #tpu.memory_space<hbm>>
        tpu.enqueue_indirect_dma source(%dma_start3A_25 : memref<1024000xf32, #tpu.memory_space<hbm>>) target(%arg7 : memref<640xf32, #tpu.memory_space<vmem>>) offsets(%run_scoped3A : memref<640xi32, #tpu.memory_space<vmem>>) semaphore(%arg10 : memref<!tpu.dma_semaphore, #tpu.memory_space<semaphore_mem>>)
        %dma_wait3A = arith.constant 0 : i32
        %dma_wait3A_26 = tpu.memref_slice %arg2[%dma_wait3A] : memref<1024000xf32, #tpu.memory_space<hbm>> -> memref<1024000xf32, #tpu.memory_space<hbm>>
        tpu.wait_indirect_dma semaphore(%arg10 : memref<!tpu.dma_semaphore, #tpu.memory_space<semaphore_mem>>) src(%dma_wait3A_26 : memref<1024000xf32, #tpu.memory_space<hbm>>) dst(%arg7 : memref<640xf32, #tpu.memory_space<vmem>>)
        %dma_start3A_27 = arith.constant 0 : i32
        %dma_start3A_28 = tpu.memref_slice %arg3[%dma_start3A_27] : memref<1024xf32, #tpu.memory_space<hbm>> -> memref<1024xf32, #tpu.memory_space<hbm>>
        tpu.enqueue_indirect_dma source(%dma_start3A_28 : memref<1024xf32, #tpu.memory_space<hbm>>) target(%arg8 : memref<640xf32, #tpu.memory_space<vmem>>) offsets(%run_scoped3A_9 : memref<640xi32, #tpu.memory_space<vmem>>) semaphore(%arg10 : memref<!tpu.dma_semaphore, #tpu.memory_space<semaphore_mem>>)
        %dma_wait3A_29 = arith.constant 0 : i32
        %dma_wait3A_30 = tpu.memref_slice %arg3[%dma_wait3A_29] : memref<1024xf32, #tpu.memory_space<hbm>> -> memref<1024xf32, #tpu.memory_space<hbm>>
        tpu.wait_indirect_dma semaphore(%arg10 : memref<!tpu.dma_semaphore, #tpu.memory_space<semaphore_mem>>) src(%dma_wait3A_30 : memref<1024xf32, #tpu.memory_space<hbm>>) dst(%arg8 : memref<640xf32, #tpu.memory_space<vmem>>)
        %get3A = arith.constant 0 : index
        %get3A_31 = tpu.vector_load %arg9[%get3A] {strides = array<i32>} : memref<16xf32, #tpu.memory_space<vmem>>, vector<16xf32>,
        %get3A_32 = arith.constant 0 : index
        %get3A_33 = tpu.vector_load %arg8[%get3A_32] {strides = array<i32>} : memref<640xf32, #tpu.memory_space<vmem>>, vector<16xf32>,
        %get3A_34 = arith.constant 0 : index
        %get3A_35 = tpu.vector_load %arg7[%get3A_34] {strides = array<i32>} : memref<640xf32, #tpu.memory_space<vmem>>, vector<16xf32>,
        %sub3A = arith.subf %get3A_33, %get3A_35 : vector<16xf32>
        %add3A_36 = arith.addf %get3A_31, %sub3A : vector<16xf32>
        %swap3A_37 = arith.constant 0 : index
        %swap3A_38 = tpu.vector_load %arg9[%swap3A_37] {strides = array<i32>} : memref<16xf32, #tpu.memory_space<vmem>>, vector<16xf32>,
        tpu.vector_store %arg9[%swap3A_37], %add3A_36 {strides = array<i32>} : memref<16xf32, #tpu.memory_space<vmem>>, vector<16xf32>,
        %get3A_39 = arith.constant 0 : index
        %get3A_40 = tpu.vector_load %arg9[%get3A_39] {strides = array<i32>} : memref<16xf32, #tpu.memory_space<vmem>>, vector<16xf32>,
        %get3A_41 = arith.constant 16 : index
        %get3A_42 = tpu.vector_load %arg8[%get3A_41] {strides = array<i32>} : memref<640xf32, #tpu.memory_space<vmem>>, vector<16xf32>,
        %get3A_43 = arith.constant 16 : index
        %get3A_44 = tpu.vector_load %arg7[%get3A_43] {strides = array<i32>} : memref<640xf32, #tpu.memory_space<vmem>>, vector<16xf32>,
        %sub3A_45 = arith.subf %get3A_42, %get3A_44 : vector<16xf32>
        %add3A_46 = arith.addf %get3A_40, %sub3A_45 : vector<16xf32>
        %swap3A_47 = arith.constant 0 : index
        %swap3A_48 = tpu.vector_load %arg9[%swap3A_47] {strides = array<i32>} : memref<16xf32, #tpu.memory_space<vmem>>, vector<16xf32>,
        tpu.vector_store %arg9[%swap3A_47], %add3A_46 {strides = array<i32>} : memref<16xf32, #tpu.memory_space<vmem>>, vector<16xf32>,
        %get3A_49 = arith.constant 0 : index
        %get3A_50 = tpu.vector_load %arg9[%get3A_49] {strides = array<i32>} : memref<16xf32, #tpu.memory_space<vmem>>, vector<16xf32>,
        %get3A_51 = arith.constant 32 : index
        %get3A_52 = tpu.vector_load %arg8[%get3A_51] {strides = array<i32>} : memref<640xf32, #tpu.memory_space<vmem>>, vector<16xf32>,
        %get3A_53 = arith.constant 32 : index
        %get3A_54 = tpu.vector_load %arg7[%get3A_53] {strides = array<i32>} : memref<640xf32, #tpu.memory_space<vmem>>, vector<16xf32>,
        %sub3A_55 = arith.subf %get3A_52, %get3A_54 : vector<16xf32>
        %add3A_56 = arith.addf %get3A_50, %sub3A_55 : vector<16xf32>
        %swap3A_57 = arith.constant 0 : index
        %swap3A_58 = tpu.vector_load %arg9[%swap3A_57] {strides = array<i32>} : memref<16xf32, #tpu.memory_space<vmem>>, vector<16xf32>,
        tpu.vector_store %arg9[%swap3A_57], %add3A_56 {strides = array<i32>} : memref<16xf32, #tpu.memory_space<vmem>>, vector<16xf32>,
        %get3A_59 = arith.constant 0 : index
        %get3A_60 = tpu.vector_load %arg9[%get3A_59] {strides = array<i32>} : memref<16xf32, #tpu.memory_space<vmem>>, vector<16xf32>,
        %get3A_61 = arith.constant 48 : index
        %get3A_62 = tpu.vector_load %arg8[%get3A_61] {strides = array<i32>} : memref<640xf32, #tpu.memory_space<vmem>>, vector<16xf32>,
        %get3A_63 = arith.constant 48 : index
        %get3A_64 = tpu.vector_load %arg7[%get3A_63] {strides = array<i32>} : memref<640xf32, #tpu.memory_space<vmem>>, vector<16xf32>,
        %sub3A_65 = arith.subf %get3A_62, %get3A_64 : vector<16xf32>
        %add3A_66 = arith.addf %get3A_60, %sub3A_65 : vector<16xf32>
        %swap3A_67 = arith.constant 0 : index
        %swap3A_68 = tpu.vector_load %arg9[%swap3A_67] {strides = array<i32>} : memref<16xf32, #tpu.memory_space<vmem>>, vector<16xf32>,
        tpu.vector_store %arg9[%swap3A_67], %add3A_66 {strides = array<i32>} : memref<16xf32, #tpu.memory_space<vmem>>, vector<16xf32>,
        %get3A_69 = arith.constant 0 : index
        %get3A_70 = tpu.vector_load %arg9[%get3A_69] {strides = array<i32>} : memref<16xf32, #tpu.memory_space<vmem>>, vector<16xf32>,
        %get3A_71 = arith.constant 64 : index
        %get3A_72 = tpu.vector_load %arg8[%get3A_71] {strides = array<i32>} : memref<640xf32, #tpu.memory_space<vmem>>, vector<16xf32>,
        %get3A_73 = arith.constant 64 : index
        %get3A_74 = tpu.vector_load %arg7[%get3A_73] {strides = array<i32>} : memref<640xf32, #tpu.memory_space<vmem>>, vector<16xf32>,
        %sub3A_75 = arith.subf %get3A_72, %get3A_74 : vector<16xf32>
        %add3A_76 = arith.addf %get3A_70, %sub3A_75 : vector<16xf32>
        %swap3A_77 = arith.constant 0 : index
        %swap3A_78 = tpu.vector_load %arg9[%swap3A_77] {strides = array<i32>} : memref<16xf32, #tpu.memory_space<vmem>>, vector<16xf32>,
        tpu.vector_store %arg9[%swap3A_77], %add3A_76 {strides = array<i32>} : memref<16xf32, #tpu.memory_space<vmem>>, vector<16xf32>,
        %get3A_79 = arith.constant 0 : index
        %get3A_80 = tpu.vector_load %arg9[%get3A_79] {strides = array<i32>} : memref<16xf32, #tpu.memory_space<vmem>>, vector<16xf32>,
        %get3A_81 = arith.constant 80 : index
        %get3A_82 = tpu.vector_load %arg8[%get3A_81] {strides = array<i32>} : memref<640xf32, #tpu.memory_space<vmem>>, vector<16xf32>,
        %get3A_83 = arith.constant 80 : index
        %get3A_84 = tpu.vector_load %arg7[%get3A_83] {strides = array<i32>} : memref<640xf32, #tpu.memory_space<vmem>>, vector<16xf32>,
        %sub3A_85 = arith.subf %get3A_82, %get3A_84 : vector<16xf32>
        %add3A_86 = arith.addf %get3A_80, %sub3A_85 : vector<16xf32>
        %swap3A_87 = arith.constant 0 : index
        %swap3A_88 = tpu.vector_load %arg9[%swap3A_87] {strides = array<i32>} : memref<16xf32, #tpu.memory_space<vmem>>, vector<16xf32>,
        tpu.vector_store %arg9[%swap3A_87], %add3A_86 {strides = array<i32>} : memref<16xf32, #tpu.memory_space<vmem>>, vector<16xf32>,
        %get3A_89 = arith.constant 0 : index
        %get3A_90 = tpu.vector_load %arg9[%get3A_89] {strides = array<i32>} : memref<16xf32, #tpu.memory_space<vmem>>, vector<16xf32>,
        %get3A_91 = arith.constant 96 : index
        %get3A_92 = tpu.vector_load %arg8[%get3A_91] {strides = array<i32>} : memref<640xf32, #tpu.memory_space<vmem>>, vector<16xf32>,
        %get3A_93 = arith.constant 96 : index
        %get3A_94 = tpu.vector_load %arg7[%get3A_93] {strides = array<i32>} : memref<640xf32, #tpu.memory_space<vmem>>, vector<16xf32>,
        %sub3A_95 = arith.subf %get3A_92, %get3A_94 : vector<16xf32>
        %add3A_96 = arith.addf %get3A_90, %sub3A_95 : vector<16xf32>
        %swap3A_97 = arith.constant 0 : index
        %swap3A_98 = tpu.vector_load %arg9[%swap3A_97] {strides = array<i32>} : memref<16xf32, #tpu.memory_space<vmem>>, vector<16xf32>,
        tpu.vector_store %arg9[%swap3A_97], %add3A_96 {strides = array<i32>} : memref<16xf32, #tpu.memory_space<vmem>>, vector<16xf32>,
        %get3A_99 = arith.constant 0 : index
        %get3A_100 = tpu.vector_load %arg9[%get3A_99] {strides = array<i32>} : memref<16xf32, #tpu.memory_space<vmem>>, vector<16xf32>,
        %get3A_101 = arith.constant 112 : index
        %get3A_102 = tpu.vector_load %arg8[%get3A_101] {strides = array<i32>} : memref<640xf32, #tpu.memory_space<vmem>>, vector<16xf32>,
        %get3A_103 = arith.constant 112 : index
        %get3A_104 = tpu.vector_load %arg7[%get3A_103] {strides = array<i32>} : memref<640xf32, #tpu.memory_space<vmem>>, vector<16xf32>,
        %sub3A_105 = arith.subf %get3A_102, %get3A_104 : vector<16xf32>
        %add3A_106 = arith.addf %get3A_100, %sub3A_105 : vector<16xf32>
        %swap3A_107 = arith.constant 0 : index
        %swap3A_108 = tpu.vector_load %arg9[%swap3A_107] {strides = array<i32>} : memref<16xf32, #tpu.memory_space<vmem>>, vector<16xf32>,
        tpu.vector_store %arg9[%swap3A_107], %add3A_106 {strides = array<i32>} : memref<16xf32, #tpu.memory_space<vmem>>, vector<16xf32>,
        %get3A_109 = arith.constant 0 : index
        %get3A_110 = tpu.vector_load %arg9[%get3A_109] {strides = array<i32>} : memref<16xf32, #tpu.memory_space<vmem>>, vector<16xf32>,
        %get3A_111 = arith.constant 128 : index
        %get3A_112 = tpu.vector_load %arg8[%get3A_111] {strides = array<i32>} : memref<640xf32, #tpu.memory_space<vmem>>, vector<16xf32>,
        %get3A_113 = arith.constant 128 : index
        %get3A_114 = tpu.vector_load %arg7[%get3A_113] {strides = array<i32>} : memref<640xf32, #tpu.memory_space<vmem>>, vector<16xf32>,
        %sub3A_115 = arith.subf %get3A_112, %get3A_114 : vector<16xf32>
        %add3A_116 = arith.addf %get3A_110, %sub3A_115 : vector<16xf32>
        %swap3A_117 = arith.constant 0 : index
        %swap3A_118 = tpu.vector_load %arg9[%swap3A_117] {strides = array<i32>} : memref<16xf32, #tpu.memory_space<vmem>>, vector<16xf32>,
        tpu.vector_store %arg9[%swap3A_117], %add3A_116 {strides = array<i32>} : memref<16xf32, #tpu.memory_space<vmem>>, vector<16xf32>,
        %get3A_119 = arith.constant 0 : index
        %get3A_120 = tpu.vector_load %arg9[%get3A_119] {strides = array<i32>} : memref<16xf32, #tpu.memory_space<vmem>>, vector<16xf32>,
        %get3A_121 = arith.constant 144 : index
        %get3A_122 = tpu.vector_load %arg8[%get3A_121] {strides = array<i32>} : memref<640xf32, #tpu.memory_space<vmem>>, vector<16xf32>,
        %get3A_123 = arith.constant 144 : index
        %get3A_124 = tpu.vector_load %arg7[%get3A_123] {strides = array<i32>} : memref<640xf32, #tpu.memory_space<vmem>>, vector<16xf32>,
        %sub3A_125 = arith.subf %get3A_122, %get3A_124 : vector<16xf32>
        %add3A_126 = arith.addf %get3A_120, %sub3A_125 : vector<16xf32>
        %swap3A_127 = arith.constant 0 : index
        %swap3A_128 = tpu.vector_load %arg9[%swap3A_127] {strides = array<i32>} : memref<16xf32, #tpu.memory_space<vmem>>, vector<16xf32>,
        tpu.vector_store %arg9[%swap3A_127], %add3A_126 {strides = array<i32>} : memref<16xf32, #tpu.memory_space<vmem>>, vector<16xf32>,
        %get3A_129 = arith.constant 0 : index
        %get3A_130 = tpu.vector_load %arg9[%get3A_129] {strides = array<i32>} : memref<16xf32, #tpu.memory_space<vmem>>, vector<16xf32>,
        %get3A_131 = arith.constant 160 : index
        %get3A_132 = tpu.vector_load %arg8[%get3A_131] {strides = array<i32>} : memref<640xf32, #tpu.memory_space<vmem>>, vector<16xf32>,
        %get3A_133 = arith.constant 160 : index
        %get3A_134 = tpu.vector_load %arg7[%get3A_133] {strides = array<i32>} : memref<640xf32, #tpu.memory_space<vmem>>, vector<16xf32>,
        %sub3A_135 = arith.subf %get3A_132, %get3A_134 : vector<16xf32>
        %add3A_136 = arith.addf %get3A_130, %sub3A_135 : vector<16xf32>
        %swap3A_137 = arith.constant 0 : index
        %swap3A_138 = tpu.vector_load %arg9[%swap3A_137] {strides = array<i32>} : memref<16xf32, #tpu.memory_space<vmem>>, vector<16xf32>,
        tpu.vector_store %arg9[%swap3A_137], %add3A_136 {strides = array<i32>} : memref<16xf32, #tpu.memory_space<vmem>>, vector<16xf32>,
        %get3A_139 = arith.constant 0 : index
        %get3A_140 = tpu.vector_load %arg9[%get3A_139] {strides = array<i32>} : memref<16xf32, #tpu.memory_space<vmem>>, vector<16xf32>,
        %get3A_141 = arith.constant 176 : index
        %get3A_142 = tpu.vector_load %arg8[%get3A_141] {strides = array<i32>} : memref<640xf32, #tpu.memory_space<vmem>>, vector<16xf32>,
        %get3A_143 = arith.constant 176 : index
        %get3A_144 = tpu.vector_load %arg7[%get3A_143] {strides = array<i32>} : memref<640xf32, #tpu.memory_space<vmem>>, vector<16xf32>,
        %sub3A_145 = arith.subf %get3A_142, %get3A_144 : vector<16xf32>
        %add3A_146 = arith.addf %get3A_140, %sub3A_145 : vector<16xf32>
        %swap3A_147 = arith.constant 0 : index
        %swap3A_148 = tpu.vector_load %arg9[%swap3A_147] {strides = array<i32>} : memref<16xf32, #tpu.memory_space<vmem>>, vector<16xf32>,
        tpu.vector_store %arg9[%swap3A_147], %add3A_146 {strides = array<i32>} : memref<16xf32, #tpu.memory_space<vmem>>, vector<16xf32>,
        %get3A_149 = arith.constant 0 : index
        %get3A_150 = tpu.vector_load %arg9[%get3A_149] {strides = array<i32>} : memref<16xf32, #tpu.memory_space<vmem>>, vector<16xf32>,
        %get3A_151 = arith.constant 192 : index
        %get3A_152 = tpu.vector_load %arg8[%get3A_151] {strides = array<i32>} : memref<640xf32, #tpu.memory_space<vmem>>, vector<16xf32>,
        %get3A_153 = arith.constant 192 : index
        %get3A_154 = tpu.vector_load %arg7[%get3A_153] {strides = array<i32>} : memref<640xf32, #tpu.memory_space<vmem>>, vector<16xf32>,
        %sub3A_155 = arith.subf %get3A_152, %get3A_154 : vector<16xf32>
        %add3A_156 = arith.addf %get3A_150, %sub3A_155 : vector<16xf32>
        %swap3A_157 = arith.constant 0 : index
        %swap3A_158 = tpu.vector_load %arg9[%swap3A_157] {strides = array<i32>} : memref<16xf32, #tpu.memory_space<vmem>>, vector<16xf32>,
        tpu.vector_store %arg9[%swap3A_157], %add3A_156 {strides = array<i32>} : memref<16xf32, #tpu.memory_space<vmem>>, vector<16xf32>,
        %get3A_159 = arith.constant 0 : index
        %get3A_160 = tpu.vector_load %arg9[%get3A_159] {strides = array<i32>} : memref<16xf32, #tpu.memory_space<vmem>>, vector<16xf32>,
        %get3A_161 = arith.constant 208 : index
        %get3A_162 = tpu.vector_load %arg8[%get3A_161] {strides = array<i32>} : memref<640xf32, #tpu.memory_space<vmem>>, vector<16xf32>,
        %get3A_163 = arith.constant 208 : index
        %get3A_164 = tpu.vector_load %arg7[%get3A_163] {strides = array<i32>} : memref<640xf32, #tpu.memory_space<vmem>>, vector<16xf32>,
        %sub3A_165 = arith.subf %get3A_162, %get3A_164 : vector<16xf32>
        %add3A_166 = arith.addf %get3A_160, %sub3A_165 : vector<16xf32>
        %swap3A_167 = arith.constant 0 : index
        %swap3A_168 = tpu.vector_load %arg9[%swap3A_167] {strides = array<i32>} : memref<16xf32, #tpu.memory_space<vmem>>, vector<16xf32>,
        tpu.vector_store %arg9[%swap3A_167], %add3A_166 {strides = array<i32>} : memref<16xf32, #tpu.memory_space<vmem>>, vector<16xf32>,
        %get3A_169 = arith.constant 0 : index
        %get3A_170 = tpu.vector_load %arg9[%get3A_169] {strides = array<i32>} : memref<16xf32, #tpu.memory_space<vmem>>, vector<16xf32>,
        %get3A_171 = arith.constant 224 : index
        %get3A_172 = tpu.vector_load %arg8[%get3A_171] {strides = array<i32>} : memref<640xf32, #tpu.memory_space<vmem>>, vector<16xf32>,
        %get3A_173 = arith.constant 224 : index
        %get3A_174 = tpu.vector_load %arg7[%get3A_173] {strides = array<i32>} : memref<640xf32, #tpu.memory_space<vmem>>, vector<16xf32>,
        %sub3A_175 = arith.subf %get3A_172, %get3A_174 : vector<16xf32>
        %add3A_176 = arith.addf %get3A_170, %sub3A_175 : vector<16xf32>
        %swap3A_177 = arith.constant 0 : index
        %swap3A_178 = tpu.vector_load %arg9[%swap3A_177] {strides = array<i32>} : memref<16xf32, #tpu.memory_space<vmem>>, vector<16xf32>,
        tpu.vector_store %arg9[%swap3A_177], %add3A_176 {strides = array<i32>} : memref<16xf32, #tpu.memory_space<vmem>>, vector<16xf32>,
        %get3A_179 = arith.constant 0 : index
        %get3A_180 = tpu.vector_load %arg9[%get3A_179] {strides = array<i32>} : memref<16xf32, #tpu.memory_space<vmem>>, vector<16xf32>,
        %get3A_181 = arith.constant 240 : index
        %get3A_182 = tpu.vector_load %arg8[%get3A_181] {strides = array<i32>} : memref<640xf32, #tpu.memory_space<vmem>>, vector<16xf32>,
        %get3A_183 = arith.constant 240 : index
        %get3A_184 = tpu.vector_load %arg7[%get3A_183] {strides = array<i32>} : memref<640xf32, #tpu.memory_space<vmem>>, vector<16xf32>,
        %sub3A_185 = arith.subf %get3A_182, %get3A_184 : vector<16xf32>
        %add3A_186 = arith.addf %get3A_180, %sub3A_185 : vector<16xf32>
        %swap3A_187 = arith.constant 0 : index
        %swap3A_188 = tpu.vector_load %arg9[%swap3A_187] {strides = array<i32>} : memref<16xf32, #tpu.memory_space<vmem>>, vector<16xf32>,
        tpu.vector_store %arg9[%swap3A_187], %add3A_186 {strides = array<i32>} : memref<16xf32, #tpu.memory_space<vmem>>, vector<16xf32>,
        %get3A_189 = arith.constant 0 : index
        %get3A_190 = tpu.vector_load %arg9[%get3A_189] {strides = array<i32>} : memref<16xf32, #tpu.memory_space<vmem>>, vector<16xf32>,
        %get3A_191 = arith.constant 256 : index
        %get3A_192 = tpu.vector_load %arg8[%get3A_191] {strides = array<i32>} : memref<640xf32, #tpu.memory_space<vmem>>, vector<16xf32>,
        %get3A_193 = arith.constant 256 : index
        %get3A_194 = tpu.vector_load %arg7[%get3A_193] {strides = array<i32>} : memref<640xf32, #tpu.memory_space<vmem>>, vector<16xf32>,
        %sub3A_195 = arith.subf %get3A_192, %get3A_194 : vector<16xf32>
        %add3A_196 = arith.addf %get3A_190, %sub3A_195 : vector<16xf32>
        %swap3A_197 = arith.constant 0 : index
        %swap3A_198 = tpu.vector_load %arg9[%swap3A_197] {strides = array<i32>} : memref<16xf32, #tpu.memory_space<vmem>>, vector<16xf32>,
        tpu.vector_store %arg9[%swap3A_197], %add3A_196 {strides = array<i32>} : memref<16xf32, #tpu.memory_space<vmem>>, vector<16xf32>,
        %get3A_199 = arith.constant 0 : index
        %get3A_200 = tpu.vector_load %arg9[%get3A_199] {strides = array<i32>} : memref<16xf32, #tpu.memory_space<vmem>>, vector<16xf32>,
        %get3A_201 = arith.constant 272 : index
        %get3A_202 = tpu.vector_load %arg8[%get3A_201] {strides = array<i32>} : memref<640xf32, #tpu.memory_space<vmem>>, vector<16xf32>,
        %get3A_203 = arith.constant 272 : index
        %get3A_204 = tpu.vector_load %arg7[%get3A_203] {strides = array<i32>} : memref<640xf32, #tpu.memory_space<vmem>>, vector<16xf32>,
        %sub3A_205 = arith.subf %get3A_202, %get3A_204 : vector<16xf32>
        %add3A_206 = arith.addf %get3A_200, %sub3A_205 : vector<16xf32>
        %swap3A_207 = arith.constant 0 : index
        %swap3A_208 = tpu.vector_load %arg9[%swap3A_207] {strides = array<i32>} : memref<16xf32, #tpu.memory_space<vmem>>, vector<16xf32>,
        tpu.vector_store %arg9[%swap3A_207], %add3A_206 {strides = array<i32>} : memref<16xf32, #tpu.memory_space<vmem>>, vector<16xf32>,
        %get3A_209 = arith.constant 0 : index
        %get3A_210 = tpu.vector_load %arg9[%get3A_209] {strides = array<i32>} : memref<16xf32, #tpu.memory_space<vmem>>, vector<16xf32>,
        %get3A_211 = arith.constant 288 : index
        %get3A_212 = tpu.vector_load %arg8[%get3A_211] {strides = array<i32>} : memref<640xf32, #tpu.memory_space<vmem>>, vector<16xf32>,
        %get3A_213 = arith.constant 288 : index
        %get3A_214 = tpu.vector_load %arg7[%get3A_213] {strides = array<i32>} : memref<640xf32, #tpu.memory_space<vmem>>, vector<16xf32>,
        %sub3A_215 = arith.subf %get3A_212, %get3A_214 : vector<16xf32>
        %add3A_216 = arith.addf %get3A_210, %sub3A_215 : vector<16xf32>
        %swap3A_217 = arith.constant 0 : index
        %swap3A_218 = tpu.vector_load %arg9[%swap3A_217] {strides = array<i32>} : memref<16xf32, #tpu.memory_space<vmem>>, vector<16xf32>,
        tpu.vector_store %arg9[%swap3A_217], %add3A_216 {strides = array<i32>} : memref<16xf32, #tpu.memory_space<vmem>>, vector<16xf32>,
        %get3A_219 = arith.constant 0 : index
        %get3A_220 = tpu.vector_load %arg9[%get3A_219] {strides = array<i32>} : memref<16xf32, #tpu.memory_space<vmem>>, vector<16xf32>,
        %get3A_221 = arith.constant 304 : index
        %get3A_222 = tpu.vector_load %arg8[%get3A_221] {strides = array<i32>} : memref<640xf32, #tpu.memory_space<vmem>>, vector<16xf32>,
        %get3A_223 = arith.constant 304 : index
        %get3A_224 = tpu.vector_load %arg7[%get3A_223] {strides = array<i32>} : memref<640xf32, #tpu.memory_space<vmem>>, vector<16xf32>,
        %sub3A_225 = arith.subf %get3A_222, %get3A_224 : vector<16xf32>
        %add3A_226 = arith.addf %get3A_220, %sub3A_225 : vector<16xf32>
        %swap3A_227 = arith.constant 0 : index
        %swap3A_228 = tpu.vector_load %arg9[%swap3A_227] {strides = array<i32>} : memref<16xf32, #tpu.memory_space<vmem>>, vector<16xf32>,
        tpu.vector_store %arg9[%swap3A_227], %add3A_226 {strides = array<i32>} : memref<16xf32, #tpu.memory_space<vmem>>, vector<16xf32>,
        %get3A_229 = arith.constant 0 : index
        %get3A_230 = tpu.vector_load %arg9[%get3A_229] {strides = array<i32>} : memref<16xf32, #tpu.memory_space<vmem>>, vector<16xf32>,
        %get3A_231 = arith.constant 320 : index
        %get3A_232 = tpu.vector_load %arg8[%get3A_231] {strides = array<i32>} : memref<640xf32, #tpu.memory_space<vmem>>, vector<16xf32>,
        %get3A_233 = arith.constant 320 : index
        %get3A_234 = tpu.vector_load %arg7[%get3A_233] {strides = array<i32>} : memref<640xf32, #tpu.memory_space<vmem>>, vector<16xf32>,
        %sub3A_235 = arith.subf %get3A_232, %get3A_234 : vector<16xf32>
        %add3A_236 = arith.addf %get3A_230, %sub3A_235 : vector<16xf32>
        %swap3A_237 = arith.constant 0 : index
        %swap3A_238 = tpu.vector_load %arg9[%swap3A_237] {strides = array<i32>} : memref<16xf32, #tpu.memory_space<vmem>>, vector<16xf32>,
        tpu.vector_store %arg9[%swap3A_237], %add3A_236 {strides = array<i32>} : memref<16xf32, #tpu.memory_space<vmem>>, vector<16xf32>,
        %get3A_239 = arith.constant 0 : index
        %get3A_240 = tpu.vector_load %arg9[%get3A_239] {strides = array<i32>} : memref<16xf32, #tpu.memory_space<vmem>>, vector<16xf32>,
        %get3A_241 = arith.constant 336 : index
        %get3A_242 = tpu.vector_load %arg8[%get3A_241] {strides = array<i32>} : memref<640xf32, #tpu.memory_space<vmem>>, vector<16xf32>,
        %get3A_243 = arith.constant 336 : index
        %get3A_244 = tpu.vector_load %arg7[%get3A_243] {strides = array<i32>} : memref<640xf32, #tpu.memory_space<vmem>>, vector<16xf32>,
        %sub3A_245 = arith.subf %get3A_242, %get3A_244 : vector<16xf32>
        %add3A_246 = arith.addf %get3A_240, %sub3A_245 : vector<16xf32>
        %swap3A_247 = arith.constant 0 : index
        %swap3A_248 = tpu.vector_load %arg9[%swap3A_247] {strides = array<i32>} : memref<16xf32, #tpu.memory_space<vmem>>, vector<16xf32>,
        tpu.vector_store %arg9[%swap3A_247], %add3A_246 {strides = array<i32>} : memref<16xf32, #tpu.memory_space<vmem>>, vector<16xf32>,
        %get3A_249 = arith.constant 0 : index
        %get3A_250 = tpu.vector_load %arg9[%get3A_249] {strides = array<i32>} : memref<16xf32, #tpu.memory_space<vmem>>, vector<16xf32>,
        %get3A_251 = arith.constant 352 : index
        %get3A_252 = tpu.vector_load %arg8[%get3A_251] {strides = array<i32>} : memref<640xf32, #tpu.memory_space<vmem>>, vector<16xf32>,
        %get3A_253 = arith.constant 352 : index
        %get3A_254 = tpu.vector_load %arg7[%get3A_253] {strides = array<i32>} : memref<640xf32, #tpu.memory_space<vmem>>, vector<16xf32>,
        %sub3A_255 = arith.subf %get3A_252, %get3A_254 : vector<16xf32>
        %add3A_256 = arith.addf %get3A_250, %sub3A_255 : vector<16xf32>
        %swap3A_257 = arith.constant 0 : index
        %swap3A_258 = tpu.vector_load %arg9[%swap3A_257] {strides = array<i32>} : memref<16xf32, #tpu.memory_space<vmem>>, vector<16xf32>,
        tpu.vector_store %arg9[%swap3A_257], %add3A_256 {strides = array<i32>} : memref<16xf32, #tpu.memory_space<vmem>>, vector<16xf32>,
        %get3A_259 = arith.constant 0 : index
        %get3A_260 = tpu.vector_load %arg9[%get3A_259] {strides = array<i32>} : memref<16xf32, #tpu.memory_space<vmem>>, vector<16xf32>,
        %get3A_261 = arith.constant 368 : index
        %get3A_262 = tpu.vector_load %arg8[%get3A_261] {strides = array<i32>} : memref<640xf32, #tpu.memory_space<vmem>>, vector<16xf32>,
        %get3A_263 = arith.constant 368 : index
        %get3A_264 = tpu.vector_load %arg7[%get3A_263] {strides = array<i32>} : memref<640xf32, #tpu.memory_space<vmem>>, vector<16xf32>,
        %sub3A_265 = arith.subf %get3A_262, %get3A_264 : vector<16xf32>
        %add3A_266 = arith.addf %get3A_260, %sub3A_265 : vector<16xf32>
        %swap3A_267 = arith.constant 0 : index
        %swap3A_268 = tpu.vector_load %arg9[%swap3A_267] {strides = array<i32>} : memref<16xf32, #tpu.memory_space<vmem>>, vector<16xf32>,
        tpu.vector_store %arg9[%swap3A_267], %add3A_266 {strides = array<i32>} : memref<16xf32, #tpu.memory_space<vmem>>, vector<16xf32>,
        %get3A_269 = arith.constant 0 : index
        %get3A_270 = tpu.vector_load %arg9[%get3A_269] {strides = array<i32>} : memref<16xf32, #tpu.memory_space<vmem>>, vector<16xf32>,
        %get3A_271 = arith.constant 384 : index
        %get3A_272 = tpu.vector_load %arg8[%get3A_271] {strides = array<i32>} : memref<640xf32, #tpu.memory_space<vmem>>, vector<16xf32>,
        %get3A_273 = arith.constant 384 : index
        %get3A_274 = tpu.vector_load %arg7[%get3A_273] {strides = array<i32>} : memref<640xf32, #tpu.memory_space<vmem>>, vector<16xf32>,
        %sub3A_275 = arith.subf %get3A_272, %get3A_274 : vector<16xf32>
        %add3A_276 = arith.addf %get3A_270, %sub3A_275 : vector<16xf32>
        %swap3A_277 = arith.constant 0 : index
        %swap3A_278 = tpu.vector_load %arg9[%swap3A_277] {strides = array<i32>} : memref<16xf32, #tpu.memory_space<vmem>>, vector<16xf32>,
        tpu.vector_store %arg9[%swap3A_277], %add3A_276 {strides = array<i32>} : memref<16xf32, #tpu.memory_space<vmem>>, vector<16xf32>,
        %get3A_279 = arith.constant 0 : index
        %get3A_280 = tpu.vector_load %arg9[%get3A_279] {strides = array<i32>} : memref<16xf32, #tpu.memory_space<vmem>>, vector<16xf32>,
        %get3A_281 = arith.constant 400 : index
        %get3A_282 = tpu.vector_load %arg8[%get3A_281] {strides = array<i32>} : memref<640xf32, #tpu.memory_space<vmem>>, vector<16xf32>,
        %get3A_283 = arith.constant 400 : index
        %get3A_284 = tpu.vector_load %arg7[%get3A_283] {strides = array<i32>} : memref<640xf32, #tpu.memory_space<vmem>>, vector<16xf32>,
        %sub3A_285 = arith.subf %get3A_282, %get3A_284 : vector<16xf32>
        %add3A_286 = arith.addf %get3A_280, %sub3A_285 : vector<16xf32>
        %swap3A_287 = arith.constant 0 : index
        %swap3A_288 = tpu.vector_load %arg9[%swap3A_287] {strides = array<i32>} : memref<16xf32, #tpu.memory_space<vmem>>, vector<16xf32>,
        tpu.vector_store %arg9[%swap3A_287], %add3A_286 {strides = array<i32>} : memref<16xf32, #tpu.memory_space<vmem>>, vector<16xf32>,
        %get3A_289 = arith.constant 0 : index
        %get3A_290 = tpu.vector_load %arg9[%get3A_289] {strides = array<i32>} : memref<16xf32, #tpu.memory_space<vmem>>, vector<16xf32>,
        %get3A_291 = arith.constant 416 : index
        %get3A_292 = tpu.vector_load %arg8[%get3A_291] {strides = array<i32>} : memref<640xf32, #tpu.memory_space<vmem>>, vector<16xf32>,
        %get3A_293 = arith.constant 416 : index
        %get3A_294 = tpu.vector_load %arg7[%get3A_293] {strides = array<i32>} : memref<640xf32, #tpu.memory_space<vmem>>, vector<16xf32>,
        %sub3A_295 = arith.subf %get3A_292, %get3A_294 : vector<16xf32>
        %add3A_296 = arith.addf %get3A_290, %sub3A_295 : vector<16xf32>
        %swap3A_297 = arith.constant 0 : index
        %swap3A_298 = tpu.vector_load %arg9[%swap3A_297] {strides = array<i32>} : memref<16xf32, #tpu.memory_space<vmem>>, vector<16xf32>,
        tpu.vector_store %arg9[%swap3A_297], %add3A_296 {strides = array<i32>} : memref<16xf32, #tpu.memory_space<vmem>>, vector<16xf32>,
        %get3A_299 = arith.constant 0 : index
        %get3A_300 = tpu.vector_load %arg9[%get3A_299] {strides = array<i32>} : memref<16xf32, #tpu.memory_space<vmem>>, vector<16xf32>,
        %get3A_301 = arith.constant 432 : index
        %get3A_302 = tpu.vector_load %arg8[%get3A_301] {strides = array<i32>} : memref<640xf32, #tpu.memory_space<vmem>>, vector<16xf32>,
        %get3A_303 = arith.constant 432 : index
        %get3A_304 = tpu.vector_load %arg7[%get3A_303] {strides = array<i32>} : memref<640xf32, #tpu.memory_space<vmem>>, vector<16xf32>,
        %sub3A_305 = arith.subf %get3A_302, %get3A_304 : vector<16xf32>
        %add3A_306 = arith.addf %get3A_300, %sub3A_305 : vector<16xf32>
        %swap3A_307 = arith.constant 0 : index
        %swap3A_308 = tpu.vector_load %arg9[%swap3A_307] {strides = array<i32>} : memref<16xf32, #tpu.memory_space<vmem>>, vector<16xf32>,
        tpu.vector_store %arg9[%swap3A_307], %add3A_306 {strides = array<i32>} : memref<16xf32, #tpu.memory_space<vmem>>, vector<16xf32>,
        %get3A_309 = arith.constant 0 : index
        %get3A_310 = tpu.vector_load %arg9[%get3A_309] {strides = array<i32>} : memref<16xf32, #tpu.memory_space<vmem>>, vector<16xf32>,
        %get3A_311 = arith.constant 448 : index
        %get3A_312 = tpu.vector_load %arg8[%get3A_311] {strides = array<i32>} : memref<640xf32, #tpu.memory_space<vmem>>, vector<16xf32>,
        %get3A_313 = arith.constant 448 : index
        %get3A_314 = tpu.vector_load %arg7[%get3A_313] {strides = array<i32>} : memref<640xf32, #tpu.memory_space<vmem>>, vector<16xf32>,
        %sub3A_315 = arith.subf %get3A_312, %get3A_314 : vector<16xf32>
        %add3A_316 = arith.addf %get3A_310, %sub3A_315 : vector<16xf32>
        %swap3A_317 = arith.constant 0 : index
        %swap3A_318 = tpu.vector_load %arg9[%swap3A_317] {strides = array<i32>} : memref<16xf32, #tpu.memory_space<vmem>>, vector<16xf32>,
        tpu.vector_store %arg9[%swap3A_317], %add3A_316 {strides = array<i32>} : memref<16xf32, #tpu.memory_space<vmem>>, vector<16xf32>,
        %get3A_319 = arith.constant 0 : index
        %get3A_320 = tpu.vector_load %arg9[%get3A_319] {strides = array<i32>} : memref<16xf32, #tpu.memory_space<vmem>>, vector<16xf32>,
        %get3A_321 = arith.constant 464 : index
        %get3A_322 = tpu.vector_load %arg8[%get3A_321] {strides = array<i32>} : memref<640xf32, #tpu.memory_space<vmem>>, vector<16xf32>,
        %get3A_323 = arith.constant 464 : index
        %get3A_324 = tpu.vector_load %arg7[%get3A_323] {strides = array<i32>} : memref<640xf32, #tpu.memory_space<vmem>>, vector<16xf32>,
        %sub3A_325 = arith.subf %get3A_322, %get3A_324 : vector<16xf32>
        %add3A_326 = arith.addf %get3A_320, %sub3A_325 : vector<16xf32>
        %swap3A_327 = arith.constant 0 : index
        %swap3A_328 = tpu.vector_load %arg9[%swap3A_327] {strides = array<i32>} : memref<16xf32, #tpu.memory_space<vmem>>, vector<16xf32>,
        tpu.vector_store %arg9[%swap3A_327], %add3A_326 {strides = array<i32>} : memref<16xf32, #tpu.memory_space<vmem>>, vector<16xf32>,
        %get3A_329 = arith.constant 0 : index
        %get3A_330 = tpu.vector_load %arg9[%get3A_329] {strides = array<i32>} : memref<16xf32, #tpu.memory_space<vmem>>, vector<16xf32>,
        %get3A_331 = arith.constant 480 : index
        %get3A_332 = tpu.vector_load %arg8[%get3A_331] {strides = array<i32>} : memref<640xf32, #tpu.memory_space<vmem>>, vector<16xf32>,
        %get3A_333 = arith.constant 480 : index
        %get3A_334 = tpu.vector_load %arg7[%get3A_333] {strides = array<i32>} : memref<640xf32, #tpu.memory_space<vmem>>, vector<16xf32>,
        %sub3A_335 = arith.subf %get3A_332, %get3A_334 : vector<16xf32>
        %add3A_336 = arith.addf %get3A_330, %sub3A_335 : vector<16xf32>
        %swap3A_337 = arith.constant 0 : index
        %swap3A_338 = tpu.vector_load %arg9[%swap3A_337] {strides = array<i32>} : memref<16xf32, #tpu.memory_space<vmem>>, vector<16xf32>,
        tpu.vector_store %arg9[%swap3A_337], %add3A_336 {strides = array<i32>} : memref<16xf32, #tpu.memory_space<vmem>>, vector<16xf32>,
        %get3A_339 = arith.constant 0 : index
        %get3A_340 = tpu.vector_load %arg9[%get3A_339] {strides = array<i32>} : memref<16xf32, #tpu.memory_space<vmem>>, vector<16xf32>,
        %get3A_341 = arith.constant 496 : index
        %get3A_342 = tpu.vector_load %arg8[%get3A_341] {strides = array<i32>} : memref<640xf32, #tpu.memory_space<vmem>>, vector<16xf32>,
        %get3A_343 = arith.constant 496 : index
        %get3A_344 = tpu.vector_load %arg7[%get3A_343] {strides = array<i32>} : memref<640xf32, #tpu.memory_space<vmem>>, vector<16xf32>,
        %sub3A_345 = arith.subf %get3A_342, %get3A_344 : vector<16xf32>
        %add3A_346 = arith.addf %get3A_340, %sub3A_345 : vector<16xf32>
        %swap3A_347 = arith.constant 0 : index
        %swap3A_348 = tpu.vector_load %arg9[%swap3A_347] {strides = array<i32>} : memref<16xf32, #tpu.memory_space<vmem>>, vector<16xf32>,
        tpu.vector_store %arg9[%swap3A_347], %add3A_346 {strides = array<i32>} : memref<16xf32, #tpu.memory_space<vmem>>, vector<16xf32>,
        %get3A_349 = arith.constant 0 : index
        %get3A_350 = tpu.vector_load %arg9[%get3A_349] {strides = array<i32>} : memref<16xf32, #tpu.memory_space<vmem>>, vector<16xf32>,
        %get3A_351 = arith.constant 512 : index
        %get3A_352 = tpu.vector_load %arg8[%get3A_351] {strides = array<i32>} : memref<640xf32, #tpu.memory_space<vmem>>, vector<16xf32>,
        %get3A_353 = arith.constant 512 : index
        %get3A_354 = tpu.vector_load %arg7[%get3A_353] {strides = array<i32>} : memref<640xf32, #tpu.memory_space<vmem>>, vector<16xf32>,
        %sub3A_355 = arith.subf %get3A_352, %get3A_354 : vector<16xf32>
        %add3A_356 = arith.addf %get3A_350, %sub3A_355 : vector<16xf32>
        %swap3A_357 = arith.constant 0 : index
        %swap3A_358 = tpu.vector_load %arg9[%swap3A_357] {strides = array<i32>} : memref<16xf32, #tpu.memory_space<vmem>>, vector<16xf32>,
        tpu.vector_store %arg9[%swap3A_357], %add3A_356 {strides = array<i32>} : memref<16xf32, #tpu.memory_space<vmem>>, vector<16xf32>,
        %get3A_359 = arith.constant 0 : index
        %get3A_360 = tpu.vector_load %arg9[%get3A_359] {strides = array<i32>} : memref<16xf32, #tpu.memory_space<vmem>>, vector<16xf32>,
        %get3A_361 = arith.constant 528 : index
        %get3A_362 = tpu.vector_load %arg8[%get3A_361] {strides = array<i32>} : memref<640xf32, #tpu.memory_space<vmem>>, vector<16xf32>,
        %get3A_363 = arith.constant 528 : index
        %get3A_364 = tpu.vector_load %arg7[%get3A_363] {strides = array<i32>} : memref<640xf32, #tpu.memory_space<vmem>>, vector<16xf32>,
        %sub3A_365 = arith.subf %get3A_362, %get3A_364 : vector<16xf32>
        %add3A_366 = arith.addf %get3A_360, %sub3A_365 : vector<16xf32>
        %swap3A_367 = arith.constant 0 : index
        %swap3A_368 = tpu.vector_load %arg9[%swap3A_367] {strides = array<i32>} : memref<16xf32, #tpu.memory_space<vmem>>, vector<16xf32>,
        tpu.vector_store %arg9[%swap3A_367], %add3A_366 {strides = array<i32>} : memref<16xf32, #tpu.memory_space<vmem>>, vector<16xf32>,
        %get3A_369 = arith.constant 0 : index
        %get3A_370 = tpu.vector_load %arg9[%get3A_369] {strides = array<i32>} : memref<16xf32, #tpu.memory_space<vmem>>, vector<16xf32>,
        %get3A_371 = arith.constant 544 : index
        %get3A_372 = tpu.vector_load %arg8[%get3A_371] {strides = array<i32>} : memref<640xf32, #tpu.memory_space<vmem>>, vector<16xf32>,
        %get3A_373 = arith.constant 544 : index
        %get3A_374 = tpu.vector_load %arg7[%get3A_373] {strides = array<i32>} : memref<640xf32, #tpu.memory_space<vmem>>, vector<16xf32>,
        %sub3A_375 = arith.subf %get3A_372, %get3A_374 : vector<16xf32>
        %add3A_376 = arith.addf %get3A_370, %sub3A_375 : vector<16xf32>
        %swap3A_377 = arith.constant 0 : index
        %swap3A_378 = tpu.vector_load %arg9[%swap3A_377] {strides = array<i32>} : memref<16xf32, #tpu.memory_space<vmem>>, vector<16xf32>,
        tpu.vector_store %arg9[%swap3A_377], %add3A_376 {strides = array<i32>} : memref<16xf32, #tpu.memory_space<vmem>>, vector<16xf32>,
        %get3A_379 = arith.constant 0 : index
        %get3A_380 = tpu.vector_load %arg9[%get3A_379] {strides = array<i32>} : memref<16xf32, #tpu.memory_space<vmem>>, vector<16xf32>,
        %get3A_381 = arith.constant 560 : index
        %get3A_382 = tpu.vector_load %arg8[%get3A_381] {strides = array<i32>} : memref<640xf32, #tpu.memory_space<vmem>>, vector<16xf32>,
        %get3A_383 = arith.constant 560 : index
        %get3A_384 = tpu.vector_load %arg7[%get3A_383] {strides = array<i32>} : memref<640xf32, #tpu.memory_space<vmem>>, vector<16xf32>,
        %sub3A_385 = arith.subf %get3A_382, %get3A_384 : vector<16xf32>
        %add3A_386 = arith.addf %get3A_380, %sub3A_385 : vector<16xf32>
        %swap3A_387 = arith.constant 0 : index
        %swap3A_388 = tpu.vector_load %arg9[%swap3A_387] {strides = array<i32>} : memref<16xf32, #tpu.memory_space<vmem>>, vector<16xf32>,
        tpu.vector_store %arg9[%swap3A_387], %add3A_386 {strides = array<i32>} : memref<16xf32, #tpu.memory_space<vmem>>, vector<16xf32>,
        %get3A_389 = arith.constant 0 : index
        %get3A_390 = tpu.vector_load %arg9[%get3A_389] {strides = array<i32>} : memref<16xf32, #tpu.memory_space<vmem>>, vector<16xf32>,
        %get3A_391 = arith.constant 576 : index
        %get3A_392 = tpu.vector_load %arg8[%get3A_391] {strides = array<i32>} : memref<640xf32, #tpu.memory_space<vmem>>, vector<16xf32>,
        %get3A_393 = arith.constant 576 : index
        %get3A_394 = tpu.vector_load %arg7[%get3A_393] {strides = array<i32>} : memref<640xf32, #tpu.memory_space<vmem>>, vector<16xf32>,
        %sub3A_395 = arith.subf %get3A_392, %get3A_394 : vector<16xf32>
        %add3A_396 = arith.addf %get3A_390, %sub3A_395 : vector<16xf32>
        %swap3A_397 = arith.constant 0 : index
        %swap3A_398 = tpu.vector_load %arg9[%swap3A_397] {strides = array<i32>} : memref<16xf32, #tpu.memory_space<vmem>>, vector<16xf32>,
        tpu.vector_store %arg9[%swap3A_397], %add3A_396 {strides = array<i32>} : memref<16xf32, #tpu.memory_space<vmem>>, vector<16xf32>,
        %get3A_399 = arith.constant 0 : index
        %get3A_400 = tpu.vector_load %arg9[%get3A_399] {strides = array<i32>} : memref<16xf32, #tpu.memory_space<vmem>>, vector<16xf32>,
        %get3A_401 = arith.constant 592 : index
        %get3A_402 = tpu.vector_load %arg8[%get3A_401] {strides = array<i32>} : memref<640xf32, #tpu.memory_space<vmem>>, vector<16xf32>,
        %get3A_403 = arith.constant 592 : index
        %get3A_404 = tpu.vector_load %arg7[%get3A_403] {strides = array<i32>} : memref<640xf32, #tpu.memory_space<vmem>>, vector<16xf32>,
        %sub3A_405 = arith.subf %get3A_402, %get3A_404 : vector<16xf32>
        %add3A_406 = arith.addf %get3A_400, %sub3A_405 : vector<16xf32>
        %swap3A_407 = arith.constant 0 : index
        %swap3A_408 = tpu.vector_load %arg9[%swap3A_407] {strides = array<i32>} : memref<16xf32, #tpu.memory_space<vmem>>, vector<16xf32>,
        tpu.vector_store %arg9[%swap3A_407], %add3A_406 {strides = array<i32>} : memref<16xf32, #tpu.memory_space<vmem>>, vector<16xf32>,
        %get3A_409 = arith.constant 0 : index
        %get3A_410 = tpu.vector_load %arg9[%get3A_409] {strides = array<i32>} : memref<16xf32, #tpu.memory_space<vmem>>, vector<16xf32>,
        %get3A_411 = arith.constant 608 : index
        %get3A_412 = tpu.vector_load %arg8[%get3A_411] {strides = array<i32>} : memref<640xf32, #tpu.memory_space<vmem>>, vector<16xf32>,
        %get3A_413 = arith.constant 608 : index
        %get3A_414 = tpu.vector_load %arg7[%get3A_413] {strides = array<i32>} : memref<640xf32, #tpu.memory_space<vmem>>, vector<16xf32>,
        %sub3A_415 = arith.subf %get3A_412, %get3A_414 : vector<16xf32>
        %add3A_416 = arith.addf %get3A_410, %sub3A_415 : vector<16xf32>
        %swap3A_417 = arith.constant 0 : index
        %swap3A_418 = tpu.vector_load %arg9[%swap3A_417] {strides = array<i32>} : memref<16xf32, #tpu.memory_space<vmem>>, vector<16xf32>,
        tpu.vector_store %arg9[%swap3A_417], %add3A_416 {strides = array<i32>} : memref<16xf32, #tpu.memory_space<vmem>>, vector<16xf32>,
        %get3A_419 = arith.constant 0 : index
        %get3A_420 = tpu.vector_load %arg9[%get3A_419] {strides = array<i32>} : memref<16xf32, #tpu.memory_space<vmem>>, vector<16xf32>,
        %get3A_421 = arith.constant 624 : index
        %get3A_422 = tpu.vector_load %arg8[%get3A_421] {strides = array<i32>} : memref<640xf32, #tpu.memory_space<vmem>>, vector<16xf32>,
        %get3A_423 = arith.constant 624 : index
        %get3A_424 = tpu.vector_load %arg7[%get3A_423] {strides = array<i32>} : memref<640xf32, #tpu.memory_space<vmem>>, vector<16xf32>,
        %sub3A_425 = arith.subf %get3A_422, %get3A_424 : vector<16xf32>
        %add3A_426 = arith.addf %get3A_420, %sub3A_425 : vector<16xf32>
        %swap3A_427 = arith.constant 0 : index
        %swap3A_428 = tpu.vector_load %arg9[%swap3A_427] {strides = array<i32>} : memref<16xf32, #tpu.memory_space<vmem>>, vector<16xf32>,
        tpu.vector_store %arg9[%swap3A_427], %add3A_426 {strides = array<i32>} : memref<16xf32, #tpu.memory_space<vmem>>, vector<16xf32>,
      }
      %scan3A_13 = arith.constant 10 : i32
      tpu.yield
    }) : () -> ()
    "tpu.region"() ({
      %run_scoped3A = tpu.sem_alloc : memref<!tpu.dma_semaphore, #tpu.memory_space<semaphore_mem>>
      %dma_start3A = arith.constant 0 : i32
      %dma_start3A_9 = tpu.memref_slice %arg6[%add3A_4, %dma_start3A] : memref<32x16xf32, #tpu.memory_space<hbm>> -> memref<1x16xf32, #tpu.memory_space<hbm>>
      %dma_start3A_10 = tpu.memref_squeeze %dma_start3A_9 : memref<1x16xf32, #tpu.memory_space<hbm>> -> memref<16xf32, #tpu.memory_space<hbm>>
      %dma_start3A_11 = arith.constant 0 : i32
      %dma_start3A_12 = tpu.memref_slice %arg6[%add3A_4, %dma_start3A_11] : memref<32x16xf32, #tpu.memory_space<hbm>> -> memref<1x16xf32, #tpu.memory_space<hbm>>
      %dma_start3A_13 = tpu.memref_squeeze %dma_start3A_12 : memref<1x16xf32, #tpu.memory_space<hbm>> -> memref<16xf32, #tpu.memory_space<hbm>>
      tpu.enqueue_dma source(%arg9 : memref<16xf32, #tpu.memory_space<vmem>>) target(%dma_start3A_13 : memref<16xf32, #tpu.memory_space<hbm>>) target_semaphore(%run_scoped3A : memref<!tpu.dma_semaphore, #tpu.memory_space<semaphore_mem>>)
      %dma_wait3A = arith.constant 0 : i32
      %dma_wait3A_14 = tpu.memref_slice %arg6[%add3A_4, %dma_wait3A] : memref<32x16xf32, #tpu.memory_space<hbm>> -> memref<1x16xf32, #tpu.memory_space<hbm>>
      %dma_wait3A_15 = tpu.memref_squeeze %dma_wait3A_14 : memref<1x16xf32, #tpu.memory_space<hbm>> -> memref<16xf32, #tpu.memory_space<hbm>>
      %dma_wait3A_16 = arith.constant 0 : i32
      %dma_wait3A_17 = tpu.memref_slice %arg6[%add3A_4, %dma_wait3A_16] : memref<32x16xf32, #tpu.memory_space<hbm>> -> memref<1x16xf32, #tpu.memory_space<hbm>>
      %dma_wait3A_18 = tpu.memref_squeeze %dma_wait3A_17 : memref<1x16xf32, #tpu.memory_space<hbm>> -> memref<16xf32, #tpu.memory_space<hbm>>
      tpu.wait_dma2 semaphore(%run_scoped3A : memref<!tpu.dma_semaphore, #tpu.memory_space<semaphore_mem>>) src(%arg9 : memref<16xf32, #tpu.memory_space<vmem>>) dst(%dma_wait3A_18 : memref<16xf32, #tpu.memory_space<hbm>>)
      tpu.yield
    }) : () -> ()
    return
  }
}

module attributes {stable_mosaic.version = 14 : i64} {
  func.func @_row_lse_body(%arg0: memref<1000x1000xf32, #tpu.memory_space<vmem>>, %arg1: memref<1000x1xf32, #tpu.memory_space<vmem>>) attributes {dimension_semantics = [], scalar_prefetch = 0 : i64, scratch_operands = 0 : i64, tpu.core_type = #tpu.core_type<tc>} {
    %get3A = arith.constant 0 : index
    %get3A_0 = arith.constant 0 : index
    %get3A_1 = vector.load %arg0[%get3A, %get3A_0] : memref<1000x1000xf32, #tpu.memory_space<vmem>>, vector<1000x1000xf32>
    %reduce_max3A = arith.constant dense<0xFF800000> : vector<1000xf32>
    %reduce_max3A_2 = vector.multi_reduction <maximumf>, %get3A_1, %reduce_max3A [1] : vector<1000x1000xf32> to vector<1000xf32>
    %broadcast_in_dim3A = vector.shape_cast %reduce_max3A_2 : vector<1000xf32> to vector<1000x1xf32>
    %sub3A = vector.broadcast %broadcast_in_dim3A : vector<1000x1xf32> to vector<1000x1000xf32>
    %sub3A_3 = arith.subf %get3A_1, %sub3A : vector<1000x1000xf32>
    %exp3A = math.exp %sub3A_3 : vector<1000x1000xf32>
    %reduce_sum3A = arith.constant dense<0.000000e+00> : vector<1000xf32>
    %reduce_sum3A_4 = vector.multi_reduction <add>, %exp3A, %reduce_sum3A [1] : vector<1000x1000xf32> to vector<1000xf32>
    %broadcast_in_dim3A_5 = vector.shape_cast %reduce_sum3A_4 : vector<1000xf32> to vector<1000x1xf32>
    %log3A = math.log %broadcast_in_dim3A_5 : vector<1000x1xf32>
    %add3A = arith.addf %log3A, %broadcast_in_dim3A : vector<1000x1xf32>
    %swap3A = arith.constant 0 : index
    %swap3A_6 = arith.constant 0 : index
    %swap3A_7 = vector.load %arg1[%swap3A, %swap3A_6] : memref<1000x1xf32, #tpu.memory_space<vmem>>, vector<1000x1xf32>
    tpu.vector_store %arg1[%swap3A, %swap3A_6], %add3A {strides = array<i32>} : memref<1000x1xf32, #tpu.memory_space<vmem>>, vector<1000x1xf32>,
    return
  }
}

module attributes {stable_mosaic.version = 14 : i64} {
  func.func @_transpose_body0(%arg0: i32, %arg1: memref<1024x1024xf32, #tpu.memory_space<vmem>>, %arg2: memref<1x1000x1024xf32, #tpu.memory_space<vmem>>) attributes {dimension_semantics = [#tpu.dimension_semantics<arbitrary>], iteration_bounds = array<i64: 25>, scalar_prefetch = 0 : i64, scratch_operands = 0 : i64, tpu.core_type = #tpu.core_type<tc>, window_params = [{transform_indices = @transform_0, window_bounds = array<i64: 1024, 1024>}, {transform_indices = @transform_1, window_bounds = array<i64: 1, 1000, 1024>}]} {
    %get3A = arith.constant 0 : index
    %get3A_0 = arith.constant 0 : index
    %get3A_1 = vector.load %arg1[%get3A, %get3A_0] : memref<1024x1024xf32, #tpu.memory_space<vmem>>, vector<256x1024xf32>
    %transpose3A = tpu.transpose %get3A_1, [1, 0] : vector<256x1024xf32> -> vector<1024x256xf32>
    %slice3A = vector.extract_strided_slice %transpose3A {offsets = [0, 0], sizes = [1000, 256], strides = [1, 1]} : vector<1024x256xf32> to vector<1000x256xf32>
    %swap3A = arith.constant 0 : index
    %swap3A_2 = arith.constant 0 : index
    %swap3A_3 = arith.constant 0 : index
    %swap3A_4 = vector.load %arg2[%swap3A, %swap3A_2, %swap3A_3] : memref<1x1000x1024xf32, #tpu.memory_space<vmem>>, vector<1x1000x256xf32>
    %swap3A_5 = vector.shape_cast %swap3A_4 : vector<1x1000x256xf32> to vector<1000x256xf32>
    %swap3A_6 = vector.shape_cast %slice3A : vector<1000x256xf32> to vector<1x1000x256xf32>
    tpu.vector_store %arg2[%swap3A, %swap3A_2, %swap3A_3], %swap3A_6 {strides = array<i32>} : memref<1x1000x1024xf32, #tpu.memory_space<vmem>>, vector<1x1000x256xf32>,
    %get3A_7 = arith.constant 256 : index
    %get3A_8 = arith.constant 0 : index
    %get3A_9 = vector.load %arg1[%get3A_7, %get3A_8] : memref<1024x1024xf32, #tpu.memory_space<vmem>>, vector<256x1024xf32>
    %transpose3A_10 = tpu.transpose %get3A_9, [1, 0] : vector<256x1024xf32> -> vector<1024x256xf32>
    %slice3A_11 = vector.extract_strided_slice %transpose3A_10 {offsets = [0, 0], sizes = [1000, 256], strides = [1, 1]} : vector<1024x256xf32> to vector<1000x256xf32>
    %swap3A_12 = arith.constant 0 : index
    %swap3A_13 = arith.constant 0 : index
    %swap3A_14 = arith.constant 256 : index
    %swap3A_15 = vector.load %arg2[%swap3A_12, %swap3A_13, %swap3A_14] : memref<1x1000x1024xf32, #tpu.memory_space<vmem>>, vector<1x1000x256xf32>
    %swap3A_16 = vector.shape_cast %swap3A_15 : vector<1x1000x256xf32> to vector<1000x256xf32>
    %swap3A_17 = vector.shape_cast %slice3A_11 : vector<1000x256xf32> to vector<1x1000x256xf32>
    tpu.vector_store %arg2[%swap3A_12, %swap3A_13, %swap3A_14], %swap3A_17 {strides = array<i32>} : memref<1x1000x1024xf32, #tpu.memory_space<vmem>>, vector<1x1000x256xf32>,
    %get3A_18 = arith.constant 512 : index
    %get3A_19 = arith.constant 0 : index
    %get3A_20 = vector.load %arg1[%get3A_18, %get3A_19] : memref<1024x1024xf32, #tpu.memory_space<vmem>>, vector<256x1024xf32>
    %transpose3A_21 = tpu.transpose %get3A_20, [1, 0] : vector<256x1024xf32> -> vector<1024x256xf32>
    %slice3A_22 = vector.extract_strided_slice %transpose3A_21 {offsets = [0, 0], sizes = [1000, 256], strides = [1, 1]} : vector<1024x256xf32> to vector<1000x256xf32>
    %swap3A_23 = arith.constant 0 : index
    %swap3A_24 = arith.constant 0 : index
    %swap3A_25 = arith.constant 512 : index
    %swap3A_26 = vector.load %arg2[%swap3A_23, %swap3A_24, %swap3A_25] : memref<1x1000x1024xf32, #tpu.memory_space<vmem>>, vector<1x1000x256xf32>
    %swap3A_27 = vector.shape_cast %swap3A_26 : vector<1x1000x256xf32> to vector<1000x256xf32>
    %swap3A_28 = vector.shape_cast %slice3A_22 : vector<1000x256xf32> to vector<1x1000x256xf32>
    tpu.vector_store %arg2[%swap3A_23, %swap3A_24, %swap3A_25], %swap3A_28 {strides = array<i32>} : memref<1x1000x1024xf32, #tpu.memory_space<vmem>>, vector<1x1000x256xf32>,
    %get3A_29 = arith.constant 768 : index
    %get3A_30 = arith.constant 0 : index
    %get3A_31 = vector.load %arg1[%get3A_29, %get3A_30] : memref<1024x1024xf32, #tpu.memory_space<vmem>>, vector<256x1024xf32>
    %transpose3A_32 = tpu.transpose %get3A_31, [1, 0] : vector<256x1024xf32> -> vector<1024x256xf32>
    %slice3A_33 = vector.extract_strided_slice %transpose3A_32 {offsets = [0, 0], sizes = [1000, 256], strides = [1, 1]} : vector<1024x256xf32> to vector<1000x256xf32>
    %swap3A_34 = arith.constant 0 : index
    %swap3A_35 = arith.constant 0 : index
    %swap3A_36 = arith.constant 768 : index
    %swap3A_37 = vector.load %arg2[%swap3A_34, %swap3A_35, %swap3A_36] : memref<1x1000x1024xf32, #tpu.memory_space<vmem>>, vector<1x1000x256xf32>
    %swap3A_38 = vector.shape_cast %swap3A_37 : vector<1x1000x256xf32> to vector<1000x256xf32>
    %swap3A_39 = vector.shape_cast %slice3A_33 : vector<1000x256xf32> to vector<1x1000x256xf32>
    tpu.vector_store %arg2[%swap3A_34, %swap3A_35, %swap3A_36], %swap3A_39 {strides = array<i32>} : memref<1x1000x1024xf32, #tpu.memory_space<vmem>>, vector<1x1000x256xf32>,
    return
  }
  func.func @transform_0(%arg0: i32) -> (i32, i32) {
    %c0_i32 = arith.constant 0 : i32
    %c0_i32_0 = arith.constant 0 : i32
    return %arg0, %c0_i32 : i32, i32
  }
  func.func @transform_1(%arg0: i32) -> (i32, i32, i32) {
    %c0_i32 = arith.constant 0 : i32
    %c0_i32_0 = arith.constant 0 : i32
    %c0_i32_1 = arith.constant 0 : i32
    return %arg0, %c0_i32, %c0_i32_0 : i32, i32, i32
  }
}

module attributes {stable_mosaic.version = 14 : i64} {
  func.func @_transpose_body(%arg0: i32, %arg1: memref<200x1000x1024xf32, #tpu.memory_space<any>>, %arg2: memref<1024x1024xf32, #tpu.memory_space<vmem>>, %arg3: memref<1x1000x1024xf32, #tpu.memory_space<vmem>>) attributes {dimension_semantics = [#tpu.dimension_semantics<arbitrary>], iteration_bounds = array<i64: 25>, scalar_prefetch = 0 : i64, scratch_operands = 0 : i64, tpu.core_type = #tpu.core_type<tc>, window_params = [{}, {transform_indices = @transform_1, window_bounds = array<i64: 1024, 1024>}, {transform_indices = @transform_2, window_bounds = array<i64: 1, 1000, 1024>}]} {
    %get3A = arith.constant 0 : index
    %get3A_0 = arith.constant 0 : index
    %get3A_1 = vector.load %arg2[%get3A, %get3A_0] : memref<1024x1024xf32, #tpu.memory_space<vmem>>, vector<256x1024xf32>
    %transpose3A = tpu.transpose %get3A_1, [1, 0] : vector<256x1024xf32> -> vector<1024x256xf32>
    %slice3A = vector.extract_strided_slice %transpose3A {offsets = [0, 0], sizes = [1000, 256], strides = [1, 1]} : vector<1024x256xf32> to vector<1000x256xf32>
    %swap3A = arith.constant 0 : index
    %swap3A_2 = arith.constant 0 : index
    %swap3A_3 = arith.constant 0 : index
    %swap3A_4 = vector.load %arg3[%swap3A, %swap3A_2, %swap3A_3] : memref<1x1000x1024xf32, #tpu.memory_space<vmem>>, vector<1x1000x256xf32>
    %swap3A_5 = vector.shape_cast %swap3A_4 : vector<1x1000x256xf32> to vector<1000x256xf32>
    %swap3A_6 = vector.shape_cast %slice3A : vector<1000x256xf32> to vector<1x1000x256xf32>
    tpu.vector_store %arg3[%swap3A, %swap3A_2, %swap3A_3], %swap3A_6 {strides = array<i32>} : memref<1x1000x1024xf32, #tpu.memory_space<vmem>>, vector<1x1000x256xf32>,
    %get3A_7 = arith.constant 256 : index
    %get3A_8 = arith.constant 0 : index
    %get3A_9 = vector.load %arg2[%get3A_7, %get3A_8] : memref<1024x1024xf32, #tpu.memory_space<vmem>>, vector<256x1024xf32>
    %transpose3A_10 = tpu.transpose %get3A_9, [1, 0] : vector<256x1024xf32> -> vector<1024x256xf32>
    %slice3A_11 = vector.extract_strided_slice %transpose3A_10 {offsets = [0, 0], sizes = [1000, 256], strides = [1, 1]} : vector<1024x256xf32> to vector<1000x256xf32>
    %swap3A_12 = arith.constant 0 : index
    %swap3A_13 = arith.constant 0 : index
    %swap3A_14 = arith.constant 256 : index
    %swap3A_15 = vector.load %arg3[%swap3A_12, %swap3A_13, %swap3A_14] : memref<1x1000x1024xf32, #tpu.memory_space<vmem>>, vector<1x1000x256xf32>
    %swap3A_16 = vector.shape_cast %swap3A_15 : vector<1x1000x256xf32> to vector<1000x256xf32>
    %swap3A_17 = vector.shape_cast %slice3A_11 : vector<1000x256xf32> to vector<1x1000x256xf32>
    tpu.vector_store %arg3[%swap3A_12, %swap3A_13, %swap3A_14], %swap3A_17 {strides = array<i32>} : memref<1x1000x1024xf32, #tpu.memory_space<vmem>>, vector<1x1000x256xf32>,
    %get3A_18 = arith.constant 512 : index
    %get3A_19 = arith.constant 0 : index
    %get3A_20 = vector.load %arg2[%get3A_18, %get3A_19] : memref<1024x1024xf32, #tpu.memory_space<vmem>>, vector<256x1024xf32>
    %transpose3A_21 = tpu.transpose %get3A_20, [1, 0] : vector<256x1024xf32> -> vector<1024x256xf32>
    %slice3A_22 = vector.extract_strided_slice %transpose3A_21 {offsets = [0, 0], sizes = [1000, 256], strides = [1, 1]} : vector<1024x256xf32> to vector<1000x256xf32>
    %swap3A_23 = arith.constant 0 : index
    %swap3A_24 = arith.constant 0 : index
    %swap3A_25 = arith.constant 512 : index
    %swap3A_26 = vector.load %arg3[%swap3A_23, %swap3A_24, %swap3A_25] : memref<1x1000x1024xf32, #tpu.memory_space<vmem>>, vector<1x1000x256xf32>
    %swap3A_27 = vector.shape_cast %swap3A_26 : vector<1x1000x256xf32> to vector<1000x256xf32>
    %swap3A_28 = vector.shape_cast %slice3A_22 : vector<1000x256xf32> to vector<1x1000x256xf32>
    tpu.vector_store %arg3[%swap3A_23, %swap3A_24, %swap3A_25], %swap3A_28 {strides = array<i32>} : memref<1x1000x1024xf32, #tpu.memory_space<vmem>>, vector<1x1000x256xf32>,
    %get3A_29 = arith.constant 768 : index
    %get3A_30 = arith.constant 0 : index
    %get3A_31 = vector.load %arg2[%get3A_29, %get3A_30] : memref<1024x1024xf32, #tpu.memory_space<vmem>>, vector<256x1024xf32>
    %transpose3A_32 = tpu.transpose %get3A_31, [1, 0] : vector<256x1024xf32> -> vector<1024x256xf32>
    %slice3A_33 = vector.extract_strided_slice %transpose3A_32 {offsets = [0, 0], sizes = [1000, 256], strides = [1, 1]} : vector<1024x256xf32> to vector<1000x256xf32>
    %swap3A_34 = arith.constant 0 : index
    %swap3A_35 = arith.constant 0 : index
    %swap3A_36 = arith.constant 768 : index
    %swap3A_37 = vector.load %arg3[%swap3A_34, %swap3A_35, %swap3A_36] : memref<1x1000x1024xf32, #tpu.memory_space<vmem>>, vector<1x1000x256xf32>
    %swap3A_38 = vector.shape_cast %swap3A_37 : vector<1x1000x256xf32> to vector<1000x256xf32>
    %swap3A_39 = vector.shape_cast %slice3A_33 : vector<1000x256xf32> to vector<1x1000x256xf32>
    tpu.vector_store %arg3[%swap3A_34, %swap3A_35, %swap3A_36], %swap3A_39 {strides = array<i32>} : memref<1x1000x1024xf32, #tpu.memory_space<vmem>>, vector<1x1000x256xf32>,
    return
  }
  func.func @transform_1(%arg0: i32) -> (i32, i32) {
    %c0_i32 = arith.constant 0 : i32
    %c0_i32_0 = arith.constant 0 : i32
    return %arg0, %c0_i32 : i32, i32
  }
  func.func @transform_2(%arg0: i32) -> (i32, i32, i32) {
    %add3A = arith.constant 25 : i32
    %add3A_0 = arith.addi %add3A, %arg0 : i32
    %c0_i32 = arith.constant 0 : i32
    %c0_i32_1 = arith.constant 0 : i32
    %c0_i32_2 = arith.constant 0 : i32
    return %add3A_0, %c0_i32, %c0_i32_1 : i32, i32, i32
  }
}

module attributes {stable_mosaic.version = 14 : i64} {
  func.func @_transpose_body(%arg0: i32, %arg1: memref<200x1000x1024xf32, #tpu.memory_space<any>>, %arg2: memref<1024x1024xf32, #tpu.memory_space<vmem>>, %arg3: memref<1x1000x1024xf32, #tpu.memory_space<vmem>>) attributes {dimension_semantics = [#tpu.dimension_semantics<arbitrary>], iteration_bounds = array<i64: 25>, scalar_prefetch = 0 : i64, scratch_operands = 0 : i64, tpu.core_type = #tpu.core_type<tc>, window_params = [{}, {transform_indices = @transform_1, window_bounds = array<i64: 1024, 1024>}, {transform_indices = @transform_2, window_bounds = array<i64: 1, 1000, 1024>}]} {
    %get3A = arith.constant 0 : index
    %get3A_0 = arith.constant 0 : index
    %get3A_1 = vector.load %arg2[%get3A, %get3A_0] : memref<1024x1024xf32, #tpu.memory_space<vmem>>, vector<256x1024xf32>
    %transpose3A = tpu.transpose %get3A_1, [1, 0] : vector<256x1024xf32> -> vector<1024x256xf32>
    %slice3A = vector.extract_strided_slice %transpose3A {offsets = [0, 0], sizes = [1000, 256], strides = [1, 1]} : vector<1024x256xf32> to vector<1000x256xf32>
    %swap3A = arith.constant 0 : index
    %swap3A_2 = arith.constant 0 : index
    %swap3A_3 = arith.constant 0 : index
    %swap3A_4 = vector.load %arg3[%swap3A, %swap3A_2, %swap3A_3] : memref<1x1000x1024xf32, #tpu.memory_space<vmem>>, vector<1x1000x256xf32>
    %swap3A_5 = vector.shape_cast %swap3A_4 : vector<1x1000x256xf32> to vector<1000x256xf32>
    %swap3A_6 = vector.shape_cast %slice3A : vector<1000x256xf32> to vector<1x1000x256xf32>
    tpu.vector_store %arg3[%swap3A, %swap3A_2, %swap3A_3], %swap3A_6 {strides = array<i32>} : memref<1x1000x1024xf32, #tpu.memory_space<vmem>>, vector<1x1000x256xf32>,
    %get3A_7 = arith.constant 256 : index
    %get3A_8 = arith.constant 0 : index
    %get3A_9 = vector.load %arg2[%get3A_7, %get3A_8] : memref<1024x1024xf32, #tpu.memory_space<vmem>>, vector<256x1024xf32>
    %transpose3A_10 = tpu.transpose %get3A_9, [1, 0] : vector<256x1024xf32> -> vector<1024x256xf32>
    %slice3A_11 = vector.extract_strided_slice %transpose3A_10 {offsets = [0, 0], sizes = [1000, 256], strides = [1, 1]} : vector<1024x256xf32> to vector<1000x256xf32>
    %swap3A_12 = arith.constant 0 : index
    %swap3A_13 = arith.constant 0 : index
    %swap3A_14 = arith.constant 256 : index
    %swap3A_15 = vector.load %arg3[%swap3A_12, %swap3A_13, %swap3A_14] : memref<1x1000x1024xf32, #tpu.memory_space<vmem>>, vector<1x1000x256xf32>
    %swap3A_16 = vector.shape_cast %swap3A_15 : vector<1x1000x256xf32> to vector<1000x256xf32>
    %swap3A_17 = vector.shape_cast %slice3A_11 : vector<1000x256xf32> to vector<1x1000x256xf32>
    tpu.vector_store %arg3[%swap3A_12, %swap3A_13, %swap3A_14], %swap3A_17 {strides = array<i32>} : memref<1x1000x1024xf32, #tpu.memory_space<vmem>>, vector<1x1000x256xf32>,
    %get3A_18 = arith.constant 512 : index
    %get3A_19 = arith.constant 0 : index
    %get3A_20 = vector.load %arg2[%get3A_18, %get3A_19] : memref<1024x1024xf32, #tpu.memory_space<vmem>>, vector<256x1024xf32>
    %transpose3A_21 = tpu.transpose %get3A_20, [1, 0] : vector<256x1024xf32> -> vector<1024x256xf32>
    %slice3A_22 = vector.extract_strided_slice %transpose3A_21 {offsets = [0, 0], sizes = [1000, 256], strides = [1, 1]} : vector<1024x256xf32> to vector<1000x256xf32>
    %swap3A_23 = arith.constant 0 : index
    %swap3A_24 = arith.constant 0 : index
    %swap3A_25 = arith.constant 512 : index
    %swap3A_26 = vector.load %arg3[%swap3A_23, %swap3A_24, %swap3A_25] : memref<1x1000x1024xf32, #tpu.memory_space<vmem>>, vector<1x1000x256xf32>
    %swap3A_27 = vector.shape_cast %swap3A_26 : vector<1x1000x256xf32> to vector<1000x256xf32>
    %swap3A_28 = vector.shape_cast %slice3A_22 : vector<1000x256xf32> to vector<1x1000x256xf32>
    tpu.vector_store %arg3[%swap3A_23, %swap3A_24, %swap3A_25], %swap3A_28 {strides = array<i32>} : memref<1x1000x1024xf32, #tpu.memory_space<vmem>>, vector<1x1000x256xf32>,
    %get3A_29 = arith.constant 768 : index
    %get3A_30 = arith.constant 0 : index
    %get3A_31 = vector.load %arg2[%get3A_29, %get3A_30] : memref<1024x1024xf32, #tpu.memory_space<vmem>>, vector<256x1024xf32>
    %transpose3A_32 = tpu.transpose %get3A_31, [1, 0] : vector<256x1024xf32> -> vector<1024x256xf32>
    %slice3A_33 = vector.extract_strided_slice %transpose3A_32 {offsets = [0, 0], sizes = [1000, 256], strides = [1, 1]} : vector<1024x256xf32> to vector<1000x256xf32>
    %swap3A_34 = arith.constant 0 : index
    %swap3A_35 = arith.constant 0 : index
    %swap3A_36 = arith.constant 768 : index
    %swap3A_37 = vector.load %arg3[%swap3A_34, %swap3A_35, %swap3A_36] : memref<1x1000x1024xf32, #tpu.memory_space<vmem>>, vector<1x1000x256xf32>
    %swap3A_38 = vector.shape_cast %swap3A_37 : vector<1x1000x256xf32> to vector<1000x256xf32>
    %swap3A_39 = vector.shape_cast %slice3A_33 : vector<1000x256xf32> to vector<1x1000x256xf32>
    tpu.vector_store %arg3[%swap3A_34, %swap3A_35, %swap3A_36], %swap3A_39 {strides = array<i32>} : memref<1x1000x1024xf32, #tpu.memory_space<vmem>>, vector<1x1000x256xf32>,
    return
  }
  func.func @transform_1(%arg0: i32) -> (i32, i32) {
    %c0_i32 = arith.constant 0 : i32
    %c0_i32_0 = arith.constant 0 : i32
    return %arg0, %c0_i32 : i32, i32
  }
  func.func @transform_2(%arg0: i32) -> (i32, i32, i32) {
    %add3A = arith.constant 50 : i32
    %add3A_0 = arith.addi %add3A, %arg0 : i32
    %c0_i32 = arith.constant 0 : i32
    %c0_i32_1 = arith.constant 0 : i32
    %c0_i32_2 = arith.constant 0 : i32
    return %add3A_0, %c0_i32, %c0_i32_1 : i32, i32, i32
  }
}

module attributes {stable_mosaic.version = 14 : i64} {
  func.func @_transpose_body(%arg0: i32, %arg1: memref<200x1000x1024xf32, #tpu.memory_space<any>>, %arg2: memref<1024x1024xf32, #tpu.memory_space<vmem>>, %arg3: memref<1x1000x1024xf32, #tpu.memory_space<vmem>>) attributes {dimension_semantics = [#tpu.dimension_semantics<arbitrary>], iteration_bounds = array<i64: 25>, scalar_prefetch = 0 : i64, scratch_operands = 0 : i64, tpu.core_type = #tpu.core_type<tc>, window_params = [{}, {transform_indices = @transform_1, window_bounds = array<i64: 1024, 1024>}, {transform_indices = @transform_2, window_bounds = array<i64: 1, 1000, 1024>}]} {
    %get3A = arith.constant 0 : index
    %get3A_0 = arith.constant 0 : index
    %get3A_1 = vector.load %arg2[%get3A, %get3A_0] : memref<1024x1024xf32, #tpu.memory_space<vmem>>, vector<256x1024xf32>
    %transpose3A = tpu.transpose %get3A_1, [1, 0] : vector<256x1024xf32> -> vector<1024x256xf32>
    %slice3A = vector.extract_strided_slice %transpose3A {offsets = [0, 0], sizes = [1000, 256], strides = [1, 1]} : vector<1024x256xf32> to vector<1000x256xf32>
    %swap3A = arith.constant 0 : index
    %swap3A_2 = arith.constant 0 : index
    %swap3A_3 = arith.constant 0 : index
    %swap3A_4 = vector.load %arg3[%swap3A, %swap3A_2, %swap3A_3] : memref<1x1000x1024xf32, #tpu.memory_space<vmem>>, vector<1x1000x256xf32>
    %swap3A_5 = vector.shape_cast %swap3A_4 : vector<1x1000x256xf32> to vector<1000x256xf32>
    %swap3A_6 = vector.shape_cast %slice3A : vector<1000x256xf32> to vector<1x1000x256xf32>
    tpu.vector_store %arg3[%swap3A, %swap3A_2, %swap3A_3], %swap3A_6 {strides = array<i32>} : memref<1x1000x1024xf32, #tpu.memory_space<vmem>>, vector<1x1000x256xf32>,
    %get3A_7 = arith.constant 256 : index
    %get3A_8 = arith.constant 0 : index
    %get3A_9 = vector.load %arg2[%get3A_7, %get3A_8] : memref<1024x1024xf32, #tpu.memory_space<vmem>>, vector<256x1024xf32>
    %transpose3A_10 = tpu.transpose %get3A_9, [1, 0] : vector<256x1024xf32> -> vector<1024x256xf32>
    %slice3A_11 = vector.extract_strided_slice %transpose3A_10 {offsets = [0, 0], sizes = [1000, 256], strides = [1, 1]} : vector<1024x256xf32> to vector<1000x256xf32>
    %swap3A_12 = arith.constant 0 : index
    %swap3A_13 = arith.constant 0 : index
    %swap3A_14 = arith.constant 256 : index
    %swap3A_15 = vector.load %arg3[%swap3A_12, %swap3A_13, %swap3A_14] : memref<1x1000x1024xf32, #tpu.memory_space<vmem>>, vector<1x1000x256xf32>
    %swap3A_16 = vector.shape_cast %swap3A_15 : vector<1x1000x256xf32> to vector<1000x256xf32>
    %swap3A_17 = vector.shape_cast %slice3A_11 : vector<1000x256xf32> to vector<1x1000x256xf32>
    tpu.vector_store %arg3[%swap3A_12, %swap3A_13, %swap3A_14], %swap3A_17 {strides = array<i32>} : memref<1x1000x1024xf32, #tpu.memory_space<vmem>>, vector<1x1000x256xf32>,
    %get3A_18 = arith.constant 512 : index
    %get3A_19 = arith.constant 0 : index
    %get3A_20 = vector.load %arg2[%get3A_18, %get3A_19] : memref<1024x1024xf32, #tpu.memory_space<vmem>>, vector<256x1024xf32>
    %transpose3A_21 = tpu.transpose %get3A_20, [1, 0] : vector<256x1024xf32> -> vector<1024x256xf32>
    %slice3A_22 = vector.extract_strided_slice %transpose3A_21 {offsets = [0, 0], sizes = [1000, 256], strides = [1, 1]} : vector<1024x256xf32> to vector<1000x256xf32>
    %swap3A_23 = arith.constant 0 : index
    %swap3A_24 = arith.constant 0 : index
    %swap3A_25 = arith.constant 512 : index
    %swap3A_26 = vector.load %arg3[%swap3A_23, %swap3A_24, %swap3A_25] : memref<1x1000x1024xf32, #tpu.memory_space<vmem>>, vector<1x1000x256xf32>
    %swap3A_27 = vector.shape_cast %swap3A_26 : vector<1x1000x256xf32> to vector<1000x256xf32>
    %swap3A_28 = vector.shape_cast %slice3A_22 : vector<1000x256xf32> to vector<1x1000x256xf32>
    tpu.vector_store %arg3[%swap3A_23, %swap3A_24, %swap3A_25], %swap3A_28 {strides = array<i32>} : memref<1x1000x1024xf32, #tpu.memory_space<vmem>>, vector<1x1000x256xf32>,
    %get3A_29 = arith.constant 768 : index
    %get3A_30 = arith.constant 0 : index
    %get3A_31 = vector.load %arg2[%get3A_29, %get3A_30] : memref<1024x1024xf32, #tpu.memory_space<vmem>>, vector<256x1024xf32>
    %transpose3A_32 = tpu.transpose %get3A_31, [1, 0] : vector<256x1024xf32> -> vector<1024x256xf32>
    %slice3A_33 = vector.extract_strided_slice %transpose3A_32 {offsets = [0, 0], sizes = [1000, 256], strides = [1, 1]} : vector<1024x256xf32> to vector<1000x256xf32>
    %swap3A_34 = arith.constant 0 : index
    %swap3A_35 = arith.constant 0 : index
    %swap3A_36 = arith.constant 768 : index
    %swap3A_37 = vector.load %arg3[%swap3A_34, %swap3A_35, %swap3A_36] : memref<1x1000x1024xf32, #tpu.memory_space<vmem>>, vector<1x1000x256xf32>
    %swap3A_38 = vector.shape_cast %swap3A_37 : vector<1x1000x256xf32> to vector<1000x256xf32>
    %swap3A_39 = vector.shape_cast %slice3A_33 : vector<1000x256xf32> to vector<1x1000x256xf32>
    tpu.vector_store %arg3[%swap3A_34, %swap3A_35, %swap3A_36], %swap3A_39 {strides = array<i32>} : memref<1x1000x1024xf32, #tpu.memory_space<vmem>>, vector<1x1000x256xf32>,
    return
  }
  func.func @transform_1(%arg0: i32) -> (i32, i32) {
    %c0_i32 = arith.constant 0 : i32
    %c0_i32_0 = arith.constant 0 : i32
    return %arg0, %c0_i32 : i32, i32
  }
  func.func @transform_2(%arg0: i32) -> (i32, i32, i32) {
    %add3A = arith.constant 75 : i32
    %add3A_0 = arith.addi %add3A, %arg0 : i32
    %c0_i32 = arith.constant 0 : i32
    %c0_i32_1 = arith.constant 0 : i32
    %c0_i32_2 = arith.constant 0 : i32
    return %add3A_0, %c0_i32, %c0_i32_1 : i32, i32, i32
  }
}

module attributes {stable_mosaic.version = 14 : i64} {
  func.func @_transpose_body(%arg0: i32, %arg1: memref<200x1000x1024xf32, #tpu.memory_space<any>>, %arg2: memref<1024x1024xf32, #tpu.memory_space<vmem>>, %arg3: memref<1x1000x1024xf32, #tpu.memory_space<vmem>>) attributes {dimension_semantics = [#tpu.dimension_semantics<arbitrary>], iteration_bounds = array<i64: 25>, scalar_prefetch = 0 : i64, scratch_operands = 0 : i64, tpu.core_type = #tpu.core_type<tc>, window_params = [{}, {transform_indices = @transform_1, window_bounds = array<i64: 1024, 1024>}, {transform_indices = @transform_2, window_bounds = array<i64: 1, 1000, 1024>}]} {
    %get3A = arith.constant 0 : index
    %get3A_0 = arith.constant 0 : index
    %get3A_1 = vector.load %arg2[%get3A, %get3A_0] : memref<1024x1024xf32, #tpu.memory_space<vmem>>, vector<256x1024xf32>
    %transpose3A = tpu.transpose %get3A_1, [1, 0] : vector<256x1024xf32> -> vector<1024x256xf32>
    %slice3A = vector.extract_strided_slice %transpose3A {offsets = [0, 0], sizes = [1000, 256], strides = [1, 1]} : vector<1024x256xf32> to vector<1000x256xf32>
    %swap3A = arith.constant 0 : index
    %swap3A_2 = arith.constant 0 : index
    %swap3A_3 = arith.constant 0 : index
    %swap3A_4 = vector.load %arg3[%swap3A, %swap3A_2, %swap3A_3] : memref<1x1000x1024xf32, #tpu.memory_space<vmem>>, vector<1x1000x256xf32>
    %swap3A_5 = vector.shape_cast %swap3A_4 : vector<1x1000x256xf32> to vector<1000x256xf32>
    %swap3A_6 = vector.shape_cast %slice3A : vector<1000x256xf32> to vector<1x1000x256xf32>
    tpu.vector_store %arg3[%swap3A, %swap3A_2, %swap3A_3], %swap3A_6 {strides = array<i32>} : memref<1x1000x1024xf32, #tpu.memory_space<vmem>>, vector<1x1000x256xf32>,
    %get3A_7 = arith.constant 256 : index
    %get3A_8 = arith.constant 0 : index
    %get3A_9 = vector.load %arg2[%get3A_7, %get3A_8] : memref<1024x1024xf32, #tpu.memory_space<vmem>>, vector<256x1024xf32>
    %transpose3A_10 = tpu.transpose %get3A_9, [1, 0] : vector<256x1024xf32> -> vector<1024x256xf32>
    %slice3A_11 = vector.extract_strided_slice %transpose3A_10 {offsets = [0, 0], sizes = [1000, 256], strides = [1, 1]} : vector<1024x256xf32> to vector<1000x256xf32>
    %swap3A_12 = arith.constant 0 : index
    %swap3A_13 = arith.constant 0 : index
    %swap3A_14 = arith.constant 256 : index
    %swap3A_15 = vector.load %arg3[%swap3A_12, %swap3A_13, %swap3A_14] : memref<1x1000x1024xf32, #tpu.memory_space<vmem>>, vector<1x1000x256xf32>
    %swap3A_16 = vector.shape_cast %swap3A_15 : vector<1x1000x256xf32> to vector<1000x256xf32>
    %swap3A_17 = vector.shape_cast %slice3A_11 : vector<1000x256xf32> to vector<1x1000x256xf32>
    tpu.vector_store %arg3[%swap3A_12, %swap3A_13, %swap3A_14], %swap3A_17 {strides = array<i32>} : memref<1x1000x1024xf32, #tpu.memory_space<vmem>>, vector<1x1000x256xf32>,
    %get3A_18 = arith.constant 512 : index
    %get3A_19 = arith.constant 0 : index
    %get3A_20 = vector.load %arg2[%get3A_18, %get3A_19] : memref<1024x1024xf32, #tpu.memory_space<vmem>>, vector<256x1024xf32>
    %transpose3A_21 = tpu.transpose %get3A_20, [1, 0] : vector<256x1024xf32> -> vector<1024x256xf32>
    %slice3A_22 = vector.extract_strided_slice %transpose3A_21 {offsets = [0, 0], sizes = [1000, 256], strides = [1, 1]} : vector<1024x256xf32> to vector<1000x256xf32>
    %swap3A_23 = arith.constant 0 : index
    %swap3A_24 = arith.constant 0 : index
    %swap3A_25 = arith.constant 512 : index
    %swap3A_26 = vector.load %arg3[%swap3A_23, %swap3A_24, %swap3A_25] : memref<1x1000x1024xf32, #tpu.memory_space<vmem>>, vector<1x1000x256xf32>
    %swap3A_27 = vector.shape_cast %swap3A_26 : vector<1x1000x256xf32> to vector<1000x256xf32>
    %swap3A_28 = vector.shape_cast %slice3A_22 : vector<1000x256xf32> to vector<1x1000x256xf32>
    tpu.vector_store %arg3[%swap3A_23, %swap3A_24, %swap3A_25], %swap3A_28 {strides = array<i32>} : memref<1x1000x1024xf32, #tpu.memory_space<vmem>>, vector<1x1000x256xf32>,
    %get3A_29 = arith.constant 768 : index
    %get3A_30 = arith.constant 0 : index
    %get3A_31 = vector.load %arg2[%get3A_29, %get3A_30] : memref<1024x1024xf32, #tpu.memory_space<vmem>>, vector<256x1024xf32>
    %transpose3A_32 = tpu.transpose %get3A_31, [1, 0] : vector<256x1024xf32> -> vector<1024x256xf32>
    %slice3A_33 = vector.extract_strided_slice %transpose3A_32 {offsets = [0, 0], sizes = [1000, 256], strides = [1, 1]} : vector<1024x256xf32> to vector<1000x256xf32>
    %swap3A_34 = arith.constant 0 : index
    %swap3A_35 = arith.constant 0 : index
    %swap3A_36 = arith.constant 768 : index
    %swap3A_37 = vector.load %arg3[%swap3A_34, %swap3A_35, %swap3A_36] : memref<1x1000x1024xf32, #tpu.memory_space<vmem>>, vector<1x1000x256xf32>
    %swap3A_38 = vector.shape_cast %swap3A_37 : vector<1x1000x256xf32> to vector<1000x256xf32>
    %swap3A_39 = vector.shape_cast %slice3A_33 : vector<1000x256xf32> to vector<1x1000x256xf32>
    tpu.vector_store %arg3[%swap3A_34, %swap3A_35, %swap3A_36], %swap3A_39 {strides = array<i32>} : memref<1x1000x1024xf32, #tpu.memory_space<vmem>>, vector<1x1000x256xf32>,
    return
  }
  func.func @transform_1(%arg0: i32) -> (i32, i32) {
    %c0_i32 = arith.constant 0 : i32
    %c0_i32_0 = arith.constant 0 : i32
    return %arg0, %c0_i32 : i32, i32
  }
  func.func @transform_2(%arg0: i32) -> (i32, i32, i32) {
    %add3A = arith.constant 100 : i32
    %add3A_0 = arith.addi %add3A, %arg0 : i32
    %c0_i32 = arith.constant 0 : i32
    %c0_i32_1 = arith.constant 0 : i32
    %c0_i32_2 = arith.constant 0 : i32
    return %add3A_0, %c0_i32, %c0_i32_1 : i32, i32, i32
  }
}

module attributes {stable_mosaic.version = 14 : i64} {
  func.func @_transpose_body(%arg0: i32, %arg1: memref<200x1000x1024xf32, #tpu.memory_space<any>>, %arg2: memref<1024x1024xf32, #tpu.memory_space<vmem>>, %arg3: memref<1x1000x1024xf32, #tpu.memory_space<vmem>>) attributes {dimension_semantics = [#tpu.dimension_semantics<arbitrary>], iteration_bounds = array<i64: 25>, scalar_prefetch = 0 : i64, scratch_operands = 0 : i64, tpu.core_type = #tpu.core_type<tc>, window_params = [{}, {transform_indices = @transform_1, window_bounds = array<i64: 1024, 1024>}, {transform_indices = @transform_2, window_bounds = array<i64: 1, 1000, 1024>}]} {
    %get3A = arith.constant 0 : index
    %get3A_0 = arith.constant 0 : index
    %get3A_1 = vector.load %arg2[%get3A, %get3A_0] : memref<1024x1024xf32, #tpu.memory_space<vmem>>, vector<256x1024xf32>
    %transpose3A = tpu.transpose %get3A_1, [1, 0] : vector<256x1024xf32> -> vector<1024x256xf32>
    %slice3A = vector.extract_strided_slice %transpose3A {offsets = [0, 0], sizes = [1000, 256], strides = [1, 1]} : vector<1024x256xf32> to vector<1000x256xf32>
    %swap3A = arith.constant 0 : index
    %swap3A_2 = arith.constant 0 : index
    %swap3A_3 = arith.constant 0 : index
    %swap3A_4 = vector.load %arg3[%swap3A, %swap3A_2, %swap3A_3] : memref<1x1000x1024xf32, #tpu.memory_space<vmem>>, vector<1x1000x256xf32>
    %swap3A_5 = vector.shape_cast %swap3A_4 : vector<1x1000x256xf32> to vector<1000x256xf32>
    %swap3A_6 = vector.shape_cast %slice3A : vector<1000x256xf32> to vector<1x1000x256xf32>
    tpu.vector_store %arg3[%swap3A, %swap3A_2, %swap3A_3], %swap3A_6 {strides = array<i32>} : memref<1x1000x1024xf32, #tpu.memory_space<vmem>>, vector<1x1000x256xf32>,
    %get3A_7 = arith.constant 256 : index
    %get3A_8 = arith.constant 0 : index
    %get3A_9 = vector.load %arg2[%get3A_7, %get3A_8] : memref<1024x1024xf32, #tpu.memory_space<vmem>>, vector<256x1024xf32>
    %transpose3A_10 = tpu.transpose %get3A_9, [1, 0] : vector<256x1024xf32> -> vector<1024x256xf32>
    %slice3A_11 = vector.extract_strided_slice %transpose3A_10 {offsets = [0, 0], sizes = [1000, 256], strides = [1, 1]} : vector<1024x256xf32> to vector<1000x256xf32>
    %swap3A_12 = arith.constant 0 : index
    %swap3A_13 = arith.constant 0 : index
    %swap3A_14 = arith.constant 256 : index
    %swap3A_15 = vector.load %arg3[%swap3A_12, %swap3A_13, %swap3A_14] : memref<1x1000x1024xf32, #tpu.memory_space<vmem>>, vector<1x1000x256xf32>
    %swap3A_16 = vector.shape_cast %swap3A_15 : vector<1x1000x256xf32> to vector<1000x256xf32>
    %swap3A_17 = vector.shape_cast %slice3A_11 : vector<1000x256xf32> to vector<1x1000x256xf32>
    tpu.vector_store %arg3[%swap3A_12, %swap3A_13, %swap3A_14], %swap3A_17 {strides = array<i32>} : memref<1x1000x1024xf32, #tpu.memory_space<vmem>>, vector<1x1000x256xf32>,
    %get3A_18 = arith.constant 512 : index
    %get3A_19 = arith.constant 0 : index
    %get3A_20 = vector.load %arg2[%get3A_18, %get3A_19] : memref<1024x1024xf32, #tpu.memory_space<vmem>>, vector<256x1024xf32>
    %transpose3A_21 = tpu.transpose %get3A_20, [1, 0] : vector<256x1024xf32> -> vector<1024x256xf32>
    %slice3A_22 = vector.extract_strided_slice %transpose3A_21 {offsets = [0, 0], sizes = [1000, 256], strides = [1, 1]} : vector<1024x256xf32> to vector<1000x256xf32>
    %swap3A_23 = arith.constant 0 : index
    %swap3A_24 = arith.constant 0 : index
    %swap3A_25 = arith.constant 512 : index
    %swap3A_26 = vector.load %arg3[%swap3A_23, %swap3A_24, %swap3A_25] : memref<1x1000x1024xf32, #tpu.memory_space<vmem>>, vector<1x1000x256xf32>
    %swap3A_27 = vector.shape_cast %swap3A_26 : vector<1x1000x256xf32> to vector<1000x256xf32>
    %swap3A_28 = vector.shape_cast %slice3A_22 : vector<1000x256xf32> to vector<1x1000x256xf32>
    tpu.vector_store %arg3[%swap3A_23, %swap3A_24, %swap3A_25], %swap3A_28 {strides = array<i32>} : memref<1x1000x1024xf32, #tpu.memory_space<vmem>>, vector<1x1000x256xf32>,
    %get3A_29 = arith.constant 768 : index
    %get3A_30 = arith.constant 0 : index
    %get3A_31 = vector.load %arg2[%get3A_29, %get3A_30] : memref<1024x1024xf32, #tpu.memory_space<vmem>>, vector<256x1024xf32>
    %transpose3A_32 = tpu.transpose %get3A_31, [1, 0] : vector<256x1024xf32> -> vector<1024x256xf32>
    %slice3A_33 = vector.extract_strided_slice %transpose3A_32 {offsets = [0, 0], sizes = [1000, 256], strides = [1, 1]} : vector<1024x256xf32> to vector<1000x256xf32>
    %swap3A_34 = arith.constant 0 : index
    %swap3A_35 = arith.constant 0 : index
    %swap3A_36 = arith.constant 768 : index
    %swap3A_37 = vector.load %arg3[%swap3A_34, %swap3A_35, %swap3A_36] : memref<1x1000x1024xf32, #tpu.memory_space<vmem>>, vector<1x1000x256xf32>
    %swap3A_38 = vector.shape_cast %swap3A_37 : vector<1x1000x256xf32> to vector<1000x256xf32>
    %swap3A_39 = vector.shape_cast %slice3A_33 : vector<1000x256xf32> to vector<1x1000x256xf32>
    tpu.vector_store %arg3[%swap3A_34, %swap3A_35, %swap3A_36], %swap3A_39 {strides = array<i32>} : memref<1x1000x1024xf32, #tpu.memory_space<vmem>>, vector<1x1000x256xf32>,
    return
  }
  func.func @transform_1(%arg0: i32) -> (i32, i32) {
    %c0_i32 = arith.constant 0 : i32
    %c0_i32_0 = arith.constant 0 : i32
    return %arg0, %c0_i32 : i32, i32
  }
  func.func @transform_2(%arg0: i32) -> (i32, i32, i32) {
    %add3A = arith.constant 125 : i32
    %add3A_0 = arith.addi %add3A, %arg0 : i32
    %c0_i32 = arith.constant 0 : i32
    %c0_i32_1 = arith.constant 0 : i32
    %c0_i32_2 = arith.constant 0 : i32
    return %add3A_0, %c0_i32, %c0_i32_1 : i32, i32, i32
  }
}

module attributes {stable_mosaic.version = 14 : i64} {
  func.func @_transpose_body(%arg0: i32, %arg1: memref<200x1000x1024xf32, #tpu.memory_space<any>>, %arg2: memref<1024x1024xf32, #tpu.memory_space<vmem>>, %arg3: memref<1x1000x1024xf32, #tpu.memory_space<vmem>>) attributes {dimension_semantics = [#tpu.dimension_semantics<arbitrary>], iteration_bounds = array<i64: 25>, scalar_prefetch = 0 : i64, scratch_operands = 0 : i64, tpu.core_type = #tpu.core_type<tc>, window_params = [{}, {transform_indices = @transform_1, window_bounds = array<i64: 1024, 1024>}, {transform_indices = @transform_2, window_bounds = array<i64: 1, 1000, 1024>}]} {
    %get3A = arith.constant 0 : index
    %get3A_0 = arith.constant 0 : index
    %get3A_1 = vector.load %arg2[%get3A, %get3A_0] : memref<1024x1024xf32, #tpu.memory_space<vmem>>, vector<256x1024xf32>
    %transpose3A = tpu.transpose %get3A_1, [1, 0] : vector<256x1024xf32> -> vector<1024x256xf32>
    %slice3A = vector.extract_strided_slice %transpose3A {offsets = [0, 0], sizes = [1000, 256], strides = [1, 1]} : vector<1024x256xf32> to vector<1000x256xf32>
    %swap3A = arith.constant 0 : index
    %swap3A_2 = arith.constant 0 : index
    %swap3A_3 = arith.constant 0 : index
    %swap3A_4 = vector.load %arg3[%swap3A, %swap3A_2, %swap3A_3] : memref<1x1000x1024xf32, #tpu.memory_space<vmem>>, vector<1x1000x256xf32>
    %swap3A_5 = vector.shape_cast %swap3A_4 : vector<1x1000x256xf32> to vector<1000x256xf32>
    %swap3A_6 = vector.shape_cast %slice3A : vector<1000x256xf32> to vector<1x1000x256xf32>
    tpu.vector_store %arg3[%swap3A, %swap3A_2, %swap3A_3], %swap3A_6 {strides = array<i32>} : memref<1x1000x1024xf32, #tpu.memory_space<vmem>>, vector<1x1000x256xf32>,
    %get3A_7 = arith.constant 256 : index
    %get3A_8 = arith.constant 0 : index
    %get3A_9 = vector.load %arg2[%get3A_7, %get3A_8] : memref<1024x1024xf32, #tpu.memory_space<vmem>>, vector<256x1024xf32>
    %transpose3A_10 = tpu.transpose %get3A_9, [1, 0] : vector<256x1024xf32> -> vector<1024x256xf32>
    %slice3A_11 = vector.extract_strided_slice %transpose3A_10 {offsets = [0, 0], sizes = [1000, 256], strides = [1, 1]} : vector<1024x256xf32> to vector<1000x256xf32>
    %swap3A_12 = arith.constant 0 : index
    %swap3A_13 = arith.constant 0 : index
    %swap3A_14 = arith.constant 256 : index
    %swap3A_15 = vector.load %arg3[%swap3A_12, %swap3A_13, %swap3A_14] : memref<1x1000x1024xf32, #tpu.memory_space<vmem>>, vector<1x1000x256xf32>
    %swap3A_16 = vector.shape_cast %swap3A_15 : vector<1x1000x256xf32> to vector<1000x256xf32>
    %swap3A_17 = vector.shape_cast %slice3A_11 : vector<1000x256xf32> to vector<1x1000x256xf32>
    tpu.vector_store %arg3[%swap3A_12, %swap3A_13, %swap3A_14], %swap3A_17 {strides = array<i32>} : memref<1x1000x1024xf32, #tpu.memory_space<vmem>>, vector<1x1000x256xf32>,
    %get3A_18 = arith.constant 512 : index
    %get3A_19 = arith.constant 0 : index
    %get3A_20 = vector.load %arg2[%get3A_18, %get3A_19] : memref<1024x1024xf32, #tpu.memory_space<vmem>>, vector<256x1024xf32>
    %transpose3A_21 = tpu.transpose %get3A_20, [1, 0] : vector<256x1024xf32> -> vector<1024x256xf32>
    %slice3A_22 = vector.extract_strided_slice %transpose3A_21 {offsets = [0, 0], sizes = [1000, 256], strides = [1, 1]} : vector<1024x256xf32> to vector<1000x256xf32>
    %swap3A_23 = arith.constant 0 : index
    %swap3A_24 = arith.constant 0 : index
    %swap3A_25 = arith.constant 512 : index
    %swap3A_26 = vector.load %arg3[%swap3A_23, %swap3A_24, %swap3A_25] : memref<1x1000x1024xf32, #tpu.memory_space<vmem>>, vector<1x1000x256xf32>
    %swap3A_27 = vector.shape_cast %swap3A_26 : vector<1x1000x256xf32> to vector<1000x256xf32>
    %swap3A_28 = vector.shape_cast %slice3A_22 : vector<1000x256xf32> to vector<1x1000x256xf32>
    tpu.vector_store %arg3[%swap3A_23, %swap3A_24, %swap3A_25], %swap3A_28 {strides = array<i32>} : memref<1x1000x1024xf32, #tpu.memory_space<vmem>>, vector<1x1000x256xf32>,
    %get3A_29 = arith.constant 768 : index
    %get3A_30 = arith.constant 0 : index
    %get3A_31 = vector.load %arg2[%get3A_29, %get3A_30] : memref<1024x1024xf32, #tpu.memory_space<vmem>>, vector<256x1024xf32>
    %transpose3A_32 = tpu.transpose %get3A_31, [1, 0] : vector<256x1024xf32> -> vector<1024x256xf32>
    %slice3A_33 = vector.extract_strided_slice %transpose3A_32 {offsets = [0, 0], sizes = [1000, 256], strides = [1, 1]} : vector<1024x256xf32> to vector<1000x256xf32>
    %swap3A_34 = arith.constant 0 : index
    %swap3A_35 = arith.constant 0 : index
    %swap3A_36 = arith.constant 768 : index
    %swap3A_37 = vector.load %arg3[%swap3A_34, %swap3A_35, %swap3A_36] : memref<1x1000x1024xf32, #tpu.memory_space<vmem>>, vector<1x1000x256xf32>
    %swap3A_38 = vector.shape_cast %swap3A_37 : vector<1x1000x256xf32> to vector<1000x256xf32>
    %swap3A_39 = vector.shape_cast %slice3A_33 : vector<1000x256xf32> to vector<1x1000x256xf32>
    tpu.vector_store %arg3[%swap3A_34, %swap3A_35, %swap3A_36], %swap3A_39 {strides = array<i32>} : memref<1x1000x1024xf32, #tpu.memory_space<vmem>>, vector<1x1000x256xf32>,
    return
  }
  func.func @transform_1(%arg0: i32) -> (i32, i32) {
    %c0_i32 = arith.constant 0 : i32
    %c0_i32_0 = arith.constant 0 : i32
    return %arg0, %c0_i32 : i32, i32
  }
  func.func @transform_2(%arg0: i32) -> (i32, i32, i32) {
    %add3A = arith.constant 150 : i32
    %add3A_0 = arith.addi %add3A, %arg0 : i32
    %c0_i32 = arith.constant 0 : i32
    %c0_i32_1 = arith.constant 0 : i32
    %c0_i32_2 = arith.constant 0 : i32
    return %add3A_0, %c0_i32, %c0_i32_1 : i32, i32, i32
  }
}

module attributes {stable_mosaic.version = 14 : i64} {
  func.func @_transpose_body(%arg0: i32, %arg1: memref<200x1000x1024xf32, #tpu.memory_space<any>>, %arg2: memref<1024x1024xf32, #tpu.memory_space<vmem>>, %arg3: memref<1x1000x1024xf32, #tpu.memory_space<vmem>>) attributes {dimension_semantics = [#tpu.dimension_semantics<arbitrary>], iteration_bounds = array<i64: 25>, scalar_prefetch = 0 : i64, scratch_operands = 0 : i64, tpu.core_type = #tpu.core_type<tc>, window_params = [{}, {transform_indices = @transform_1, window_bounds = array<i64: 1024, 1024>}, {transform_indices = @transform_2, window_bounds = array<i64: 1, 1000, 1024>}]} {
    %get3A = arith.constant 0 : index
    %get3A_0 = arith.constant 0 : index
    %get3A_1 = vector.load %arg2[%get3A, %get3A_0] : memref<1024x1024xf32, #tpu.memory_space<vmem>>, vector<256x1024xf32>
    %transpose3A = tpu.transpose %get3A_1, [1, 0] : vector<256x1024xf32> -> vector<1024x256xf32>
    %slice3A = vector.extract_strided_slice %transpose3A {offsets = [0, 0], sizes = [1000, 256], strides = [1, 1]} : vector<1024x256xf32> to vector<1000x256xf32>
    %swap3A = arith.constant 0 : index
    %swap3A_2 = arith.constant 0 : index
    %swap3A_3 = arith.constant 0 : index
    %swap3A_4 = vector.load %arg3[%swap3A, %swap3A_2, %swap3A_3] : memref<1x1000x1024xf32, #tpu.memory_space<vmem>>, vector<1x1000x256xf32>
    %swap3A_5 = vector.shape_cast %swap3A_4 : vector<1x1000x256xf32> to vector<1000x256xf32>
    %swap3A_6 = vector.shape_cast %slice3A : vector<1000x256xf32> to vector<1x1000x256xf32>
    tpu.vector_store %arg3[%swap3A, %swap3A_2, %swap3A_3], %swap3A_6 {strides = array<i32>} : memref<1x1000x1024xf32, #tpu.memory_space<vmem>>, vector<1x1000x256xf32>,
    %get3A_7 = arith.constant 256 : index
    %get3A_8 = arith.constant 0 : index
    %get3A_9 = vector.load %arg2[%get3A_7, %get3A_8] : memref<1024x1024xf32, #tpu.memory_space<vmem>>, vector<256x1024xf32>
    %transpose3A_10 = tpu.transpose %get3A_9, [1, 0] : vector<256x1024xf32> -> vector<1024x256xf32>
    %slice3A_11 = vector.extract_strided_slice %transpose3A_10 {offsets = [0, 0], sizes = [1000, 256], strides = [1, 1]} : vector<1024x256xf32> to vector<1000x256xf32>
    %swap3A_12 = arith.constant 0 : index
    %swap3A_13 = arith.constant 0 : index
    %swap3A_14 = arith.constant 256 : index
    %swap3A_15 = vector.load %arg3[%swap3A_12, %swap3A_13, %swap3A_14] : memref<1x1000x1024xf32, #tpu.memory_space<vmem>>, vector<1x1000x256xf32>
    %swap3A_16 = vector.shape_cast %swap3A_15 : vector<1x1000x256xf32> to vector<1000x256xf32>
    %swap3A_17 = vector.shape_cast %slice3A_11 : vector<1000x256xf32> to vector<1x1000x256xf32>
    tpu.vector_store %arg3[%swap3A_12, %swap3A_13, %swap3A_14], %swap3A_17 {strides = array<i32>} : memref<1x1000x1024xf32, #tpu.memory_space<vmem>>, vector<1x1000x256xf32>,
    %get3A_18 = arith.constant 512 : index
    %get3A_19 = arith.constant 0 : index
    %get3A_20 = vector.load %arg2[%get3A_18, %get3A_19] : memref<1024x1024xf32, #tpu.memory_space<vmem>>, vector<256x1024xf32>
    %transpose3A_21 = tpu.transpose %get3A_20, [1, 0] : vector<256x1024xf32> -> vector<1024x256xf32>
    %slice3A_22 = vector.extract_strided_slice %transpose3A_21 {offsets = [0, 0], sizes = [1000, 256], strides = [1, 1]} : vector<1024x256xf32> to vector<1000x256xf32>
    %swap3A_23 = arith.constant 0 : index
    %swap3A_24 = arith.constant 0 : index
    %swap3A_25 = arith.constant 512 : index
    %swap3A_26 = vector.load %arg3[%swap3A_23, %swap3A_24, %swap3A_25] : memref<1x1000x1024xf32, #tpu.memory_space<vmem>>, vector<1x1000x256xf32>
    %swap3A_27 = vector.shape_cast %swap3A_26 : vector<1x1000x256xf32> to vector<1000x256xf32>
    %swap3A_28 = vector.shape_cast %slice3A_22 : vector<1000x256xf32> to vector<1x1000x256xf32>
    tpu.vector_store %arg3[%swap3A_23, %swap3A_24, %swap3A_25], %swap3A_28 {strides = array<i32>} : memref<1x1000x1024xf32, #tpu.memory_space<vmem>>, vector<1x1000x256xf32>,
    %get3A_29 = arith.constant 768 : index
    %get3A_30 = arith.constant 0 : index
    %get3A_31 = vector.load %arg2[%get3A_29, %get3A_30] : memref<1024x1024xf32, #tpu.memory_space<vmem>>, vector<256x1024xf32>
    %transpose3A_32 = tpu.transpose %get3A_31, [1, 0] : vector<256x1024xf32> -> vector<1024x256xf32>
    %slice3A_33 = vector.extract_strided_slice %transpose3A_32 {offsets = [0, 0], sizes = [1000, 256], strides = [1, 1]} : vector<1024x256xf32> to vector<1000x256xf32>
    %swap3A_34 = arith.constant 0 : index
    %swap3A_35 = arith.constant 0 : index
    %swap3A_36 = arith.constant 768 : index
    %swap3A_37 = vector.load %arg3[%swap3A_34, %swap3A_35, %swap3A_36] : memref<1x1000x1024xf32, #tpu.memory_space<vmem>>, vector<1x1000x256xf32>
    %swap3A_38 = vector.shape_cast %swap3A_37 : vector<1x1000x256xf32> to vector<1000x256xf32>
    %swap3A_39 = vector.shape_cast %slice3A_33 : vector<1000x256xf32> to vector<1x1000x256xf32>
    tpu.vector_store %arg3[%swap3A_34, %swap3A_35, %swap3A_36], %swap3A_39 {strides = array<i32>} : memref<1x1000x1024xf32, #tpu.memory_space<vmem>>, vector<1x1000x256xf32>,
    return
  }
  func.func @transform_1(%arg0: i32) -> (i32, i32) {
    %c0_i32 = arith.constant 0 : i32
    %c0_i32_0 = arith.constant 0 : i32
    return %arg0, %c0_i32 : i32, i32
  }
  func.func @transform_2(%arg0: i32) -> (i32, i32, i32) {
    %add3A = arith.constant 175 : i32
    %add3A_0 = arith.addi %add3A, %arg0 : i32
    %c0_i32 = arith.constant 0 : i32
    %c0_i32_1 = arith.constant 0 : i32
    %c0_i32_2 = arith.constant 0 : i32
    return %add3A_0, %c0_i32, %c0_i32_1 : i32, i32, i32
  }
}

module attributes {stable_mosaic.version = 14 : i64} {
  func.func @_loss_body(%arg0: memref<32x16xf32, #tpu.memory_space<vmem>>, %arg1: memref<1x1xf32, #tpu.memory_space<vmem>>) attributes {dimension_semantics = [], scalar_prefetch = 0 : i64, scratch_operands = 0 : i64, tpu.core_type = #tpu.core_type<tc>} {
    %get3A = arith.constant 0 : index
    %get3A_0 = arith.constant 0 : index
    %get3A_1 = vector.load %arg0[%get3A, %get3A_0] : memref<32x16xf32, #tpu.memory_space<vmem>>, vector<32x16xf32>
    %reduce_sum3A = vector.shape_cast %get3A_1 : vector<32x16xf32> to vector<1x32x16xf32>
    %reduce_sum3A_2 = arith.constant dense<0.000000e+00> : vector<1xf32>
    %reduce_sum3A_3 = vector.multi_reduction <add>, %reduce_sum3A, %reduce_sum3A_2 [1, 2] : vector<1x32x16xf32> to vector<1xf32>
    %reduce_sum3A_4 = vector.shape_cast %reduce_sum3A_3 : vector<1xf32> to vector<1x1x1xf32>
    %reduce_sum3A_5 = vector.extract %reduce_sum3A_4[0, 0, 0] : f32 from vector<1x1x1xf32>
    %div3A = arith.constant 2.048000e+05 : f32
    %div3A_6 = arith.divf %reduce_sum3A_5, %div3A : f32
    %reshape3A = vector.broadcast %div3A_6 : f32 to vector<1x1xf32>
    %swap3A = arith.constant 0 : index
    %swap3A_7 = arith.constant 0 : index
    %swap3A_8 = vector.load %arg1[%swap3A, %swap3A_7] : memref<1x1xf32, #tpu.memory_space<vmem>>, vector<1x1xf32>
    tpu.vector_store %arg1[%swap3A, %swap3A_7], %reshape3A {strides = array<i32>} : memref<1x1xf32, #tpu.memory_space<vmem>>, vector<1x1xf32>,
    return
  }
}

</mosaic_0001>

<sc_bundles>
// kernel: kernel.21.cloned.1.call-start
scs
__scs_entry_jumppad:
0x0: {  	(pc) =	sbr.rel $0x88, $3  }
0x1: {  	(tag) =	ssettag $0x0;
	lr =	simm.s32 $0x1  }
0x2: {  	[smem:$0x3F9E] =	sst lr;
	_ =	strace $0xD0000000  }
0x3: {  	_ = 	snop  }
0x4: {  	_ = 	snop  }
0x5: {  	_ = 	snop  }
0x6: {  	_ = 	snop  }
0x7: {  	_ = 	snop  }
__scs_overlays_trampoline_lowered:
0x8: {  	[smem:$0x3FAD] =	sst s0  }
0x9: {  	[smem:$0x3FAE] =	sst s1  }
0xa: {  	[smem:$0x3FAF] =	sst s2  }
0xb: {  	[smem:$0x3FB0] =	sst s3  }
0xc: {  	[smem:$0x3FB1] =	sst s4  }
0xd: {  	[smem:$0x3FB2] =	sst s5  }
0xe: {  	[smem:$0x3FB3] =	sst s6  }
0xf: {  	[smem:$0x3FB4] =	sst s7  }
0x10: {  	[smem:$0x3FB5] =	sst s8  }
0x11: {  	[smem:$0x3FB6] =	sst s9;
	s0 =	simm.s32 @!p0 $0x0  }
0x12: {  	s1 =	sld [smem:$0x3F9C];
	s0 =	simm.s32 @p0 $0x1  }
0x13: {  	[smem:$0x3FB7] =	sst s0;
	s0 =	simm.s32 @!p1 $0x0  }
0x14: {  	s2 =	sld [smem:$0x3F9B];
	s0 =	simm.s32 @p1 $0x1  }
0x15: {  	[smem:$0x3FB8] =	sst s0;
	s0 =	simm.s32 @!p2 $0x0  }
0x16: {  	s3 =	sld [smem:$0x3FDB];
	s0 =	simm.s32 @p2 $0x1  }
0x17: {  	s4 =	simm.s32 $0x1BF5;
	[smem:$0x3FBA] =	sst s0  }
0x18: {  	s0 =	sld [smem:$0x3F9D];
	_ =	swait.ge [sflag:s4], $0x0  }
0x19: {  	s7 =	sld [smem:$0x3F9E]  }
0x1a: {  	s8 =	sadd.s32 $0xFFFFE003, lr  }
0x1b: {  	s9 =	sadd.s32 $0xFFFFFEF7, lr;
	s5 =	simm.s32 $0xFFFFFFFF;
	p2 =	slt.u32 s8, $0xFFFFF086  }
0x1c: {  	p1 =	slt.u32 s9, $0xF7A;
	s5 =	simm.s32 @!p2 $0x0  }
0x1d: {  	s5 =	simm.s32 @p1 $0x1;
	p0 =	seq.s32 s7, s2  }
0x1e: {  	s7 =	smul.u32 @!p0 $0xF7A, s2;
	p2 =	seq.s32 @!p0 s5, $0x0  }
0x1f: {  	s9 =	smul.u32 $0xF7A, s1;
	s8 =	simm.s32 @!p0 $0x1BF5;
	p2 =	por !p2, p0  }
0x20: {  	[sflag:s8] =	ssyncset.s32 @!p0 $0xFFFFF086;
	s6 =	sadd.s32 @!p0 s3, s7;
	s7 =	simm.s32 @!p0 $0x108  }
0x21: {  	s3 =	sadd.s32 s3, s9;
	s6 =	sadd.s32 @!p0 $0x88, s6;
	s7 =	simm.s32 @p2 $0x1082  }
0x22: {  	[simem:s7], [sflag:s8] =	dma.local @!p0 [hbm:s6], $0xF7A  }
0x23: {  	s9 =	sor.u32 $0xD0000000, s2;
	s6 =	simm.s32 $0x108;
	_ =	swait.ge @!p0 [sflag:s8], $0x0  }
0x24: {  	s3 =	sadd.s32 $0x88, s3;
	s6 =	simm.s32 @!p1 $0x1082;
	[sflag:s4] =	ssyncset.s32 $0xFFFFF086  }
0x25: {  	[simem:s6], [sflag:s4] =	dma.local [hbm:s3], $0xF7A  }
0x26: {  	[smem:$0x3F9E] =	sst s1;
	(tag) =	ssettag s2;
	_ =	strace s9  }
0x27: {  	s1 =	sld [smem:$0x3FAE]  }
0x28: {  	s2 =	sld [smem:$0x3FAF]  }
0x29: {  	s4 =	sld [smem:$0x3FB1]  }
0x2a: {  	p0 =	seq.s32 s5, $0x0;
	s5 =	sld [smem:$0x3FB2]  }
0x2b: {  	s6 =	sld [smem:$0x3FB3]  }
0x2c: {  	s7 =	sld [smem:$0x3FB4]  }
0x2d: {  	s3 =	simm.s32 $0x108;
	s8 =	sld [smem:$0x3FB5]  }
0x2e: {  	s3 =	simm.s32 @!p0 $0x1082;
	s9 =	sld [smem:$0x3FB6]  }
0x2f: {  	lr =	sadd.s32 s0, s3;
	s0 =	sld [smem:$0x3FAD]  }
0x30: {  	s3 =	sld [smem:$0x3FB0]  }
0x31: {  	[smem:$0x3FB9] =	sst s10  }
0x32: {  	s10 =	sld [smem:$0x3FB7];
	_ =	sdelay $0x3  }
0x33: {  	p0 =	seq.s32 s10, $0x1;
	s10 =	sld [smem:$0x3FB9];
	_ =	sdelay $0x3  }
0x34: {  	[smem:$0x3FB9] =	sst s10  }
0x35: {  	s10 =	sld [smem:$0x3FB8];
	_ =	sdelay $0x3  }
0x36: {  	p1 =	seq.s32 s10, $0x1;
	s10 =	sld [smem:$0x3FB9];
	_ =	sdelay $0x3  }
0x37: {  	[smem:$0x3FB9] =	sst s10  }
0x38: {  	s10 =	sld [smem:$0x3FBA]  }
0x39: {  	_ = 	snop;
	(pc) =	sbr.ind lr, $3  }
0x3a: {  	_ = 	snop  }
0x3b: {  	_ = 	snop  }
0x3c: {  	p2 =	seq.s32 s10, $0x1;
	s10 =	sld [smem:$0x3FB9]  }
0x3d: {  	_ =	shalt  }
0x3e: {  	_ =	shalt  }
0x3f: {  	_ =	shalt  }
0x40: {  	_ =	shalt  }
0x41: {  	_ =	shalt  }
0x42: {  	_ =	shalt  }
0x43: {  	_ =	shalt  }
0x44: {  	_ =	shalt  }
0x45: {  	_ =	shalt  }
0x46: {  	_ =	shalt  }
0x47: {  	_ =	shalt  }
0x48: {  	_ =	shalt  }
0x49: {  	_ =	shalt  }
0x4a: {  	_ =	shalt  }
0x4b: {  	_ =	shalt  }
0x4c: {  	_ =	shalt  }
0x4d: {  	_ =	shalt  }
0x4e: {  	_ =	shalt  }
0x4f: {  	_ =	shalt  }
0x50: {  	_ =	shalt  }
0x51: {  	_ =	shalt  }
0x52: {  	_ =	shalt  }
0x53: {  	_ =	shalt  }
0x54: {  	_ =	shalt  }
0x55: {  	_ =	shalt  }
0x56: {  	_ =	shalt  }
0x57: {  	_ =	shalt  }
0x58: {  	_ =	shalt  }
0x59: {  	_ =	shalt  }
0x5a: {  	_ =	shalt  }
0x5b: {  	_ =	shalt  }
0x5c: {  	_ =	shalt  }
0x5d: {  	_ =	shalt  }
0x5e: {  	_ =	shalt  }
0x5f: {  	_ =	shalt  }
0x60: {  	_ =	shalt  }
0x61: {  	_ =	shalt  }
0x62: {  	_ =	shalt  }
0x63: {  	_ =	shalt  }
0x64: {  	_ =	shalt  }
0x65: {  	_ =	shalt  }
0x66: {  	_ =	shalt  }
0x67: {  	_ =	shalt  }
0x68: {  	_ =	shalt  }
0x69: {  	_ =	shalt  }
0x6a: {  	_ =	shalt  }
0x6b: {  	_ =	shalt  }
0x6c: {  	_ =	shalt  }
0x6d: {  	_ =	shalt  }
0x6e: {  	_ =	shalt  }
0x6f: {  	_ =	shalt  }
0x70: {  	_ =	shalt  }
0x71: {  	_ =	shalt  }
0x72: {  	_ =	shalt  }
0x73: {  	_ =	shalt  }
0x74: {  	_ =	shalt  }
0x75: {  	_ =	shalt  }
0x76: {  	_ =	shalt  }
0x77: {  	_ =	shalt  }
0x78: {  	_ =	shalt  }
0x79: {  	_ =	shalt  }
0x7a: {  	_ =	shalt  }
0x7b: {  	_ =	shalt  }
0x7c: {  	_ =	shalt  }
0x7d: {  	_ =	shalt  }
0x7e: {  	_ =	shalt  }
0x7f: {  	_ =	shalt  }
0x80: {  	_ =	shalt  }
0x81: {  	_ =	shalt  }
0x82: {  	_ =	shalt  }
0x83: {  	_ =	shalt  }
0x84: {  	_ =	shalt  }
0x85: {  	_ =	shalt  }
0x86: {  	_ =	shalt  }
0x87: {  	_ =	shalt  }
.Lfunc_end0:
.L_simem_size_0:
called_computation_lowered:
.L_overlay_start_0:
0x88: {  	s2 =	sld [smem:$0x3FD9]  }
0x89: {  	s3 =	sld [smem:$0x3FFE];
	_ =	sdelay $0x1  }
0x8a: {  	s1 =	srdreg.scid  }
0x8b: {  	s0 =	sand.u32 $0x1, s1  }
0x8c: {  	s17 =	sshll.u32 s0, $0xA;
	s2 =	sadd.s32 s3, s2  }
0x8d: {  	s2 =	sadd.s32 s2, s17  }
0x8e: {  	[smem:$0x3FC5] =	sst s2  }
0x8f: {  	_ = 	snop  }
0x90: {  	(tm) =	ssettm $0x1  }
0x91: {  	s18 =	sld [smem:$0x3FFB];
	_ =	sdelay $0x3  }
0x92: {  	_ =	strace s18  }
0x93: {  	s2 =	sld [smem:$0x3FFC];
	_ =	sdelay $0x3  }
0x94: {  	_ =	strace s2  }
0x95: {  	s2 =	sld [smem:$0x3FFD];
	_ =	sdelay $0x3  }
0x96: {  	_ =	strace s2  }
0x97: {  	_ =	strace $0x8FFFFFFF  }
0x98: {  	s19 =	sld [smem:$0x3FDB];
	_ =	sdelay $0x1  }
0x99: {  	s20 =	simm.s32 $_scs_section_size  }
0x9a: {  	s4 =	simm.s32 $_size__tile_overlayer_lowered;
	s5 =	simm.s32 $_tile_overlayer_lowered  }
0x9b: {  	s6 =	simm.s32 $0x1BFF;
	s21 =	sshll.u32 s5, $0x1;
	s3 =	sadd.s32 s20, s19  }
0x9c: {  	s22 =	simm.s32 $0x0;
	s4 =	sshll.u32 s4, $0x1;
	s5 =	sadd.s32 s21, s3  }
0x9d: {  	[timem:s22], [sflag:s6] =	dma.local [hbm:s5], s4  }
0x9e: {  	_ =	swait.ge [sflag:s6], s4  }
0x9f: {  	s4 =	ssub.s32 $0x0, s4;
	[sflag:s6] =	ssyncset.done $0x0  }
0xa0: {  	[sflag:s6] =	ssyncadd.s32 s4;
	_ =	sdelay $0x1  }
0xa1: {  	s23 =	simm.s32 $0x1B8B  }
0xa2: {  	_ =	swait.ge [sflag:s23], $0x1  }
0xa3: {  	[sflag:s23] =	ssyncset.done $0x0  }
0xa4: {  	[sflag:s23] =	ssyncadd.s32 $0xFFFFFFFF  }
0xa5: {  	s4 =	sld [smem:$0x0]  }
0xa6: {  	s5 =	sand.u32 $0xFFFFFFFE, s1  }
0xa7: {  	p0 =	sne.s32 s1, s5  }
0xa8: {  	s5 =	sshll.u32 @p0 s5, $0xE  }
0xa9: {  	s5 =	sadd.s32 @p0 $0x11B8D, s5;
	s6 =	sshll.u32 @p0 s4, $0x11  }
0xaa: {  	s5 =	sor.u32 @p0 s6, s5  }
0xab: {  	[sflag:s5] =	ssyncadd.remote.s32 @p0 $0x1;
	_ =	sdelay $0x1  }
0xac: {  	s5 =	simm.s32 @p0 $0x1B8D  }
0xad: {  	_ =	swait.eq @p0 [sflag:s5], $0x1  }
0xae: {  	[sflag:s5] =	ssyncadd.s32 @p0 $0xFFFFFFFF  }
0xaf: {  	s6 =	sshll.u32 @!p0 s1, $0xE  }
0xb0: {  	s6 =	sor.u32 @!p0 $0x4000, s6;
	s5 =	simm.s32 @!p0 $0x1B8D  }
0xb1: {  	s4 =	sshll.u32 @!p0 s4, $0x11;
	s6 =	sadd.s32 @!p0 $0x11B8D, s6;
	_ =	swait.eq @!p0 [sflag:s5], $0x1  }
0xb2: {  	s4 =	sor.u32 @!p0 s4, s6;
	[sflag:s5] =	ssyncadd.s32 @!p0 $0xFFFFFFFF  }
0xb3: {  	s25 =	simm.s32 $0x1B8E;
	s24 =	sld [smem:$0x3FFE];
	[sflag:s4] =	ssyncadd.remote.s32 @!p0 $0x1  }
0xb4: {  	s26 =	simm.s32 $execute0_lowered;
	[smem:$0x3FD2] =	sst s25  }
0xb5: {  	s5 =	sshll.u32 s26, $0x1;
	_ =	strace $0x80000049;
	[dreg:$0x1] =	wrdreg $0xFFFFFFFF  }
0xb6: {  	s28 =	simm.s32 $_size_execute0_lowered;
	s3 =	sadd.s32 s3, s5;
	[dreg:$0x0] =	wrdreg $0x0  }
0xb7: {  	s5 =	sshll.u32 s28, $0x1;
	[dreg:$0x2] =	wrdreg s3  }
0xb8: {  	[dreg:$0x3] =	wrdreg s5  }
0xb9: {  	[dreg:$0x4] =	wrdreg $0xC0  }
0xba: {  	_ =	task [dreg:s22], $0x5FFFF  }
0xbb: {  	[dreg:$0x1] =	wrdreg $0xFFFFFFFF  }
0xbc: {  	[dreg:$0x0] =	wrdreg $0x60  }
0xbd: {  	[dreg:$0x2] =	wrdreg s24  }
0xbe: {  	[dreg:$0x3] =	wrdreg $0x9  }
0xbf: {  	_ =	task.clear_ibuf [dreg:s22], $0x4FFFF;
	_ =	strace $0x90000049  }
0xc0: {  	s29 =	simm.s32 $0x9;
	_ =	strace $0x8000004B  }
0xc1: {  	_ =	swait.ge [sflag:s29], $0x1  }
0xc2: {  	[sflag:s29] =	ssyncadd.s32 $0xFFFFFFFF  }
0xc3: {  	_ =	strace $0x9000004B  }
0xc4: {  	_ =	sfence  }
0xc5: {  	s30 =	sld [smem:$0x0];
	_ =	sdelay $0x2  }
0xc6: {  	s31 =	sshll.u32 s1, $0xD;
	s1 =	sshrl.u32 s1, $0x2  }
0xc7: {  	s4 =	sand.u32 $0x4000, s31;
	s1 =	sadd.s32 s1, s30  }
0xc8: {  	s0 =	sor.u32 s4, s0;
	s1 =	sshll.u32 s1, $0x11  }
0xc9: {  	s0 =	sor.u32 s1, s0  }
0xca: {  	s0 =	sadd.s32 $0x8F2B, s0  }
0xcb: {  	[sflag:s0] =	ssyncadd.remote.s32 $0x1  }
0xcc: {  	_ =	sfence.sel $0xFFFF  }
0xcd: {  	[dreg:$0x0] =	wrdreg $0xFFFFFFFF;
	(pc) =	sbr.abs _section_cstart, $3  }
0xce: {  	[dreg:$0x1] =	wrdreg $0xFFFFFFFF  }
0xcf: {  	_ =	task.clear_ibuf [dreg:s22], $0x2FFFF;
	_ =	strace $0x9FFFFFFF  }
0xd0: {  	(tm) =	ssettm $0x7FFFFFFF  }
0xd1: {  	_ =	shalt  }
tec
execute0_lowered:
.L_overlay_start_1:
0x0: {  	(tag) =	ssettag $0x1  }
0x1: {  	s0 =	srdreg.scid  }
0x2: {  	s1 =	rddreg [dreg:$0x0];
	s7 =	stileid.u32;
	s2 =	simm.s32 $0x0  }
0x3: {  	s11 =	simm.s32 $0x380;
	s10 =	simm.s32 $0xBB80;
	s12 =	simm.s32 $0xC380  }
0x4: {  	s13 =	simm.s32 $0xCB80;
	s14 =	simm.s32 $0xD380;
	s15 =	simm.s32 $0xDB80  }
0x5: {  	s16 =	simm.s32 $0xE380;
	s17 =	simm.s32 $0xEB80;
	s18 =	simm.s32 $0xF380  }
0x6: {  	s19 =	simm.s32 $0xFB80;
	s20 =	simm.s32 $0x10380;
	s21 =	simm.s32 $0x10B80  }
0x7: {  	s22 =	simm.s32 $0x11380;
	s23 =	simm.s32 $0x11B80;
	s24 =	simm.s32 $0x12380  }
0x8: {  	s25 =	simm.s32 $0x12B80;
	s26 =	simm.s32 $0x13380;
	s28 =	simm.s32 $0x13B80  }
0x9: {  	s29 =	simm.s32 $0x2;
	s30 =	simm.s32 $0x0;
	s0 =	sand.u32 $0x1, s0  }
0xa: {  	[smem:$0x7FF] =	sst s2;
	s9 =	smul.u32 $0x19000, s7;
	s3 =	sshll.u32 s0, $0x4  }
0xb: {  	_ =	strace $0x8000004A;
	s5 =	smul.u32 $0x190000, s0;
	s0 =	ssub.s32 $0x2, s0  }
0xc: {  	s3 =	sor.u32 s7, s3;
	s6 =	sshrl.u32 s0, $0x1;
	s7 =	sadd.s32 $0x3300, s1  }
0xd: {  	s3 =	smul.u32 $0x320, s3;
	s8 =	sadd.s32 s5, s1;
	s0 =	ssub.s32 s0, s6  }
.Ltmp0:
0xe: {  	s5 =	sadd.s32 $0x3100, s1;
	s6 =	sadd.s32 $0x3200, s1;
	(pc) =	sbr.rel .LBB2_1-.Ltmp0, $4  }
0xf: {  	s0 =	smax.u32 s0, $0x1;
	s31 =	sadd.s32 s9, s8;
	s4 =	sshrl.u32 s3, $0x3  }
0x10: {  	v2 =	vlaneseq.u32;
	s8 =	simm.s32 $0xAB80;
	s3 =	sadd.s32 $0x3000, s1;
	s4 =	sadd.s32 s4, s1  }
0x11: {  	vm0 =	vmmov $0xffff;
	v1 =	vshrl.u32 v2, $0x3;
	[dreg:$0x3] =	wrdreg s0;
	s9 =	sadd.s32 $0x349400, s31;
	s4 =	sadd.s32 $0x348600, s4  }
0x12: {  	v0 =	vand.u32 $0x7, v2;
	v2 =	vor.u32 $0x8, v2;
	v1 =	vmul.u32 $0x8, v1;
	s0 =	simm.s32 $0x1;
	s1 =	simm.s32 $0xA380;
	[dreg:$0x2] =	wrdreg s4  }
.LBB2_5:
0x13: {  	_ =	swait.ge [sflag:s29], $0xA000  }
0x14: {  	s30 =	rddreg [dreg:$0x4]  }
0x15: {  	s4 =	rddreg [dreg:$0x3];
	s30 =	sadd.s32 $0x1, s30  }
0x16: {  	p0 =	sne.s32 s30, s4  }
.Ltmp1:
0x17: {  	_ = 	snop;
	(pc) =	sbr.rel @!p0 .LBB2_6-.Ltmp1, $3  }
0x18: {  	_ =	sdelay $0x1  }
0x19: {  	[sflag:s29] =	ssyncset.done $0x0  }
0x1a: {  	[sflag:s29] =	ssyncadd.s32 $0xFFFF6000  }
.LBB2_1:
0x1b: {  	s4 =	rddreg [dreg:$0x2]  }
0x1c: {  	[tilespmem:s2], [sflag:$0x3] =	stream.linear.gather [hbm4b:s4+s2], $0x320, $0x38;
	[tilespmem:$0x14380] =	vst v63  }
0x1d: {  	[dreg:$0x4] =	wrdreg s30;
	s4 =	simm.s32 $0x3  }
0x1e: {  	_ =	swait.ge [sflag:s4], $0x320  }
0x1f: {  	[sflag:s4] =	ssyncset.done $0x0  }
0x20: {  	[sflag:s4] =	ssyncadd.s32 $0xFFFFFCE0  }
0x21: {  	v3 =	vld [tilespmem:$0x0];
	_ =	sdelay $0x4  }
0x22: {  	v4 =	vshll.u32 v3, $0x3  }
0x23: {  	v3 =	vand.u32 $0x7, v3;
	v4 =	vand.u32 $0xFFFFFFC0, v4  }
0x24: {  	v3 =	vor.u32 v3, v4  }
0x25: {  	v4 =	vperm.xlane v3, v0;
	_ =	sdelay $0x1  }
0x26: {  	v4 =	vadd.s32 v1, v4;
	_ =	sdelay $0x4  }
0x27: {  	[tilespmem:s11], [sflag:$0x1] =	stream.indirect_vreg.gather [hbm4b:s3+s2], $0x80, v4, vm0, $0xb8;
	[tilespmem:$0x14380] =	vst v63  }
0x28: {  	s4 =	simm.s32 $0xB80;
	v3 =	vperm.xlane v3, v2  }
0x29: {  	[tilespmem:s4], [sflag:$0x1] =	stream.indirect_vreg.gather [hbm4b:s5+s2], $0x80, v4, vm0, $0xb8;
	[tilespmem:$0x14380] =	vst v63  }
0x2a: {  	v3 =	vadd.s32 v1, v3;
	s4 =	simm.s32 $0x1380  }
0x2b: {  	[tilespmem:s4], [sflag:$0x1] =	stream.indirect_vreg.gather [hbm4b:s6+s2], $0x80, v4, vm0, $0xb8;
	[tilespmem:$0x14380] =	vst v63  }
0x2c: {  	s4 =	simm.s32 $0x1B80  }
0x2d: {  	[tilespmem:s4], [sflag:$0x1] =	stream.indirect_vreg.gather [hbm4b:s7+s2], $0x80, v4, vm0, $0xb8;
	[tilespmem:$0x14380] =	vst v63  }
0x2e: {  	s4 =	simm.s32 $0x2380  }
0x2f: {  	[tilespmem:s4], [sflag:$0x1] =	stream.indirect_vreg.gather [hbm4b:s3+s2], $0x80, v3, vm0, $0xb8;
	[tilespmem:$0x14380] =	vst v63  }
0x30: {  	s4 =	simm.s32 $0x2B80  }
0x31: {  	[tilespmem:s4], [sflag:$0x1] =	stream.indirect_vreg.gather [hbm4b:s5+s2], $0x80, v3, vm0, $0xb8;
	[tilespmem:$0x14380] =	vst v63  }
0x32: {  	s4 =	simm.s32 $0x3380  }
0x33: {  	[tilespmem:s4], [sflag:$0x1] =	stream.indirect_vreg.gather [hbm4b:s6+s2], $0x80, v3, vm0, $0xb8;
	[tilespmem:$0x14380] =	vst v63  }
0x34: {  	s4 =	simm.s32 $0x3B80  }
0x35: {  	[tilespmem:s4], [sflag:$0x1] =	stream.indirect_vreg.gather [hbm4b:s7+s2], $0x80, v3, vm0, $0xb8;
	[tilespmem:$0x14380] =	vst v63  }
0x36: {  	v3 =	vld [tilespmem:$0x10];
	_ =	sdelay $0x4  }
0x37: {  	v62 =	vshll.u32 v3, $0x3  }
0x38: {  	v3 =	vand.u32 $0x7, v3;
	v4 =	vand.u32 $0xFFFFFFC0, v62  }
0x39: {  	v3 =	vor.u32 v3, v4  }
0x3a: {  	v4 =	vperm.xlane v3, v0;
	_ =	sdelay $0x1  }
0x3b: {  	v4 =	vadd.s32 v1, v4;
	_ =	sdelay $0x3  }
0x3c: {  	s4 =	simm.s32 $0x4380  }
0x3d: {  	[tilespmem:s4], [sflag:$0x1] =	stream.indirect_vreg.gather [hbm4b:s3+s2], $0x80, v4, vm0, $0xb8;
	[tilespmem:$0x14380] =	vst v63  }
0x3e: {  	v3 =	vperm.xlane v3, v2;
	s4 =	simm.s32 $0x4B80  }
0x3f: {  	[tilespmem:s4], [sflag:$0x1] =	stream.indirect_vreg.gather [hbm4b:s5+s2], $0x80, v4, vm0, $0xb8;
	[tilespmem:$0x14380] =	vst v63  }
0x40: {  	v3 =	vadd.s32 v1, v3;
	s4 =	simm.s32 $0x5380  }
0x41: {  	[tilespmem:s4], [sflag:$0x1] =	stream.indirect_vreg.gather [hbm4b:s6+s2], $0x80, v4, vm0, $0xb8;
	[tilespmem:$0x14380] =	vst v63  }
0x42: {  	s4 =	simm.s32 $0x5B80  }
0x43: {  	[tilespmem:s4], [sflag:$0x1] =	stream.indirect_vreg.gather [hbm4b:s7+s2], $0x80, v4, vm0, $0xb8;
	[tilespmem:$0x14380] =	vst v63  }
0x44: {  	s4 =	simm.s32 $0x6380  }
0x45: {  	[tilespmem:s4], [sflag:$0x1] =	stream.indirect_vreg.gather [hbm4b:s3+s2], $0x80, v3, vm0, $0xb8;
	[tilespmem:$0x14380] =	vst v63  }
0x46: {  	s4 =	simm.s32 $0x6B80  }
0x47: {  	[tilespmem:s4], [sflag:$0x1] =	stream.indirect_vreg.gather [hbm4b:s5+s2], $0x80, v3, vm0, $0xb8;
	[tilespmem:$0x14380] =	vst v63  }
0x48: {  	s4 =	simm.s32 $0x7380  }
0x49: {  	[tilespmem:s4], [sflag:$0x1] =	stream.indirect_vreg.gather [hbm4b:s6+s2], $0x80, v3, vm0, $0xb8;
	[tilespmem:$0x14380] =	vst v63  }
0x4a: {  	s4 =	simm.s32 $0x7B80  }
0x4b: {  	[tilespmem:s4], [sflag:$0x1] =	stream.indirect_vreg.gather [hbm4b:s7+s2], $0x80, v3, vm0, $0xb8;
	[tilespmem:$0x14380] =	vst v63  }
0x4c: {  	v3 =	vld.msk [tilespmem:$0x20], $0xff;
	_ =	sdelay $0x4  }
0x4d: {  	v63 =	vshll.u32 v3, $0x3  }
0x4e: {  	v3 =	vand.u32 $0x7, v3;
	v4 =	vand.u32 $0xFFFFFFC0, v63  }
0x4f: {  	v3 =	vor.u32 v3, v4  }
0x50: {  	v3 =	vperm.xlane v3, v0;
	_ =	sdelay $0x1  }
0x51: {  	v3 =	vadd.s32 v1, v3;
	_ =	sdelay $0x3  }
0x52: {  	s4 =	simm.s32 $0x8380  }
0x53: {  	[tilespmem:s4], [sflag:$0x1] =	stream.indirect_vreg.gather [hbm4b:s3+s2], $0x80, v3, vm0, $0xb8;
	[tilespmem:$0x14380] =	vst v63  }
0x54: {  	s4 =	simm.s32 $0x8B80  }
0x55: {  	[tilespmem:s4], [sflag:$0x1] =	stream.indirect_vreg.gather [hbm4b:s5+s2], $0x80, v3, vm0, $0xb8;
	[tilespmem:$0x14380] =	vst v63  }
.Ltmp2:
0x56: {  	_ = 	snop;
	(pc) =	sbr.rel .LBB2_2-.Ltmp2, $4  }
0x57: {  	s4 =	simm.s32 $0x9380  }
0x58: {  	[tilespmem:s4], [sflag:$0x1] =	stream.indirect_vreg.gather [hbm4b:s6+s2], $0x80, v3, vm0, $0xb8;
	[tilespmem:$0x14380] =	vst v63  }
0x59: {  	s30 =	simm.s32 $0x38;
	s31 =	simm.s32 $0x0;
	s4 =	simm.s32 $0x9B80  }
0x5a: {  	[tilespmem:s4], [sflag:$0x1] =	stream.indirect_vreg.gather [hbm4b:s7+s2], $0x80, v3, vm0, $0xb8;
	[tilespmem:$0x14380] =	vst v63  }
.LBB2_4:
0x5b: {  	s31 =	sadd.s32 $0x2800, s31  }
0x5c: {  	p0 =	sne.s32 s31, $0x19000  }
.Ltmp3:
0x5d: {  	_ = 	snop;
	(pc) =	sbr.rel @!p0 .LBB2_5-.Ltmp3, $3  }
0x5e: {  	_ =	sdelay $0x1  }
0x5f: {  	s4 =	sadd.s32 $0x1400, s4;
	s30 =	sadd.s32 $0x50, s30  }
0x60: {  	[hbm4b:s4+s2] =	stream.linear.scatter [tilespmem:s1], [sflag:$0x2], $0xA000, $0x38;
	[tilespmem:$0x14380] =	vst v63  }
.LBB2_2:
0x61: {  	_ =	swait.ge [sflag:s0], $0xA000  }
0x62: {  	p0 =	seq.s32 s31, $0x0;
	[sflag:s0] =	ssyncset.done $0x0  }
0x63: {  	s4 =	simm.s32 @!p0 $0x2;
	[sflag:s0] =	ssyncadd.s32 $0xFFFF6000  }
0x64: {  	_ =	swait.ge @!p0 [sflag:s4], $0xA000  }
0x65: {  	[sflag:s4] =	ssyncset.done @!p0 $0x0  }
0x66: {  	[sflag:s4] =	ssyncadd.s32 @!p0 $0xFFFF6000  }
0x67: {  	v3 =	vld [tilespmem:s30+$0xFFFFFFF0];
	_ =	sdelay $0x4  }
0x68: {  	v4 =	vshll.u32 v3, $0x3  }
0x69: {  	v3 =	vand.u32 $0x7, v3;
	v4 =	vand.u32 $0xFFFFFFC0, v4  }
0x6a: {  	v3 =	vor.u32 v3, v4  }
0x6b: {  	v4 =	vperm.xlane v3, v0;
	_ =	sdelay $0x1  }
0x6c: {  	v4 =	vadd.s32 v1, v4;
	_ =	sdelay $0x4  }
0x6d: {  	[tilespmem:s1], [sflag:$0x1] =	stream.indirect_vreg.gather [hbm4b:s3+s2], $0x80, v4, vm0, $0xb8;
	[tilespmem:$0x14380] =	vst v63  }
0x6e: {  	v3 =	vperm.xlane v3, v2  }
0x6f: {  	[tilespmem:s8], [sflag:$0x1] =	stream.indirect_vreg.gather [hbm4b:s5+s2], $0x80, v4, vm0, $0xb8;
	[tilespmem:$0x14380] =	vst v63  }
0x70: {  	s4 =	simm.s32 $0xB380;
	v3 =	vadd.s32 v1, v3  }
0x71: {  	[tilespmem:s4], [sflag:$0x1] =	stream.indirect_vreg.gather [hbm4b:s6+s2], $0x80, v4, vm0, $0xb8;
	[tilespmem:$0x14380] =	vst v63  }
0x72: {  	_ = 	snop  }
0x73: {  	[tilespmem:s10], [sflag:$0x1] =	stream.indirect_vreg.gather [hbm4b:s7+s2], $0x80, v4, vm0, $0xb8;
	[tilespmem:$0x14380] =	vst v63  }
0x74: {  	_ = 	snop  }
0x75: {  	[tilespmem:s12], [sflag:$0x1] =	stream.indirect_vreg.gather [hbm4b:s3+s2], $0x80, v3, vm0, $0xb8;
	[tilespmem:$0x14380] =	vst v63  }
0x76: {  	_ = 	snop  }
0x77: {  	[tilespmem:s13], [sflag:$0x1] =	stream.indirect_vreg.gather [hbm4b:s5+s2], $0x80, v3, vm0, $0xb8;
	[tilespmem:$0x14380] =	vst v63  }
0x78: {  	_ = 	snop  }
0x79: {  	[tilespmem:s14], [sflag:$0x1] =	stream.indirect_vreg.gather [hbm4b:s6+s2], $0x80, v3, vm0, $0xb8;
	[tilespmem:$0x14380] =	vst v63  }
0x7a: {  	_ = 	snop  }
0x7b: {  	[tilespmem:s15], [sflag:$0x1] =	stream.indirect_vreg.gather [hbm4b:s7+s2], $0x80, v3, vm0, $0xb8;
	[tilespmem:$0x14380] =	vst v63  }
0x7c: {  	v3 =	vld [tilespmem:s30+$0x0];
	_ =	sdelay $0x4  }
0x7d: {  	v62 =	vshll.u32 v3, $0x3  }
0x7e: {  	v3 =	vand.u32 $0x7, v3;
	v4 =	vand.u32 $0xFFFFFFC0, v62  }
0x7f: {  	v3 =	vor.u32 v3, v4  }
0x80: {  	v4 =	vperm.xlane v3, v0;
	_ =	sdelay $0x1  }
0x81: {  	v4 =	vadd.s32 v1, v4;
	_ =	sdelay $0x4  }
0x82: {  	[tilespmem:s16], [sflag:$0x1] =	stream.indirect_vreg.gather [hbm4b:s3+s2], $0x80, v4, vm0, $0xb8;
	[tilespmem:$0x14380] =	vst v63  }
0x83: {  	v3 =	vperm.xlane v3, v2  }
0x84: {  	[tilespmem:s17], [sflag:$0x1] =	stream.indirect_vreg.gather [hbm4b:s5+s2], $0x80, v4, vm0, $0xb8;
	[tilespmem:$0x14380] =	vst v63  }
0x85: {  	v3 =	vadd.s32 v1, v3  }
0x86: {  	[tilespmem:s18], [sflag:$0x1] =	stream.indirect_vreg.gather [hbm4b:s6+s2], $0x80, v4, vm0, $0xb8;
	[tilespmem:$0x14380] =	vst v63  }
0x87: {  	_ = 	snop  }
0x88: {  	[tilespmem:s19], [sflag:$0x1] =	stream.indirect_vreg.gather [hbm4b:s7+s2], $0x80, v4, vm0, $0xb8;
	[tilespmem:$0x14380] =	vst v63  }
0x89: {  	_ = 	snop  }
0x8a: {  	[tilespmem:s20], [sflag:$0x1] =	stream.indirect_vreg.gather [hbm4b:s3+s2], $0x80, v3, vm0, $0xb8;
	[tilespmem:$0x14380] =	vst v63  }
0x8b: {  	_ = 	snop  }
0x8c: {  	[tilespmem:s21], [sflag:$0x1] =	stream.indirect_vreg.gather [hbm4b:s5+s2], $0x80, v3, vm0, $0xb8;
	[tilespmem:$0x14380] =	vst v63  }
0x8d: {  	_ = 	snop  }
0x8e: {  	[tilespmem:s22], [sflag:$0x1] =	stream.indirect_vreg.gather [hbm4b:s6+s2], $0x80, v3, vm0, $0xb8;
	[tilespmem:$0x14380] =	vst v63  }
0x8f: {  	_ = 	snop  }
0x90: {  	[tilespmem:s23], [sflag:$0x1] =	stream.indirect_vreg.gather [hbm4b:s7+s2], $0x80, v3, vm0, $0xb8;
	[tilespmem:$0x14380] =	vst v63  }
0x91: {  	v3 =	vld.msk [tilespmem:s30+$0x10], $0xff;
	_ =	sdelay $0x4  }
0x92: {  	v63 =	vshll.u32 v3, $0x3  }
0x93: {  	v3 =	vand.u32 $0x7, v3;
	v4 =	vand.u32 $0xFFFFFFC0, v63  }
0x94: {  	v3 =	vor.u32 v3, v4  }
0x95: {  	v3 =	vperm.xlane v3, v0;
	_ =	sdelay $0x1  }
0x96: {  	v3 =	vadd.s32 v1, v3;
	_ =	sdelay $0x4  }
0x97: {  	[tilespmem:s24], [sflag:$0x1] =	stream.indirect_vreg.gather [hbm4b:s3+s2], $0x80, v3, vm0, $0xb8;
	[tilespmem:$0x14380] =	vst v63  }
0x98: {  	_ = 	snop  }
0x99: {  	[tilespmem:s25], [sflag:$0x1] =	stream.indirect_vreg.gather [hbm4b:s5+s2], $0x80, v3, vm0, $0xb8;
	[tilespmem:$0x14380] =	vst v63  }
0x9a: {  	_ = 	snop  }
0x9b: {  	[tilespmem:s26], [sflag:$0x1] =	stream.indirect_vreg.gather [hbm4b:s6+s2], $0x80, v3, vm0, $0xb8;
	[tilespmem:$0x14380] =	vst v63  }
0x9c: {  	_ = 	snop  }
0x9d: {  	[tilespmem:s28], [sflag:$0x1] =	stream.indirect_vreg.gather [hbm4b:s7+s2], $0x80, v3, vm0, $0xb8;
	[tilespmem:$0x14380] =	vst v63  }
0x9e: {  	s4 =	sadd.s32 s31, s9  }
0x9f: {  	[hbm4b:s4+s2] =	stream.linear.scatter [tilespmem:s11], [sflag:$0x2], $0xA000, $0x38;
	[tilespmem:$0x14380] =	vst v63  }
0xa0: {  	p0 =	seq.s32 s31, $0x16800;
	_ =	swait.ge [sflag:s0], $0xA000  }
.Ltmp4:
0xa1: {  	[sflag:s0] =	ssyncset.done $0x0;
	(pc) =	sbr.rel @p0 .LBB2_4-.Ltmp4, $4  }
0xa2: {  	[sflag:s0] =	ssyncadd.s32 $0xFFFF6000  }
0xa3: {  	_ =	swait.ge [sflag:s29], $0xA000  }
0xa4: {  	[sflag:s29] =	ssyncset.done $0x0  }
0xa5: {  	[sflag:s29] =	ssyncadd.s32 $0xFFFF6000  }
0xa6: {  	v3 =	vld [tilespmem:s30+$0x18];
	_ =	sdelay $0x4  }
0xa7: {  	v4 =	vshll.u32 v3, $0x3  }
0xa8: {  	v3 =	vand.u32 $0x7, v3;
	v4 =	vand.u32 $0xFFFFFFC0, v4  }
0xa9: {  	v3 =	vor.u32 v3, v4  }
0xaa: {  	v4 =	vperm.xlane v3, v0;
	_ =	sdelay $0x1  }
0xab: {  	v4 =	vadd.s32 v1, v4;
	_ =	sdelay $0x4  }
0xac: {  	[tilespmem:s11], [sflag:$0x1] =	stream.indirect_vreg.gather [hbm4b:s3+s2], $0x80, v4, vm0, $0xb8;
	[tilespmem:$0x14380] =	vst v63  }
0xad: {  	s8 =	simm.s32 $0xB80;
	v3 =	vperm.xlane v3, v2  }
0xae: {  	[tilespmem:s8], [sflag:$0x1] =	stream.indirect_vreg.gather [hbm4b:s5+s2], $0x80, v4, vm0, $0xb8;
	[tilespmem:$0x14380] =	vst v63  }
0xaf: {  	v3 =	vadd.s32 v1, v3;
	s8 =	simm.s32 $0x1380  }
0xb0: {  	[tilespmem:s8], [sflag:$0x1] =	stream.indirect_vreg.gather [hbm4b:s6+s2], $0x80, v4, vm0, $0xb8;
	[tilespmem:$0x14380] =	vst v63  }
0xb1: {  	s8 =	simm.s32 $0x1B80  }
0xb2: {  	[tilespmem:s8], [sflag:$0x1] =	stream.indirect_vreg.gather [hbm4b:s7+s2], $0x80, v4, vm0, $0xb8;
	[tilespmem:$0x14380] =	vst v63  }
0xb3: {  	s8 =	simm.s32 $0x2380  }
0xb4: {  	[tilespmem:s8], [sflag:$0x1] =	stream.indirect_vreg.gather [hbm4b:s3+s2], $0x80, v3, vm0, $0xb8;
	[tilespmem:$0x14380] =	vst v63  }
0xb5: {  	s8 =	simm.s32 $0x2B80  }
0xb6: {  	[tilespmem:s8], [sflag:$0x1] =	stream.indirect_vreg.gather [hbm4b:s5+s2], $0x80, v3, vm0, $0xb8;
	[tilespmem:$0x14380] =	vst v63  }
0xb7: {  	s8 =	simm.s32 $0x3380  }
0xb8: {  	[tilespmem:s8], [sflag:$0x1] =	stream.indirect_vreg.gather [hbm4b:s6+s2], $0x80, v3, vm0, $0xb8;
	[tilespmem:$0x14380] =	vst v63  }
0xb9: {  	s8 =	simm.s32 $0x3B80  }
0xba: {  	[tilespmem:s8], [sflag:$0x1] =	stream.indirect_vreg.gather [hbm4b:s7+s2], $0x80, v3, vm0, $0xb8;
	[tilespmem:$0x14380] =	vst v63  }
0xbb: {  	v3 =	vld [tilespmem:s30+$0x28];
	_ =	sdelay $0x4  }
0xbc: {  	v62 =	vshll.u32 v3, $0x3  }
0xbd: {  	v3 =	vand.u32 $0x7, v3;
	v4 =	vand.u32 $0xFFFFFFC0, v62  }
0xbe: {  	v3 =	vor.u32 v3, v4  }
0xbf: {  	v4 =	vperm.xlane v3, v0;
	_ =	sdelay $0x1  }
0xc0: {  	v4 =	vadd.s32 v1, v4;
	_ =	sdelay $0x3  }
0xc1: {  	s8 =	simm.s32 $0x4380  }
0xc2: {  	[tilespmem:s8], [sflag:$0x1] =	stream.indirect_vreg.gather [hbm4b:s3+s2], $0x80, v4, vm0, $0xb8;
	[tilespmem:$0x14380] =	vst v63  }
0xc3: {  	v3 =	vperm.xlane v3, v2;
	s8 =	simm.s32 $0x4B80  }
0xc4: {  	[tilespmem:s8], [sflag:$0x1] =	stream.indirect_vreg.gather [hbm4b:s5+s2], $0x80, v4, vm0, $0xb8;
	[tilespmem:$0x14380] =	vst v63  }
0xc5: {  	v3 =	vadd.s32 v1, v3;
	s8 =	simm.s32 $0x5380  }
0xc6: {  	[tilespmem:s8], [sflag:$0x1] =	stream.indirect_vreg.gather [hbm4b:s6+s2], $0x80, v4, vm0, $0xb8;
	[tilespmem:$0x14380] =	vst v63  }
0xc7: {  	s8 =	simm.s32 $0x5B80  }
0xc8: {  	[tilespmem:s8], [sflag:$0x1] =	stream.indirect_vreg.gather [hbm4b:s7+s2], $0x80, v4, vm0, $0xb8;
	[tilespmem:$0x14380] =	vst v63  }
0xc9: {  	s8 =	simm.s32 $0x6380  }
0xca: {  	[tilespmem:s8], [sflag:$0x1] =	stream.indirect_vreg.gather [hbm4b:s3+s2], $0x80, v3, vm0, $0xb8;
	[tilespmem:$0x14380] =	vst v63  }
0xcb: {  	s8 =	simm.s32 $0x6B80  }
0xcc: {  	[tilespmem:s8], [sflag:$0x1] =	stream.indirect_vreg.gather [hbm4b:s5+s2], $0x80, v3, vm0, $0xb8;
	[tilespmem:$0x14380] =	vst v63  }
0xcd: {  	s8 =	simm.s32 $0x7380  }
0xce: {  	[tilespmem:s8], [sflag:$0x1] =	stream.indirect_vreg.gather [hbm4b:s6+s2], $0x80, v3, vm0, $0xb8;
	[tilespmem:$0x14380] =	vst v63  }
0xcf: {  	s8 =	simm.s32 $0x7B80  }
0xd0: {  	[tilespmem:s8], [sflag:$0x1] =	stream.indirect_vreg.gather [hbm4b:s7+s2], $0x80, v3, vm0, $0xb8;
	[tilespmem:$0x14380] =	vst v63  }
0xd1: {  	v3 =	vld.msk [tilespmem:s30+$0x38], $0xff;
	_ =	sdelay $0x4  }
0xd2: {  	v63 =	vshll.u32 v3, $0x3  }
0xd3: {  	v3 =	vand.u32 $0x7, v3;
	v4 =	vand.u32 $0xFFFFFFC0, v63  }
0xd4: {  	v3 =	vor.u32 v3, v4  }
0xd5: {  	v3 =	vperm.xlane v3, v0;
	_ =	sdelay $0x1  }
0xd6: {  	v3 =	vadd.s32 v1, v3;
	_ =	sdelay $0x3  }
0xd7: {  	s8 =	simm.s32 $0x8380  }
0xd8: {  	[tilespmem:s8], [sflag:$0x1] =	stream.indirect_vreg.gather [hbm4b:s3+s2], $0x80, v3, vm0, $0xb8;
	[tilespmem:$0x14380] =	vst v63  }
0xd9: {  	s8 =	simm.s32 $0x8B80  }
0xda: {  	[tilespmem:s8], [sflag:$0x1] =	stream.indirect_vreg.gather [hbm4b:s5+s2], $0x80, v3, vm0, $0xb8;
	[tilespmem:$0x14380] =	vst v63  }
.Ltmp5:
0xdb: {  	s8 =	simm.s32 $0x9380;
	(pc) =	sbr.rel .LBB2_4-.Ltmp5, $4  }
0xdc: {  	[tilespmem:s8], [sflag:$0x1] =	stream.indirect_vreg.gather [hbm4b:s6+s2], $0x80, v3, vm0, $0xb8;
	[tilespmem:$0x14380] =	vst v63  }
0xdd: {  	s8 =	simm.s32 $0x9B80  }
0xde: {  	[tilespmem:s8], [sflag:$0x1] =	stream.indirect_vreg.gather [hbm4b:s7+s2], $0x80, v3, vm0, $0xb8;
	[tilespmem:$0x14380] =	vst v63  }
0xdf: {  	s8 =	simm.s32 $0xAB80  }
.LBB2_6:
0xe0: {  	_ =	sfence.sel $0x180000  }
0xe1: {  	[bflag:$0x0] =	sbarrier.arrive $0xFFFF  }
0xe2: {  	_ =	strace $0x9000004A  }
0xe3: {  	s0 =	stileid.u32;
	[bflag:$0x2] =	sbarrier.arrive $0xFFFF  }
0xe4: {  	p0 =	sne.s32 s0, $0x0;
	s0 =	rddreg [dreg:$0x1]  }
0xe5: {  	s0 =	sadd.s32 @!p0 $0x100000, s0  }
0xe6: {  	[sflag:s0] =	ssyncadd.tile.s32 @!p0 $0x1;
	_ =	shalt  }
.Lfunc_end2:
_tile_overlayer_lowered:
.L_overlay_start_2:
0xe7: {  	(tag) =	ssettag $0x2  }
0xe8: {  	s0 =	rddreg [dreg:$0x0];
	s2 =	stileid.u32  }
0xe9: {  	s1 =	rddreg [dreg:$0x1];
	p0 =	sne.s32 s2, $0x0  }
0xea: {  	s3 =	rddreg [dreg:$0x2];
	[bflag:$0x3] =	sbarrier.arrive $0xFFFF;
	s2 =	simm.s32 @!p0 $0x1C03  }
0xeb: {  	[timem:s3], [sflag:s2] =	dma.local @!p0 [hbm:s0], s1  }
0xec: {  	s0 =	simm.s32 @!p0 $0x3  }
0xed: {  	_ =	swait.ge @!p0 [sflag:s0], s1  }
0xee: {  	s1 =	ssub.s32 @!p0 $0x0, s1;
	[sflag:s0] =	ssyncset.done @!p0 $0x0  }
0xef: {  	[sflag:s0] =	ssyncadd.s32 @!p0 s1  }
0xf0: {  	[bflag:$0x3] =	sbarrier.arrive $0xFFFF  }
0xf1: {  	_ =	shalt  }

// kernel: kernel.24.cloned.1.call-start
scs
__scs_entry_jumppad:
0x0: {  	(pc) =	sbr.rel $0x88, $3  }
0x1: {  	(tag) =	ssettag $0x0;
	lr =	simm.s32 $0x1  }
0x2: {  	[smem:$0x3F9E] =	sst lr;
	_ =	strace $0xD0000000  }
0x3: {  	_ = 	snop  }
0x4: {  	_ = 	snop  }
0x5: {  	_ = 	snop  }
0x6: {  	_ = 	snop  }
0x7: {  	_ = 	snop  }
__scs_overlays_trampoline_lowered:
0x8: {  	[smem:$0x3FAD] =	sst s0  }
0x9: {  	[smem:$0x3FAE] =	sst s1  }
0xa: {  	[smem:$0x3FAF] =	sst s2  }
0xb: {  	[smem:$0x3FB0] =	sst s3  }
0xc: {  	[smem:$0x3FB1] =	sst s4  }
0xd: {  	[smem:$0x3FB2] =	sst s5  }
0xe: {  	[smem:$0x3FB3] =	sst s6  }
0xf: {  	[smem:$0x3FB4] =	sst s7  }
0x10: {  	[smem:$0x3FB5] =	sst s8  }
0x11: {  	[smem:$0x3FB6] =	sst s9;
	s0 =	simm.s32 @!p0 $0x0  }
0x12: {  	s1 =	sld [smem:$0x3F9C];
	s0 =	simm.s32 @p0 $0x1  }
0x13: {  	[smem:$0x3FB7] =	sst s0;
	s0 =	simm.s32 @!p1 $0x0  }
0x14: {  	s2 =	sld [smem:$0x3F9B];
	s0 =	simm.s32 @p1 $0x1  }
0x15: {  	[smem:$0x3FB8] =	sst s0;
	s0 =	simm.s32 @!p2 $0x0  }
0x16: {  	s3 =	sld [smem:$0x3FDB];
	s0 =	simm.s32 @p2 $0x1  }
0x17: {  	s4 =	simm.s32 $0x1BF5;
	[smem:$0x3FBA] =	sst s0  }
0x18: {  	s0 =	sld [smem:$0x3F9D];
	_ =	swait.ge [sflag:s4], $0x0  }
0x19: {  	s7 =	sld [smem:$0x3F9E]  }
0x1a: {  	s8 =	sadd.s32 $0xFFFFE003, lr  }
0x1b: {  	s9 =	sadd.s32 $0xFFFFFEF7, lr;
	s5 =	simm.s32 $0xFFFFFFFF;
	p2 =	slt.u32 s8, $0xFFFFF086  }
0x1c: {  	p1 =	slt.u32 s9, $0xF7A;
	s5 =	simm.s32 @!p2 $0x0  }
0x1d: {  	s5 =	simm.s32 @p1 $0x1;
	p0 =	seq.s32 s7, s2  }
0x1e: {  	s7 =	smul.u32 @!p0 $0xF7A, s2;
	p2 =	seq.s32 @!p0 s5, $0x0  }
0x1f: {  	s9 =	smul.u32 $0xF7A, s1;
	s8 =	simm.s32 @!p0 $0x1BF5;
	p2 =	por !p2, p0  }
0x20: {  	[sflag:s8] =	ssyncset.s32 @!p0 $0xFFFFF086;
	s6 =	sadd.s32 @!p0 s3, s7;
	s7 =	simm.s32 @!p0 $0x108  }
0x21: {  	s3 =	sadd.s32 s3, s9;
	s6 =	sadd.s32 @!p0 $0x88, s6;
	s7 =	simm.s32 @p2 $0x1082  }
0x22: {  	[simem:s7], [sflag:s8] =	dma.local @!p0 [hbm:s6], $0xF7A  }
0x23: {  	s9 =	sor.u32 $0xD0000000, s2;
	s6 =	simm.s32 $0x108;
	_ =	swait.ge @!p0 [sflag:s8], $0x0  }
0x24: {  	s3 =	sadd.s32 $0x88, s3;
	s6 =	simm.s32 @!p1 $0x1082;
	[sflag:s4] =	ssyncset.s32 $0xFFFFF086  }
0x25: {  	[simem:s6], [sflag:s4] =	dma.local [hbm:s3], $0xF7A  }
0x26: {  	[smem:$0x3F9E] =	sst s1;
	(tag) =	ssettag s2;
	_ =	strace s9  }
0x27: {  	s1 =	sld [smem:$0x3FAE]  }
0x28: {  	s2 =	sld [smem:$0x3FAF]  }
0x29: {  	s4 =	sld [smem:$0x3FB1]  }
0x2a: {  	p0 =	seq.s32 s5, $0x0;
	s5 =	sld [smem:$0x3FB2]  }
0x2b: {  	s6 =	sld [smem:$0x3FB3]  }
0x2c: {  	s7 =	sld [smem:$0x3FB4]  }
0x2d: {  	s3 =	simm.s32 $0x108;
	s8 =	sld [smem:$0x3FB5]  }
0x2e: {  	s3 =	simm.s32 @!p0 $0x1082;
	s9 =	sld [smem:$0x3FB6]  }
0x2f: {  	lr =	sadd.s32 s0, s3;
	s0 =	sld [smem:$0x3FAD]  }
0x30: {  	s3 =	sld [smem:$0x3FB0]  }
0x31: {  	[smem:$0x3FB9] =	sst s10  }
0x32: {  	s10 =	sld [smem:$0x3FB7];
	_ =	sdelay $0x3  }
0x33: {  	p0 =	seq.s32 s10, $0x1;
	s10 =	sld [smem:$0x3FB9];
	_ =	sdelay $0x3  }
0x34: {  	[smem:$0x3FB9] =	sst s10  }
0x35: {  	s10 =	sld [smem:$0x3FB8];
	_ =	sdelay $0x3  }
0x36: {  	p1 =	seq.s32 s10, $0x1;
	s10 =	sld [smem:$0x3FB9];
	_ =	sdelay $0x3  }
0x37: {  	[smem:$0x3FB9] =	sst s10  }
0x38: {  	s10 =	sld [smem:$0x3FBA]  }
0x39: {  	_ = 	snop;
	(pc) =	sbr.ind lr, $3  }
0x3a: {  	_ = 	snop  }
0x3b: {  	_ = 	snop  }
0x3c: {  	p2 =	seq.s32 s10, $0x1;
	s10 =	sld [smem:$0x3FB9]  }
0x3d: {  	_ =	shalt  }
0x3e: {  	_ =	shalt  }
0x3f: {  	_ =	shalt  }
0x40: {  	_ =	shalt  }
0x41: {  	_ =	shalt  }
0x42: {  	_ =	shalt  }
0x43: {  	_ =	shalt  }
0x44: {  	_ =	shalt  }
0x45: {  	_ =	shalt  }
0x46: {  	_ =	shalt  }
0x47: {  	_ =	shalt  }
0x48: {  	_ =	shalt  }
0x49: {  	_ =	shalt  }
0x4a: {  	_ =	shalt  }
0x4b: {  	_ =	shalt  }
0x4c: {  	_ =	shalt  }
0x4d: {  	_ =	shalt  }
0x4e: {  	_ =	shalt  }
0x4f: {  	_ =	shalt  }
0x50: {  	_ =	shalt  }
0x51: {  	_ =	shalt  }
0x52: {  	_ =	shalt  }
0x53: {  	_ =	shalt  }
0x54: {  	_ =	shalt  }
0x55: {  	_ =	shalt  }
0x56: {  	_ =	shalt  }
0x57: {  	_ =	shalt  }
0x58: {  	_ =	shalt  }
0x59: {  	_ =	shalt  }
0x5a: {  	_ =	shalt  }
0x5b: {  	_ =	shalt  }
0x5c: {  	_ =	shalt  }
0x5d: {  	_ =	shalt  }
0x5e: {  	_ =	shalt  }
0x5f: {  	_ =	shalt  }
0x60: {  	_ =	shalt  }
0x61: {  	_ =	shalt  }
0x62: {  	_ =	shalt  }
0x63: {  	_ =	shalt  }
0x64: {  	_ =	shalt  }
0x65: {  	_ =	shalt  }
0x66: {  	_ =	shalt  }
0x67: {  	_ =	shalt  }
0x68: {  	_ =	shalt  }
0x69: {  	_ =	shalt  }
0x6a: {  	_ =	shalt  }
0x6b: {  	_ =	shalt  }
0x6c: {  	_ =	shalt  }
0x6d: {  	_ =	shalt  }
0x6e: {  	_ =	shalt  }
0x6f: {  	_ =	shalt  }
0x70: {  	_ =	shalt  }
0x71: {  	_ =	shalt  }
0x72: {  	_ =	shalt  }
0x73: {  	_ =	shalt  }
0x74: {  	_ =	shalt  }
0x75: {  	_ =	shalt  }
0x76: {  	_ =	shalt  }
0x77: {  	_ =	shalt  }
0x78: {  	_ =	shalt  }
0x79: {  	_ =	shalt  }
0x7a: {  	_ =	shalt  }
0x7b: {  	_ =	shalt  }
0x7c: {  	_ =	shalt  }
0x7d: {  	_ =	shalt  }
0x7e: {  	_ =	shalt  }
0x7f: {  	_ =	shalt  }
0x80: {  	_ =	shalt  }
0x81: {  	_ =	shalt  }
0x82: {  	_ =	shalt  }
0x83: {  	_ =	shalt  }
0x84: {  	_ =	shalt  }
0x85: {  	_ =	shalt  }
0x86: {  	_ =	shalt  }
0x87: {  	_ =	shalt  }
.Lfunc_end0:
.L_simem_size_0:
called_computation.1_lowered:
.L_overlay_start_0:
0x88: {  	s2 =	sld [smem:$0x3FD9]  }
0x89: {  	s3 =	sld [smem:$0x3FFE];
	_ =	sdelay $0x1  }
0x8a: {  	s1 =	srdreg.scid  }
0x8b: {  	s0 =	sand.u32 $0x1, s1  }
0x8c: {  	s17 =	sshll.u32 s0, $0xA;
	s2 =	sadd.s32 s3, s2  }
0x8d: {  	s2 =	sadd.s32 s2, s17  }
0x8e: {  	[smem:$0x3FC5] =	sst s2  }
0x8f: {  	_ = 	snop  }
0x90: {  	(tm) =	ssettm $0x1  }
0x91: {  	s18 =	sld [smem:$0x3FFB];
	_ =	sdelay $0x3  }
0x92: {  	_ =	strace s18  }
0x93: {  	s2 =	sld [smem:$0x3FFC];
	_ =	sdelay $0x3  }
0x94: {  	_ =	strace s2  }
0x95: {  	s2 =	sld [smem:$0x3FFD];
	_ =	sdelay $0x3  }
0x96: {  	_ =	strace s2  }
0x97: {  	_ =	strace $0x8FFFFFFF  }
0x98: {  	s19 =	sld [smem:$0x3FDB];
	_ =	sdelay $0x1  }
0x99: {  	s20 =	simm.s32 $_scs_section_size  }
0x9a: {  	s4 =	simm.s32 $_size__tile_overlayer_lowered;
	s5 =	simm.s32 $_tile_overlayer_lowered  }
0x9b: {  	s6 =	simm.s32 $0x1BFF;
	s21 =	sshll.u32 s5, $0x1;
	s3 =	sadd.s32 s20, s19  }
0x9c: {  	s22 =	simm.s32 $0x0;
	s4 =	sshll.u32 s4, $0x1;
	s5 =	sadd.s32 s21, s3  }
0x9d: {  	[timem:s22], [sflag:s6] =	dma.local [hbm:s5], s4  }
0x9e: {  	_ =	swait.ge [sflag:s6], s4  }
0x9f: {  	s4 =	ssub.s32 $0x0, s4;
	[sflag:s6] =	ssyncset.done $0x0  }
0xa0: {  	[sflag:s6] =	ssyncadd.s32 s4;
	_ =	sdelay $0x1  }
0xa1: {  	s23 =	simm.s32 $0x1B8B  }
0xa2: {  	_ =	swait.ge [sflag:s23], $0x1  }
0xa3: {  	[sflag:s23] =	ssyncset.done $0x0  }
0xa4: {  	[sflag:s23] =	ssyncadd.s32 $0xFFFFFFFF  }
0xa5: {  	s4 =	sld [smem:$0x0]  }
0xa6: {  	s5 =	sand.u32 $0xFFFFFFFE, s1  }
0xa7: {  	p0 =	sne.s32 s1, s5  }
0xa8: {  	s5 =	sshll.u32 @p0 s5, $0xE  }
0xa9: {  	s5 =	sadd.s32 @p0 $0x11B8D, s5;
	s6 =	sshll.u32 @p0 s4, $0x11  }
0xaa: {  	s5 =	sor.u32 @p0 s6, s5  }
0xab: {  	[sflag:s5] =	ssyncadd.remote.s32 @p0 $0x1;
	_ =	sdelay $0x1  }
0xac: {  	s5 =	simm.s32 @p0 $0x1B8D  }
0xad: {  	_ =	swait.eq @p0 [sflag:s5], $0x1  }
0xae: {  	[sflag:s5] =	ssyncadd.s32 @p0 $0xFFFFFFFF  }
0xaf: {  	s6 =	sshll.u32 @!p0 s1, $0xE  }
0xb0: {  	s6 =	sor.u32 @!p0 $0x4000, s6;
	s5 =	simm.s32 @!p0 $0x1B8D  }
0xb1: {  	s4 =	sshll.u32 @!p0 s4, $0x11;
	s6 =	sadd.s32 @!p0 $0x11B8D, s6;
	_ =	swait.eq @!p0 [sflag:s5], $0x1  }
0xb2: {  	s4 =	sor.u32 @!p0 s4, s6;
	[sflag:s5] =	ssyncadd.s32 @!p0 $0xFFFFFFFF  }
0xb3: {  	s25 =	simm.s32 $0x1B8E;
	s24 =	sld [smem:$0x3FFE];
	[sflag:s4] =	ssyncadd.remote.s32 @!p0 $0x1  }
0xb4: {  	s26 =	simm.s32 $execute0_lowered;
	[smem:$0x3FD2] =	sst s25  }
0xb5: {  	s5 =	sshll.u32 s26, $0x1;
	_ =	strace $0x8000004C;
	[dreg:$0x1] =	wrdreg $0xFFFFFFFF  }
0xb6: {  	s28 =	simm.s32 $_size_execute0_lowered;
	s3 =	sadd.s32 s3, s5;
	[dreg:$0x0] =	wrdreg $0x0  }
0xb7: {  	s5 =	sshll.u32 s28, $0x1;
	[dreg:$0x2] =	wrdreg s3  }
0xb8: {  	[dreg:$0x3] =	wrdreg s5  }
0xb9: {  	[dreg:$0x4] =	wrdreg $0xC0  }
0xba: {  	_ =	task [dreg:s22], $0x5FFFF  }
0xbb: {  	[dreg:$0x1] =	wrdreg $0xFFFFFFFF  }
0xbc: {  	[dreg:$0x0] =	wrdreg $0x60  }
0xbd: {  	[dreg:$0x2] =	wrdreg s24  }
0xbe: {  	[dreg:$0x3] =	wrdreg $0xA  }
0xbf: {  	_ =	task.clear_ibuf [dreg:s22], $0x4FFFF;
	_ =	strace $0x9000004C  }
0xc0: {  	s29 =	simm.s32 $0xA;
	_ =	strace $0x8000004E  }
0xc1: {  	_ =	swait.ge [sflag:s29], $0x1  }
0xc2: {  	[sflag:s29] =	ssyncadd.s32 $0xFFFFFFFF  }
0xc3: {  	_ =	strace $0x9000004E  }
0xc4: {  	_ =	sfence  }
0xc5: {  	s30 =	sld [smem:$0x0];
	_ =	sdelay $0x2  }
0xc6: {  	s31 =	sshll.u32 s1, $0xD;
	s1 =	sshrl.u32 s1, $0x2  }
0xc7: {  	s4 =	sand.u32 $0x4000, s31;
	s1 =	sadd.s32 s1, s30  }
0xc8: {  	s0 =	sor.u32 s4, s0;
	s1 =	sshll.u32 s1, $0x11  }
0xc9: {  	s0 =	sor.u32 s1, s0  }
0xca: {  	s0 =	sadd.s32 $0x8F2B, s0  }
0xcb: {  	[sflag:s0] =	ssyncadd.remote.s32 $0x1  }
0xcc: {  	_ =	sfence.sel $0xFFFF  }
0xcd: {  	[dreg:$0x0] =	wrdreg $0xFFFFFFFF;
	(pc) =	sbr.abs _section_cstart, $3  }
0xce: {  	[dreg:$0x1] =	wrdreg $0xFFFFFFFF  }
0xcf: {  	_ =	task.clear_ibuf [dreg:s22], $0x2FFFF;
	_ =	strace $0x9FFFFFFF  }
0xd0: {  	(tm) =	ssettm $0x7FFFFFFF  }
0xd1: {  	_ =	shalt  }
tec
execute0_lowered:
.L_overlay_start_1:
0x0: {  	(tag) =	ssettag $0x1  }
0x1: {  	s0 =	srdreg.scid  }
0x2: {  	s1 =	rddreg [dreg:$0x0];
	s7 =	stileid.u32;
	s2 =	simm.s32 $0x0  }
0x3: {  	s11 =	simm.s32 $0x380;
	s10 =	simm.s32 $0xBB80;
	s12 =	simm.s32 $0xC380  }
0x4: {  	s13 =	simm.s32 $0xCB80;
	s14 =	simm.s32 $0xD380;
	s15 =	simm.s32 $0xDB80  }
0x5: {  	s16 =	simm.s32 $0xE380;
	s17 =	simm.s32 $0xEB80;
	s18 =	simm.s32 $0xF380  }
0x6: {  	s19 =	simm.s32 $0xFB80;
	s20 =	simm.s32 $0x10380;
	s21 =	simm.s32 $0x10B80  }
0x7: {  	s22 =	simm.s32 $0x11380;
	s23 =	simm.s32 $0x11B80;
	s24 =	simm.s32 $0x12380  }
0x8: {  	s25 =	simm.s32 $0x12B80;
	s26 =	simm.s32 $0x13380;
	s28 =	simm.s32 $0x13B80  }
0x9: {  	s29 =	simm.s32 $0x2;
	s30 =	simm.s32 $0x0;
	s0 =	sand.u32 $0x1, s0  }
0xa: {  	[smem:$0x7FF] =	sst s2;
	s9 =	smul.u32 $0x19000, s7;
	s3 =	sshll.u32 s0, $0x4  }
0xb: {  	_ =	strace $0x8000004D;
	s5 =	smul.u32 $0x190000, s0;
	s0 =	ssub.s32 $0x2, s0  }
0xc: {  	s3 =	sor.u32 s7, s3;
	s6 =	sshrl.u32 s0, $0x1;
	s7 =	sadd.s32 $0x3300, s1  }
0xd: {  	s3 =	smul.u32 $0x320, s3;
	s8 =	sadd.s32 s5, s1;
	s0 =	ssub.s32 s0, s6  }
.Ltmp0:
0xe: {  	s5 =	sadd.s32 $0x3100, s1;
	s6 =	sadd.s32 $0x3200, s1;
	(pc) =	sbr.rel .LBB2_1-.Ltmp0, $4  }
0xf: {  	s0 =	smax.u32 s0, $0x1;
	s31 =	sadd.s32 s9, s8;
	s4 =	sshrl.u32 s3, $0x3  }
0x10: {  	v2 =	vlaneseq.u32;
	s8 =	simm.s32 $0xAB80;
	s3 =	sadd.s32 $0x3000, s1;
	s4 =	sadd.s32 s4, s1  }
0x11: {  	vm0 =	vmmov $0xffff;
	v1 =	vshrl.u32 v2, $0x3;
	[dreg:$0x3] =	wrdreg s0;
	s9 =	sadd.s32 $0x669400, s31;
	s4 =	sadd.s32 $0x23200, s4  }
0x12: {  	v0 =	vand.u32 $0x7, v2;
	v2 =	vor.u32 $0x8, v2;
	v1 =	vmul.u32 $0x8, v1;
	s0 =	simm.s32 $0x1;
	s1 =	simm.s32 $0xA380;
	[dreg:$0x2] =	wrdreg s4  }
.LBB2_5:
0x13: {  	_ =	swait.ge [sflag:s29], $0xA000  }
0x14: {  	s30 =	rddreg [dreg:$0x4]  }
0x15: {  	s4 =	rddreg [dreg:$0x3];
	s30 =	sadd.s32 $0x1, s30  }
0x16: {  	p0 =	sne.s32 s30, s4  }
.Ltmp1:
0x17: {  	_ = 	snop;
	(pc) =	sbr.rel @!p0 .LBB2_6-.Ltmp1, $3  }
0x18: {  	_ =	sdelay $0x1  }
0x19: {  	[sflag:s29] =	ssyncset.done $0x0  }
0x1a: {  	[sflag:s29] =	ssyncadd.s32 $0xFFFF6000  }
.LBB2_1:
0x1b: {  	s4 =	rddreg [dreg:$0x2]  }
0x1c: {  	[tilespmem:s2], [sflag:$0x3] =	stream.linear.gather [hbm4b:s4+s2], $0x320, $0x38;
	[tilespmem:$0x14380] =	vst v63  }
0x1d: {  	[dreg:$0x4] =	wrdreg s30;
	s4 =	simm.s32 $0x3  }
0x1e: {  	_ =	swait.ge [sflag:s4], $0x320  }
0x1f: {  	[sflag:s4] =	ssyncset.done $0x0  }
0x20: {  	[sflag:s4] =	ssyncadd.s32 $0xFFFFFCE0  }
0x21: {  	v3 =	vld [tilespmem:$0x0];
	_ =	sdelay $0x4  }
0x22: {  	v4 =	vshll.u32 v3, $0x3  }
0x23: {  	v3 =	vand.u32 $0x7, v3;
	v4 =	vand.u32 $0xFFFFFFC0, v4  }
0x24: {  	v3 =	vor.u32 v3, v4  }
0x25: {  	v4 =	vperm.xlane v3, v0;
	_ =	sdelay $0x1  }
0x26: {  	v4 =	vadd.s32 v1, v4;
	_ =	sdelay $0x4  }
0x27: {  	[tilespmem:s11], [sflag:$0x1] =	stream.indirect_vreg.gather [hbm4b:s3+s2], $0x80, v4, vm0, $0xb8;
	[tilespmem:$0x14380] =	vst v63  }
0x28: {  	s4 =	simm.s32 $0xB80;
	v3 =	vperm.xlane v3, v2  }
0x29: {  	[tilespmem:s4], [sflag:$0x1] =	stream.indirect_vreg.gather [hbm4b:s5+s2], $0x80, v4, vm0, $0xb8;
	[tilespmem:$0x14380] =	vst v63  }
0x2a: {  	v3 =	vadd.s32 v1, v3;
	s4 =	simm.s32 $0x1380  }
0x2b: {  	[tilespmem:s4], [sflag:$0x1] =	stream.indirect_vreg.gather [hbm4b:s6+s2], $0x80, v4, vm0, $0xb8;
	[tilespmem:$0x14380] =	vst v63  }
0x2c: {  	s4 =	simm.s32 $0x1B80  }
0x2d: {  	[tilespmem:s4], [sflag:$0x1] =	stream.indirect_vreg.gather [hbm4b:s7+s2], $0x80, v4, vm0, $0xb8;
	[tilespmem:$0x14380] =	vst v63  }
0x2e: {  	s4 =	simm.s32 $0x2380  }
0x2f: {  	[tilespmem:s4], [sflag:$0x1] =	stream.indirect_vreg.gather [hbm4b:s3+s2], $0x80, v3, vm0, $0xb8;
	[tilespmem:$0x14380] =	vst v63  }
0x30: {  	s4 =	simm.s32 $0x2B80  }
0x31: {  	[tilespmem:s4], [sflag:$0x1] =	stream.indirect_vreg.gather [hbm4b:s5+s2], $0x80, v3, vm0, $0xb8;
	[tilespmem:$0x14380] =	vst v63  }
0x32: {  	s4 =	simm.s32 $0x3380  }
0x33: {  	[tilespmem:s4], [sflag:$0x1] =	stream.indirect_vreg.gather [hbm4b:s6+s2], $0x80, v3, vm0, $0xb8;
	[tilespmem:$0x14380] =	vst v63  }
0x34: {  	s4 =	simm.s32 $0x3B80  }
0x35: {  	[tilespmem:s4], [sflag:$0x1] =	stream.indirect_vreg.gather [hbm4b:s7+s2], $0x80, v3, vm0, $0xb8;
	[tilespmem:$0x14380] =	vst v63  }
0x36: {  	v3 =	vld [tilespmem:$0x10];
	_ =	sdelay $0x4  }
0x37: {  	v62 =	vshll.u32 v3, $0x3  }
0x38: {  	v3 =	vand.u32 $0x7, v3;
	v4 =	vand.u32 $0xFFFFFFC0, v62  }
0x39: {  	v3 =	vor.u32 v3, v4  }
0x3a: {  	v4 =	vperm.xlane v3, v0;
	_ =	sdelay $0x1  }
0x3b: {  	v4 =	vadd.s32 v1, v4;
	_ =	sdelay $0x3  }
0x3c: {  	s4 =	simm.s32 $0x4380  }
0x3d: {  	[tilespmem:s4], [sflag:$0x1] =	stream.indirect_vreg.gather [hbm4b:s3+s2], $0x80, v4, vm0, $0xb8;
	[tilespmem:$0x14380] =	vst v63  }
0x3e: {  	v3 =	vperm.xlane v3, v2;
	s4 =	simm.s32 $0x4B80  }
0x3f: {  	[tilespmem:s4], [sflag:$0x1] =	stream.indirect_vreg.gather [hbm4b:s5+s2], $0x80, v4, vm0, $0xb8;
	[tilespmem:$0x14380] =	vst v63  }
0x40: {  	v3 =	vadd.s32 v1, v3;
	s4 =	simm.s32 $0x5380  }
0x41: {  	[tilespmem:s4], [sflag:$0x1] =	stream.indirect_vreg.gather [hbm4b:s6+s2], $0x80, v4, vm0, $0xb8;
	[tilespmem:$0x14380] =	vst v63  }
0x42: {  	s4 =	simm.s32 $0x5B80  }
0x43: {  	[tilespmem:s4], [sflag:$0x1] =	stream.indirect_vreg.gather [hbm4b:s7+s2], $0x80, v4, vm0, $0xb8;
	[tilespmem:$0x14380] =	vst v63  }
0x44: {  	s4 =	simm.s32 $0x6380  }
0x45: {  	[tilespmem:s4], [sflag:$0x1] =	stream.indirect_vreg.gather [hbm4b:s3+s2], $0x80, v3, vm0, $0xb8;
	[tilespmem:$0x14380] =	vst v63  }
0x46: {  	s4 =	simm.s32 $0x6B80  }
0x47: {  	[tilespmem:s4], [sflag:$0x1] =	stream.indirect_vreg.gather [hbm4b:s5+s2], $0x80, v3, vm0, $0xb8;
	[tilespmem:$0x14380] =	vst v63  }
0x48: {  	s4 =	simm.s32 $0x7380  }
0x49: {  	[tilespmem:s4], [sflag:$0x1] =	stream.indirect_vreg.gather [hbm4b:s6+s2], $0x80, v3, vm0, $0xb8;
	[tilespmem:$0x14380] =	vst v63  }
0x4a: {  	s4 =	simm.s32 $0x7B80  }
0x4b: {  	[tilespmem:s4], [sflag:$0x1] =	stream.indirect_vreg.gather [hbm4b:s7+s2], $0x80, v3, vm0, $0xb8;
	[tilespmem:$0x14380] =	vst v63  }
0x4c: {  	v3 =	vld.msk [tilespmem:$0x20], $0xff;
	_ =	sdelay $0x4  }
0x4d: {  	v63 =	vshll.u32 v3, $0x3  }
0x4e: {  	v3 =	vand.u32 $0x7, v3;
	v4 =	vand.u32 $0xFFFFFFC0, v63  }
0x4f: {  	v3 =	vor.u32 v3, v4  }
0x50: {  	v3 =	vperm.xlane v3, v0;
	_ =	sdelay $0x1  }
0x51: {  	v3 =	vadd.s32 v1, v3;
	_ =	sdelay $0x3  }
0x52: {  	s4 =	simm.s32 $0x8380  }
0x53: {  	[tilespmem:s4], [sflag:$0x1] =	stream.indirect_vreg.gather [hbm4b:s3+s2], $0x80, v3, vm0, $0xb8;
	[tilespmem:$0x14380] =	vst v63  }
0x54: {  	s4 =	simm.s32 $0x8B80  }
0x55: {  	[tilespmem:s4], [sflag:$0x1] =	stream.indirect_vreg.gather [hbm4b:s5+s2], $0x80, v3, vm0, $0xb8;
	[tilespmem:$0x14380] =	vst v63  }
.Ltmp2:
0x56: {  	_ = 	snop;
	(pc) =	sbr.rel .LBB2_2-.Ltmp2, $4  }
0x57: {  	s4 =	simm.s32 $0x9380  }
0x58: {  	[tilespmem:s4], [sflag:$0x1] =	stream.indirect_vreg.gather [hbm4b:s6+s2], $0x80, v3, vm0, $0xb8;
	[tilespmem:$0x14380] =	vst v63  }
0x59: {  	s30 =	simm.s32 $0x38;
	s31 =	simm.s32 $0x0;
	s4 =	simm.s32 $0x9B80  }
0x5a: {  	[tilespmem:s4], [sflag:$0x1] =	stream.indirect_vreg.gather [hbm4b:s7+s2], $0x80, v3, vm0, $0xb8;
	[tilespmem:$0x14380] =	vst v63  }
.LBB2_4:
0x5b: {  	s31 =	sadd.s32 $0x2800, s31  }
0x5c: {  	p0 =	sne.s32 s31, $0x19000  }
.Ltmp3:
0x5d: {  	_ = 	snop;
	(pc) =	sbr.rel @!p0 .LBB2_5-.Ltmp3, $3  }
0x5e: {  	_ =	sdelay $0x1  }
0x5f: {  	s4 =	sadd.s32 $0x1400, s4;
	s30 =	sadd.s32 $0x50, s30  }
0x60: {  	[hbm4b:s4+s2] =	stream.linear.scatter [tilespmem:s1], [sflag:$0x2], $0xA000, $0x38;
	[tilespmem:$0x14380] =	vst v63  }
.LBB2_2:
0x61: {  	_ =	swait.ge [sflag:s0], $0xA000  }
0x62: {  	p0 =	seq.s32 s31, $0x0;
	[sflag:s0] =	ssyncset.done $0x0  }
0x63: {  	s4 =	simm.s32 @!p0 $0x2;
	[sflag:s0] =	ssyncadd.s32 $0xFFFF6000  }
0x64: {  	_ =	swait.ge @!p0 [sflag:s4], $0xA000  }
0x65: {  	[sflag:s4] =	ssyncset.done @!p0 $0x0  }
0x66: {  	[sflag:s4] =	ssyncadd.s32 @!p0 $0xFFFF6000  }
0x67: {  	v3 =	vld [tilespmem:s30+$0xFFFFFFF0];
	_ =	sdelay $0x4  }
0x68: {  	v4 =	vshll.u32 v3, $0x3  }
0x69: {  	v3 =	vand.u32 $0x7, v3;
	v4 =	vand.u32 $0xFFFFFFC0, v4  }
0x6a: {  	v3 =	vor.u32 v3, v4  }
0x6b: {  	v4 =	vperm.xlane v3, v0;
	_ =	sdelay $0x1  }
0x6c: {  	v4 =	vadd.s32 v1, v4;
	_ =	sdelay $0x4  }
0x6d: {  	[tilespmem:s1], [sflag:$0x1] =	stream.indirect_vreg.gather [hbm4b:s3+s2], $0x80, v4, vm0, $0xb8;
	[tilespmem:$0x14380] =	vst v63  }
0x6e: {  	v3 =	vperm.xlane v3, v2  }
0x6f: {  	[tilespmem:s8], [sflag:$0x1] =	stream.indirect_vreg.gather [hbm4b:s5+s2], $0x80, v4, vm0, $0xb8;
	[tilespmem:$0x14380] =	vst v63  }
0x70: {  	s4 =	simm.s32 $0xB380;
	v3 =	vadd.s32 v1, v3  }
0x71: {  	[tilespmem:s4], [sflag:$0x1] =	stream.indirect_vreg.gather [hbm4b:s6+s2], $0x80, v4, vm0, $0xb8;
	[tilespmem:$0x14380] =	vst v63  }
0x72: {  	_ = 	snop  }
0x73: {  	[tilespmem:s10], [sflag:$0x1] =	stream.indirect_vreg.gather [hbm4b:s7+s2], $0x80, v4, vm0, $0xb8;
	[tilespmem:$0x14380] =	vst v63  }
0x74: {  	_ = 	snop  }
0x75: {  	[tilespmem:s12], [sflag:$0x1] =	stream.indirect_vreg.gather [hbm4b:s3+s2], $0x80, v3, vm0, $0xb8;
	[tilespmem:$0x14380] =	vst v63  }
0x76: {  	_ = 	snop  }
0x77: {  	[tilespmem:s13], [sflag:$0x1] =	stream.indirect_vreg.gather [hbm4b:s5+s2], $0x80, v3, vm0, $0xb8;
	[tilespmem:$0x14380] =	vst v63  }
0x78: {  	_ = 	snop  }
0x79: {  	[tilespmem:s14], [sflag:$0x1] =	stream.indirect_vreg.gather [hbm4b:s6+s2], $0x80, v3, vm0, $0xb8;
	[tilespmem:$0x14380] =	vst v63  }
0x7a: {  	_ = 	snop  }
0x7b: {  	[tilespmem:s15], [sflag:$0x1] =	stream.indirect_vreg.gather [hbm4b:s7+s2], $0x80, v3, vm0, $0xb8;
	[tilespmem:$0x14380] =	vst v63  }
0x7c: {  	v3 =	vld [tilespmem:s30+$0x0];
	_ =	sdelay $0x4  }
0x7d: {  	v62 =	vshll.u32 v3, $0x3  }
0x7e: {  	v3 =	vand.u32 $0x7, v3;
	v4 =	vand.u32 $0xFFFFFFC0, v62  }
0x7f: {  	v3 =	vor.u32 v3, v4  }
0x80: {  	v4 =	vperm.xlane v3, v0;
	_ =	sdelay $0x1  }
0x81: {  	v4 =	vadd.s32 v1, v4;
	_ =	sdelay $0x4  }
0x82: {  	[tilespmem:s16], [sflag:$0x1] =	stream.indirect_vreg.gather [hbm4b:s3+s2], $0x80, v4, vm0, $0xb8;
	[tilespmem:$0x14380] =	vst v63  }
0x83: {  	v3 =	vperm.xlane v3, v2  }
0x84: {  	[tilespmem:s17], [sflag:$0x1] =	stream.indirect_vreg.gather [hbm4b:s5+s2], $0x80, v4, vm0, $0xb8;
	[tilespmem:$0x14380] =	vst v63  }
0x85: {  	v3 =	vadd.s32 v1, v3  }
0x86: {  	[tilespmem:s18], [sflag:$0x1] =	stream.indirect_vreg.gather [hbm4b:s6+s2], $0x80, v4, vm0, $0xb8;
	[tilespmem:$0x14380] =	vst v63  }
0x87: {  	_ = 	snop  }
0x88: {  	[tilespmem:s19], [sflag:$0x1] =	stream.indirect_vreg.gather [hbm4b:s7+s2], $0x80, v4, vm0, $0xb8;
	[tilespmem:$0x14380] =	vst v63  }
0x89: {  	_ = 	snop  }
0x8a: {  	[tilespmem:s20], [sflag:$0x1] =	stream.indirect_vreg.gather [hbm4b:s3+s2], $0x80, v3, vm0, $0xb8;
	[tilespmem:$0x14380] =	vst v63  }
0x8b: {  	_ = 	snop  }
0x8c: {  	[tilespmem:s21], [sflag:$0x1] =	stream.indirect_vreg.gather [hbm4b:s5+s2], $0x80, v3, vm0, $0xb8;
	[tilespmem:$0x14380] =	vst v63  }
0x8d: {  	_ = 	snop  }
0x8e: {  	[tilespmem:s22], [sflag:$0x1] =	stream.indirect_vreg.gather [hbm4b:s6+s2], $0x80, v3, vm0, $0xb8;
	[tilespmem:$0x14380] =	vst v63  }
0x8f: {  	_ = 	snop  }
0x90: {  	[tilespmem:s23], [sflag:$0x1] =	stream.indirect_vreg.gather [hbm4b:s7+s2], $0x80, v3, vm0, $0xb8;
	[tilespmem:$0x14380] =	vst v63  }
0x91: {  	v3 =	vld.msk [tilespmem:s30+$0x10], $0xff;
	_ =	sdelay $0x4  }
0x92: {  	v63 =	vshll.u32 v3, $0x3  }
0x93: {  	v3 =	vand.u32 $0x7, v3;
	v4 =	vand.u32 $0xFFFFFFC0, v63  }
0x94: {  	v3 =	vor.u32 v3, v4  }
0x95: {  	v3 =	vperm.xlane v3, v0;
	_ =	sdelay $0x1  }
0x96: {  	v3 =	vadd.s32 v1, v3;
	_ =	sdelay $0x4  }
0x97: {  	[tilespmem:s24], [sflag:$0x1] =	stream.indirect_vreg.gather [hbm4b:s3+s2], $0x80, v3, vm0, $0xb8;
	[tilespmem:$0x14380] =	vst v63  }
0x98: {  	_ = 	snop  }
0x99: {  	[tilespmem:s25], [sflag:$0x1] =	stream.indirect_vreg.gather [hbm4b:s5+s2], $0x80, v3, vm0, $0xb8;
	[tilespmem:$0x14380] =	vst v63  }
0x9a: {  	_ = 	snop  }
0x9b: {  	[tilespmem:s26], [sflag:$0x1] =	stream.indirect_vreg.gather [hbm4b:s6+s2], $0x80, v3, vm0, $0xb8;
	[tilespmem:$0x14380] =	vst v63  }
0x9c: {  	_ = 	snop  }
0x9d: {  	[tilespmem:s28], [sflag:$0x1] =	stream.indirect_vreg.gather [hbm4b:s7+s2], $0x80, v3, vm0, $0xb8;
	[tilespmem:$0x14380] =	vst v63  }
0x9e: {  	s4 =	sadd.s32 s31, s9  }
0x9f: {  	[hbm4b:s4+s2] =	stream.linear.scatter [tilespmem:s11], [sflag:$0x2], $0xA000, $0x38;
	[tilespmem:$0x14380] =	vst v63  }
0xa0: {  	p0 =	seq.s32 s31, $0x16800;
	_ =	swait.ge [sflag:s0], $0xA000  }
.Ltmp4:
0xa1: {  	[sflag:s0] =	ssyncset.done $0x0;
	(pc) =	sbr.rel @p0 .LBB2_4-.Ltmp4, $4  }
0xa2: {  	[sflag:s0] =	ssyncadd.s32 $0xFFFF6000  }
0xa3: {  	_ =	swait.ge [sflag:s29], $0xA000  }
0xa4: {  	[sflag:s29] =	ssyncset.done $0x0  }
0xa5: {  	[sflag:s29] =	ssyncadd.s32 $0xFFFF6000  }
0xa6: {  	v3 =	vld [tilespmem:s30+$0x18];
	_ =	sdelay $0x4  }
0xa7: {  	v4 =	vshll.u32 v3, $0x3  }
0xa8: {  	v3 =	vand.u32 $0x7, v3;
	v4 =	vand.u32 $0xFFFFFFC0, v4  }
0xa9: {  	v3 =	vor.u32 v3, v4  }
0xaa: {  	v4 =	vperm.xlane v3, v0;
	_ =	sdelay $0x1  }
0xab: {  	v4 =	vadd.s32 v1, v4;
	_ =	sdelay $0x4  }
0xac: {  	[tilespmem:s11], [sflag:$0x1] =	stream.indirect_vreg.gather [hbm4b:s3+s2], $0x80, v4, vm0, $0xb8;
	[tilespmem:$0x14380] =	vst v63  }
0xad: {  	s8 =	simm.s32 $0xB80;
	v3 =	vperm.xlane v3, v2  }
0xae: {  	[tilespmem:s8], [sflag:$0x1] =	stream.indirect_vreg.gather [hbm4b:s5+s2], $0x80, v4, vm0, $0xb8;
	[tilespmem:$0x14380] =	vst v63  }
0xaf: {  	v3 =	vadd.s32 v1, v3;
	s8 =	simm.s32 $0x1380  }
0xb0: {  	[tilespmem:s8], [sflag:$0x1] =	stream.indirect_vreg.gather [hbm4b:s6+s2], $0x80, v4, vm0, $0xb8;
	[tilespmem:$0x14380] =	vst v63  }
0xb1: {  	s8 =	simm.s32 $0x1B80  }
0xb2: {  	[tilespmem:s8], [sflag:$0x1] =	stream.indirect_vreg.gather [hbm4b:s7+s2], $0x80, v4, vm0, $0xb8;
	[tilespmem:$0x14380] =	vst v63  }
0xb3: {  	s8 =	simm.s32 $0x2380  }
0xb4: {  	[tilespmem:s8], [sflag:$0x1] =	stream.indirect_vreg.gather [hbm4b:s3+s2], $0x80, v3, vm0, $0xb8;
	[tilespmem:$0x14380] =	vst v63  }
0xb5: {  	s8 =	simm.s32 $0x2B80  }
0xb6: {  	[tilespmem:s8], [sflag:$0x1] =	stream.indirect_vreg.gather [hbm4b:s5+s2], $0x80, v3, vm0, $0xb8;
	[tilespmem:$0x14380] =	vst v63  }
0xb7: {  	s8 =	simm.s32 $0x3380  }
0xb8: {  	[tilespmem:s8], [sflag:$0x1] =	stream.indirect_vreg.gather [hbm4b:s6+s2], $0x80, v3, vm0, $0xb8;
	[tilespmem:$0x14380] =	vst v63  }
0xb9: {  	s8 =	simm.s32 $0x3B80  }
0xba: {  	[tilespmem:s8], [sflag:$0x1] =	stream.indirect_vreg.gather [hbm4b:s7+s2], $0x80, v3, vm0, $0xb8;
	[tilespmem:$0x14380] =	vst v63  }
0xbb: {  	v3 =	vld [tilespmem:s30+$0x28];
	_ =	sdelay $0x4  }
0xbc: {  	v62 =	vshll.u32 v3, $0x3  }
0xbd: {  	v3 =	vand.u32 $0x7, v3;
	v4 =	vand.u32 $0xFFFFFFC0, v62  }
0xbe: {  	v3 =	vor.u32 v3, v4  }
0xbf: {  	v4 =	vperm.xlane v3, v0;
	_ =	sdelay $0x1  }
0xc0: {  	v4 =	vadd.s32 v1, v4;
	_ =	sdelay $0x3  }
0xc1: {  	s8 =	simm.s32 $0x4380  }
0xc2: {  	[tilespmem:s8], [sflag:$0x1] =	stream.indirect_vreg.gather [hbm4b:s3+s2], $0x80, v4, vm0, $0xb8;
	[tilespmem:$0x14380] =	vst v63  }
0xc3: {  	v3 =	vperm.xlane v3, v2;
	s8 =	simm.s32 $0x4B80  }
0xc4: {  	[tilespmem:s8], [sflag:$0x1] =	stream.indirect_vreg.gather [hbm4b:s5+s2], $0x80, v4, vm0, $0xb8;
	[tilespmem:$0x14380] =	vst v63  }
0xc5: {  	v3 =	vadd.s32 v1, v3;
	s8 =	simm.s32 $0x5380  }
0xc6: {  	[tilespmem:s8], [sflag:$0x1] =	stream.indirect_vreg.gather [hbm4b:s6+s2], $0x80, v4, vm0, $0xb8;
	[tilespmem:$0x14380] =	vst v63  }
0xc7: {  	s8 =	simm.s32 $0x5B80  }
0xc8: {  	[tilespmem:s8], [sflag:$0x1] =	stream.indirect_vreg.gather [hbm4b:s7+s2], $0x80, v4, vm0, $0xb8;
	[tilespmem:$0x14380] =	vst v63  }
0xc9: {  	s8 =	simm.s32 $0x6380  }
0xca: {  	[tilespmem:s8], [sflag:$0x1] =	stream.indirect_vreg.gather [hbm4b:s3+s2], $0x80, v3, vm0, $0xb8;
	[tilespmem:$0x14380] =	vst v63  }
0xcb: {  	s8 =	simm.s32 $0x6B80  }
0xcc: {  	[tilespmem:s8], [sflag:$0x1] =	stream.indirect_vreg.gather [hbm4b:s5+s2], $0x80, v3, vm0, $0xb8;
	[tilespmem:$0x14380] =	vst v63  }
0xcd: {  	s8 =	simm.s32 $0x7380  }
0xce: {  	[tilespmem:s8], [sflag:$0x1] =	stream.indirect_vreg.gather [hbm4b:s6+s2], $0x80, v3, vm0, $0xb8;
	[tilespmem:$0x14380] =	vst v63  }
0xcf: {  	s8 =	simm.s32 $0x7B80  }
0xd0: {  	[tilespmem:s8], [sflag:$0x1] =	stream.indirect_vreg.gather [hbm4b:s7+s2], $0x80, v3, vm0, $0xb8;
	[tilespmem:$0x14380] =	vst v63  }
0xd1: {  	v3 =	vld.msk [tilespmem:s30+$0x38], $0xff;
	_ =	sdelay $0x4  }
0xd2: {  	v63 =	vshll.u32 v3, $0x3  }
0xd3: {  	v3 =	vand.u32 $0x7, v3;
	v4 =	vand.u32 $0xFFFFFFC0, v63  }
0xd4: {  	v3 =	vor.u32 v3, v4  }
0xd5: {  	v3 =	vperm.xlane v3, v0;
	_ =	sdelay $0x1  }
0xd6: {  	v3 =	vadd.s32 v1, v3;
	_ =	sdelay $0x3  }
0xd7: {  	s8 =	simm.s32 $0x8380  }
0xd8: {  	[tilespmem:s8], [sflag:$0x1] =	stream.indirect_vreg.gather [hbm4b:s3+s2], $0x80, v3, vm0, $0xb8;
	[tilespmem:$0x14380] =	vst v63  }
0xd9: {  	s8 =	simm.s32 $0x8B80  }
0xda: {  	[tilespmem:s8], [sflag:$0x1] =	stream.indirect_vreg.gather [hbm4b:s5+s2], $0x80, v3, vm0, $0xb8;
	[tilespmem:$0x14380] =	vst v63  }
.Ltmp5:
0xdb: {  	s8 =	simm.s32 $0x9380;
	(pc) =	sbr.rel .LBB2_4-.Ltmp5, $4  }
0xdc: {  	[tilespmem:s8], [sflag:$0x1] =	stream.indirect_vreg.gather [hbm4b:s6+s2], $0x80, v3, vm0, $0xb8;
	[tilespmem:$0x14380] =	vst v63  }
0xdd: {  	s8 =	simm.s32 $0x9B80  }
0xde: {  	[tilespmem:s8], [sflag:$0x1] =	stream.indirect_vreg.gather [hbm4b:s7+s2], $0x80, v3, vm0, $0xb8;
	[tilespmem:$0x14380] =	vst v63  }
0xdf: {  	s8 =	simm.s32 $0xAB80  }
.LBB2_6:
0xe0: {  	_ =	sfence.sel $0x180000  }
0xe1: {  	[bflag:$0x0] =	sbarrier.arrive $0xFFFF  }
0xe2: {  	_ =	strace $0x9000004D  }
0xe3: {  	s0 =	stileid.u32;
	[bflag:$0x2] =	sbarrier.arrive $0xFFFF  }
0xe4: {  	p0 =	sne.s32 s0, $0x0;
	s0 =	rddreg [dreg:$0x1]  }
0xe5: {  	s0 =	sadd.s32 @!p0 $0x100000, s0  }
0xe6: {  	[sflag:s0] =	ssyncadd.tile.s32 @!p0 $0x1;
	_ =	shalt  }
.Lfunc_end2:
_tile_overlayer_lowered:
.L_overlay_start_2:
0xe7: {  	(tag) =	ssettag $0x2  }
0xe8: {  	s0 =	rddreg [dreg:$0x0];
	s2 =	stileid.u32  }
0xe9: {  	s1 =	rddreg [dreg:$0x1];
	p0 =	sne.s32 s2, $0x0  }
0xea: {  	s3 =	rddreg [dreg:$0x2];
	[bflag:$0x3] =	sbarrier.arrive $0xFFFF;
	s2 =	simm.s32 @!p0 $0x1C03  }
0xeb: {  	[timem:s3], [sflag:s2] =	dma.local @!p0 [hbm:s0], s1  }
0xec: {  	s0 =	simm.s32 @!p0 $0x3  }
0xed: {  	_ =	swait.ge @!p0 [sflag:s0], s1  }
0xee: {  	s1 =	ssub.s32 @!p0 $0x0, s1;
	[sflag:s0] =	ssyncset.done @!p0 $0x0  }
0xef: {  	[sflag:s0] =	ssyncadd.s32 @!p0 s1  }
0xf0: {  	[bflag:$0x3] =	sbarrier.arrive $0xFFFF  }
0xf1: {  	_ =	shalt  }

// kernel: kernel.27.cloned.1.call-start
scs
__scs_entry_jumppad:
0x0: {  	(pc) =	sbr.rel $0x88, $3  }
0x1: {  	(tag) =	ssettag $0x0;
	lr =	simm.s32 $0x1  }
0x2: {  	[smem:$0x3F9E] =	sst lr;
	_ =	strace $0xD0000000  }
0x3: {  	_ = 	snop  }
0x4: {  	_ = 	snop  }
0x5: {  	_ = 	snop  }
0x6: {  	_ = 	snop  }
0x7: {  	_ = 	snop  }
__scs_overlays_trampoline_lowered:
0x8: {  	[smem:$0x3FAD] =	sst s0  }
0x9: {  	[smem:$0x3FAE] =	sst s1  }
0xa: {  	[smem:$0x3FAF] =	sst s2  }
0xb: {  	[smem:$0x3FB0] =	sst s3  }
0xc: {  	[smem:$0x3FB1] =	sst s4  }
0xd: {  	[smem:$0x3FB2] =	sst s5  }
0xe: {  	[smem:$0x3FB3] =	sst s6  }
0xf: {  	[smem:$0x3FB4] =	sst s7  }
0x10: {  	[smem:$0x3FB5] =	sst s8  }
0x11: {  	[smem:$0x3FB6] =	sst s9;
	s0 =	simm.s32 @!p0 $0x0  }
0x12: {  	s1 =	sld [smem:$0x3F9C];
	s0 =	simm.s32 @p0 $0x1  }
0x13: {  	[smem:$0x3FB7] =	sst s0;
	s0 =	simm.s32 @!p1 $0x0  }
0x14: {  	s2 =	sld [smem:$0x3F9B];
	s0 =	simm.s32 @p1 $0x1  }
0x15: {  	[smem:$0x3FB8] =	sst s0;
	s0 =	simm.s32 @!p2 $0x0  }
0x16: {  	s3 =	sld [smem:$0x3FDB];
	s0 =	simm.s32 @p2 $0x1  }
0x17: {  	s4 =	simm.s32 $0x1BF5;
	[smem:$0x3FBA] =	sst s0  }
0x18: {  	s0 =	sld [smem:$0x3F9D];
	_ =	swait.ge [sflag:s4], $0x0  }
0x19: {  	s7 =	sld [smem:$0x3F9E]  }
0x1a: {  	s8 =	sadd.s32 $0xFFFFE003, lr  }
0x1b: {  	s9 =	sadd.s32 $0xFFFFFEF7, lr;
	s5 =	simm.s32 $0xFFFFFFFF;
	p2 =	slt.u32 s8, $0xFFFFF086  }
0x1c: {  	p1 =	slt.u32 s9, $0xF7A;
	s5 =	simm.s32 @!p2 $0x0  }
0x1d: {  	s5 =	simm.s32 @p1 $0x1;
	p0 =	seq.s32 s7, s2  }
0x1e: {  	s7 =	smul.u32 @!p0 $0xF7A, s2;
	p2 =	seq.s32 @!p0 s5, $0x0  }
0x1f: {  	s9 =	smul.u32 $0xF7A, s1;
	s8 =	simm.s32 @!p0 $0x1BF5;
	p2 =	por !p2, p0  }
0x20: {  	[sflag:s8] =	ssyncset.s32 @!p0 $0xFFFFF086;
	s6 =	sadd.s32 @!p0 s3, s7;
	s7 =	simm.s32 @!p0 $0x108  }
0x21: {  	s3 =	sadd.s32 s3, s9;
	s6 =	sadd.s32 @!p0 $0x88, s6;
	s7 =	simm.s32 @p2 $0x1082  }
0x22: {  	[simem:s7], [sflag:s8] =	dma.local @!p0 [hbm:s6], $0xF7A  }
0x23: {  	s9 =	sor.u32 $0xD0000000, s2;
	s6 =	simm.s32 $0x108;
	_ =	swait.ge @!p0 [sflag:s8], $0x0  }
0x24: {  	s3 =	sadd.s32 $0x88, s3;
	s6 =	simm.s32 @!p1 $0x1082;
	[sflag:s4] =	ssyncset.s32 $0xFFFFF086  }
0x25: {  	[simem:s6], [sflag:s4] =	dma.local [hbm:s3], $0xF7A  }
0x26: {  	[smem:$0x3F9E] =	sst s1;
	(tag) =	ssettag s2;
	_ =	strace s9  }
0x27: {  	s1 =	sld [smem:$0x3FAE]  }
0x28: {  	s2 =	sld [smem:$0x3FAF]  }
0x29: {  	s4 =	sld [smem:$0x3FB1]  }
0x2a: {  	p0 =	seq.s32 s5, $0x0;
	s5 =	sld [smem:$0x3FB2]  }
0x2b: {  	s6 =	sld [smem:$0x3FB3]  }
0x2c: {  	s7 =	sld [smem:$0x3FB4]  }
0x2d: {  	s3 =	simm.s32 $0x108;
	s8 =	sld [smem:$0x3FB5]  }
0x2e: {  	s3 =	simm.s32 @!p0 $0x1082;
	s9 =	sld [smem:$0x3FB6]  }
0x2f: {  	lr =	sadd.s32 s0, s3;
	s0 =	sld [smem:$0x3FAD]  }
0x30: {  	s3 =	sld [smem:$0x3FB0]  }
0x31: {  	[smem:$0x3FB9] =	sst s10  }
0x32: {  	s10 =	sld [smem:$0x3FB7];
	_ =	sdelay $0x3  }
0x33: {  	p0 =	seq.s32 s10, $0x1;
	s10 =	sld [smem:$0x3FB9];
	_ =	sdelay $0x3  }
0x34: {  	[smem:$0x3FB9] =	sst s10  }
0x35: {  	s10 =	sld [smem:$0x3FB8];
	_ =	sdelay $0x3  }
0x36: {  	p1 =	seq.s32 s10, $0x1;
	s10 =	sld [smem:$0x3FB9];
	_ =	sdelay $0x3  }
0x37: {  	[smem:$0x3FB9] =	sst s10  }
0x38: {  	s10 =	sld [smem:$0x3FBA]  }
0x39: {  	_ = 	snop;
	(pc) =	sbr.ind lr, $3  }
0x3a: {  	_ = 	snop  }
0x3b: {  	_ = 	snop  }
0x3c: {  	p2 =	seq.s32 s10, $0x1;
	s10 =	sld [smem:$0x3FB9]  }
0x3d: {  	_ =	shalt  }
0x3e: {  	_ =	shalt  }
0x3f: {  	_ =	shalt  }
0x40: {  	_ =	shalt  }
0x41: {  	_ =	shalt  }
0x42: {  	_ =	shalt  }
0x43: {  	_ =	shalt  }
0x44: {  	_ =	shalt  }
0x45: {  	_ =	shalt  }
0x46: {  	_ =	shalt  }
0x47: {  	_ =	shalt  }
0x48: {  	_ =	shalt  }
0x49: {  	_ =	shalt  }
0x4a: {  	_ =	shalt  }
0x4b: {  	_ =	shalt  }
0x4c: {  	_ =	shalt  }
0x4d: {  	_ =	shalt  }
0x4e: {  	_ =	shalt  }
0x4f: {  	_ =	shalt  }
0x50: {  	_ =	shalt  }
0x51: {  	_ =	shalt  }
0x52: {  	_ =	shalt  }
0x53: {  	_ =	shalt  }
0x54: {  	_ =	shalt  }
0x55: {  	_ =	shalt  }
0x56: {  	_ =	shalt  }
0x57: {  	_ =	shalt  }
0x58: {  	_ =	shalt  }
0x59: {  	_ =	shalt  }
0x5a: {  	_ =	shalt  }
0x5b: {  	_ =	shalt  }
0x5c: {  	_ =	shalt  }
0x5d: {  	_ =	shalt  }
0x5e: {  	_ =	shalt  }
0x5f: {  	_ =	shalt  }
0x60: {  	_ =	shalt  }
0x61: {  	_ =	shalt  }
0x62: {  	_ =	shalt  }
0x63: {  	_ =	shalt  }
0x64: {  	_ =	shalt  }
0x65: {  	_ =	shalt  }
0x66: {  	_ =	shalt  }
0x67: {  	_ =	shalt  }
0x68: {  	_ =	shalt  }
0x69: {  	_ =	shalt  }
0x6a: {  	_ =	shalt  }
0x6b: {  	_ =	shalt  }
0x6c: {  	_ =	shalt  }
0x6d: {  	_ =	shalt  }
0x6e: {  	_ =	shalt  }
0x6f: {  	_ =	shalt  }
0x70: {  	_ =	shalt  }
0x71: {  	_ =	shalt  }
0x72: {  	_ =	shalt  }
0x73: {  	_ =	shalt  }
0x74: {  	_ =	shalt  }
0x75: {  	_ =	shalt  }
0x76: {  	_ =	shalt  }
0x77: {  	_ =	shalt  }
0x78: {  	_ =	shalt  }
0x79: {  	_ =	shalt  }
0x7a: {  	_ =	shalt  }
0x7b: {  	_ =	shalt  }
0x7c: {  	_ =	shalt  }
0x7d: {  	_ =	shalt  }
0x7e: {  	_ =	shalt  }
0x7f: {  	_ =	shalt  }
0x80: {  	_ =	shalt  }
0x81: {  	_ =	shalt  }
0x82: {  	_ =	shalt  }
0x83: {  	_ =	shalt  }
0x84: {  	_ =	shalt  }
0x85: {  	_ =	shalt  }
0x86: {  	_ =	shalt  }
0x87: {  	_ =	shalt  }
.Lfunc_end0:
.L_simem_size_0:
called_computation.2_lowered:
.L_overlay_start_0:
0x88: {  	s2 =	sld [smem:$0x3FD9]  }
0x89: {  	s3 =	sld [smem:$0x3FFE];
	_ =	sdelay $0x1  }
0x8a: {  	s1 =	srdreg.scid  }
0x8b: {  	s0 =	sand.u32 $0x1, s1  }
0x8c: {  	s17 =	sshll.u32 s0, $0xA;
	s2 =	sadd.s32 s3, s2  }
0x8d: {  	s2 =	sadd.s32 s2, s17  }
0x8e: {  	[smem:$0x3FC5] =	sst s2  }
0x8f: {  	_ = 	snop  }
0x90: {  	(tm) =	ssettm $0x1  }
0x91: {  	s18 =	sld [smem:$0x3FFB];
	_ =	sdelay $0x3  }
0x92: {  	_ =	strace s18  }
0x93: {  	s2 =	sld [smem:$0x3FFC];
	_ =	sdelay $0x3  }
0x94: {  	_ =	strace s2  }
0x95: {  	s2 =	sld [smem:$0x3FFD];
	_ =	sdelay $0x3  }
0x96: {  	_ =	strace s2  }
0x97: {  	_ =	strace $0x8FFFFFFF  }
0x98: {  	s19 =	sld [smem:$0x3FDB];
	_ =	sdelay $0x1  }
0x99: {  	s20 =	simm.s32 $_scs_section_size  }
0x9a: {  	s4 =	simm.s32 $_size__tile_overlayer_lowered;
	s5 =	simm.s32 $_tile_overlayer_lowered  }
0x9b: {  	s6 =	simm.s32 $0x1BFF;
	s21 =	sshll.u32 s5, $0x1;
	s3 =	sadd.s32 s20, s19  }
0x9c: {  	s22 =	simm.s32 $0x0;
	s4 =	sshll.u32 s4, $0x1;
	s5 =	sadd.s32 s21, s3  }
0x9d: {  	[timem:s22], [sflag:s6] =	dma.local [hbm:s5], s4  }
0x9e: {  	_ =	swait.ge [sflag:s6], s4  }
0x9f: {  	s4 =	ssub.s32 $0x0, s4;
	[sflag:s6] =	ssyncset.done $0x0  }
0xa0: {  	[sflag:s6] =	ssyncadd.s32 s4;
	_ =	sdelay $0x1  }
0xa1: {  	s23 =	simm.s32 $0x1B8B  }
0xa2: {  	_ =	swait.ge [sflag:s23], $0x1  }
0xa3: {  	[sflag:s23] =	ssyncset.done $0x0  }
0xa4: {  	[sflag:s23] =	ssyncadd.s32 $0xFFFFFFFF  }
0xa5: {  	s4 =	sld [smem:$0x0]  }
0xa6: {  	s5 =	sand.u32 $0xFFFFFFFE, s1  }
0xa7: {  	p0 =	sne.s32 s1, s5  }
0xa8: {  	s5 =	sshll.u32 @p0 s5, $0xE  }
0xa9: {  	s5 =	sadd.s32 @p0 $0x11B8D, s5;
	s6 =	sshll.u32 @p0 s4, $0x11  }
0xaa: {  	s5 =	sor.u32 @p0 s6, s5  }
0xab: {  	[sflag:s5] =	ssyncadd.remote.s32 @p0 $0x1;
	_ =	sdelay $0x1  }
0xac: {  	s5 =	simm.s32 @p0 $0x1B8D  }
0xad: {  	_ =	swait.eq @p0 [sflag:s5], $0x1  }
0xae: {  	[sflag:s5] =	ssyncadd.s32 @p0 $0xFFFFFFFF  }
0xaf: {  	s6 =	sshll.u32 @!p0 s1, $0xE  }
0xb0: {  	s6 =	sor.u32 @!p0 $0x4000, s6;
	s5 =	simm.s32 @!p0 $0x1B8D  }
0xb1: {  	s4 =	sshll.u32 @!p0 s4, $0x11;
	s6 =	sadd.s32 @!p0 $0x11B8D, s6;
	_ =	swait.eq @!p0 [sflag:s5], $0x1  }
0xb2: {  	s4 =	sor.u32 @!p0 s4, s6;
	[sflag:s5] =	ssyncadd.s32 @!p0 $0xFFFFFFFF  }
0xb3: {  	s25 =	simm.s32 $0x1B8E;
	s24 =	sld [smem:$0x3FFE];
	[sflag:s4] =	ssyncadd.remote.s32 @!p0 $0x1  }
0xb4: {  	s26 =	simm.s32 $execute0_lowered;
	[smem:$0x3FD2] =	sst s25  }
0xb5: {  	s5 =	sshll.u32 s26, $0x1;
	_ =	strace $0x8000004F;
	[dreg:$0x1] =	wrdreg $0xFFFFFFFF  }
0xb6: {  	s28 =	simm.s32 $_size_execute0_lowered;
	s3 =	sadd.s32 s3, s5;
	[dreg:$0x0] =	wrdreg $0x0  }
0xb7: {  	s5 =	sshll.u32 s28, $0x1;
	[dreg:$0x2] =	wrdreg s3  }
0xb8: {  	[dreg:$0x3] =	wrdreg s5  }
0xb9: {  	[dreg:$0x4] =	wrdreg $0xC0  }
0xba: {  	_ =	task [dreg:s22], $0x5FFFF  }
0xbb: {  	[dreg:$0x1] =	wrdreg $0xFFFFFFFF  }
0xbc: {  	[dreg:$0x0] =	wrdreg $0x60  }
0xbd: {  	[dreg:$0x2] =	wrdreg s24  }
0xbe: {  	[dreg:$0x3] =	wrdreg $0xB  }
0xbf: {  	_ =	task.clear_ibuf [dreg:s22], $0x4FFFF;
	_ =	strace $0x9000004F  }
0xc0: {  	s29 =	simm.s32 $0xB;
	_ =	strace $0x80000051  }
0xc1: {  	_ =	swait.ge [sflag:s29], $0x1  }
0xc2: {  	[sflag:s29] =	ssyncadd.s32 $0xFFFFFFFF  }
0xc3: {  	_ =	strace $0x90000051  }
0xc4: {  	_ =	sfence  }
0xc5: {  	s30 =	sld [smem:$0x0];
	_ =	sdelay $0x2  }
0xc6: {  	s31 =	sshll.u32 s1, $0xD;
	s1 =	sshrl.u32 s1, $0x2  }
0xc7: {  	s4 =	sand.u32 $0x4000, s31;
	s1 =	sadd.s32 s1, s30  }
0xc8: {  	s0 =	sor.u32 s4, s0;
	s1 =	sshll.u32 s1, $0x11  }
0xc9: {  	s0 =	sor.u32 s1, s0  }
0xca: {  	s0 =	sadd.s32 $0x8F2B, s0  }
0xcb: {  	[sflag:s0] =	ssyncadd.remote.s32 $0x1  }
0xcc: {  	_ =	sfence.sel $0xFFFF  }
0xcd: {  	[dreg:$0x0] =	wrdreg $0xFFFFFFFF;
	(pc) =	sbr.abs _section_cstart, $3  }
0xce: {  	[dreg:$0x1] =	wrdreg $0xFFFFFFFF  }
0xcf: {  	_ =	task.clear_ibuf [dreg:s22], $0x2FFFF;
	_ =	strace $0x9FFFFFFF  }
0xd0: {  	(tm) =	ssettm $0x7FFFFFFF  }
0xd1: {  	_ =	shalt  }
tec
execute0_lowered:
.L_overlay_start_1:
0x0: {  	(tag) =	ssettag $0x1  }
0x1: {  	s0 =	srdreg.scid  }
0x2: {  	s1 =	rddreg [dreg:$0x0];
	s7 =	stileid.u32;
	s2 =	simm.s32 $0x0  }
0x3: {  	s11 =	simm.s32 $0x380;
	s10 =	simm.s32 $0xBB80;
	s12 =	simm.s32 $0xC380  }
0x4: {  	s13 =	simm.s32 $0xCB80;
	s14 =	simm.s32 $0xD380;
	s15 =	simm.s32 $0xDB80  }
0x5: {  	s16 =	simm.s32 $0xE380;
	s17 =	simm.s32 $0xEB80;
	s18 =	simm.s32 $0xF380  }
0x6: {  	s19 =	simm.s32 $0xFB80;
	s20 =	simm.s32 $0x10380;
	s21 =	simm.s32 $0x10B80  }
0x7: {  	s22 =	simm.s32 $0x11380;
	s23 =	simm.s32 $0x11B80;
	s24 =	simm.s32 $0x12380  }
0x8: {  	s25 =	simm.s32 $0x12B80;
	s26 =	simm.s32 $0x13380;
	s28 =	simm.s32 $0x13B80  }
0x9: {  	s29 =	simm.s32 $0x2;
	s30 =	simm.s32 $0x0;
	s0 =	sand.u32 $0x1, s0  }
0xa: {  	[smem:$0x7FF] =	sst s2;
	s9 =	smul.u32 $0x19000, s7;
	s3 =	sshll.u32 s0, $0x4  }
0xb: {  	_ =	strace $0x80000050;
	s5 =	smul.u32 $0x190000, s0;
	s0 =	ssub.s32 $0x2, s0  }
0xc: {  	s3 =	sor.u32 s7, s3;
	s6 =	sshrl.u32 s0, $0x1;
	s7 =	sadd.s32 $0x3300, s1  }
0xd: {  	s3 =	smul.u32 $0x320, s3;
	s8 =	sadd.s32 s5, s1;
	s0 =	ssub.s32 s0, s6  }
.Ltmp0:
0xe: {  	s5 =	sadd.s32 $0x3100, s1;
	s6 =	sadd.s32 $0x3200, s1;
	(pc) =	sbr.rel .LBB2_1-.Ltmp0, $4  }
0xf: {  	s0 =	smax.u32 s0, $0x1;
	s31 =	sadd.s32 s9, s8;
	s4 =	sshrl.u32 s3, $0x3  }
0x10: {  	v2 =	vlaneseq.u32;
	s8 =	simm.s32 $0xAB80;
	s3 =	sadd.s32 $0x3000, s1;
	s4 =	sadd.s32 s4, s1  }
0x11: {  	vm0 =	vmmov $0xffff;
	v1 =	vshrl.u32 v2, $0x3;
	[dreg:$0x3] =	wrdreg s0;
	s9 =	sadd.s32 $0x989400, s31;
	s4 =	sadd.s32 $0x24000, s4  }
0x12: {  	v0 =	vand.u32 $0x7, v2;
	v2 =	vor.u32 $0x8, v2;
	v1 =	vmul.u32 $0x8, v1;
	s0 =	simm.s32 $0x1;
	s1 =	simm.s32 $0xA380;
	[dreg:$0x2] =	wrdreg s4  }
.LBB2_5:
0x13: {  	_ =	swait.ge [sflag:s29], $0xA000  }
0x14: {  	s30 =	rddreg [dreg:$0x4]  }
0x15: {  	s4 =	rddreg [dreg:$0x3];
	s30 =	sadd.s32 $0x1, s30  }
0x16: {  	p0 =	sne.s32 s30, s4  }
.Ltmp1:
0x17: {  	_ = 	snop;
	(pc) =	sbr.rel @!p0 .LBB2_6-.Ltmp1, $3  }
0x18: {  	_ =	sdelay $0x1  }
0x19: {  	[sflag:s29] =	ssyncset.done $0x0  }
0x1a: {  	[sflag:s29] =	ssyncadd.s32 $0xFFFF6000  }
.LBB2_1:
0x1b: {  	s4 =	rddreg [dreg:$0x2]  }
0x1c: {  	[tilespmem:s2], [sflag:$0x3] =	stream.linear.gather [hbm4b:s4+s2], $0x320, $0x38;
	[tilespmem:$0x14380] =	vst v63  }
0x1d: {  	[dreg:$0x4] =	wrdreg s30;
	s4 =	simm.s32 $0x3  }
0x1e: {  	_ =	swait.ge [sflag:s4], $0x320  }
0x1f: {  	[sflag:s4] =	ssyncset.done $0x0  }
0x20: {  	[sflag:s4] =	ssyncadd.s32 $0xFFFFFCE0  }
0x21: {  	v3 =	vld [tilespmem:$0x0];
	_ =	sdelay $0x4  }
0x22: {  	v4 =	vshll.u32 v3, $0x3  }
0x23: {  	v3 =	vand.u32 $0x7, v3;
	v4 =	vand.u32 $0xFFFFFFC0, v4  }
0x24: {  	v3 =	vor.u32 v3, v4  }
0x25: {  	v4 =	vperm.xlane v3, v0;
	_ =	sdelay $0x1  }
0x26: {  	v4 =	vadd.s32 v1, v4;
	_ =	sdelay $0x4  }
0x27: {  	[tilespmem:s11], [sflag:$0x1] =	stream.indirect_vreg.gather [hbm4b:s3+s2], $0x80, v4, vm0, $0xb8;
	[tilespmem:$0x14380] =	vst v63  }
0x28: {  	s4 =	simm.s32 $0xB80;
	v3 =	vperm.xlane v3, v2  }
0x29: {  	[tilespmem:s4], [sflag:$0x1] =	stream.indirect_vreg.gather [hbm4b:s5+s2], $0x80, v4, vm0, $0xb8;
	[tilespmem:$0x14380] =	vst v63  }
0x2a: {  	v3 =	vadd.s32 v1, v3;
	s4 =	simm.s32 $0x1380  }
0x2b: {  	[tilespmem:s4], [sflag:$0x1] =	stream.indirect_vreg.gather [hbm4b:s6+s2], $0x80, v4, vm0, $0xb8;
	[tilespmem:$0x14380] =	vst v63  }
0x2c: {  	s4 =	simm.s32 $0x1B80  }
0x2d: {  	[tilespmem:s4], [sflag:$0x1] =	stream.indirect_vreg.gather [hbm4b:s7+s2], $0x80, v4, vm0, $0xb8;
	[tilespmem:$0x14380] =	vst v63  }
0x2e: {  	s4 =	simm.s32 $0x2380  }
0x2f: {  	[tilespmem:s4], [sflag:$0x1] =	stream.indirect_vreg.gather [hbm4b:s3+s2], $0x80, v3, vm0, $0xb8;
	[tilespmem:$0x14380] =	vst v63  }
0x30: {  	s4 =	simm.s32 $0x2B80  }
0x31: {  	[tilespmem:s4], [sflag:$0x1] =	stream.indirect_vreg.gather [hbm4b:s5+s2], $0x80, v3, vm0, $0xb8;
	[tilespmem:$0x14380] =	vst v63  }
0x32: {  	s4 =	simm.s32 $0x3380  }
0x33: {  	[tilespmem:s4], [sflag:$0x1] =	stream.indirect_vreg.gather [hbm4b:s6+s2], $0x80, v3, vm0, $0xb8;
	[tilespmem:$0x14380] =	vst v63  }
0x34: {  	s4 =	simm.s32 $0x3B80  }
0x35: {  	[tilespmem:s4], [sflag:$0x1] =	stream.indirect_vreg.gather [hbm4b:s7+s2], $0x80, v3, vm0, $0xb8;
	[tilespmem:$0x14380] =	vst v63  }
0x36: {  	v3 =	vld [tilespmem:$0x10];
	_ =	sdelay $0x4  }
0x37: {  	v62 =	vshll.u32 v3, $0x3  }
0x38: {  	v3 =	vand.u32 $0x7, v3;
	v4 =	vand.u32 $0xFFFFFFC0, v62  }
0x39: {  	v3 =	vor.u32 v3, v4  }
0x3a: {  	v4 =	vperm.xlane v3, v0;
	_ =	sdelay $0x1  }
0x3b: {  	v4 =	vadd.s32 v1, v4;
	_ =	sdelay $0x3  }
0x3c: {  	s4 =	simm.s32 $0x4380  }
0x3d: {  	[tilespmem:s4], [sflag:$0x1] =	stream.indirect_vreg.gather [hbm4b:s3+s2], $0x80, v4, vm0, $0xb8;
	[tilespmem:$0x14380] =	vst v63  }
0x3e: {  	v3 =	vperm.xlane v3, v2;
	s4 =	simm.s32 $0x4B80  }
0x3f: {  	[tilespmem:s4], [sflag:$0x1] =	stream.indirect_vreg.gather [hbm4b:s5+s2], $0x80, v4, vm0, $0xb8;
	[tilespmem:$0x14380] =	vst v63  }
0x40: {  	v3 =	vadd.s32 v1, v3;
	s4 =	simm.s32 $0x5380  }
0x41: {  	[tilespmem:s4], [sflag:$0x1] =	stream.indirect_vreg.gather [hbm4b:s6+s2], $0x80, v4, vm0, $0xb8;
	[tilespmem:$0x14380] =	vst v63  }
0x42: {  	s4 =	simm.s32 $0x5B80  }
0x43: {  	[tilespmem:s4], [sflag:$0x1] =	stream.indirect_vreg.gather [hbm4b:s7+s2], $0x80, v4, vm0, $0xb8;
	[tilespmem:$0x14380] =	vst v63  }
0x44: {  	s4 =	simm.s32 $0x6380  }
0x45: {  	[tilespmem:s4], [sflag:$0x1] =	stream.indirect_vreg.gather [hbm4b:s3+s2], $0x80, v3, vm0, $0xb8;
	[tilespmem:$0x14380] =	vst v63  }
0x46: {  	s4 =	simm.s32 $0x6B80  }
0x47: {  	[tilespmem:s4], [sflag:$0x1] =	stream.indirect_vreg.gather [hbm4b:s5+s2], $0x80, v3, vm0, $0xb8;
	[tilespmem:$0x14380] =	vst v63  }
0x48: {  	s4 =	simm.s32 $0x7380  }
0x49: {  	[tilespmem:s4], [sflag:$0x1] =	stream.indirect_vreg.gather [hbm4b:s6+s2], $0x80, v3, vm0, $0xb8;
	[tilespmem:$0x14380] =	vst v63  }
0x4a: {  	s4 =	simm.s32 $0x7B80  }
0x4b: {  	[tilespmem:s4], [sflag:$0x1] =	stream.indirect_vreg.gather [hbm4b:s7+s2], $0x80, v3, vm0, $0xb8;
	[tilespmem:$0x14380] =	vst v63  }
0x4c: {  	v3 =	vld.msk [tilespmem:$0x20], $0xff;
	_ =	sdelay $0x4  }
0x4d: {  	v63 =	vshll.u32 v3, $0x3  }
0x4e: {  	v3 =	vand.u32 $0x7, v3;
	v4 =	vand.u32 $0xFFFFFFC0, v63  }
0x4f: {  	v3 =	vor.u32 v3, v4  }
0x50: {  	v3 =	vperm.xlane v3, v0;
	_ =	sdelay $0x1  }
0x51: {  	v3 =	vadd.s32 v1, v3;
	_ =	sdelay $0x3  }
0x52: {  	s4 =	simm.s32 $0x8380  }
0x53: {  	[tilespmem:s4], [sflag:$0x1] =	stream.indirect_vreg.gather [hbm4b:s3+s2], $0x80, v3, vm0, $0xb8;
	[tilespmem:$0x14380] =	vst v63  }
0x54: {  	s4 =	simm.s32 $0x8B80  }
0x55: {  	[tilespmem:s4], [sflag:$0x1] =	stream.indirect_vreg.gather [hbm4b:s5+s2], $0x80, v3, vm0, $0xb8;
	[tilespmem:$0x14380] =	vst v63  }
.Ltmp2:
0x56: {  	_ = 	snop;
	(pc) =	sbr.rel .LBB2_2-.Ltmp2, $4  }
0x57: {  	s4 =	simm.s32 $0x9380  }
0x58: {  	[tilespmem:s4], [sflag:$0x1] =	stream.indirect_vreg.gather [hbm4b:s6+s2], $0x80, v3, vm0, $0xb8;
	[tilespmem:$0x14380] =	vst v63  }
0x59: {  	s30 =	simm.s32 $0x38;
	s31 =	simm.s32 $0x0;
	s4 =	simm.s32 $0x9B80  }
0x5a: {  	[tilespmem:s4], [sflag:$0x1] =	stream.indirect_vreg.gather [hbm4b:s7+s2], $0x80, v3, vm0, $0xb8;
	[tilespmem:$0x14380] =	vst v63  }
.LBB2_4:
0x5b: {  	s31 =	sadd.s32 $0x2800, s31  }
0x5c: {  	p0 =	sne.s32 s31, $0x19000  }
.Ltmp3:
0x5d: {  	_ = 	snop;
	(pc) =	sbr.rel @!p0 .LBB2_5-.Ltmp3, $3  }
0x5e: {  	_ =	sdelay $0x1  }
0x5f: {  	s4 =	sadd.s32 $0x1400, s4;
	s30 =	sadd.s32 $0x50, s30  }
0x60: {  	[hbm4b:s4+s2] =	stream.linear.scatter [tilespmem:s1], [sflag:$0x2], $0xA000, $0x38;
	[tilespmem:$0x14380] =	vst v63  }
.LBB2_2:
0x61: {  	_ =	swait.ge [sflag:s0], $0xA000  }
0x62: {  	p0 =	seq.s32 s31, $0x0;
	[sflag:s0] =	ssyncset.done $0x0  }
0x63: {  	s4 =	simm.s32 @!p0 $0x2;
	[sflag:s0] =	ssyncadd.s32 $0xFFFF6000  }
0x64: {  	_ =	swait.ge @!p0 [sflag:s4], $0xA000  }
0x65: {  	[sflag:s4] =	ssyncset.done @!p0 $0x0  }
0x66: {  	[sflag:s4] =	ssyncadd.s32 @!p0 $0xFFFF6000  }
0x67: {  	v3 =	vld [tilespmem:s30+$0xFFFFFFF0];
	_ =	sdelay $0x4  }
0x68: {  	v4 =	vshll.u32 v3, $0x3  }
0x69: {  	v3 =	vand.u32 $0x7, v3;
	v4 =	vand.u32 $0xFFFFFFC0, v4  }
0x6a: {  	v3 =	vor.u32 v3, v4  }
0x6b: {  	v4 =	vperm.xlane v3, v0;
	_ =	sdelay $0x1  }
0x6c: {  	v4 =	vadd.s32 v1, v4;
	_ =	sdelay $0x4  }
0x6d: {  	[tilespmem:s1], [sflag:$0x1] =	stream.indirect_vreg.gather [hbm4b:s3+s2], $0x80, v4, vm0, $0xb8;
	[tilespmem:$0x14380] =	vst v63  }
0x6e: {  	v3 =	vperm.xlane v3, v2  }
0x6f: {  	[tilespmem:s8], [sflag:$0x1] =	stream.indirect_vreg.gather [hbm4b:s5+s2], $0x80, v4, vm0, $0xb8;
	[tilespmem:$0x14380] =	vst v63  }
0x70: {  	s4 =	simm.s32 $0xB380;
	v3 =	vadd.s32 v1, v3  }
0x71: {  	[tilespmem:s4], [sflag:$0x1] =	stream.indirect_vreg.gather [hbm4b:s6+s2], $0x80, v4, vm0, $0xb8;
	[tilespmem:$0x14380] =	vst v63  }
0x72: {  	_ = 	snop  }
0x73: {  	[tilespmem:s10], [sflag:$0x1] =	stream.indirect_vreg.gather [hbm4b:s7+s2], $0x80, v4, vm0, $0xb8;
	[tilespmem:$0x14380] =	vst v63  }
0x74: {  	_ = 	snop  }
0x75: {  	[tilespmem:s12], [sflag:$0x1] =	stream.indirect_vreg.gather [hbm4b:s3+s2], $0x80, v3, vm0, $0xb8;
	[tilespmem:$0x14380] =	vst v63  }
0x76: {  	_ = 	snop  }
0x77: {  	[tilespmem:s13], [sflag:$0x1] =	stream.indirect_vreg.gather [hbm4b:s5+s2], $0x80, v3, vm0, $0xb8;
	[tilespmem:$0x14380] =	vst v63  }
0x78: {  	_ = 	snop  }
0x79: {  	[tilespmem:s14], [sflag:$0x1] =	stream.indirect_vreg.gather [hbm4b:s6+s2], $0x80, v3, vm0, $0xb8;
	[tilespmem:$0x14380] =	vst v63  }
0x7a: {  	_ = 	snop  }
0x7b: {  	[tilespmem:s15], [sflag:$0x1] =	stream.indirect_vreg.gather [hbm4b:s7+s2], $0x80, v3, vm0, $0xb8;
	[tilespmem:$0x14380] =	vst v63  }
0x7c: {  	v3 =	vld [tilespmem:s30+$0x0];
	_ =	sdelay $0x4  }
0x7d: {  	v62 =	vshll.u32 v3, $0x3  }
0x7e: {  	v3 =	vand.u32 $0x7, v3;
	v4 =	vand.u32 $0xFFFFFFC0, v62  }
0x7f: {  	v3 =	vor.u32 v3, v4  }
0x80: {  	v4 =	vperm.xlane v3, v0;
	_ =	sdelay $0x1  }
0x81: {  	v4 =	vadd.s32 v1, v4;
	_ =	sdelay $0x4  }
0x82: {  	[tilespmem:s16], [sflag:$0x1] =	stream.indirect_vreg.gather [hbm4b:s3+s2], $0x80, v4, vm0, $0xb8;
	[tilespmem:$0x14380] =	vst v63  }
0x83: {  	v3 =	vperm.xlane v3, v2  }
0x84: {  	[tilespmem:s17], [sflag:$0x1] =	stream.indirect_vreg.gather [hbm4b:s5+s2], $0x80, v4, vm0, $0xb8;
	[tilespmem:$0x14380] =	vst v63  }
0x85: {  	v3 =	vadd.s32 v1, v3  }
0x86: {  	[tilespmem:s18], [sflag:$0x1] =	stream.indirect_vreg.gather [hbm4b:s6+s2], $0x80, v4, vm0, $0xb8;
	[tilespmem:$0x14380] =	vst v63  }
0x87: {  	_ = 	snop  }
0x88: {  	[tilespmem:s19], [sflag:$0x1] =	stream.indirect_vreg.gather [hbm4b:s7+s2], $0x80, v4, vm0, $0xb8;
	[tilespmem:$0x14380] =	vst v63  }
0x89: {  	_ = 	snop  }
0x8a: {  	[tilespmem:s20], [sflag:$0x1] =	stream.indirect_vreg.gather [hbm4b:s3+s2], $0x80, v3, vm0, $0xb8;
	[tilespmem:$0x14380] =	vst v63  }
0x8b: {  	_ = 	snop  }
0x8c: {  	[tilespmem:s21], [sflag:$0x1] =	stream.indirect_vreg.gather [hbm4b:s5+s2], $0x80, v3, vm0, $0xb8;
	[tilespmem:$0x14380] =	vst v63  }
0x8d: {  	_ = 	snop  }
0x8e: {  	[tilespmem:s22], [sflag:$0x1] =	stream.indirect_vreg.gather [hbm4b:s6+s2], $0x80, v3, vm0, $0xb8;
	[tilespmem:$0x14380] =	vst v63  }
0x8f: {  	_ = 	snop  }
0x90: {  	[tilespmem:s23], [sflag:$0x1] =	stream.indirect_vreg.gather [hbm4b:s7+s2], $0x80, v3, vm0, $0xb8;
	[tilespmem:$0x14380] =	vst v63  }
0x91: {  	v3 =	vld.msk [tilespmem:s30+$0x10], $0xff;
	_ =	sdelay $0x4  }
0x92: {  	v63 =	vshll.u32 v3, $0x3  }
0x93: {  	v3 =	vand.u32 $0x7, v3;
	v4 =	vand.u32 $0xFFFFFFC0, v63  }
0x94: {  	v3 =	vor.u32 v3, v4  }
0x95: {  	v3 =	vperm.xlane v3, v0;
	_ =	sdelay $0x1  }
0x96: {  	v3 =	vadd.s32 v1, v3;
	_ =	sdelay $0x4  }
0x97: {  	[tilespmem:s24], [sflag:$0x1] =	stream.indirect_vreg.gather [hbm4b:s3+s2], $0x80, v3, vm0, $0xb8;
	[tilespmem:$0x14380] =	vst v63  }
0x98: {  	_ = 	snop  }
0x99: {  	[tilespmem:s25], [sflag:$0x1] =	stream.indirect_vreg.gather [hbm4b:s5+s2], $0x80, v3, vm0, $0xb8;
	[tilespmem:$0x14380] =	vst v63  }
0x9a: {  	_ = 	snop  }
0x9b: {  	[tilespmem:s26], [sflag:$0x1] =	stream.indirect_vreg.gather [hbm4b:s6+s2], $0x80, v3, vm0, $0xb8;
	[tilespmem:$0x14380] =	vst v63  }
0x9c: {  	_ = 	snop  }
0x9d: {  	[tilespmem:s28], [sflag:$0x1] =	stream.indirect_vreg.gather [hbm4b:s7+s2], $0x80, v3, vm0, $0xb8;
	[tilespmem:$0x14380] =	vst v63  }
0x9e: {  	s4 =	sadd.s32 s31, s9  }
0x9f: {  	[hbm4b:s4+s2] =	stream.linear.scatter [tilespmem:s11], [sflag:$0x2], $0xA000, $0x38;
	[tilespmem:$0x14380] =	vst v63  }
0xa0: {  	p0 =	seq.s32 s31, $0x16800;
	_ =	swait.ge [sflag:s0], $0xA000  }
.Ltmp4:
0xa1: {  	[sflag:s0] =	ssyncset.done $0x0;
	(pc) =	sbr.rel @p0 .LBB2_4-.Ltmp4, $4  }
0xa2: {  	[sflag:s0] =	ssyncadd.s32 $0xFFFF6000  }
0xa3: {  	_ =	swait.ge [sflag:s29], $0xA000  }
0xa4: {  	[sflag:s29] =	ssyncset.done $0x0  }
0xa5: {  	[sflag:s29] =	ssyncadd.s32 $0xFFFF6000  }
0xa6: {  	v3 =	vld [tilespmem:s30+$0x18];
	_ =	sdelay $0x4  }
0xa7: {  	v4 =	vshll.u32 v3, $0x3  }
0xa8: {  	v3 =	vand.u32 $0x7, v3;
	v4 =	vand.u32 $0xFFFFFFC0, v4  }
0xa9: {  	v3 =	vor.u32 v3, v4  }
0xaa: {  	v4 =	vperm.xlane v3, v0;
	_ =	sdelay $0x1  }
0xab: {  	v4 =	vadd.s32 v1, v4;
	_ =	sdelay $0x4  }
0xac: {  	[tilespmem:s11], [sflag:$0x1] =	stream.indirect_vreg.gather [hbm4b:s3+s2], $0x80, v4, vm0, $0xb8;
	[tilespmem:$0x14380] =	vst v63  }
0xad: {  	s8 =	simm.s32 $0xB80;
	v3 =	vperm.xlane v3, v2  }
0xae: {  	[tilespmem:s8], [sflag:$0x1] =	stream.indirect_vreg.gather [hbm4b:s5+s2], $0x80, v4, vm0, $0xb8;
	[tilespmem:$0x14380] =	vst v63  }
0xaf: {  	v3 =	vadd.s32 v1, v3;
	s8 =	simm.s32 $0x1380  }
0xb0: {  	[tilespmem:s8], [sflag:$0x1] =	stream.indirect_vreg.gather [hbm4b:s6+s2], $0x80, v4, vm0, $0xb8;
	[tilespmem:$0x14380] =	vst v63  }
0xb1: {  	s8 =	simm.s32 $0x1B80  }
0xb2: {  	[tilespmem:s8], [sflag:$0x1] =	stream.indirect_vreg.gather [hbm4b:s7+s2], $0x80, v4, vm0, $0xb8;
	[tilespmem:$0x14380] =	vst v63  }
0xb3: {  	s8 =	simm.s32 $0x2380  }
0xb4: {  	[tilespmem:s8], [sflag:$0x1] =	stream.indirect_vreg.gather [hbm4b:s3+s2], $0x80, v3, vm0, $0xb8;
	[tilespmem:$0x14380] =	vst v63  }
0xb5: {  	s8 =	simm.s32 $0x2B80  }
0xb6: {  	[tilespmem:s8], [sflag:$0x1] =	stream.indirect_vreg.gather [hbm4b:s5+s2], $0x80, v3, vm0, $0xb8;
	[tilespmem:$0x14380] =	vst v63  }
0xb7: {  	s8 =	simm.s32 $0x3380  }
0xb8: {  	[tilespmem:s8], [sflag:$0x1] =	stream.indirect_vreg.gather [hbm4b:s6+s2], $0x80, v3, vm0, $0xb8;
	[tilespmem:$0x14380] =	vst v63  }
0xb9: {  	s8 =	simm.s32 $0x3B80  }
0xba: {  	[tilespmem:s8], [sflag:$0x1] =	stream.indirect_vreg.gather [hbm4b:s7+s2], $0x80, v3, vm0, $0xb8;
	[tilespmem:$0x14380] =	vst v63  }
0xbb: {  	v3 =	vld [tilespmem:s30+$0x28];
	_ =	sdelay $0x4  }
0xbc: {  	v62 =	vshll.u32 v3, $0x3  }
0xbd: {  	v3 =	vand.u32 $0x7, v3;
	v4 =	vand.u32 $0xFFFFFFC0, v62  }
0xbe: {  	v3 =	vor.u32 v3, v4  }
0xbf: {  	v4 =	vperm.xlane v3, v0;
	_ =	sdelay $0x1  }
0xc0: {  	v4 =	vadd.s32 v1, v4;
	_ =	sdelay $0x3  }
0xc1: {  	s8 =	simm.s32 $0x4380  }
0xc2: {  	[tilespmem:s8], [sflag:$0x1] =	stream.indirect_vreg.gather [hbm4b:s3+s2], $0x80, v4, vm0, $0xb8;
	[tilespmem:$0x14380] =	vst v63  }
0xc3: {  	v3 =	vperm.xlane v3, v2;
	s8 =	simm.s32 $0x4B80  }
0xc4: {  	[tilespmem:s8], [sflag:$0x1] =	stream.indirect_vreg.gather [hbm4b:s5+s2], $0x80, v4, vm0, $0xb8;
	[tilespmem:$0x14380] =	vst v63  }
0xc5: {  	v3 =	vadd.s32 v1, v3;
	s8 =	simm.s32 $0x5380  }
0xc6: {  	[tilespmem:s8], [sflag:$0x1] =	stream.indirect_vreg.gather [hbm4b:s6+s2], $0x80, v4, vm0, $0xb8;
	[tilespmem:$0x14380] =	vst v63  }
0xc7: {  	s8 =	simm.s32 $0x5B80  }
0xc8: {  	[tilespmem:s8], [sflag:$0x1] =	stream.indirect_vreg.gather [hbm4b:s7+s2], $0x80, v4, vm0, $0xb8;
	[tilespmem:$0x14380] =	vst v63  }
0xc9: {  	s8 =	simm.s32 $0x6380  }
0xca: {  	[tilespmem:s8], [sflag:$0x1] =	stream.indirect_vreg.gather [hbm4b:s3+s2], $0x80, v3, vm0, $0xb8;
	[tilespmem:$0x14380] =	vst v63  }
0xcb: {  	s8 =	simm.s32 $0x6B80  }
0xcc: {  	[tilespmem:s8], [sflag:$0x1] =	stream.indirect_vreg.gather [hbm4b:s5+s2], $0x80, v3, vm0, $0xb8;
	[tilespmem:$0x14380] =	vst v63  }
0xcd: {  	s8 =	simm.s32 $0x7380  }
0xce: {  	[tilespmem:s8], [sflag:$0x1] =	stream.indirect_vreg.gather [hbm4b:s6+s2], $0x80, v3, vm0, $0xb8;
	[tilespmem:$0x14380] =	vst v63  }
0xcf: {  	s8 =	simm.s32 $0x7B80  }
0xd0: {  	[tilespmem:s8], [sflag:$0x1] =	stream.indirect_vreg.gather [hbm4b:s7+s2], $0x80, v3, vm0, $0xb8;
	[tilespmem:$0x14380] =	vst v63  }
0xd1: {  	v3 =	vld.msk [tilespmem:s30+$0x38], $0xff;
	_ =	sdelay $0x4  }
0xd2: {  	v63 =	vshll.u32 v3, $0x3  }
0xd3: {  	v3 =	vand.u32 $0x7, v3;
	v4 =	vand.u32 $0xFFFFFFC0, v63  }
0xd4: {  	v3 =	vor.u32 v3, v4  }
0xd5: {  	v3 =	vperm.xlane v3, v0;
	_ =	sdelay $0x1  }
0xd6: {  	v3 =	vadd.s32 v1, v3;
	_ =	sdelay $0x3  }
0xd7: {  	s8 =	simm.s32 $0x8380  }
0xd8: {  	[tilespmem:s8], [sflag:$0x1] =	stream.indirect_vreg.gather [hbm4b:s3+s2], $0x80, v3, vm0, $0xb8;
	[tilespmem:$0x14380] =	vst v63  }
0xd9: {  	s8 =	simm.s32 $0x8B80  }
0xda: {  	[tilespmem:s8], [sflag:$0x1] =	stream.indirect_vreg.gather [hbm4b:s5+s2], $0x80, v3, vm0, $0xb8;
	[tilespmem:$0x14380] =	vst v63  }
.Ltmp5:
0xdb: {  	s8 =	simm.s32 $0x9380;
	(pc) =	sbr.rel .LBB2_4-.Ltmp5, $4  }
0xdc: {  	[tilespmem:s8], [sflag:$0x1] =	stream.indirect_vreg.gather [hbm4b:s6+s2], $0x80, v3, vm0, $0xb8;
	[tilespmem:$0x14380] =	vst v63  }
0xdd: {  	s8 =	simm.s32 $0x9B80  }
0xde: {  	[tilespmem:s8], [sflag:$0x1] =	stream.indirect_vreg.gather [hbm4b:s7+s2], $0x80, v3, vm0, $0xb8;
	[tilespmem:$0x14380] =	vst v63  }
0xdf: {  	s8 =	simm.s32 $0xAB80  }
.LBB2_6:
0xe0: {  	_ =	sfence.sel $0x180000  }
0xe1: {  	[bflag:$0x0] =	sbarrier.arrive $0xFFFF  }
0xe2: {  	_ =	strace $0x90000050  }
0xe3: {  	s0 =	stileid.u32;
	[bflag:$0x2] =	sbarrier.arrive $0xFFFF  }
0xe4: {  	p0 =	sne.s32 s0, $0x0;
	s0 =	rddreg [dreg:$0x1]  }
0xe5: {  	s0 =	sadd.s32 @!p0 $0x100000, s0  }
0xe6: {  	[sflag:s0] =	ssyncadd.tile.s32 @!p0 $0x1;
	_ =	shalt  }
.Lfunc_end2:
_tile_overlayer_lowered:
.L_overlay_start_2:
0xe7: {  	(tag) =	ssettag $0x2  }
0xe8: {  	s0 =	rddreg [dreg:$0x0];
	s2 =	stileid.u32  }
0xe9: {  	s1 =	rddreg [dreg:$0x1];
	p0 =	sne.s32 s2, $0x0  }
0xea: {  	s3 =	rddreg [dreg:$0x2];
	[bflag:$0x3] =	sbarrier.arrive $0xFFFF;
	s2 =	simm.s32 @!p0 $0x1C03  }
0xeb: {  	[timem:s3], [sflag:s2] =	dma.local @!p0 [hbm:s0], s1  }
0xec: {  	s0 =	simm.s32 @!p0 $0x3  }
0xed: {  	_ =	swait.ge @!p0 [sflag:s0], s1  }
0xee: {  	s1 =	ssub.s32 @!p0 $0x0, s1;
	[sflag:s0] =	ssyncset.done @!p0 $0x0  }
0xef: {  	[sflag:s0] =	ssyncadd.s32 @!p0 s1  }
0xf0: {  	[bflag:$0x3] =	sbarrier.arrive $0xFFFF  }
0xf1: {  	_ =	shalt  }

// kernel: kernel.30.cloned.1.call-start
scs
__scs_entry_jumppad:
0x0: {  	(pc) =	sbr.rel $0x88, $3  }
0x1: {  	(tag) =	ssettag $0x0;
	lr =	simm.s32 $0x1  }
0x2: {  	[smem:$0x3F9E] =	sst lr;
	_ =	strace $0xD0000000  }
0x3: {  	_ = 	snop  }
0x4: {  	_ = 	snop  }
0x5: {  	_ = 	snop  }
0x6: {  	_ = 	snop  }
0x7: {  	_ = 	snop  }
__scs_overlays_trampoline_lowered:
0x8: {  	[smem:$0x3FAD] =	sst s0  }
0x9: {  	[smem:$0x3FAE] =	sst s1  }
0xa: {  	[smem:$0x3FAF] =	sst s2  }
0xb: {  	[smem:$0x3FB0] =	sst s3  }
0xc: {  	[smem:$0x3FB1] =	sst s4  }
0xd: {  	[smem:$0x3FB2] =	sst s5  }
0xe: {  	[smem:$0x3FB3] =	sst s6  }
0xf: {  	[smem:$0x3FB4] =	sst s7  }
0x10: {  	[smem:$0x3FB5] =	sst s8  }
0x11: {  	[smem:$0x3FB6] =	sst s9;
	s0 =	simm.s32 @!p0 $0x0  }
0x12: {  	s1 =	sld [smem:$0x3F9C];
	s0 =	simm.s32 @p0 $0x1  }
0x13: {  	[smem:$0x3FB7] =	sst s0;
	s0 =	simm.s32 @!p1 $0x0  }
0x14: {  	s2 =	sld [smem:$0x3F9B];
	s0 =	simm.s32 @p1 $0x1  }
0x15: {  	[smem:$0x3FB8] =	sst s0;
	s0 =	simm.s32 @!p2 $0x0  }
0x16: {  	s3 =	sld [smem:$0x3FDB];
	s0 =	simm.s32 @p2 $0x1  }
0x17: {  	s4 =	simm.s32 $0x1BF5;
	[smem:$0x3FBA] =	sst s0  }
0x18: {  	s0 =	sld [smem:$0x3F9D];
	_ =	swait.ge [sflag:s4], $0x0  }
0x19: {  	s7 =	sld [smem:$0x3F9E]  }
0x1a: {  	s8 =	sadd.s32 $0xFFFFE003, lr  }
0x1b: {  	s9 =	sadd.s32 $0xFFFFFEF7, lr;
	s5 =	simm.s32 $0xFFFFFFFF;
	p2 =	slt.u32 s8, $0xFFFFF086  }
0x1c: {  	p1 =	slt.u32 s9, $0xF7A;
	s5 =	simm.s32 @!p2 $0x0  }
0x1d: {  	s5 =	simm.s32 @p1 $0x1;
	p0 =	seq.s32 s7, s2  }
0x1e: {  	s7 =	smul.u32 @!p0 $0xF7A, s2;
	p2 =	seq.s32 @!p0 s5, $0x0  }
0x1f: {  	s9 =	smul.u32 $0xF7A, s1;
	s8 =	simm.s32 @!p0 $0x1BF5;
	p2 =	por !p2, p0  }
0x20: {  	[sflag:s8] =	ssyncset.s32 @!p0 $0xFFFFF086;
	s6 =	sadd.s32 @!p0 s3, s7;
	s7 =	simm.s32 @!p0 $0x108  }
0x21: {  	s3 =	sadd.s32 s3, s9;
	s6 =	sadd.s32 @!p0 $0x88, s6;
	s7 =	simm.s32 @p2 $0x1082  }
0x22: {  	[simem:s7], [sflag:s8] =	dma.local @!p0 [hbm:s6], $0xF7A  }
0x23: {  	s9 =	sor.u32 $0xD0000000, s2;
	s6 =	simm.s32 $0x108;
	_ =	swait.ge @!p0 [sflag:s8], $0x0  }
0x24: {  	s3 =	sadd.s32 $0x88, s3;
	s6 =	simm.s32 @!p1 $0x1082;
	[sflag:s4] =	ssyncset.s32 $0xFFFFF086  }
0x25: {  	[simem:s6], [sflag:s4] =	dma.local [hbm:s3], $0xF7A  }
0x26: {  	[smem:$0x3F9E] =	sst s1;
	(tag) =	ssettag s2;
	_ =	strace s9  }
0x27: {  	s1 =	sld [smem:$0x3FAE]  }
0x28: {  	s2 =	sld [smem:$0x3FAF]  }
0x29: {  	s4 =	sld [smem:$0x3FB1]  }
0x2a: {  	p0 =	seq.s32 s5, $0x0;
	s5 =	sld [smem:$0x3FB2]  }
0x2b: {  	s6 =	sld [smem:$0x3FB3]  }
0x2c: {  	s7 =	sld [smem:$0x3FB4]  }
0x2d: {  	s3 =	simm.s32 $0x108;
	s8 =	sld [smem:$0x3FB5]  }
0x2e: {  	s3 =	simm.s32 @!p0 $0x1082;
	s9 =	sld [smem:$0x3FB6]  }
0x2f: {  	lr =	sadd.s32 s0, s3;
	s0 =	sld [smem:$0x3FAD]  }
0x30: {  	s3 =	sld [smem:$0x3FB0]  }
0x31: {  	[smem:$0x3FB9] =	sst s10  }
0x32: {  	s10 =	sld [smem:$0x3FB7];
	_ =	sdelay $0x3  }
0x33: {  	p0 =	seq.s32 s10, $0x1;
	s10 =	sld [smem:$0x3FB9];
	_ =	sdelay $0x3  }
0x34: {  	[smem:$0x3FB9] =	sst s10  }
0x35: {  	s10 =	sld [smem:$0x3FB8];
	_ =	sdelay $0x3  }
0x36: {  	p1 =	seq.s32 s10, $0x1;
	s10 =	sld [smem:$0x3FB9];
	_ =	sdelay $0x3  }
0x37: {  	[smem:$0x3FB9] =	sst s10  }
0x38: {  	s10 =	sld [smem:$0x3FBA]  }
0x39: {  	_ = 	snop;
	(pc) =	sbr.ind lr, $3  }
0x3a: {  	_ = 	snop  }
0x3b: {  	_ = 	snop  }
0x3c: {  	p2 =	seq.s32 s10, $0x1;
	s10 =	sld [smem:$0x3FB9]  }
0x3d: {  	_ =	shalt  }
0x3e: {  	_ =	shalt  }
0x3f: {  	_ =	shalt  }
0x40: {  	_ =	shalt  }
0x41: {  	_ =	shalt  }
0x42: {  	_ =	shalt  }
0x43: {  	_ =	shalt  }
0x44: {  	_ =	shalt  }
0x45: {  	_ =	shalt  }
0x46: {  	_ =	shalt  }
0x47: {  	_ =	shalt  }
0x48: {  	_ =	shalt  }
0x49: {  	_ =	shalt  }
0x4a: {  	_ =	shalt  }
0x4b: {  	_ =	shalt  }
0x4c: {  	_ =	shalt  }
0x4d: {  	_ =	shalt  }
0x4e: {  	_ =	shalt  }
0x4f: {  	_ =	shalt  }
0x50: {  	_ =	shalt  }
0x51: {  	_ =	shalt  }
0x52: {  	_ =	shalt  }
0x53: {  	_ =	shalt  }
0x54: {  	_ =	shalt  }
0x55: {  	_ =	shalt  }
0x56: {  	_ =	shalt  }
0x57: {  	_ =	shalt  }
0x58: {  	_ =	shalt  }
0x59: {  	_ =	shalt  }
0x5a: {  	_ =	shalt  }
0x5b: {  	_ =	shalt  }
0x5c: {  	_ =	shalt  }
0x5d: {  	_ =	shalt  }
0x5e: {  	_ =	shalt  }
0x5f: {  	_ =	shalt  }
0x60: {  	_ =	shalt  }
0x61: {  	_ =	shalt  }
0x62: {  	_ =	shalt  }
0x63: {  	_ =	shalt  }
0x64: {  	_ =	shalt  }
0x65: {  	_ =	shalt  }
0x66: {  	_ =	shalt  }
0x67: {  	_ =	shalt  }
0x68: {  	_ =	shalt  }
0x69: {  	_ =	shalt  }
0x6a: {  	_ =	shalt  }
0x6b: {  	_ =	shalt  }
0x6c: {  	_ =	shalt  }
0x6d: {  	_ =	shalt  }
0x6e: {  	_ =	shalt  }
0x6f: {  	_ =	shalt  }
0x70: {  	_ =	shalt  }
0x71: {  	_ =	shalt  }
0x72: {  	_ =	shalt  }
0x73: {  	_ =	shalt  }
0x74: {  	_ =	shalt  }
0x75: {  	_ =	shalt  }
0x76: {  	_ =	shalt  }
0x77: {  	_ =	shalt  }
0x78: {  	_ =	shalt  }
0x79: {  	_ =	shalt  }
0x7a: {  	_ =	shalt  }
0x7b: {  	_ =	shalt  }
0x7c: {  	_ =	shalt  }
0x7d: {  	_ =	shalt  }
0x7e: {  	_ =	shalt  }
0x7f: {  	_ =	shalt  }
0x80: {  	_ =	shalt  }
0x81: {  	_ =	shalt  }
0x82: {  	_ =	shalt  }
0x83: {  	_ =	shalt  }
0x84: {  	_ =	shalt  }
0x85: {  	_ =	shalt  }
0x86: {  	_ =	shalt  }
0x87: {  	_ =	shalt  }
.Lfunc_end0:
.L_simem_size_0:
called_computation.3_lowered:
.L_overlay_start_0:
0x88: {  	s2 =	sld [smem:$0x3FD9]  }
0x89: {  	s3 =	sld [smem:$0x3FFE];
	_ =	sdelay $0x1  }
0x8a: {  	s1 =	srdreg.scid  }
0x8b: {  	s0 =	sand.u32 $0x1, s1  }
0x8c: {  	s17 =	sshll.u32 s0, $0xA;
	s2 =	sadd.s32 s3, s2  }
0x8d: {  	s2 =	sadd.s32 s2, s17  }
0x8e: {  	[smem:$0x3FC5] =	sst s2  }
0x8f: {  	_ = 	snop  }
0x90: {  	(tm) =	ssettm $0x1  }
0x91: {  	s18 =	sld [smem:$0x3FFB];
	_ =	sdelay $0x3  }
0x92: {  	_ =	strace s18  }
0x93: {  	s2 =	sld [smem:$0x3FFC];
	_ =	sdelay $0x3  }
0x94: {  	_ =	strace s2  }
0x95: {  	s2 =	sld [smem:$0x3FFD];
	_ =	sdelay $0x3  }
0x96: {  	_ =	strace s2  }
0x97: {  	_ =	strace $0x8FFFFFFF  }
0x98: {  	s19 =	sld [smem:$0x3FDB];
	_ =	sdelay $0x1  }
0x99: {  	s20 =	simm.s32 $_scs_section_size  }
0x9a: {  	s4 =	simm.s32 $_size__tile_overlayer_lowered;
	s5 =	simm.s32 $_tile_overlayer_lowered  }
0x9b: {  	s6 =	simm.s32 $0x1BFF;
	s21 =	sshll.u32 s5, $0x1;
	s3 =	sadd.s32 s20, s19  }
0x9c: {  	s22 =	simm.s32 $0x0;
	s4 =	sshll.u32 s4, $0x1;
	s5 =	sadd.s32 s21, s3  }
0x9d: {  	[timem:s22], [sflag:s6] =	dma.local [hbm:s5], s4  }
0x9e: {  	_ =	swait.ge [sflag:s6], s4  }
0x9f: {  	s4 =	ssub.s32 $0x0, s4;
	[sflag:s6] =	ssyncset.done $0x0  }
0xa0: {  	[sflag:s6] =	ssyncadd.s32 s4;
	_ =	sdelay $0x1  }
0xa1: {  	s23 =	simm.s32 $0x1B8B  }
0xa2: {  	_ =	swait.ge [sflag:s23], $0x1  }
0xa3: {  	[sflag:s23] =	ssyncset.done $0x0  }
0xa4: {  	[sflag:s23] =	ssyncadd.s32 $0xFFFFFFFF  }
0xa5: {  	s4 =	sld [smem:$0x0]  }
0xa6: {  	s5 =	sand.u32 $0xFFFFFFFE, s1  }
0xa7: {  	p0 =	sne.s32 s1, s5  }
0xa8: {  	s5 =	sshll.u32 @p0 s5, $0xE  }
0xa9: {  	s5 =	sadd.s32 @p0 $0x11B8D, s5;
	s6 =	sshll.u32 @p0 s4, $0x11  }
0xaa: {  	s5 =	sor.u32 @p0 s6, s5  }
0xab: {  	[sflag:s5] =	ssyncadd.remote.s32 @p0 $0x1;
	_ =	sdelay $0x1  }
0xac: {  	s5 =	simm.s32 @p0 $0x1B8D  }
0xad: {  	_ =	swait.eq @p0 [sflag:s5], $0x1  }
0xae: {  	[sflag:s5] =	ssyncadd.s32 @p0 $0xFFFFFFFF  }
0xaf: {  	s6 =	sshll.u32 @!p0 s1, $0xE  }
0xb0: {  	s6 =	sor.u32 @!p0 $0x4000, s6;
	s5 =	simm.s32 @!p0 $0x1B8D  }
0xb1: {  	s4 =	sshll.u32 @!p0 s4, $0x11;
	s6 =	sadd.s32 @!p0 $0x11B8D, s6;
	_ =	swait.eq @!p0 [sflag:s5], $0x1  }
0xb2: {  	s4 =	sor.u32 @!p0 s4, s6;
	[sflag:s5] =	ssyncadd.s32 @!p0 $0xFFFFFFFF  }
0xb3: {  	s25 =	simm.s32 $0x1B8E;
	s24 =	sld [smem:$0x3FFE];
	[sflag:s4] =	ssyncadd.remote.s32 @!p0 $0x1  }
0xb4: {  	s26 =	simm.s32 $execute0_lowered;
	[smem:$0x3FD2] =	sst s25  }
0xb5: {  	s5 =	sshll.u32 s26, $0x1;
	_ =	strace $0x80000052;
	[dreg:$0x1] =	wrdreg $0xFFFFFFFF  }
0xb6: {  	s28 =	simm.s32 $_size_execute0_lowered;
	s3 =	sadd.s32 s3, s5;
	[dreg:$0x0] =	wrdreg $0x0  }
0xb7: {  	s5 =	sshll.u32 s28, $0x1;
	[dreg:$0x2] =	wrdreg s3  }
0xb8: {  	[dreg:$0x3] =	wrdreg s5  }
0xb9: {  	[dreg:$0x4] =	wrdreg $0xC0  }
0xba: {  	_ =	task [dreg:s22], $0x5FFFF  }
0xbb: {  	[dreg:$0x1] =	wrdreg $0xFFFFFFFF  }
0xbc: {  	[dreg:$0x0] =	wrdreg $0x60  }
0xbd: {  	[dreg:$0x2] =	wrdreg s24  }
0xbe: {  	[dreg:$0x3] =	wrdreg $0xC  }
0xbf: {  	_ =	task.clear_ibuf [dreg:s22], $0x4FFFF;
	_ =	strace $0x90000052  }
0xc0: {  	s29 =	simm.s32 $0xC;
	_ =	strace $0x80000054  }
0xc1: {  	_ =	swait.ge [sflag:s29], $0x1  }
0xc2: {  	[sflag:s29] =	ssyncadd.s32 $0xFFFFFFFF  }
0xc3: {  	_ =	strace $0x90000054  }
0xc4: {  	_ =	sfence  }
0xc5: {  	s30 =	sld [smem:$0x0];
	_ =	sdelay $0x2  }
0xc6: {  	s31 =	sshll.u32 s1, $0xD;
	s1 =	sshrl.u32 s1, $0x2  }
0xc7: {  	s4 =	sand.u32 $0x4000, s31;
	s1 =	sadd.s32 s1, s30  }
0xc8: {  	s0 =	sor.u32 s4, s0;
	s1 =	sshll.u32 s1, $0x11  }
0xc9: {  	s0 =	sor.u32 s1, s0  }
0xca: {  	s0 =	sadd.s32 $0x8F2B, s0  }
0xcb: {  	[sflag:s0] =	ssyncadd.remote.s32 $0x1  }
0xcc: {  	_ =	sfence.sel $0xFFFF  }
0xcd: {  	[dreg:$0x0] =	wrdreg $0xFFFFFFFF;
	(pc) =	sbr.abs _section_cstart, $3  }
0xce: {  	[dreg:$0x1] =	wrdreg $0xFFFFFFFF  }
0xcf: {  	_ =	task.clear_ibuf [dreg:s22], $0x2FFFF;
	_ =	strace $0x9FFFFFFF  }
0xd0: {  	(tm) =	ssettm $0x7FFFFFFF  }
0xd1: {  	_ =	shalt  }
tec
execute0_lowered:
.L_overlay_start_1:
0x0: {  	(tag) =	ssettag $0x1  }
0x1: {  	s0 =	srdreg.scid  }
0x2: {  	s1 =	rddreg [dreg:$0x0];
	s7 =	stileid.u32;
	s2 =	simm.s32 $0x0  }
0x3: {  	s11 =	simm.s32 $0x380;
	s10 =	simm.s32 $0xBB80;
	s12 =	simm.s32 $0xC380  }
0x4: {  	s13 =	simm.s32 $0xCB80;
	s14 =	simm.s32 $0xD380;
	s15 =	simm.s32 $0xDB80  }
0x5: {  	s16 =	simm.s32 $0xE380;
	s17 =	simm.s32 $0xEB80;
	s18 =	simm.s32 $0xF380  }
0x6: {  	s19 =	simm.s32 $0xFB80;
	s20 =	simm.s32 $0x10380;
	s21 =	simm.s32 $0x10B80  }
0x7: {  	s22 =	simm.s32 $0x11380;
	s23 =	simm.s32 $0x11B80;
	s24 =	simm.s32 $0x12380  }
0x8: {  	s25 =	simm.s32 $0x12B80;
	s26 =	simm.s32 $0x13380;
	s28 =	simm.s32 $0x13B80  }
0x9: {  	s29 =	simm.s32 $0x2;
	s30 =	simm.s32 $0x0;
	s0 =	sand.u32 $0x1, s0  }
0xa: {  	[smem:$0x7FF] =	sst s2;
	s9 =	smul.u32 $0x19000, s7;
	s3 =	sshll.u32 s0, $0x4  }
0xb: {  	_ =	strace $0x80000053;
	s5 =	smul.u32 $0x190000, s0;
	s0 =	ssub.s32 $0x2, s0  }
0xc: {  	s3 =	sor.u32 s7, s3;
	s6 =	sshrl.u32 s0, $0x1;
	s7 =	sadd.s32 $0x3300, s1  }
0xd: {  	s3 =	smul.u32 $0x320, s3;
	s8 =	sadd.s32 s5, s1;
	s0 =	ssub.s32 s0, s6  }
.Ltmp0:
0xe: {  	s5 =	sadd.s32 $0x3100, s1;
	s6 =	sadd.s32 $0x3200, s1;
	(pc) =	sbr.rel .LBB2_1-.Ltmp0, $4  }
0xf: {  	s0 =	smax.u32 s0, $0x1;
	s31 =	sadd.s32 s9, s8;
	s4 =	sshrl.u32 s3, $0x3  }
0x10: {  	v2 =	vlaneseq.u32;
	s8 =	simm.s32 $0xAB80;
	s3 =	sadd.s32 $0x3000, s1;
	s4 =	sadd.s32 s4, s1  }
0x11: {  	vm0 =	vmmov $0xffff;
	v1 =	vshrl.u32 v2, $0x3;
	[dreg:$0x3] =	wrdreg s0;
	s9 =	sadd.s32 $0xCA9400, s31;
	s4 =	sadd.s32 $0x24E00, s4  }
0x12: {  	v0 =	vand.u32 $0x7, v2;
	v2 =	vor.u32 $0x8, v2;
	v1 =	vmul.u32 $0x8, v1;
	s0 =	simm.s32 $0x1;
	s1 =	simm.s32 $0xA380;
	[dreg:$0x2] =	wrdreg s4  }
.LBB2_5:
0x13: {  	_ =	swait.ge [sflag:s29], $0xA000  }
0x14: {  	s30 =	rddreg [dreg:$0x4]  }
0x15: {  	s4 =	rddreg [dreg:$0x3];
	s30 =	sadd.s32 $0x1, s30  }
0x16: {  	p0 =	sne.s32 s30, s4  }
.Ltmp1:
0x17: {  	_ = 	snop;
	(pc) =	sbr.rel @!p0 .LBB2_6-.Ltmp1, $3  }
0x18: {  	_ =	sdelay $0x1  }
0x19: {  	[sflag:s29] =	ssyncset.done $0x0  }
0x1a: {  	[sflag:s29] =	ssyncadd.s32 $0xFFFF6000  }
.LBB2_1:
0x1b: {  	s4 =	rddreg [dreg:$0x2]  }
0x1c: {  	[tilespmem:s2], [sflag:$0x3] =	stream.linear.gather [hbm4b:s4+s2], $0x320, $0x38;
	[tilespmem:$0x14380] =	vst v63  }
0x1d: {  	[dreg:$0x4] =	wrdreg s30;
	s4 =	simm.s32 $0x3  }
0x1e: {  	_ =	swait.ge [sflag:s4], $0x320  }
0x1f: {  	[sflag:s4] =	ssyncset.done $0x0  }
0x20: {  	[sflag:s4] =	ssyncadd.s32 $0xFFFFFCE0  }
0x21: {  	v3 =	vld [tilespmem:$0x0];
	_ =	sdelay $0x4  }
0x22: {  	v4 =	vshll.u32 v3, $0x3  }
0x23: {  	v3 =	vand.u32 $0x7, v3;
	v4 =	vand.u32 $0xFFFFFFC0, v4  }
0x24: {  	v3 =	vor.u32 v3, v4  }
0x25: {  	v4 =	vperm.xlane v3, v0;
	_ =	sdelay $0x1  }
0x26: {  	v4 =	vadd.s32 v1, v4;
	_ =	sdelay $0x4  }
0x27: {  	[tilespmem:s11], [sflag:$0x1] =	stream.indirect_vreg.gather [hbm4b:s3+s2], $0x80, v4, vm0, $0xb8;
	[tilespmem:$0x14380] =	vst v63  }
0x28: {  	s4 =	simm.s32 $0xB80;
	v3 =	vperm.xlane v3, v2  }
0x29: {  	[tilespmem:s4], [sflag:$0x1] =	stream.indirect_vreg.gather [hbm4b:s5+s2], $0x80, v4, vm0, $0xb8;
	[tilespmem:$0x14380] =	vst v63  }
0x2a: {  	v3 =	vadd.s32 v1, v3;
	s4 =	simm.s32 $0x1380  }
0x2b: {  	[tilespmem:s4], [sflag:$0x1] =	stream.indirect_vreg.gather [hbm4b:s6+s2], $0x80, v4, vm0, $0xb8;
	[tilespmem:$0x14380] =	vst v63  }
0x2c: {  	s4 =	simm.s32 $0x1B80  }
0x2d: {  	[tilespmem:s4], [sflag:$0x1] =	stream.indirect_vreg.gather [hbm4b:s7+s2], $0x80, v4, vm0, $0xb8;
	[tilespmem:$0x14380] =	vst v63  }
0x2e: {  	s4 =	simm.s32 $0x2380  }
0x2f: {  	[tilespmem:s4], [sflag:$0x1] =	stream.indirect_vreg.gather [hbm4b:s3+s2], $0x80, v3, vm0, $0xb8;
	[tilespmem:$0x14380] =	vst v63  }
0x30: {  	s4 =	simm.s32 $0x2B80  }
0x31: {  	[tilespmem:s4], [sflag:$0x1] =	stream.indirect_vreg.gather [hbm4b:s5+s2], $0x80, v3, vm0, $0xb8;
	[tilespmem:$0x14380] =	vst v63  }
0x32: {  	s4 =	simm.s32 $0x3380  }
0x33: {  	[tilespmem:s4], [sflag:$0x1] =	stream.indirect_vreg.gather [hbm4b:s6+s2], $0x80, v3, vm0, $0xb8;
	[tilespmem:$0x14380] =	vst v63  }
0x34: {  	s4 =	simm.s32 $0x3B80  }
0x35: {  	[tilespmem:s4], [sflag:$0x1] =	stream.indirect_vreg.gather [hbm4b:s7+s2], $0x80, v3, vm0, $0xb8;
	[tilespmem:$0x14380] =	vst v63  }
0x36: {  	v3 =	vld [tilespmem:$0x10];
	_ =	sdelay $0x4  }
0x37: {  	v62 =	vshll.u32 v3, $0x3  }
0x38: {  	v3 =	vand.u32 $0x7, v3;
	v4 =	vand.u32 $0xFFFFFFC0, v62  }
0x39: {  	v3 =	vor.u32 v3, v4  }
0x3a: {  	v4 =	vperm.xlane v3, v0;
	_ =	sdelay $0x1  }
0x3b: {  	v4 =	vadd.s32 v1, v4;
	_ =	sdelay $0x3  }
0x3c: {  	s4 =	simm.s32 $0x4380  }
0x3d: {  	[tilespmem:s4], [sflag:$0x1] =	stream.indirect_vreg.gather [hbm4b:s3+s2], $0x80, v4, vm0, $0xb8;
	[tilespmem:$0x14380] =	vst v63  }
0x3e: {  	v3 =	vperm.xlane v3, v2;
	s4 =	simm.s32 $0x4B80  }
0x3f: {  	[tilespmem:s4], [sflag:$0x1] =	stream.indirect_vreg.gather [hbm4b:s5+s2], $0x80, v4, vm0, $0xb8;
	[tilespmem:$0x14380] =	vst v63  }
0x40: {  	v3 =	vadd.s32 v1, v3;
	s4 =	simm.s32 $0x5380  }
0x41: {  	[tilespmem:s4], [sflag:$0x1] =	stream.indirect_vreg.gather [hbm4b:s6+s2], $0x80, v4, vm0, $0xb8;
	[tilespmem:$0x14380] =	vst v63  }
0x42: {  	s4 =	simm.s32 $0x5B80  }
0x43: {  	[tilespmem:s4], [sflag:$0x1] =	stream.indirect_vreg.gather [hbm4b:s7+s2], $0x80, v4, vm0, $0xb8;
	[tilespmem:$0x14380] =	vst v63  }
0x44: {  	s4 =	simm.s32 $0x6380  }
0x45: {  	[tilespmem:s4], [sflag:$0x1] =	stream.indirect_vreg.gather [hbm4b:s3+s2], $0x80, v3, vm0, $0xb8;
	[tilespmem:$0x14380] =	vst v63  }
0x46: {  	s4 =	simm.s32 $0x6B80  }
0x47: {  	[tilespmem:s4], [sflag:$0x1] =	stream.indirect_vreg.gather [hbm4b:s5+s2], $0x80, v3, vm0, $0xb8;
	[tilespmem:$0x14380] =	vst v63  }
0x48: {  	s4 =	simm.s32 $0x7380  }
0x49: {  	[tilespmem:s4], [sflag:$0x1] =	stream.indirect_vreg.gather [hbm4b:s6+s2], $0x80, v3, vm0, $0xb8;
	[tilespmem:$0x14380] =	vst v63  }
0x4a: {  	s4 =	simm.s32 $0x7B80  }
0x4b: {  	[tilespmem:s4], [sflag:$0x1] =	stream.indirect_vreg.gather [hbm4b:s7+s2], $0x80, v3, vm0, $0xb8;
	[tilespmem:$0x14380] =	vst v63  }
0x4c: {  	v3 =	vld.msk [tilespmem:$0x20], $0xff;
	_ =	sdelay $0x4  }
0x4d: {  	v63 =	vshll.u32 v3, $0x3  }
0x4e: {  	v3 =	vand.u32 $0x7, v3;
	v4 =	vand.u32 $0xFFFFFFC0, v63  }
0x4f: {  	v3 =	vor.u32 v3, v4  }
0x50: {  	v3 =	vperm.xlane v3, v0;
	_ =	sdelay $0x1  }
0x51: {  	v3 =	vadd.s32 v1, v3;
	_ =	sdelay $0x3  }
0x52: {  	s4 =	simm.s32 $0x8380  }
0x53: {  	[tilespmem:s4], [sflag:$0x1] =	stream.indirect_vreg.gather [hbm4b:s3+s2], $0x80, v3, vm0, $0xb8;
	[tilespmem:$0x14380] =	vst v63  }
0x54: {  	s4 =	simm.s32 $0x8B80  }
0x55: {  	[tilespmem:s4], [sflag:$0x1] =	stream.indirect_vreg.gather [hbm4b:s5+s2], $0x80, v3, vm0, $0xb8;
	[tilespmem:$0x14380] =	vst v63  }
.Ltmp2:
0x56: {  	_ = 	snop;
	(pc) =	sbr.rel .LBB2_2-.Ltmp2, $4  }
0x57: {  	s4 =	simm.s32 $0x9380  }
0x58: {  	[tilespmem:s4], [sflag:$0x1] =	stream.indirect_vreg.gather [hbm4b:s6+s2], $0x80, v3, vm0, $0xb8;
	[tilespmem:$0x14380] =	vst v63  }
0x59: {  	s30 =	simm.s32 $0x38;
	s31 =	simm.s32 $0x0;
	s4 =	simm.s32 $0x9B80  }
0x5a: {  	[tilespmem:s4], [sflag:$0x1] =	stream.indirect_vreg.gather [hbm4b:s7+s2], $0x80, v3, vm0, $0xb8;
	[tilespmem:$0x14380] =	vst v63  }
.LBB2_4:
0x5b: {  	s31 =	sadd.s32 $0x2800, s31  }
0x5c: {  	p0 =	sne.s32 s31, $0x19000  }
.Ltmp3:
0x5d: {  	_ = 	snop;
	(pc) =	sbr.rel @!p0 .LBB2_5-.Ltmp3, $3  }
0x5e: {  	_ =	sdelay $0x1  }
0x5f: {  	s4 =	sadd.s32 $0x1400, s4;
	s30 =	sadd.s32 $0x50, s30  }
0x60: {  	[hbm4b:s4+s2] =	stream.linear.scatter [tilespmem:s1], [sflag:$0x2], $0xA000, $0x38;
	[tilespmem:$0x14380] =	vst v63  }
.LBB2_2:
0x61: {  	_ =	swait.ge [sflag:s0], $0xA000  }
0x62: {  	p0 =	seq.s32 s31, $0x0;
	[sflag:s0] =	ssyncset.done $0x0  }
0x63: {  	s4 =	simm.s32 @!p0 $0x2;
	[sflag:s0] =	ssyncadd.s32 $0xFFFF6000  }
0x64: {  	_ =	swait.ge @!p0 [sflag:s4], $0xA000  }
0x65: {  	[sflag:s4] =	ssyncset.done @!p0 $0x0  }
0x66: {  	[sflag:s4] =	ssyncadd.s32 @!p0 $0xFFFF6000  }
0x67: {  	v3 =	vld [tilespmem:s30+$0xFFFFFFF0];
	_ =	sdelay $0x4  }
0x68: {  	v4 =	vshll.u32 v3, $0x3  }
0x69: {  	v3 =	vand.u32 $0x7, v3;
	v4 =	vand.u32 $0xFFFFFFC0, v4  }
0x6a: {  	v3 =	vor.u32 v3, v4  }
0x6b: {  	v4 =	vperm.xlane v3, v0;
	_ =	sdelay $0x1  }
0x6c: {  	v4 =	vadd.s32 v1, v4;
	_ =	sdelay $0x4  }
0x6d: {  	[tilespmem:s1], [sflag:$0x1] =	stream.indirect_vreg.gather [hbm4b:s3+s2], $0x80, v4, vm0, $0xb8;
	[tilespmem:$0x14380] =	vst v63  }
0x6e: {  	v3 =	vperm.xlane v3, v2  }
0x6f: {  	[tilespmem:s8], [sflag:$0x1] =	stream.indirect_vreg.gather [hbm4b:s5+s2], $0x80, v4, vm0, $0xb8;
	[tilespmem:$0x14380] =	vst v63  }
0x70: {  	s4 =	simm.s32 $0xB380;
	v3 =	vadd.s32 v1, v3  }
0x71: {  	[tilespmem:s4], [sflag:$0x1] =	stream.indirect_vreg.gather [hbm4b:s6+s2], $0x80, v4, vm0, $0xb8;
	[tilespmem:$0x14380] =	vst v63  }
0x72: {  	_ = 	snop  }
0x73: {  	[tilespmem:s10], [sflag:$0x1] =	stream.indirect_vreg.gather [hbm4b:s7+s2], $0x80, v4, vm0, $0xb8;
	[tilespmem:$0x14380] =	vst v63  }
0x74: {  	_ = 	snop  }
0x75: {  	[tilespmem:s12], [sflag:$0x1] =	stream.indirect_vreg.gather [hbm4b:s3+s2], $0x80, v3, vm0, $0xb8;
	[tilespmem:$0x14380] =	vst v63  }
0x76: {  	_ = 	snop  }
0x77: {  	[tilespmem:s13], [sflag:$0x1] =	stream.indirect_vreg.gather [hbm4b:s5+s2], $0x80, v3, vm0, $0xb8;
	[tilespmem:$0x14380] =	vst v63  }
0x78: {  	_ = 	snop  }
0x79: {  	[tilespmem:s14], [sflag:$0x1] =	stream.indirect_vreg.gather [hbm4b:s6+s2], $0x80, v3, vm0, $0xb8;
	[tilespmem:$0x14380] =	vst v63  }
0x7a: {  	_ = 	snop  }
0x7b: {  	[tilespmem:s15], [sflag:$0x1] =	stream.indirect_vreg.gather [hbm4b:s7+s2], $0x80, v3, vm0, $0xb8;
	[tilespmem:$0x14380] =	vst v63  }
0x7c: {  	v3 =	vld [tilespmem:s30+$0x0];
	_ =	sdelay $0x4  }
0x7d: {  	v62 =	vshll.u32 v3, $0x3  }
0x7e: {  	v3 =	vand.u32 $0x7, v3;
	v4 =	vand.u32 $0xFFFFFFC0, v62  }
0x7f: {  	v3 =	vor.u32 v3, v4  }
0x80: {  	v4 =	vperm.xlane v3, v0;
	_ =	sdelay $0x1  }
0x81: {  	v4 =	vadd.s32 v1, v4;
	_ =	sdelay $0x4  }
0x82: {  	[tilespmem:s16], [sflag:$0x1] =	stream.indirect_vreg.gather [hbm4b:s3+s2], $0x80, v4, vm0, $0xb8;
	[tilespmem:$0x14380] =	vst v63  }
0x83: {  	v3 =	vperm.xlane v3, v2  }
0x84: {  	[tilespmem:s17], [sflag:$0x1] =	stream.indirect_vreg.gather [hbm4b:s5+s2], $0x80, v4, vm0, $0xb8;
	[tilespmem:$0x14380] =	vst v63  }
0x85: {  	v3 =	vadd.s32 v1, v3  }
0x86: {  	[tilespmem:s18], [sflag:$0x1] =	stream.indirect_vreg.gather [hbm4b:s6+s2], $0x80, v4, vm0, $0xb8;
	[tilespmem:$0x14380] =	vst v63  }
0x87: {  	_ = 	snop  }
0x88: {  	[tilespmem:s19], [sflag:$0x1] =	stream.indirect_vreg.gather [hbm4b:s7+s2], $0x80, v4, vm0, $0xb8;
	[tilespmem:$0x14380] =	vst v63  }
0x89: {  	_ = 	snop  }
0x8a: {  	[tilespmem:s20], [sflag:$0x1] =	stream.indirect_vreg.gather [hbm4b:s3+s2], $0x80, v3, vm0, $0xb8;
	[tilespmem:$0x14380] =	vst v63  }
0x8b: {  	_ = 	snop  }
0x8c: {  	[tilespmem:s21], [sflag:$0x1] =	stream.indirect_vreg.gather [hbm4b:s5+s2], $0x80, v3, vm0, $0xb8;
	[tilespmem:$0x14380] =	vst v63  }
0x8d: {  	_ = 	snop  }
0x8e: {  	[tilespmem:s22], [sflag:$0x1] =	stream.indirect_vreg.gather [hbm4b:s6+s2], $0x80, v3, vm0, $0xb8;
	[tilespmem:$0x14380] =	vst v63  }
0x8f: {  	_ = 	snop  }
0x90: {  	[tilespmem:s23], [sflag:$0x1] =	stream.indirect_vreg.gather [hbm4b:s7+s2], $0x80, v3, vm0, $0xb8;
	[tilespmem:$0x14380] =	vst v63  }
0x91: {  	v3 =	vld.msk [tilespmem:s30+$0x10], $0xff;
	_ =	sdelay $0x4  }
0x92: {  	v63 =	vshll.u32 v3, $0x3  }
0x93: {  	v3 =	vand.u32 $0x7, v3;
	v4 =	vand.u32 $0xFFFFFFC0, v63  }
0x94: {  	v3 =	vor.u32 v3, v4  }
0x95: {  	v3 =	vperm.xlane v3, v0;
	_ =	sdelay $0x1  }
0x96: {  	v3 =	vadd.s32 v1, v3;
	_ =	sdelay $0x4  }
0x97: {  	[tilespmem:s24], [sflag:$0x1] =	stream.indirect_vreg.gather [hbm4b:s3+s2], $0x80, v3, vm0, $0xb8;
	[tilespmem:$0x14380] =	vst v63  }
0x98: {  	_ = 	snop  }
0x99: {  	[tilespmem:s25], [sflag:$0x1] =	stream.indirect_vreg.gather [hbm4b:s5+s2], $0x80, v3, vm0, $0xb8;
	[tilespmem:$0x14380] =	vst v63  }
0x9a: {  	_ = 	snop  }
0x9b: {  	[tilespmem:s26], [sflag:$0x1] =	stream.indirect_vreg.gather [hbm4b:s6+s2], $0x80, v3, vm0, $0xb8;
	[tilespmem:$0x14380] =	vst v63  }
0x9c: {  	_ = 	snop  }
0x9d: {  	[tilespmem:s28], [sflag:$0x1] =	stream.indirect_vreg.gather [hbm4b:s7+s2], $0x80, v3, vm0, $0xb8;
	[tilespmem:$0x14380] =	vst v63  }
0x9e: {  	s4 =	sadd.s32 s31, s9  }
0x9f: {  	[hbm4b:s4+s2] =	stream.linear.scatter [tilespmem:s11], [sflag:$0x2], $0xA000, $0x38;
	[tilespmem:$0x14380] =	vst v63  }
0xa0: {  	p0 =	seq.s32 s31, $0x16800;
	_ =	swait.ge [sflag:s0], $0xA000  }
.Ltmp4:
0xa1: {  	[sflag:s0] =	ssyncset.done $0x0;
	(pc) =	sbr.rel @p0 .LBB2_4-.Ltmp4, $4  }
0xa2: {  	[sflag:s0] =	ssyncadd.s32 $0xFFFF6000  }
0xa3: {  	_ =	swait.ge [sflag:s29], $0xA000  }
0xa4: {  	[sflag:s29] =	ssyncset.done $0x0  }
0xa5: {  	[sflag:s29] =	ssyncadd.s32 $0xFFFF6000  }
0xa6: {  	v3 =	vld [tilespmem:s30+$0x18];
	_ =	sdelay $0x4  }
0xa7: {  	v4 =	vshll.u32 v3, $0x3  }
0xa8: {  	v3 =	vand.u32 $0x7, v3;
	v4 =	vand.u32 $0xFFFFFFC0, v4  }
0xa9: {  	v3 =	vor.u32 v3, v4  }
0xaa: {  	v4 =	vperm.xlane v3, v0;
	_ =	sdelay $0x1  }
0xab: {  	v4 =	vadd.s32 v1, v4;
	_ =	sdelay $0x4  }
0xac: {  	[tilespmem:s11], [sflag:$0x1] =	stream.indirect_vreg.gather [hbm4b:s3+s2], $0x80, v4, vm0, $0xb8;
	[tilespmem:$0x14380] =	vst v63  }
0xad: {  	s8 =	simm.s32 $0xB80;
	v3 =	vperm.xlane v3, v2  }
0xae: {  	[tilespmem:s8], [sflag:$0x1] =	stream.indirect_vreg.gather [hbm4b:s5+s2], $0x80, v4, vm0, $0xb8;
	[tilespmem:$0x14380] =	vst v63  }
0xaf: {  	v3 =	vadd.s32 v1, v3;
	s8 =	simm.s32 $0x1380  }
0xb0: {  	[tilespmem:s8], [sflag:$0x1] =	stream.indirect_vreg.gather [hbm4b:s6+s2], $0x80, v4, vm0, $0xb8;
	[tilespmem:$0x14380] =	vst v63  }
0xb1: {  	s8 =	simm.s32 $0x1B80  }
0xb2: {  	[tilespmem:s8], [sflag:$0x1] =	stream.indirect_vreg.gather [hbm4b:s7+s2], $0x80, v4, vm0, $0xb8;
	[tilespmem:$0x14380] =	vst v63  }
0xb3: {  	s8 =	simm.s32 $0x2380  }
0xb4: {  	[tilespmem:s8], [sflag:$0x1] =	stream.indirect_vreg.gather [hbm4b:s3+s2], $0x80, v3, vm0, $0xb8;
	[tilespmem:$0x14380] =	vst v63  }
0xb5: {  	s8 =	simm.s32 $0x2B80  }
0xb6: {  	[tilespmem:s8], [sflag:$0x1] =	stream.indirect_vreg.gather [hbm4b:s5+s2], $0x80, v3, vm0, $0xb8;
	[tilespmem:$0x14380] =	vst v63  }
0xb7: {  	s8 =	simm.s32 $0x3380  }
0xb8: {  	[tilespmem:s8], [sflag:$0x1] =	stream.indirect_vreg.gather [hbm4b:s6+s2], $0x80, v3, vm0, $0xb8;
	[tilespmem:$0x14380] =	vst v63  }
0xb9: {  	s8 =	simm.s32 $0x3B80  }
0xba: {  	[tilespmem:s8], [sflag:$0x1] =	stream.indirect_vreg.gather [hbm4b:s7+s2], $0x80, v3, vm0, $0xb8;
	[tilespmem:$0x14380] =	vst v63  }
0xbb: {  	v3 =	vld [tilespmem:s30+$0x28];
	_ =	sdelay $0x4  }
0xbc: {  	v62 =	vshll.u32 v3, $0x3  }
0xbd: {  	v3 =	vand.u32 $0x7, v3;
	v4 =	vand.u32 $0xFFFFFFC0, v62  }
0xbe: {  	v3 =	vor.u32 v3, v4  }
0xbf: {  	v4 =	vperm.xlane v3, v0;
	_ =	sdelay $0x1  }
0xc0: {  	v4 =	vadd.s32 v1, v4;
	_ =	sdelay $0x3  }
0xc1: {  	s8 =	simm.s32 $0x4380  }
0xc2: {  	[tilespmem:s8], [sflag:$0x1] =	stream.indirect_vreg.gather [hbm4b:s3+s2], $0x80, v4, vm0, $0xb8;
	[tilespmem:$0x14380] =	vst v63  }
0xc3: {  	v3 =	vperm.xlane v3, v2;
	s8 =	simm.s32 $0x4B80  }
0xc4: {  	[tilespmem:s8], [sflag:$0x1] =	stream.indirect_vreg.gather [hbm4b:s5+s2], $0x80, v4, vm0, $0xb8;
	[tilespmem:$0x14380] =	vst v63  }
0xc5: {  	v3 =	vadd.s32 v1, v3;
	s8 =	simm.s32 $0x5380  }
0xc6: {  	[tilespmem:s8], [sflag:$0x1] =	stream.indirect_vreg.gather [hbm4b:s6+s2], $0x80, v4, vm0, $0xb8;
	[tilespmem:$0x14380] =	vst v63  }
0xc7: {  	s8 =	simm.s32 $0x5B80  }
0xc8: {  	[tilespmem:s8], [sflag:$0x1] =	stream.indirect_vreg.gather [hbm4b:s7+s2], $0x80, v4, vm0, $0xb8;
	[tilespmem:$0x14380] =	vst v63  }
0xc9: {  	s8 =	simm.s32 $0x6380  }
0xca: {  	[tilespmem:s8], [sflag:$0x1] =	stream.indirect_vreg.gather [hbm4b:s3+s2], $0x80, v3, vm0, $0xb8;
	[tilespmem:$0x14380] =	vst v63  }
0xcb: {  	s8 =	simm.s32 $0x6B80  }
0xcc: {  	[tilespmem:s8], [sflag:$0x1] =	stream.indirect_vreg.gather [hbm4b:s5+s2], $0x80, v3, vm0, $0xb8;
	[tilespmem:$0x14380] =	vst v63  }
0xcd: {  	s8 =	simm.s32 $0x7380  }
0xce: {  	[tilespmem:s8], [sflag:$0x1] =	stream.indirect_vreg.gather [hbm4b:s6+s2], $0x80, v3, vm0, $0xb8;
	[tilespmem:$0x14380] =	vst v63  }
0xcf: {  	s8 =	simm.s32 $0x7B80  }
0xd0: {  	[tilespmem:s8], [sflag:$0x1] =	stream.indirect_vreg.gather [hbm4b:s7+s2], $0x80, v3, vm0, $0xb8;
	[tilespmem:$0x14380] =	vst v63  }
0xd1: {  	v3 =	vld.msk [tilespmem:s30+$0x38], $0xff;
	_ =	sdelay $0x4  }
0xd2: {  	v63 =	vshll.u32 v3, $0x3  }
0xd3: {  	v3 =	vand.u32 $0x7, v3;
	v4 =	vand.u32 $0xFFFFFFC0, v63  }
0xd4: {  	v3 =	vor.u32 v3, v4  }
0xd5: {  	v3 =	vperm.xlane v3, v0;
	_ =	sdelay $0x1  }
0xd6: {  	v3 =	vadd.s32 v1, v3;
	_ =	sdelay $0x3  }
0xd7: {  	s8 =	simm.s32 $0x8380  }
0xd8: {  	[tilespmem:s8], [sflag:$0x1] =	stream.indirect_vreg.gather [hbm4b:s3+s2], $0x80, v3, vm0, $0xb8;
	[tilespmem:$0x14380] =	vst v63  }
0xd9: {  	s8 =	simm.s32 $0x8B80  }
0xda: {  	[tilespmem:s8], [sflag:$0x1] =	stream.indirect_vreg.gather [hbm4b:s5+s2], $0x80, v3, vm0, $0xb8;
	[tilespmem:$0x14380] =	vst v63  }
.Ltmp5:
0xdb: {  	s8 =	simm.s32 $0x9380;
	(pc) =	sbr.rel .LBB2_4-.Ltmp5, $4  }
0xdc: {  	[tilespmem:s8], [sflag:$0x1] =	stream.indirect_vreg.gather [hbm4b:s6+s2], $0x80, v3, vm0, $0xb8;
	[tilespmem:$0x14380] =	vst v63  }
0xdd: {  	s8 =	simm.s32 $0x9B80  }
0xde: {  	[tilespmem:s8], [sflag:$0x1] =	stream.indirect_vreg.gather [hbm4b:s7+s2], $0x80, v3, vm0, $0xb8;
	[tilespmem:$0x14380] =	vst v63  }
0xdf: {  	s8 =	simm.s32 $0xAB80  }
.LBB2_6:
0xe0: {  	_ =	sfence.sel $0x180000  }
0xe1: {  	[bflag:$0x0] =	sbarrier.arrive $0xFFFF  }
0xe2: {  	_ =	strace $0x90000053  }
0xe3: {  	s0 =	stileid.u32;
	[bflag:$0x2] =	sbarrier.arrive $0xFFFF  }
0xe4: {  	p0 =	sne.s32 s0, $0x0;
	s0 =	rddreg [dreg:$0x1]  }
0xe5: {  	s0 =	sadd.s32 @!p0 $0x100000, s0  }
0xe6: {  	[sflag:s0] =	ssyncadd.tile.s32 @!p0 $0x1;
	_ =	shalt  }
.Lfunc_end2:
_tile_overlayer_lowered:
.L_overlay_start_2:
0xe7: {  	(tag) =	ssettag $0x2  }
0xe8: {  	s0 =	rddreg [dreg:$0x0];
	s2 =	stileid.u32  }
0xe9: {  	s1 =	rddreg [dreg:$0x1];
	p0 =	sne.s32 s2, $0x0  }
0xea: {  	s3 =	rddreg [dreg:$0x2];
	[bflag:$0x3] =	sbarrier.arrive $0xFFFF;
	s2 =	simm.s32 @!p0 $0x1C03  }
0xeb: {  	[timem:s3], [sflag:s2] =	dma.local @!p0 [hbm:s0], s1  }
0xec: {  	s0 =	simm.s32 @!p0 $0x3  }
0xed: {  	_ =	swait.ge @!p0 [sflag:s0], s1  }
0xee: {  	s1 =	ssub.s32 @!p0 $0x0, s1;
	[sflag:s0] =	ssyncset.done @!p0 $0x0  }
0xef: {  	[sflag:s0] =	ssyncadd.s32 @!p0 s1  }
0xf0: {  	[bflag:$0x3] =	sbarrier.arrive $0xFFFF  }
0xf1: {  	_ =	shalt  }

// kernel: kernel.33.cloned.1.call-start
scs
__scs_entry_jumppad:
0x0: {  	(pc) =	sbr.rel $0x88, $3  }
0x1: {  	(tag) =	ssettag $0x0;
	lr =	simm.s32 $0x1  }
0x2: {  	[smem:$0x3F9E] =	sst lr;
	_ =	strace $0xD0000000  }
0x3: {  	_ = 	snop  }
0x4: {  	_ = 	snop  }
0x5: {  	_ = 	snop  }
0x6: {  	_ = 	snop  }
0x7: {  	_ = 	snop  }
__scs_overlays_trampoline_lowered:
0x8: {  	[smem:$0x3FAD] =	sst s0  }
0x9: {  	[smem:$0x3FAE] =	sst s1  }
0xa: {  	[smem:$0x3FAF] =	sst s2  }
0xb: {  	[smem:$0x3FB0] =	sst s3  }
0xc: {  	[smem:$0x3FB1] =	sst s4  }
0xd: {  	[smem:$0x3FB2] =	sst s5  }
0xe: {  	[smem:$0x3FB3] =	sst s6  }
0xf: {  	[smem:$0x3FB4] =	sst s7  }
0x10: {  	[smem:$0x3FB5] =	sst s8  }
0x11: {  	[smem:$0x3FB6] =	sst s9;
	s0 =	simm.s32 @!p0 $0x0  }
0x12: {  	s1 =	sld [smem:$0x3F9C];
	s0 =	simm.s32 @p0 $0x1  }
0x13: {  	[smem:$0x3FB7] =	sst s0;
	s0 =	simm.s32 @!p1 $0x0  }
0x14: {  	s2 =	sld [smem:$0x3F9B];
	s0 =	simm.s32 @p1 $0x1  }
0x15: {  	[smem:$0x3FB8] =	sst s0;
	s0 =	simm.s32 @!p2 $0x0  }
0x16: {  	s3 =	sld [smem:$0x3FDB];
	s0 =	simm.s32 @p2 $0x1  }
0x17: {  	s4 =	simm.s32 $0x1BF5;
	[smem:$0x3FBA] =	sst s0  }
0x18: {  	s0 =	sld [smem:$0x3F9D];
	_ =	swait.ge [sflag:s4], $0x0  }
0x19: {  	s7 =	sld [smem:$0x3F9E]  }
0x1a: {  	s8 =	sadd.s32 $0xFFFFE003, lr  }
0x1b: {  	s9 =	sadd.s32 $0xFFFFFEF7, lr;
	s5 =	simm.s32 $0xFFFFFFFF;
	p2 =	slt.u32 s8, $0xFFFFF086  }
0x1c: {  	p1 =	slt.u32 s9, $0xF7A;
	s5 =	simm.s32 @!p2 $0x0  }
0x1d: {  	s5 =	simm.s32 @p1 $0x1;
	p0 =	seq.s32 s7, s2  }
0x1e: {  	s7 =	smul.u32 @!p0 $0xF7A, s2;
	p2 =	seq.s32 @!p0 s5, $0x0  }
0x1f: {  	s9 =	smul.u32 $0xF7A, s1;
	s8 =	simm.s32 @!p0 $0x1BF5;
	p2 =	por !p2, p0  }
0x20: {  	[sflag:s8] =	ssyncset.s32 @!p0 $0xFFFFF086;
	s6 =	sadd.s32 @!p0 s3, s7;
	s7 =	simm.s32 @!p0 $0x108  }
0x21: {  	s3 =	sadd.s32 s3, s9;
	s6 =	sadd.s32 @!p0 $0x88, s6;
	s7 =	simm.s32 @p2 $0x1082  }
0x22: {  	[simem:s7], [sflag:s8] =	dma.local @!p0 [hbm:s6], $0xF7A  }
0x23: {  	s9 =	sor.u32 $0xD0000000, s2;
	s6 =	simm.s32 $0x108;
	_ =	swait.ge @!p0 [sflag:s8], $0x0  }
0x24: {  	s3 =	sadd.s32 $0x88, s3;
	s6 =	simm.s32 @!p1 $0x1082;
	[sflag:s4] =	ssyncset.s32 $0xFFFFF086  }
0x25: {  	[simem:s6], [sflag:s4] =	dma.local [hbm:s3], $0xF7A  }
0x26: {  	[smem:$0x3F9E] =	sst s1;
	(tag) =	ssettag s2;
	_ =	strace s9  }
0x27: {  	s1 =	sld [smem:$0x3FAE]  }
0x28: {  	s2 =	sld [smem:$0x3FAF]  }
0x29: {  	s4 =	sld [smem:$0x3FB1]  }
0x2a: {  	p0 =	seq.s32 s5, $0x0;
	s5 =	sld [smem:$0x3FB2]  }
0x2b: {  	s6 =	sld [smem:$0x3FB3]  }
0x2c: {  	s7 =	sld [smem:$0x3FB4]  }
0x2d: {  	s3 =	simm.s32 $0x108;
	s8 =	sld [smem:$0x3FB5]  }
0x2e: {  	s3 =	simm.s32 @!p0 $0x1082;
	s9 =	sld [smem:$0x3FB6]  }
0x2f: {  	lr =	sadd.s32 s0, s3;
	s0 =	sld [smem:$0x3FAD]  }
0x30: {  	s3 =	sld [smem:$0x3FB0]  }
0x31: {  	[smem:$0x3FB9] =	sst s10  }
0x32: {  	s10 =	sld [smem:$0x3FB7];
	_ =	sdelay $0x3  }
0x33: {  	p0 =	seq.s32 s10, $0x1;
	s10 =	sld [smem:$0x3FB9];
	_ =	sdelay $0x3  }
0x34: {  	[smem:$0x3FB9] =	sst s10  }
0x35: {  	s10 =	sld [smem:$0x3FB8];
	_ =	sdelay $0x3  }
0x36: {  	p1 =	seq.s32 s10, $0x1;
	s10 =	sld [smem:$0x3FB9];
	_ =	sdelay $0x3  }
0x37: {  	[smem:$0x3FB9] =	sst s10  }
0x38: {  	s10 =	sld [smem:$0x3FBA]  }
0x39: {  	_ = 	snop;
	(pc) =	sbr.ind lr, $3  }
0x3a: {  	_ = 	snop  }
0x3b: {  	_ = 	snop  }
0x3c: {  	p2 =	seq.s32 s10, $0x1;
	s10 =	sld [smem:$0x3FB9]  }
0x3d: {  	_ =	shalt  }
0x3e: {  	_ =	shalt  }
0x3f: {  	_ =	shalt  }
0x40: {  	_ =	shalt  }
0x41: {  	_ =	shalt  }
0x42: {  	_ =	shalt  }
0x43: {  	_ =	shalt  }
0x44: {  	_ =	shalt  }
0x45: {  	_ =	shalt  }
0x46: {  	_ =	shalt  }
0x47: {  	_ =	shalt  }
0x48: {  	_ =	shalt  }
0x49: {  	_ =	shalt  }
0x4a: {  	_ =	shalt  }
0x4b: {  	_ =	shalt  }
0x4c: {  	_ =	shalt  }
0x4d: {  	_ =	shalt  }
0x4e: {  	_ =	shalt  }
0x4f: {  	_ =	shalt  }
0x50: {  	_ =	shalt  }
0x51: {  	_ =	shalt  }
0x52: {  	_ =	shalt  }
0x53: {  	_ =	shalt  }
0x54: {  	_ =	shalt  }
0x55: {  	_ =	shalt  }
0x56: {  	_ =	shalt  }
0x57: {  	_ =	shalt  }
0x58: {  	_ =	shalt  }
0x59: {  	_ =	shalt  }
0x5a: {  	_ =	shalt  }
0x5b: {  	_ =	shalt  }
0x5c: {  	_ =	shalt  }
0x5d: {  	_ =	shalt  }
0x5e: {  	_ =	shalt  }
0x5f: {  	_ =	shalt  }
0x60: {  	_ =	shalt  }
0x61: {  	_ =	shalt  }
0x62: {  	_ =	shalt  }
0x63: {  	_ =	shalt  }
0x64: {  	_ =	shalt  }
0x65: {  	_ =	shalt  }
0x66: {  	_ =	shalt  }
0x67: {  	_ =	shalt  }
0x68: {  	_ =	shalt  }
0x69: {  	_ =	shalt  }
0x6a: {  	_ =	shalt  }
0x6b: {  	_ =	shalt  }
0x6c: {  	_ =	shalt  }
0x6d: {  	_ =	shalt  }
0x6e: {  	_ =	shalt  }
0x6f: {  	_ =	shalt  }
0x70: {  	_ =	shalt  }
0x71: {  	_ =	shalt  }
0x72: {  	_ =	shalt  }
0x73: {  	_ =	shalt  }
0x74: {  	_ =	shalt  }
0x75: {  	_ =	shalt  }
0x76: {  	_ =	shalt  }
0x77: {  	_ =	shalt  }
0x78: {  	_ =	shalt  }
0x79: {  	_ =	shalt  }
0x7a: {  	_ =	shalt  }
0x7b: {  	_ =	shalt  }
0x7c: {  	_ =	shalt  }
0x7d: {  	_ =	shalt  }
0x7e: {  	_ =	shalt  }
0x7f: {  	_ =	shalt  }
0x80: {  	_ =	shalt  }
0x81: {  	_ =	shalt  }
0x82: {  	_ =	shalt  }
0x83: {  	_ =	shalt  }
0x84: {  	_ =	shalt  }
0x85: {  	_ =	shalt  }
0x86: {  	_ =	shalt  }
0x87: {  	_ =	shalt  }
.Lfunc_end0:
.L_simem_size_0:
called_computation.4_lowered:
.L_overlay_start_0:
0x88: {  	s2 =	sld [smem:$0x3FD9]  }
0x89: {  	s3 =	sld [smem:$0x3FFE];
	_ =	sdelay $0x1  }
0x8a: {  	s1 =	srdreg.scid  }
0x8b: {  	s0 =	sand.u32 $0x1, s1  }
0x8c: {  	s17 =	sshll.u32 s0, $0xA;
	s2 =	sadd.s32 s3, s2  }
0x8d: {  	s2 =	sadd.s32 s2, s17  }
0x8e: {  	[smem:$0x3FC5] =	sst s2  }
0x8f: {  	_ = 	snop  }
0x90: {  	(tm) =	ssettm $0x1  }
0x91: {  	s18 =	sld [smem:$0x3FFB];
	_ =	sdelay $0x3  }
0x92: {  	_ =	strace s18  }
0x93: {  	s2 =	sld [smem:$0x3FFC];
	_ =	sdelay $0x3  }
0x94: {  	_ =	strace s2  }
0x95: {  	s2 =	sld [smem:$0x3FFD];
	_ =	sdelay $0x3  }
0x96: {  	_ =	strace s2  }
0x97: {  	_ =	strace $0x8FFFFFFF  }
0x98: {  	s19 =	sld [smem:$0x3FDB];
	_ =	sdelay $0x1  }
0x99: {  	s20 =	simm.s32 $_scs_section_size  }
0x9a: {  	s4 =	simm.s32 $_size__tile_overlayer_lowered;
	s5 =	simm.s32 $_tile_overlayer_lowered  }
0x9b: {  	s6 =	simm.s32 $0x1BFF;
	s21 =	sshll.u32 s5, $0x1;
	s3 =	sadd.s32 s20, s19  }
0x9c: {  	s22 =	simm.s32 $0x0;
	s4 =	sshll.u32 s4, $0x1;
	s5 =	sadd.s32 s21, s3  }
0x9d: {  	[timem:s22], [sflag:s6] =	dma.local [hbm:s5], s4  }
0x9e: {  	_ =	swait.ge [sflag:s6], s4  }
0x9f: {  	s4 =	ssub.s32 $0x0, s4;
	[sflag:s6] =	ssyncset.done $0x0  }
0xa0: {  	[sflag:s6] =	ssyncadd.s32 s4;
	_ =	sdelay $0x1  }
0xa1: {  	s23 =	simm.s32 $0x1B8B  }
0xa2: {  	_ =	swait.ge [sflag:s23], $0x1  }
0xa3: {  	[sflag:s23] =	ssyncset.done $0x0  }
0xa4: {  	[sflag:s23] =	ssyncadd.s32 $0xFFFFFFFF  }
0xa5: {  	s4 =	sld [smem:$0x0]  }
0xa6: {  	s5 =	sand.u32 $0xFFFFFFFE, s1  }
0xa7: {  	p0 =	sne.s32 s1, s5  }
0xa8: {  	s5 =	sshll.u32 @p0 s5, $0xE  }
0xa9: {  	s5 =	sadd.s32 @p0 $0x11B8D, s5;
	s6 =	sshll.u32 @p0 s4, $0x11  }
0xaa: {  	s5 =	sor.u32 @p0 s6, s5  }
0xab: {  	[sflag:s5] =	ssyncadd.remote.s32 @p0 $0x1;
	_ =	sdelay $0x1  }
0xac: {  	s5 =	simm.s32 @p0 $0x1B8D  }
0xad: {  	_ =	swait.eq @p0 [sflag:s5], $0x1  }
0xae: {  	[sflag:s5] =	ssyncadd.s32 @p0 $0xFFFFFFFF  }
0xaf: {  	s6 =	sshll.u32 @!p0 s1, $0xE  }
0xb0: {  	s6 =	sor.u32 @!p0 $0x4000, s6;
	s5 =	simm.s32 @!p0 $0x1B8D  }
0xb1: {  	s4 =	sshll.u32 @!p0 s4, $0x11;
	s6 =	sadd.s32 @!p0 $0x11B8D, s6;
	_ =	swait.eq @!p0 [sflag:s5], $0x1  }
0xb2: {  	s4 =	sor.u32 @!p0 s4, s6;
	[sflag:s5] =	ssyncadd.s32 @!p0 $0xFFFFFFFF  }
0xb3: {  	s25 =	simm.s32 $0x1B8E;
	s24 =	sld [smem:$0x3FFE];
	[sflag:s4] =	ssyncadd.remote.s32 @!p0 $0x1  }
0xb4: {  	s26 =	simm.s32 $execute0_lowered;
	[smem:$0x3FD2] =	sst s25  }
0xb5: {  	s5 =	sshll.u32 s26, $0x1;
	_ =	strace $0x80000055;
	[dreg:$0x1] =	wrdreg $0xFFFFFFFF  }
0xb6: {  	s28 =	simm.s32 $_size_execute0_lowered;
	s3 =	sadd.s32 s3, s5;
	[dreg:$0x0] =	wrdreg $0x0  }
0xb7: {  	s5 =	sshll.u32 s28, $0x1;
	[dreg:$0x2] =	wrdreg s3  }
0xb8: {  	[dreg:$0x3] =	wrdreg s5  }
0xb9: {  	[dreg:$0x4] =	wrdreg $0xC0  }
0xba: {  	_ =	task [dreg:s22], $0x5FFFF  }
0xbb: {  	[dreg:$0x1] =	wrdreg $0xFFFFFFFF  }
0xbc: {  	[dreg:$0x0] =	wrdreg $0x60  }
0xbd: {  	[dreg:$0x2] =	wrdreg s24  }
0xbe: {  	[dreg:$0x3] =	wrdreg $0xD  }
0xbf: {  	_ =	task.clear_ibuf [dreg:s22], $0x4FFFF;
	_ =	strace $0x90000055  }
0xc0: {  	s29 =	simm.s32 $0xD;
	_ =	strace $0x80000057  }
0xc1: {  	_ =	swait.ge [sflag:s29], $0x1  }
0xc2: {  	[sflag:s29] =	ssyncadd.s32 $0xFFFFFFFF  }
0xc3: {  	_ =	strace $0x90000057  }
0xc4: {  	_ =	sfence  }
0xc5: {  	s30 =	sld [smem:$0x0];
	_ =	sdelay $0x2  }
0xc6: {  	s31 =	sshll.u32 s1, $0xD;
	s1 =	sshrl.u32 s1, $0x2  }
0xc7: {  	s4 =	sand.u32 $0x4000, s31;
	s1 =	sadd.s32 s1, s30  }
0xc8: {  	s0 =	sor.u32 s4, s0;
	s1 =	sshll.u32 s1, $0x11  }
0xc9: {  	s0 =	sor.u32 s1, s0  }
0xca: {  	s0 =	sadd.s32 $0x8F2B, s0  }
0xcb: {  	[sflag:s0] =	ssyncadd.remote.s32 $0x1  }
0xcc: {  	_ =	sfence.sel $0xFFFF  }
0xcd: {  	[dreg:$0x0] =	wrdreg $0xFFFFFFFF;
	(pc) =	sbr.abs _section_cstart, $3  }
0xce: {  	[dreg:$0x1] =	wrdreg $0xFFFFFFFF  }
0xcf: {  	_ =	task.clear_ibuf [dreg:s22], $0x2FFFF;
	_ =	strace $0x9FFFFFFF  }
0xd0: {  	(tm) =	ssettm $0x7FFFFFFF  }
0xd1: {  	_ =	shalt  }
tec
execute0_lowered:
.L_overlay_start_1:
0x0: {  	(tag) =	ssettag $0x1  }
0x1: {  	s0 =	srdreg.scid  }
0x2: {  	s1 =	rddreg [dreg:$0x0];
	s7 =	stileid.u32;
	s2 =	simm.s32 $0x0  }
0x3: {  	s11 =	simm.s32 $0x380;
	s10 =	simm.s32 $0xBB80;
	s12 =	simm.s32 $0xC380  }
0x4: {  	s13 =	simm.s32 $0xCB80;
	s14 =	simm.s32 $0xD380;
	s15 =	simm.s32 $0xDB80  }
0x5: {  	s16 =	simm.s32 $0xE380;
	s17 =	simm.s32 $0xEB80;
	s18 =	simm.s32 $0xF380  }
0x6: {  	s19 =	simm.s32 $0xFB80;
	s20 =	simm.s32 $0x10380;
	s21 =	simm.s32 $0x10B80  }
0x7: {  	s22 =	simm.s32 $0x11380;
	s23 =	simm.s32 $0x11B80;
	s24 =	simm.s32 $0x12380  }
0x8: {  	s25 =	simm.s32 $0x12B80;
	s26 =	simm.s32 $0x13380;
	s28 =	simm.s32 $0x13B80  }
0x9: {  	s29 =	simm.s32 $0x2;
	s30 =	simm.s32 $0x0;
	s0 =	sand.u32 $0x1, s0  }
0xa: {  	[smem:$0x7FF] =	sst s2;
	s9 =	smul.u32 $0x19000, s7;
	s3 =	sshll.u32 s0, $0x4  }
0xb: {  	_ =	strace $0x80000056;
	s5 =	smul.u32 $0x190000, s0;
	s0 =	ssub.s32 $0x2, s0  }
0xc: {  	s3 =	sor.u32 s7, s3;
	s6 =	sshrl.u32 s0, $0x1;
	s7 =	sadd.s32 $0x3300, s1  }
0xd: {  	s3 =	smul.u32 $0x320, s3;
	s8 =	sadd.s32 s5, s1;
	s0 =	ssub.s32 s0, s6  }
.Ltmp0:
0xe: {  	s5 =	sadd.s32 $0x3100, s1;
	s6 =	sadd.s32 $0x3200, s1;
	(pc) =	sbr.rel .LBB2_1-.Ltmp0, $4  }
0xf: {  	s0 =	smax.u32 s0, $0x1;
	s31 =	sadd.s32 s9, s8;
	s4 =	sshrl.u32 s3, $0x3  }
0x10: {  	v2 =	vlaneseq.u32;
	s8 =	simm.s32 $0xAB80;
	s3 =	sadd.s32 $0x3000, s1;
	s4 =	sadd.s32 s4, s1  }
0x11: {  	vm0 =	vmmov $0xffff;
	v1 =	vshrl.u32 v2, $0x3;
	[dreg:$0x3] =	wrdreg s0;
	s9 =	sadd.s32 $0xFC9400, s31;
	s4 =	sadd.s32 $0x25C00, s4  }
0x12: {  	v0 =	vand.u32 $0x7, v2;
	v2 =	vor.u32 $0x8, v2;
	v1 =	vmul.u32 $0x8, v1;
	s0 =	simm.s32 $0x1;
	s1 =	simm.s32 $0xA380;
	[dreg:$0x2] =	wrdreg s4  }
.LBB2_5:
0x13: {  	_ =	swait.ge [sflag:s29], $0xA000  }
0x14: {  	s30 =	rddreg [dreg:$0x4]  }
0x15: {  	s4 =	rddreg [dreg:$0x3];
	s30 =	sadd.s32 $0x1, s30  }
0x16: {  	p0 =	sne.s32 s30, s4  }
.Ltmp1:
0x17: {  	_ = 	snop;
	(pc) =	sbr.rel @!p0 .LBB2_6-.Ltmp1, $3  }
0x18: {  	_ =	sdelay $0x1  }
0x19: {  	[sflag:s29] =	ssyncset.done $0x0  }
0x1a: {  	[sflag:s29] =	ssyncadd.s32 $0xFFFF6000  }
.LBB2_1:
0x1b: {  	s4 =	rddreg [dreg:$0x2]  }
0x1c: {  	[tilespmem:s2], [sflag:$0x3] =	stream.linear.gather [hbm4b:s4+s2], $0x320, $0x38;
	[tilespmem:$0x14380] =	vst v63  }
0x1d: {  	[dreg:$0x4] =	wrdreg s30;
	s4 =	simm.s32 $0x3  }
0x1e: {  	_ =	swait.ge [sflag:s4], $0x320  }
0x1f: {  	[sflag:s4] =	ssyncset.done $0x0  }
0x20: {  	[sflag:s4] =	ssyncadd.s32 $0xFFFFFCE0  }
0x21: {  	v3 =	vld [tilespmem:$0x0];
	_ =	sdelay $0x4  }
0x22: {  	v4 =	vshll.u32 v3, $0x3  }
0x23: {  	v3 =	vand.u32 $0x7, v3;
	v4 =	vand.u32 $0xFFFFFFC0, v4  }
0x24: {  	v3 =	vor.u32 v3, v4  }
0x25: {  	v4 =	vperm.xlane v3, v0;
	_ =	sdelay $0x1  }
0x26: {  	v4 =	vadd.s32 v1, v4;
	_ =	sdelay $0x4  }
0x27: {  	[tilespmem:s11], [sflag:$0x1] =	stream.indirect_vreg.gather [hbm4b:s3+s2], $0x80, v4, vm0, $0xb8;
	[tilespmem:$0x14380] =	vst v63  }
0x28: {  	s4 =	simm.s32 $0xB80;
	v3 =	vperm.xlane v3, v2  }
0x29: {  	[tilespmem:s4], [sflag:$0x1] =	stream.indirect_vreg.gather [hbm4b:s5+s2], $0x80, v4, vm0, $0xb8;
	[tilespmem:$0x14380] =	vst v63  }
0x2a: {  	v3 =	vadd.s32 v1, v3;
	s4 =	simm.s32 $0x1380  }
0x2b: {  	[tilespmem:s4], [sflag:$0x1] =	stream.indirect_vreg.gather [hbm4b:s6+s2], $0x80, v4, vm0, $0xb8;
	[tilespmem:$0x14380] =	vst v63  }
0x2c: {  	s4 =	simm.s32 $0x1B80  }
0x2d: {  	[tilespmem:s4], [sflag:$0x1] =	stream.indirect_vreg.gather [hbm4b:s7+s2], $0x80, v4, vm0, $0xb8;
	[tilespmem:$0x14380] =	vst v63  }
0x2e: {  	s4 =	simm.s32 $0x2380  }
0x2f: {  	[tilespmem:s4], [sflag:$0x1] =	stream.indirect_vreg.gather [hbm4b:s3+s2], $0x80, v3, vm0, $0xb8;
	[tilespmem:$0x14380] =	vst v63  }
0x30: {  	s4 =	simm.s32 $0x2B80  }
0x31: {  	[tilespmem:s4], [sflag:$0x1] =	stream.indirect_vreg.gather [hbm4b:s5+s2], $0x80, v3, vm0, $0xb8;
	[tilespmem:$0x14380] =	vst v63  }
0x32: {  	s4 =	simm.s32 $0x3380  }
0x33: {  	[tilespmem:s4], [sflag:$0x1] =	stream.indirect_vreg.gather [hbm4b:s6+s2], $0x80, v3, vm0, $0xb8;
	[tilespmem:$0x14380] =	vst v63  }
0x34: {  	s4 =	simm.s32 $0x3B80  }
0x35: {  	[tilespmem:s4], [sflag:$0x1] =	stream.indirect_vreg.gather [hbm4b:s7+s2], $0x80, v3, vm0, $0xb8;
	[tilespmem:$0x14380] =	vst v63  }
0x36: {  	v3 =	vld [tilespmem:$0x10];
	_ =	sdelay $0x4  }
0x37: {  	v62 =	vshll.u32 v3, $0x3  }
0x38: {  	v3 =	vand.u32 $0x7, v3;
	v4 =	vand.u32 $0xFFFFFFC0, v62  }
0x39: {  	v3 =	vor.u32 v3, v4  }
0x3a: {  	v4 =	vperm.xlane v3, v0;
	_ =	sdelay $0x1  }
0x3b: {  	v4 =	vadd.s32 v1, v4;
	_ =	sdelay $0x3  }
0x3c: {  	s4 =	simm.s32 $0x4380  }
0x3d: {  	[tilespmem:s4], [sflag:$0x1] =	stream.indirect_vreg.gather [hbm4b:s3+s2], $0x80, v4, vm0, $0xb8;
	[tilespmem:$0x14380] =	vst v63  }
0x3e: {  	v3 =	vperm.xlane v3, v2;
	s4 =	simm.s32 $0x4B80  }
0x3f: {  	[tilespmem:s4], [sflag:$0x1] =	stream.indirect_vreg.gather [hbm4b:s5+s2], $0x80, v4, vm0, $0xb8;
	[tilespmem:$0x14380] =	vst v63  }
0x40: {  	v3 =	vadd.s32 v1, v3;
	s4 =	simm.s32 $0x5380  }
0x41: {  	[tilespmem:s4], [sflag:$0x1] =	stream.indirect_vreg.gather [hbm4b:s6+s2], $0x80, v4, vm0, $0xb8;
	[tilespmem:$0x14380] =	vst v63  }
0x42: {  	s4 =	simm.s32 $0x5B80  }
0x43: {  	[tilespmem:s4], [sflag:$0x1] =	stream.indirect_vreg.gather [hbm4b:s7+s2], $0x80, v4, vm0, $0xb8;
	[tilespmem:$0x14380] =	vst v63  }
0x44: {  	s4 =	simm.s32 $0x6380  }
0x45: {  	[tilespmem:s4], [sflag:$0x1] =	stream.indirect_vreg.gather [hbm4b:s3+s2], $0x80, v3, vm0, $0xb8;
	[tilespmem:$0x14380] =	vst v63  }
0x46: {  	s4 =	simm.s32 $0x6B80  }
0x47: {  	[tilespmem:s4], [sflag:$0x1] =	stream.indirect_vreg.gather [hbm4b:s5+s2], $0x80, v3, vm0, $0xb8;
	[tilespmem:$0x14380] =	vst v63  }
0x48: {  	s4 =	simm.s32 $0x7380  }
0x49: {  	[tilespmem:s4], [sflag:$0x1] =	stream.indirect_vreg.gather [hbm4b:s6+s2], $0x80, v3, vm0, $0xb8;
	[tilespmem:$0x14380] =	vst v63  }
0x4a: {  	s4 =	simm.s32 $0x7B80  }
0x4b: {  	[tilespmem:s4], [sflag:$0x1] =	stream.indirect_vreg.gather [hbm4b:s7+s2], $0x80, v3, vm0, $0xb8;
	[tilespmem:$0x14380] =	vst v63  }
0x4c: {  	v3 =	vld.msk [tilespmem:$0x20], $0xff;
	_ =	sdelay $0x4  }
0x4d: {  	v63 =	vshll.u32 v3, $0x3  }
0x4e: {  	v3 =	vand.u32 $0x7, v3;
	v4 =	vand.u32 $0xFFFFFFC0, v63  }
0x4f: {  	v3 =	vor.u32 v3, v4  }
0x50: {  	v3 =	vperm.xlane v3, v0;
	_ =	sdelay $0x1  }
0x51: {  	v3 =	vadd.s32 v1, v3;
	_ =	sdelay $0x3  }
0x52: {  	s4 =	simm.s32 $0x8380  }
0x53: {  	[tilespmem:s4], [sflag:$0x1] =	stream.indirect_vreg.gather [hbm4b:s3+s2], $0x80, v3, vm0, $0xb8;
	[tilespmem:$0x14380] =	vst v63  }
0x54: {  	s4 =	simm.s32 $0x8B80  }
0x55: {  	[tilespmem:s4], [sflag:$0x1] =	stream.indirect_vreg.gather [hbm4b:s5+s2], $0x80, v3, vm0, $0xb8;
	[tilespmem:$0x14380] =	vst v63  }
.Ltmp2:
0x56: {  	_ = 	snop;
	(pc) =	sbr.rel .LBB2_2-.Ltmp2, $4  }
0x57: {  	s4 =	simm.s32 $0x9380  }
0x58: {  	[tilespmem:s4], [sflag:$0x1] =	stream.indirect_vreg.gather [hbm4b:s6+s2], $0x80, v3, vm0, $0xb8;
	[tilespmem:$0x14380] =	vst v63  }
0x59: {  	s30 =	simm.s32 $0x38;
	s31 =	simm.s32 $0x0;
	s4 =	simm.s32 $0x9B80  }
0x5a: {  	[tilespmem:s4], [sflag:$0x1] =	stream.indirect_vreg.gather [hbm4b:s7+s2], $0x80, v3, vm0, $0xb8;
	[tilespmem:$0x14380] =	vst v63  }
.LBB2_4:
0x5b: {  	s31 =	sadd.s32 $0x2800, s31  }
0x5c: {  	p0 =	sne.s32 s31, $0x19000  }
.Ltmp3:
0x5d: {  	_ = 	snop;
	(pc) =	sbr.rel @!p0 .LBB2_5-.Ltmp3, $3  }
0x5e: {  	_ =	sdelay $0x1  }
0x5f: {  	s4 =	sadd.s32 $0x1400, s4;
	s30 =	sadd.s32 $0x50, s30  }
0x60: {  	[hbm4b:s4+s2] =	stream.linear.scatter [tilespmem:s1], [sflag:$0x2], $0xA000, $0x38;
	[tilespmem:$0x14380] =	vst v63  }
.LBB2_2:
0x61: {  	_ =	swait.ge [sflag:s0], $0xA000  }
0x62: {  	p0 =	seq.s32 s31, $0x0;
	[sflag:s0] =	ssyncset.done $0x0  }
0x63: {  	s4 =	simm.s32 @!p0 $0x2;
	[sflag:s0] =	ssyncadd.s32 $0xFFFF6000  }
0x64: {  	_ =	swait.ge @!p0 [sflag:s4], $0xA000  }
0x65: {  	[sflag:s4] =	ssyncset.done @!p0 $0x0  }
0x66: {  	[sflag:s4] =	ssyncadd.s32 @!p0 $0xFFFF6000  }
0x67: {  	v3 =	vld [tilespmem:s30+$0xFFFFFFF0];
	_ =	sdelay $0x4  }
0x68: {  	v4 =	vshll.u32 v3, $0x3  }
0x69: {  	v3 =	vand.u32 $0x7, v3;
	v4 =	vand.u32 $0xFFFFFFC0, v4  }
0x6a: {  	v3 =	vor.u32 v3, v4  }
0x6b: {  	v4 =	vperm.xlane v3, v0;
	_ =	sdelay $0x1  }
0x6c: {  	v4 =	vadd.s32 v1, v4;
	_ =	sdelay $0x4  }
0x6d: {  	[tilespmem:s1], [sflag:$0x1] =	stream.indirect_vreg.gather [hbm4b:s3+s2], $0x80, v4, vm0, $0xb8;
	[tilespmem:$0x14380] =	vst v63  }
0x6e: {  	v3 =	vperm.xlane v3, v2  }
0x6f: {  	[tilespmem:s8], [sflag:$0x1] =	stream.indirect_vreg.gather [hbm4b:s5+s2], $0x80, v4, vm0, $0xb8;
	[tilespmem:$0x14380] =	vst v63  }
0x70: {  	s4 =	simm.s32 $0xB380;
	v3 =	vadd.s32 v1, v3  }
0x71: {  	[tilespmem:s4], [sflag:$0x1] =	stream.indirect_vreg.gather [hbm4b:s6+s2], $0x80, v4, vm0, $0xb8;
	[tilespmem:$0x14380] =	vst v63  }
0x72: {  	_ = 	snop  }
0x73: {  	[tilespmem:s10], [sflag:$0x1] =	stream.indirect_vreg.gather [hbm4b:s7+s2], $0x80, v4, vm0, $0xb8;
	[tilespmem:$0x14380] =	vst v63  }
0x74: {  	_ = 	snop  }
0x75: {  	[tilespmem:s12], [sflag:$0x1] =	stream.indirect_vreg.gather [hbm4b:s3+s2], $0x80, v3, vm0, $0xb8;
	[tilespmem:$0x14380] =	vst v63  }
0x76: {  	_ = 	snop  }
0x77: {  	[tilespmem:s13], [sflag:$0x1] =	stream.indirect_vreg.gather [hbm4b:s5+s2], $0x80, v3, vm0, $0xb8;
	[tilespmem:$0x14380] =	vst v63  }
0x78: {  	_ = 	snop  }
0x79: {  	[tilespmem:s14], [sflag:$0x1] =	stream.indirect_vreg.gather [hbm4b:s6+s2], $0x80, v3, vm0, $0xb8;
	[tilespmem:$0x14380] =	vst v63  }
0x7a: {  	_ = 	snop  }
0x7b: {  	[tilespmem:s15], [sflag:$0x1] =	stream.indirect_vreg.gather [hbm4b:s7+s2], $0x80, v3, vm0, $0xb8;
	[tilespmem:$0x14380] =	vst v63  }
0x7c: {  	v3 =	vld [tilespmem:s30+$0x0];
	_ =	sdelay $0x4  }
0x7d: {  	v62 =	vshll.u32 v3, $0x3  }
0x7e: {  	v3 =	vand.u32 $0x7, v3;
	v4 =	vand.u32 $0xFFFFFFC0, v62  }
0x7f: {  	v3 =	vor.u32 v3, v4  }
0x80: {  	v4 =	vperm.xlane v3, v0;
	_ =	sdelay $0x1  }
0x81: {  	v4 =	vadd.s32 v1, v4;
	_ =	sdelay $0x4  }
0x82: {  	[tilespmem:s16], [sflag:$0x1] =	stream.indirect_vreg.gather [hbm4b:s3+s2], $0x80, v4, vm0, $0xb8;
	[tilespmem:$0x14380] =	vst v63  }
0x83: {  	v3 =	vperm.xlane v3, v2  }
0x84: {  	[tilespmem:s17], [sflag:$0x1] =	stream.indirect_vreg.gather [hbm4b:s5+s2], $0x80, v4, vm0, $0xb8;
	[tilespmem:$0x14380] =	vst v63  }
0x85: {  	v3 =	vadd.s32 v1, v3  }
0x86: {  	[tilespmem:s18], [sflag:$0x1] =	stream.indirect_vreg.gather [hbm4b:s6+s2], $0x80, v4, vm0, $0xb8;
	[tilespmem:$0x14380] =	vst v63  }
0x87: {  	_ = 	snop  }
0x88: {  	[tilespmem:s19], [sflag:$0x1] =	stream.indirect_vreg.gather [hbm4b:s7+s2], $0x80, v4, vm0, $0xb8;
	[tilespmem:$0x14380] =	vst v63  }
0x89: {  	_ = 	snop  }
0x8a: {  	[tilespmem:s20], [sflag:$0x1] =	stream.indirect_vreg.gather [hbm4b:s3+s2], $0x80, v3, vm0, $0xb8;
	[tilespmem:$0x14380] =	vst v63  }
0x8b: {  	_ = 	snop  }
0x8c: {  	[tilespmem:s21], [sflag:$0x1] =	stream.indirect_vreg.gather [hbm4b:s5+s2], $0x80, v3, vm0, $0xb8;
	[tilespmem:$0x14380] =	vst v63  }
0x8d: {  	_ = 	snop  }
0x8e: {  	[tilespmem:s22], [sflag:$0x1] =	stream.indirect_vreg.gather [hbm4b:s6+s2], $0x80, v3, vm0, $0xb8;
	[tilespmem:$0x14380] =	vst v63  }
0x8f: {  	_ = 	snop  }
0x90: {  	[tilespmem:s23], [sflag:$0x1] =	stream.indirect_vreg.gather [hbm4b:s7+s2], $0x80, v3, vm0, $0xb8;
	[tilespmem:$0x14380] =	vst v63  }
0x91: {  	v3 =	vld.msk [tilespmem:s30+$0x10], $0xff;
	_ =	sdelay $0x4  }
0x92: {  	v63 =	vshll.u32 v3, $0x3  }
0x93: {  	v3 =	vand.u32 $0x7, v3;
	v4 =	vand.u32 $0xFFFFFFC0, v63  }
0x94: {  	v3 =	vor.u32 v3, v4  }
0x95: {  	v3 =	vperm.xlane v3, v0;
	_ =	sdelay $0x1  }
0x96: {  	v3 =	vadd.s32 v1, v3;
	_ =	sdelay $0x4  }
0x97: {  	[tilespmem:s24], [sflag:$0x1] =	stream.indirect_vreg.gather [hbm4b:s3+s2], $0x80, v3, vm0, $0xb8;
	[tilespmem:$0x14380] =	vst v63  }
0x98: {  	_ = 	snop  }
0x99: {  	[tilespmem:s25], [sflag:$0x1] =	stream.indirect_vreg.gather [hbm4b:s5+s2], $0x80, v3, vm0, $0xb8;
	[tilespmem:$0x14380] =	vst v63  }
0x9a: {  	_ = 	snop  }
0x9b: {  	[tilespmem:s26], [sflag:$0x1] =	stream.indirect_vreg.gather [hbm4b:s6+s2], $0x80, v3, vm0, $0xb8;
	[tilespmem:$0x14380] =	vst v63  }
0x9c: {  	_ = 	snop  }
0x9d: {  	[tilespmem:s28], [sflag:$0x1] =	stream.indirect_vreg.gather [hbm4b:s7+s2], $0x80, v3, vm0, $0xb8;
	[tilespmem:$0x14380] =	vst v63  }
0x9e: {  	s4 =	sadd.s32 s31, s9  }
0x9f: {  	[hbm4b:s4+s2] =	stream.linear.scatter [tilespmem:s11], [sflag:$0x2], $0xA000, $0x38;
	[tilespmem:$0x14380] =	vst v63  }
0xa0: {  	p0 =	seq.s32 s31, $0x16800;
	_ =	swait.ge [sflag:s0], $0xA000  }
.Ltmp4:
0xa1: {  	[sflag:s0] =	ssyncset.done $0x0;
	(pc) =	sbr.rel @p0 .LBB2_4-.Ltmp4, $4  }
0xa2: {  	[sflag:s0] =	ssyncadd.s32 $0xFFFF6000  }
0xa3: {  	_ =	swait.ge [sflag:s29], $0xA000  }
0xa4: {  	[sflag:s29] =	ssyncset.done $0x0  }
0xa5: {  	[sflag:s29] =	ssyncadd.s32 $0xFFFF6000  }
0xa6: {  	v3 =	vld [tilespmem:s30+$0x18];
	_ =	sdelay $0x4  }
0xa7: {  	v4 =	vshll.u32 v3, $0x3  }
0xa8: {  	v3 =	vand.u32 $0x7, v3;
	v4 =	vand.u32 $0xFFFFFFC0, v4  }
0xa9: {  	v3 =	vor.u32 v3, v4  }
0xaa: {  	v4 =	vperm.xlane v3, v0;
	_ =	sdelay $0x1  }
0xab: {  	v4 =	vadd.s32 v1, v4;
	_ =	sdelay $0x4  }
0xac: {  	[tilespmem:s11], [sflag:$0x1] =	stream.indirect_vreg.gather [hbm4b:s3+s2], $0x80, v4, vm0, $0xb8;
	[tilespmem:$0x14380] =	vst v63  }
0xad: {  	s8 =	simm.s32 $0xB80;
	v3 =	vperm.xlane v3, v2  }
0xae: {  	[tilespmem:s8], [sflag:$0x1] =	stream.indirect_vreg.gather [hbm4b:s5+s2], $0x80, v4, vm0, $0xb8;
	[tilespmem:$0x14380] =	vst v63  }
0xaf: {  	v3 =	vadd.s32 v1, v3;
	s8 =	simm.s32 $0x1380  }
0xb0: {  	[tilespmem:s8], [sflag:$0x1] =	stream.indirect_vreg.gather [hbm4b:s6+s2], $0x80, v4, vm0, $0xb8;
	[tilespmem:$0x14380] =	vst v63  }
0xb1: {  	s8 =	simm.s32 $0x1B80  }
0xb2: {  	[tilespmem:s8], [sflag:$0x1] =	stream.indirect_vreg.gather [hbm4b:s7+s2], $0x80, v4, vm0, $0xb8;
	[tilespmem:$0x14380] =	vst v63  }
0xb3: {  	s8 =	simm.s32 $0x2380  }
0xb4: {  	[tilespmem:s8], [sflag:$0x1] =	stream.indirect_vreg.gather [hbm4b:s3+s2], $0x80, v3, vm0, $0xb8;
	[tilespmem:$0x14380] =	vst v63  }
0xb5: {  	s8 =	simm.s32 $0x2B80  }
0xb6: {  	[tilespmem:s8], [sflag:$0x1] =	stream.indirect_vreg.gather [hbm4b:s5+s2], $0x80, v3, vm0, $0xb8;
	[tilespmem:$0x14380] =	vst v63  }
0xb7: {  	s8 =	simm.s32 $0x3380  }
0xb8: {  	[tilespmem:s8], [sflag:$0x1] =	stream.indirect_vreg.gather [hbm4b:s6+s2], $0x80, v3, vm0, $0xb8;
	[tilespmem:$0x14380] =	vst v63  }
0xb9: {  	s8 =	simm.s32 $0x3B80  }
0xba: {  	[tilespmem:s8], [sflag:$0x1] =	stream.indirect_vreg.gather [hbm4b:s7+s2], $0x80, v3, vm0, $0xb8;
	[tilespmem:$0x14380] =	vst v63  }
0xbb: {  	v3 =	vld [tilespmem:s30+$0x28];
	_ =	sdelay $0x4  }
0xbc: {  	v62 =	vshll.u32 v3, $0x3  }
0xbd: {  	v3 =	vand.u32 $0x7, v3;
	v4 =	vand.u32 $0xFFFFFFC0, v62  }
0xbe: {  	v3 =	vor.u32 v3, v4  }
0xbf: {  	v4 =	vperm.xlane v3, v0;
	_ =	sdelay $0x1  }
0xc0: {  	v4 =	vadd.s32 v1, v4;
	_ =	sdelay $0x3  }
0xc1: {  	s8 =	simm.s32 $0x4380  }
0xc2: {  	[tilespmem:s8], [sflag:$0x1] =	stream.indirect_vreg.gather [hbm4b:s3+s2], $0x80, v4, vm0, $0xb8;
	[tilespmem:$0x14380] =	vst v63  }
0xc3: {  	v3 =	vperm.xlane v3, v2;
	s8 =	simm.s32 $0x4B80  }
0xc4: {  	[tilespmem:s8], [sflag:$0x1] =	stream.indirect_vreg.gather [hbm4b:s5+s2], $0x80, v4, vm0, $0xb8;
	[tilespmem:$0x14380] =	vst v63  }
0xc5: {  	v3 =	vadd.s32 v1, v3;
	s8 =	simm.s32 $0x5380  }
0xc6: {  	[tilespmem:s8], [sflag:$0x1] =	stream.indirect_vreg.gather [hbm4b:s6+s2], $0x80, v4, vm0, $0xb8;
	[tilespmem:$0x14380] =	vst v63  }
0xc7: {  	s8 =	simm.s32 $0x5B80  }
0xc8: {  	[tilespmem:s8], [sflag:$0x1] =	stream.indirect_vreg.gather [hbm4b:s7+s2], $0x80, v4, vm0, $0xb8;
	[tilespmem:$0x14380] =	vst v63  }
0xc9: {  	s8 =	simm.s32 $0x6380  }
0xca: {  	[tilespmem:s8], [sflag:$0x1] =	stream.indirect_vreg.gather [hbm4b:s3+s2], $0x80, v3, vm0, $0xb8;
	[tilespmem:$0x14380] =	vst v63  }
0xcb: {  	s8 =	simm.s32 $0x6B80  }
0xcc: {  	[tilespmem:s8], [sflag:$0x1] =	stream.indirect_vreg.gather [hbm4b:s5+s2], $0x80, v3, vm0, $0xb8;
	[tilespmem:$0x14380] =	vst v63  }
0xcd: {  	s8 =	simm.s32 $0x7380  }
0xce: {  	[tilespmem:s8], [sflag:$0x1] =	stream.indirect_vreg.gather [hbm4b:s6+s2], $0x80, v3, vm0, $0xb8;
	[tilespmem:$0x14380] =	vst v63  }
0xcf: {  	s8 =	simm.s32 $0x7B80  }
0xd0: {  	[tilespmem:s8], [sflag:$0x1] =	stream.indirect_vreg.gather [hbm4b:s7+s2], $0x80, v3, vm0, $0xb8;
	[tilespmem:$0x14380] =	vst v63  }
0xd1: {  	v3 =	vld.msk [tilespmem:s30+$0x38], $0xff;
	_ =	sdelay $0x4  }
0xd2: {  	v63 =	vshll.u32 v3, $0x3  }
0xd3: {  	v3 =	vand.u32 $0x7, v3;
	v4 =	vand.u32 $0xFFFFFFC0, v63  }
0xd4: {  	v3 =	vor.u32 v3, v4  }
0xd5: {  	v3 =	vperm.xlane v3, v0;
	_ =	sdelay $0x1  }
0xd6: {  	v3 =	vadd.s32 v1, v3;
	_ =	sdelay $0x3  }
0xd7: {  	s8 =	simm.s32 $0x8380  }
0xd8: {  	[tilespmem:s8], [sflag:$0x1] =	stream.indirect_vreg.gather [hbm4b:s3+s2], $0x80, v3, vm0, $0xb8;
	[tilespmem:$0x14380] =	vst v63  }
0xd9: {  	s8 =	simm.s32 $0x8B80  }
0xda: {  	[tilespmem:s8], [sflag:$0x1] =	stream.indirect_vreg.gather [hbm4b:s5+s2], $0x80, v3, vm0, $0xb8;
	[tilespmem:$0x14380] =	vst v63  }
.Ltmp5:
0xdb: {  	s8 =	simm.s32 $0x9380;
	(pc) =	sbr.rel .LBB2_4-.Ltmp5, $4  }
0xdc: {  	[tilespmem:s8], [sflag:$0x1] =	stream.indirect_vreg.gather [hbm4b:s6+s2], $0x80, v3, vm0, $0xb8;
	[tilespmem:$0x14380] =	vst v63  }
0xdd: {  	s8 =	simm.s32 $0x9B80  }
0xde: {  	[tilespmem:s8], [sflag:$0x1] =	stream.indirect_vreg.gather [hbm4b:s7+s2], $0x80, v3, vm0, $0xb8;
	[tilespmem:$0x14380] =	vst v63  }
0xdf: {  	s8 =	simm.s32 $0xAB80  }
.LBB2_6:
0xe0: {  	_ =	sfence.sel $0x180000  }
0xe1: {  	[bflag:$0x0] =	sbarrier.arrive $0xFFFF  }
0xe2: {  	_ =	strace $0x90000056  }
0xe3: {  	s0 =	stileid.u32;
	[bflag:$0x2] =	sbarrier.arrive $0xFFFF  }
0xe4: {  	p0 =	sne.s32 s0, $0x0;
	s0 =	rddreg [dreg:$0x1]  }
0xe5: {  	s0 =	sadd.s32 @!p0 $0x100000, s0  }
0xe6: {  	[sflag:s0] =	ssyncadd.tile.s32 @!p0 $0x1;
	_ =	shalt  }
.Lfunc_end2:
_tile_overlayer_lowered:
.L_overlay_start_2:
0xe7: {  	(tag) =	ssettag $0x2  }
0xe8: {  	s0 =	rddreg [dreg:$0x0];
	s2 =	stileid.u32  }
0xe9: {  	s1 =	rddreg [dreg:$0x1];
	p0 =	sne.s32 s2, $0x0  }
0xea: {  	s3 =	rddreg [dreg:$0x2];
	[bflag:$0x3] =	sbarrier.arrive $0xFFFF;
	s2 =	simm.s32 @!p0 $0x1C03  }
0xeb: {  	[timem:s3], [sflag:s2] =	dma.local @!p0 [hbm:s0], s1  }
0xec: {  	s0 =	simm.s32 @!p0 $0x3  }
0xed: {  	_ =	swait.ge @!p0 [sflag:s0], s1  }
0xee: {  	s1 =	ssub.s32 @!p0 $0x0, s1;
	[sflag:s0] =	ssyncset.done @!p0 $0x0  }
0xef: {  	[sflag:s0] =	ssyncadd.s32 @!p0 s1  }
0xf0: {  	[bflag:$0x3] =	sbarrier.arrive $0xFFFF  }
0xf1: {  	_ =	shalt  }

// kernel: kernel.36.cloned.1.call-start
scs
__scs_entry_jumppad:
0x0: {  	(pc) =	sbr.rel $0x88, $3  }
0x1: {  	(tag) =	ssettag $0x0;
	lr =	simm.s32 $0x1  }
0x2: {  	[smem:$0x3F9E] =	sst lr;
	_ =	strace $0xD0000000  }
0x3: {  	_ = 	snop  }
0x4: {  	_ = 	snop  }
0x5: {  	_ = 	snop  }
0x6: {  	_ = 	snop  }
0x7: {  	_ = 	snop  }
__scs_overlays_trampoline_lowered:
0x8: {  	[smem:$0x3FAD] =	sst s0  }
0x9: {  	[smem:$0x3FAE] =	sst s1  }
0xa: {  	[smem:$0x3FAF] =	sst s2  }
0xb: {  	[smem:$0x3FB0] =	sst s3  }
0xc: {  	[smem:$0x3FB1] =	sst s4  }
0xd: {  	[smem:$0x3FB2] =	sst s5  }
0xe: {  	[smem:$0x3FB3] =	sst s6  }
0xf: {  	[smem:$0x3FB4] =	sst s7  }
0x10: {  	[smem:$0x3FB5] =	sst s8  }
0x11: {  	[smem:$0x3FB6] =	sst s9;
	s0 =	simm.s32 @!p0 $0x0  }
0x12: {  	s1 =	sld [smem:$0x3F9C];
	s0 =	simm.s32 @p0 $0x1  }
0x13: {  	[smem:$0x3FB7] =	sst s0;
	s0 =	simm.s32 @!p1 $0x0  }
0x14: {  	s2 =	sld [smem:$0x3F9B];
	s0 =	simm.s32 @p1 $0x1  }
0x15: {  	[smem:$0x3FB8] =	sst s0;
	s0 =	simm.s32 @!p2 $0x0  }
0x16: {  	s3 =	sld [smem:$0x3FDB];
	s0 =	simm.s32 @p2 $0x1  }
0x17: {  	s4 =	simm.s32 $0x1BF5;
	[smem:$0x3FBA] =	sst s0  }
0x18: {  	s0 =	sld [smem:$0x3F9D];
	_ =	swait.ge [sflag:s4], $0x0  }
0x19: {  	s7 =	sld [smem:$0x3F9E]  }
0x1a: {  	s8 =	sadd.s32 $0xFFFFE003, lr  }
0x1b: {  	s9 =	sadd.s32 $0xFFFFFEF7, lr;
	s5 =	simm.s32 $0xFFFFFFFF;
	p2 =	slt.u32 s8, $0xFFFFF086  }
0x1c: {  	p1 =	slt.u32 s9, $0xF7A;
	s5 =	simm.s32 @!p2 $0x0  }
0x1d: {  	s5 =	simm.s32 @p1 $0x1;
	p0 =	seq.s32 s7, s2  }
0x1e: {  	s7 =	smul.u32 @!p0 $0xF7A, s2;
	p2 =	seq.s32 @!p0 s5, $0x0  }
0x1f: {  	s9 =	smul.u32 $0xF7A, s1;
	s8 =	simm.s32 @!p0 $0x1BF5;
	p2 =	por !p2, p0  }
0x20: {  	[sflag:s8] =	ssyncset.s32 @!p0 $0xFFFFF086;
	s6 =	sadd.s32 @!p0 s3, s7;
	s7 =	simm.s32 @!p0 $0x108  }
0x21: {  	s3 =	sadd.s32 s3, s9;
	s6 =	sadd.s32 @!p0 $0x88, s6;
	s7 =	simm.s32 @p2 $0x1082  }
0x22: {  	[simem:s7], [sflag:s8] =	dma.local @!p0 [hbm:s6], $0xF7A  }
0x23: {  	s9 =	sor.u32 $0xD0000000, s2;
	s6 =	simm.s32 $0x108;
	_ =	swait.ge @!p0 [sflag:s8], $0x0  }
0x24: {  	s3 =	sadd.s32 $0x88, s3;
	s6 =	simm.s32 @!p1 $0x1082;
	[sflag:s4] =	ssyncset.s32 $0xFFFFF086  }
0x25: {  	[simem:s6], [sflag:s4] =	dma.local [hbm:s3], $0xF7A  }
0x26: {  	[smem:$0x3F9E] =	sst s1;
	(tag) =	ssettag s2;
	_ =	strace s9  }
0x27: {  	s1 =	sld [smem:$0x3FAE]  }
0x28: {  	s2 =	sld [smem:$0x3FAF]  }
0x29: {  	s4 =	sld [smem:$0x3FB1]  }
0x2a: {  	p0 =	seq.s32 s5, $0x0;
	s5 =	sld [smem:$0x3FB2]  }
0x2b: {  	s6 =	sld [smem:$0x3FB3]  }
0x2c: {  	s7 =	sld [smem:$0x3FB4]  }
0x2d: {  	s3 =	simm.s32 $0x108;
	s8 =	sld [smem:$0x3FB5]  }
0x2e: {  	s3 =	simm.s32 @!p0 $0x1082;
	s9 =	sld [smem:$0x3FB6]  }
0x2f: {  	lr =	sadd.s32 s0, s3;
	s0 =	sld [smem:$0x3FAD]  }
0x30: {  	s3 =	sld [smem:$0x3FB0]  }
0x31: {  	[smem:$0x3FB9] =	sst s10  }
0x32: {  	s10 =	sld [smem:$0x3FB7];
	_ =	sdelay $0x3  }
0x33: {  	p0 =	seq.s32 s10, $0x1;
	s10 =	sld [smem:$0x3FB9];
	_ =	sdelay $0x3  }
0x34: {  	[smem:$0x3FB9] =	sst s10  }
0x35: {  	s10 =	sld [smem:$0x3FB8];
	_ =	sdelay $0x3  }
0x36: {  	p1 =	seq.s32 s10, $0x1;
	s10 =	sld [smem:$0x3FB9];
	_ =	sdelay $0x3  }
0x37: {  	[smem:$0x3FB9] =	sst s10  }
0x38: {  	s10 =	sld [smem:$0x3FBA]  }
0x39: {  	_ = 	snop;
	(pc) =	sbr.ind lr, $3  }
0x3a: {  	_ = 	snop  }
0x3b: {  	_ = 	snop  }
0x3c: {  	p2 =	seq.s32 s10, $0x1;
	s10 =	sld [smem:$0x3FB9]  }
0x3d: {  	_ =	shalt  }
0x3e: {  	_ =	shalt  }
0x3f: {  	_ =	shalt  }
0x40: {  	_ =	shalt  }
0x41: {  	_ =	shalt  }
0x42: {  	_ =	shalt  }
0x43: {  	_ =	shalt  }
0x44: {  	_ =	shalt  }
0x45: {  	_ =	shalt  }
0x46: {  	_ =	shalt  }
0x47: {  	_ =	shalt  }
0x48: {  	_ =	shalt  }
0x49: {  	_ =	shalt  }
0x4a: {  	_ =	shalt  }
0x4b: {  	_ =	shalt  }
0x4c: {  	_ =	shalt  }
0x4d: {  	_ =	shalt  }
0x4e: {  	_ =	shalt  }
0x4f: {  	_ =	shalt  }
0x50: {  	_ =	shalt  }
0x51: {  	_ =	shalt  }
0x52: {  	_ =	shalt  }
0x53: {  	_ =	shalt  }
0x54: {  	_ =	shalt  }
0x55: {  	_ =	shalt  }
0x56: {  	_ =	shalt  }
0x57: {  	_ =	shalt  }
0x58: {  	_ =	shalt  }
0x59: {  	_ =	shalt  }
0x5a: {  	_ =	shalt  }
0x5b: {  	_ =	shalt  }
0x5c: {  	_ =	shalt  }
0x5d: {  	_ =	shalt  }
0x5e: {  	_ =	shalt  }
0x5f: {  	_ =	shalt  }
0x60: {  	_ =	shalt  }
0x61: {  	_ =	shalt  }
0x62: {  	_ =	shalt  }
0x63: {  	_ =	shalt  }
0x64: {  	_ =	shalt  }
0x65: {  	_ =	shalt  }
0x66: {  	_ =	shalt  }
0x67: {  	_ =	shalt  }
0x68: {  	_ =	shalt  }
0x69: {  	_ =	shalt  }
0x6a: {  	_ =	shalt  }
0x6b: {  	_ =	shalt  }
0x6c: {  	_ =	shalt  }
0x6d: {  	_ =	shalt  }
0x6e: {  	_ =	shalt  }
0x6f: {  	_ =	shalt  }
0x70: {  	_ =	shalt  }
0x71: {  	_ =	shalt  }
0x72: {  	_ =	shalt  }
0x73: {  	_ =	shalt  }
0x74: {  	_ =	shalt  }
0x75: {  	_ =	shalt  }
0x76: {  	_ =	shalt  }
0x77: {  	_ =	shalt  }
0x78: {  	_ =	shalt  }
0x79: {  	_ =	shalt  }
0x7a: {  	_ =	shalt  }
0x7b: {  	_ =	shalt  }
0x7c: {  	_ =	shalt  }
0x7d: {  	_ =	shalt  }
0x7e: {  	_ =	shalt  }
0x7f: {  	_ =	shalt  }
0x80: {  	_ =	shalt  }
0x81: {  	_ =	shalt  }
0x82: {  	_ =	shalt  }
0x83: {  	_ =	shalt  }
0x84: {  	_ =	shalt  }
0x85: {  	_ =	shalt  }
0x86: {  	_ =	shalt  }
0x87: {  	_ =	shalt  }
.Lfunc_end0:
.L_simem_size_0:
called_computation.5_lowered:
.L_overlay_start_0:
0x88: {  	s2 =	sld [smem:$0x3FD9]  }
0x89: {  	s3 =	sld [smem:$0x3FFE];
	_ =	sdelay $0x1  }
0x8a: {  	s1 =	srdreg.scid  }
0x8b: {  	s0 =	sand.u32 $0x1, s1  }
0x8c: {  	s17 =	sshll.u32 s0, $0xA;
	s2 =	sadd.s32 s3, s2  }
0x8d: {  	s2 =	sadd.s32 s2, s17  }
0x8e: {  	[smem:$0x3FC5] =	sst s2  }
0x8f: {  	_ = 	snop  }
0x90: {  	(tm) =	ssettm $0x1  }
0x91: {  	s18 =	sld [smem:$0x3FFB];
	_ =	sdelay $0x3  }
0x92: {  	_ =	strace s18  }
0x93: {  	s2 =	sld [smem:$0x3FFC];
	_ =	sdelay $0x3  }
0x94: {  	_ =	strace s2  }
0x95: {  	s2 =	sld [smem:$0x3FFD];
	_ =	sdelay $0x3  }
0x96: {  	_ =	strace s2  }
0x97: {  	_ =	strace $0x8FFFFFFF  }
0x98: {  	s19 =	sld [smem:$0x3FDB];
	_ =	sdelay $0x1  }
0x99: {  	s20 =	simm.s32 $_scs_section_size  }
0x9a: {  	s4 =	simm.s32 $_size__tile_overlayer_lowered;
	s5 =	simm.s32 $_tile_overlayer_lowered  }
0x9b: {  	s6 =	simm.s32 $0x1BFF;
	s21 =	sshll.u32 s5, $0x1;
	s3 =	sadd.s32 s20, s19  }
0x9c: {  	s22 =	simm.s32 $0x0;
	s4 =	sshll.u32 s4, $0x1;
	s5 =	sadd.s32 s21, s3  }
0x9d: {  	[timem:s22], [sflag:s6] =	dma.local [hbm:s5], s4  }
0x9e: {  	_ =	swait.ge [sflag:s6], s4  }
0x9f: {  	s4 =	ssub.s32 $0x0, s4;
	[sflag:s6] =	ssyncset.done $0x0  }
0xa0: {  	[sflag:s6] =	ssyncadd.s32 s4;
	_ =	sdelay $0x1  }
0xa1: {  	s23 =	simm.s32 $0x1B8B  }
0xa2: {  	_ =	swait.ge [sflag:s23], $0x1  }
0xa3: {  	[sflag:s23] =	ssyncset.done $0x0  }
0xa4: {  	[sflag:s23] =	ssyncadd.s32 $0xFFFFFFFF  }
0xa5: {  	s4 =	sld [smem:$0x0]  }
0xa6: {  	s5 =	sand.u32 $0xFFFFFFFE, s1  }
0xa7: {  	p0 =	sne.s32 s1, s5  }
0xa8: {  	s5 =	sshll.u32 @p0 s5, $0xE  }
0xa9: {  	s5 =	sadd.s32 @p0 $0x11B8D, s5;
	s6 =	sshll.u32 @p0 s4, $0x11  }
0xaa: {  	s5 =	sor.u32 @p0 s6, s5  }
0xab: {  	[sflag:s5] =	ssyncadd.remote.s32 @p0 $0x1;
	_ =	sdelay $0x1  }
0xac: {  	s5 =	simm.s32 @p0 $0x1B8D  }
0xad: {  	_ =	swait.eq @p0 [sflag:s5], $0x1  }
0xae: {  	[sflag:s5] =	ssyncadd.s32 @p0 $0xFFFFFFFF  }
0xaf: {  	s6 =	sshll.u32 @!p0 s1, $0xE  }
0xb0: {  	s6 =	sor.u32 @!p0 $0x4000, s6;
	s5 =	simm.s32 @!p0 $0x1B8D  }
0xb1: {  	s4 =	sshll.u32 @!p0 s4, $0x11;
	s6 =	sadd.s32 @!p0 $0x11B8D, s6;
	_ =	swait.eq @!p0 [sflag:s5], $0x1  }
0xb2: {  	s4 =	sor.u32 @!p0 s4, s6;
	[sflag:s5] =	ssyncadd.s32 @!p0 $0xFFFFFFFF  }
0xb3: {  	s25 =	simm.s32 $0x1B8E;
	s24 =	sld [smem:$0x3FFE];
	[sflag:s4] =	ssyncadd.remote.s32 @!p0 $0x1  }
0xb4: {  	s26 =	simm.s32 $execute0_lowered;
	[smem:$0x3FD2] =	sst s25  }
0xb5: {  	s5 =	sshll.u32 s26, $0x1;
	_ =	strace $0x80000058;
	[dreg:$0x1] =	wrdreg $0xFFFFFFFF  }
0xb6: {  	s28 =	simm.s32 $_size_execute0_lowered;
	s3 =	sadd.s32 s3, s5;
	[dreg:$0x0] =	wrdreg $0x0  }
0xb7: {  	s5 =	sshll.u32 s28, $0x1;
	[dreg:$0x2] =	wrdreg s3  }
0xb8: {  	[dreg:$0x3] =	wrdreg s5  }
0xb9: {  	[dreg:$0x4] =	wrdreg $0xC0  }
0xba: {  	_ =	task [dreg:s22], $0x5FFFF  }
0xbb: {  	[dreg:$0x1] =	wrdreg $0xFFFFFFFF  }
0xbc: {  	[dreg:$0x0] =	wrdreg $0x60  }
0xbd: {  	[dreg:$0x2] =	wrdreg s24  }
0xbe: {  	[dreg:$0x3] =	wrdreg $0xE  }
0xbf: {  	_ =	task.clear_ibuf [dreg:s22], $0x4FFFF;
	_ =	strace $0x90000058  }
0xc0: {  	s29 =	simm.s32 $0xE;
	_ =	strace $0x8000005A  }
0xc1: {  	_ =	swait.ge [sflag:s29], $0x1  }
0xc2: {  	[sflag:s29] =	ssyncadd.s32 $0xFFFFFFFF  }
0xc3: {  	_ =	strace $0x9000005A  }
0xc4: {  	_ =	sfence  }
0xc5: {  	s30 =	sld [smem:$0x0];
	_ =	sdelay $0x2  }
0xc6: {  	s31 =	sshll.u32 s1, $0xD;
	s1 =	sshrl.u32 s1, $0x2  }
0xc7: {  	s4 =	sand.u32 $0x4000, s31;
	s1 =	sadd.s32 s1, s30  }
0xc8: {  	s0 =	sor.u32 s4, s0;
	s1 =	sshll.u32 s1, $0x11  }
0xc9: {  	s0 =	sor.u32 s1, s0  }
0xca: {  	s0 =	sadd.s32 $0x8F2B, s0  }
0xcb: {  	[sflag:s0] =	ssyncadd.remote.s32 $0x1  }
0xcc: {  	_ =	sfence.sel $0xFFFF  }
0xcd: {  	[dreg:$0x0] =	wrdreg $0xFFFFFFFF;
	(pc) =	sbr.abs _section_cstart, $3  }
0xce: {  	[dreg:$0x1] =	wrdreg $0xFFFFFFFF  }
0xcf: {  	_ =	task.clear_ibuf [dreg:s22], $0x2FFFF;
	_ =	strace $0x9FFFFFFF  }
0xd0: {  	(tm) =	ssettm $0x7FFFFFFF  }
0xd1: {  	_ =	shalt  }
tec
execute0_lowered:
.L_overlay_start_1:
0x0: {  	(tag) =	ssettag $0x1  }
0x1: {  	s0 =	srdreg.scid  }
0x2: {  	s1 =	rddreg [dreg:$0x0];
	s7 =	stileid.u32;
	s2 =	simm.s32 $0x0  }
0x3: {  	s11 =	simm.s32 $0x380;
	s10 =	simm.s32 $0xBB80;
	s12 =	simm.s32 $0xC380  }
0x4: {  	s13 =	simm.s32 $0xCB80;
	s14 =	simm.s32 $0xD380;
	s15 =	simm.s32 $0xDB80  }
0x5: {  	s16 =	simm.s32 $0xE380;
	s17 =	simm.s32 $0xEB80;
	s18 =	simm.s32 $0xF380  }
0x6: {  	s19 =	simm.s32 $0xFB80;
	s20 =	simm.s32 $0x10380;
	s21 =	simm.s32 $0x10B80  }
0x7: {  	s22 =	simm.s32 $0x11380;
	s23 =	simm.s32 $0x11B80;
	s24 =	simm.s32 $0x12380  }
0x8: {  	s25 =	simm.s32 $0x12B80;
	s26 =	simm.s32 $0x13380;
	s28 =	simm.s32 $0x13B80  }
0x9: {  	s29 =	simm.s32 $0x2;
	s30 =	simm.s32 $0x0;
	s0 =	sand.u32 $0x1, s0  }
0xa: {  	[smem:$0x7FF] =	sst s2;
	s9 =	smul.u32 $0x19000, s7;
	s3 =	sshll.u32 s0, $0x4  }
0xb: {  	_ =	strace $0x80000059;
	s5 =	smul.u32 $0x190000, s0;
	s0 =	ssub.s32 $0x2, s0  }
0xc: {  	s3 =	sor.u32 s7, s3;
	s6 =	sshrl.u32 s0, $0x1;
	s7 =	sadd.s32 $0x3300, s1  }
0xd: {  	s3 =	smul.u32 $0x320, s3;
	s8 =	sadd.s32 s5, s1;
	s0 =	ssub.s32 s0, s6  }
.Ltmp0:
0xe: {  	s5 =	sadd.s32 $0x3100, s1;
	s6 =	sadd.s32 $0x3200, s1;
	(pc) =	sbr.rel .LBB2_1-.Ltmp0, $4  }
0xf: {  	s0 =	smax.u32 s0, $0x1;
	s31 =	sadd.s32 s9, s8;
	s4 =	sshrl.u32 s3, $0x3  }
0x10: {  	v2 =	vlaneseq.u32;
	s8 =	simm.s32 $0xAB80;
	s3 =	sadd.s32 $0x3000, s1;
	s4 =	sadd.s32 s4, s1  }
0x11: {  	vm0 =	vmmov $0xffff;
	v1 =	vshrl.u32 v2, $0x3;
	[dreg:$0x3] =	wrdreg s0;
	s9 =	sadd.s32 $0x12E9400, s31;
	s4 =	sadd.s32 $0x26A00, s4  }
0x12: {  	v0 =	vand.u32 $0x7, v2;
	v2 =	vor.u32 $0x8, v2;
	v1 =	vmul.u32 $0x8, v1;
	s0 =	simm.s32 $0x1;
	s1 =	simm.s32 $0xA380;
	[dreg:$0x2] =	wrdreg s4  }
.LBB2_5:
0x13: {  	_ =	swait.ge [sflag:s29], $0xA000  }
0x14: {  	s30 =	rddreg [dreg:$0x4]  }
0x15: {  	s4 =	rddreg [dreg:$0x3];
	s30 =	sadd.s32 $0x1, s30  }
0x16: {  	p0 =	sne.s32 s30, s4  }
.Ltmp1:
0x17: {  	_ = 	snop;
	(pc) =	sbr.rel @!p0 .LBB2_6-.Ltmp1, $3  }
0x18: {  	_ =	sdelay $0x1  }
0x19: {  	[sflag:s29] =	ssyncset.done $0x0  }
0x1a: {  	[sflag:s29] =	ssyncadd.s32 $0xFFFF6000  }
.LBB2_1:
0x1b: {  	s4 =	rddreg [dreg:$0x2]  }
0x1c: {  	[tilespmem:s2], [sflag:$0x3] =	stream.linear.gather [hbm4b:s4+s2], $0x320, $0x38;
	[tilespmem:$0x14380] =	vst v63  }
0x1d: {  	[dreg:$0x4] =	wrdreg s30;
	s4 =	simm.s32 $0x3  }
0x1e: {  	_ =	swait.ge [sflag:s4], $0x320  }
0x1f: {  	[sflag:s4] =	ssyncset.done $0x0  }
0x20: {  	[sflag:s4] =	ssyncadd.s32 $0xFFFFFCE0  }
0x21: {  	v3 =	vld [tilespmem:$0x0];
	_ =	sdelay $0x4  }
0x22: {  	v4 =	vshll.u32 v3, $0x3  }
0x23: {  	v3 =	vand.u32 $0x7, v3;
	v4 =	vand.u32 $0xFFFFFFC0, v4  }
0x24: {  	v3 =	vor.u32 v3, v4  }
0x25: {  	v4 =	vperm.xlane v3, v0;
	_ =	sdelay $0x1  }
0x26: {  	v4 =	vadd.s32 v1, v4;
	_ =	sdelay $0x4  }
0x27: {  	[tilespmem:s11], [sflag:$0x1] =	stream.indirect_vreg.gather [hbm4b:s3+s2], $0x80, v4, vm0, $0xb8;
	[tilespmem:$0x14380] =	vst v63  }
0x28: {  	s4 =	simm.s32 $0xB80;
	v3 =	vperm.xlane v3, v2  }
0x29: {  	[tilespmem:s4], [sflag:$0x1] =	stream.indirect_vreg.gather [hbm4b:s5+s2], $0x80, v4, vm0, $0xb8;
	[tilespmem:$0x14380] =	vst v63  }
0x2a: {  	v3 =	vadd.s32 v1, v3;
	s4 =	simm.s32 $0x1380  }
0x2b: {  	[tilespmem:s4], [sflag:$0x1] =	stream.indirect_vreg.gather [hbm4b:s6+s2], $0x80, v4, vm0, $0xb8;
	[tilespmem:$0x14380] =	vst v63  }
0x2c: {  	s4 =	simm.s32 $0x1B80  }
0x2d: {  	[tilespmem:s4], [sflag:$0x1] =	stream.indirect_vreg.gather [hbm4b:s7+s2], $0x80, v4, vm0, $0xb8;
	[tilespmem:$0x14380] =	vst v63  }
0x2e: {  	s4 =	simm.s32 $0x2380  }
0x2f: {  	[tilespmem:s4], [sflag:$0x1] =	stream.indirect_vreg.gather [hbm4b:s3+s2], $0x80, v3, vm0, $0xb8;
	[tilespmem:$0x14380] =	vst v63  }
0x30: {  	s4 =	simm.s32 $0x2B80  }
0x31: {  	[tilespmem:s4], [sflag:$0x1] =	stream.indirect_vreg.gather [hbm4b:s5+s2], $0x80, v3, vm0, $0xb8;
	[tilespmem:$0x14380] =	vst v63  }
0x32: {  	s4 =	simm.s32 $0x3380  }
0x33: {  	[tilespmem:s4], [sflag:$0x1] =	stream.indirect_vreg.gather [hbm4b:s6+s2], $0x80, v3, vm0, $0xb8;
	[tilespmem:$0x14380] =	vst v63  }
0x34: {  	s4 =	simm.s32 $0x3B80  }
0x35: {  	[tilespmem:s4], [sflag:$0x1] =	stream.indirect_vreg.gather [hbm4b:s7+s2], $0x80, v3, vm0, $0xb8;
	[tilespmem:$0x14380] =	vst v63  }
0x36: {  	v3 =	vld [tilespmem:$0x10];
	_ =	sdelay $0x4  }
0x37: {  	v62 =	vshll.u32 v3, $0x3  }
0x38: {  	v3 =	vand.u32 $0x7, v3;
	v4 =	vand.u32 $0xFFFFFFC0, v62  }
0x39: {  	v3 =	vor.u32 v3, v4  }
0x3a: {  	v4 =	vperm.xlane v3, v0;
	_ =	sdelay $0x1  }
0x3b: {  	v4 =	vadd.s32 v1, v4;
	_ =	sdelay $0x3  }
0x3c: {  	s4 =	simm.s32 $0x4380  }
0x3d: {  	[tilespmem:s4], [sflag:$0x1] =	stream.indirect_vreg.gather [hbm4b:s3+s2], $0x80, v4, vm0, $0xb8;
	[tilespmem:$0x14380] =	vst v63  }
0x3e: {  	v3 =	vperm.xlane v3, v2;
	s4 =	simm.s32 $0x4B80  }
0x3f: {  	[tilespmem:s4], [sflag:$0x1] =	stream.indirect_vreg.gather [hbm4b:s5+s2], $0x80, v4, vm0, $0xb8;
	[tilespmem:$0x14380] =	vst v63  }
0x40: {  	v3 =	vadd.s32 v1, v3;
	s4 =	simm.s32 $0x5380  }
0x41: {  	[tilespmem:s4], [sflag:$0x1] =	stream.indirect_vreg.gather [hbm4b:s6+s2], $0x80, v4, vm0, $0xb8;
	[tilespmem:$0x14380] =	vst v63  }
0x42: {  	s4 =	simm.s32 $0x5B80  }
0x43: {  	[tilespmem:s4], [sflag:$0x1] =	stream.indirect_vreg.gather [hbm4b:s7+s2], $0x80, v4, vm0, $0xb8;
	[tilespmem:$0x14380] =	vst v63  }
0x44: {  	s4 =	simm.s32 $0x6380  }
0x45: {  	[tilespmem:s4], [sflag:$0x1] =	stream.indirect_vreg.gather [hbm4b:s3+s2], $0x80, v3, vm0, $0xb8;
	[tilespmem:$0x14380] =	vst v63  }
0x46: {  	s4 =	simm.s32 $0x6B80  }
0x47: {  	[tilespmem:s4], [sflag:$0x1] =	stream.indirect_vreg.gather [hbm4b:s5+s2], $0x80, v3, vm0, $0xb8;
	[tilespmem:$0x14380] =	vst v63  }
0x48: {  	s4 =	simm.s32 $0x7380  }
0x49: {  	[tilespmem:s4], [sflag:$0x1] =	stream.indirect_vreg.gather [hbm4b:s6+s2], $0x80, v3, vm0, $0xb8;
	[tilespmem:$0x14380] =	vst v63  }
0x4a: {  	s4 =	simm.s32 $0x7B80  }
0x4b: {  	[tilespmem:s4], [sflag:$0x1] =	stream.indirect_vreg.gather [hbm4b:s7+s2], $0x80, v3, vm0, $0xb8;
	[tilespmem:$0x14380] =	vst v63  }
0x4c: {  	v3 =	vld.msk [tilespmem:$0x20], $0xff;
	_ =	sdelay $0x4  }
0x4d: {  	v63 =	vshll.u32 v3, $0x3  }
0x4e: {  	v3 =	vand.u32 $0x7, v3;
	v4 =	vand.u32 $0xFFFFFFC0, v63  }
0x4f: {  	v3 =	vor.u32 v3, v4  }
0x50: {  	v3 =	vperm.xlane v3, v0;
	_ =	sdelay $0x1  }
0x51: {  	v3 =	vadd.s32 v1, v3;
	_ =	sdelay $0x3  }
0x52: {  	s4 =	simm.s32 $0x8380  }
0x53: {  	[tilespmem:s4], [sflag:$0x1] =	stream.indirect_vreg.gather [hbm4b:s3+s2], $0x80, v3, vm0, $0xb8;
	[tilespmem:$0x14380] =	vst v63  }
0x54: {  	s4 =	simm.s32 $0x8B80  }
0x55: {  	[tilespmem:s4], [sflag:$0x1] =	stream.indirect_vreg.gather [hbm4b:s5+s2], $0x80, v3, vm0, $0xb8;
	[tilespmem:$0x14380] =	vst v63  }
.Ltmp2:
0x56: {  	_ = 	snop;
	(pc) =	sbr.rel .LBB2_2-.Ltmp2, $4  }
0x57: {  	s4 =	simm.s32 $0x9380  }
0x58: {  	[tilespmem:s4], [sflag:$0x1] =	stream.indirect_vreg.gather [hbm4b:s6+s2], $0x80, v3, vm0, $0xb8;
	[tilespmem:$0x14380] =	vst v63  }
0x59: {  	s30 =	simm.s32 $0x38;
	s31 =	simm.s32 $0x0;
	s4 =	simm.s32 $0x9B80  }
0x5a: {  	[tilespmem:s4], [sflag:$0x1] =	stream.indirect_vreg.gather [hbm4b:s7+s2], $0x80, v3, vm0, $0xb8;
	[tilespmem:$0x14380] =	vst v63  }
.LBB2_4:
0x5b: {  	s31 =	sadd.s32 $0x2800, s31  }
0x5c: {  	p0 =	sne.s32 s31, $0x19000  }
.Ltmp3:
0x5d: {  	_ = 	snop;
	(pc) =	sbr.rel @!p0 .LBB2_5-.Ltmp3, $3  }
0x5e: {  	_ =	sdelay $0x1  }
0x5f: {  	s4 =	sadd.s32 $0x1400, s4;
	s30 =	sadd.s32 $0x50, s30  }
0x60: {  	[hbm4b:s4+s2] =	stream.linear.scatter [tilespmem:s1], [sflag:$0x2], $0xA000, $0x38;
	[tilespmem:$0x14380] =	vst v63  }
.LBB2_2:
0x61: {  	_ =	swait.ge [sflag:s0], $0xA000  }
0x62: {  	p0 =	seq.s32 s31, $0x0;
	[sflag:s0] =	ssyncset.done $0x0  }
0x63: {  	s4 =	simm.s32 @!p0 $0x2;
	[sflag:s0] =	ssyncadd.s32 $0xFFFF6000  }
0x64: {  	_ =	swait.ge @!p0 [sflag:s4], $0xA000  }
0x65: {  	[sflag:s4] =	ssyncset.done @!p0 $0x0  }
0x66: {  	[sflag:s4] =	ssyncadd.s32 @!p0 $0xFFFF6000  }
0x67: {  	v3 =	vld [tilespmem:s30+$0xFFFFFFF0];
	_ =	sdelay $0x4  }
0x68: {  	v4 =	vshll.u32 v3, $0x3  }
0x69: {  	v3 =	vand.u32 $0x7, v3;
	v4 =	vand.u32 $0xFFFFFFC0, v4  }
0x6a: {  	v3 =	vor.u32 v3, v4  }
0x6b: {  	v4 =	vperm.xlane v3, v0;
	_ =	sdelay $0x1  }
0x6c: {  	v4 =	vadd.s32 v1, v4;
	_ =	sdelay $0x4  }
0x6d: {  	[tilespmem:s1], [sflag:$0x1] =	stream.indirect_vreg.gather [hbm4b:s3+s2], $0x80, v4, vm0, $0xb8;
	[tilespmem:$0x14380] =	vst v63  }
0x6e: {  	v3 =	vperm.xlane v3, v2  }
0x6f: {  	[tilespmem:s8], [sflag:$0x1] =	stream.indirect_vreg.gather [hbm4b:s5+s2], $0x80, v4, vm0, $0xb8;
	[tilespmem:$0x14380] =	vst v63  }
0x70: {  	s4 =	simm.s32 $0xB380;
	v3 =	vadd.s32 v1, v3  }
0x71: {  	[tilespmem:s4], [sflag:$0x1] =	stream.indirect_vreg.gather [hbm4b:s6+s2], $0x80, v4, vm0, $0xb8;
	[tilespmem:$0x14380] =	vst v63  }
0x72: {  	_ = 	snop  }
0x73: {  	[tilespmem:s10], [sflag:$0x1] =	stream.indirect_vreg.gather [hbm4b:s7+s2], $0x80, v4, vm0, $0xb8;
	[tilespmem:$0x14380] =	vst v63  }
0x74: {  	_ = 	snop  }
0x75: {  	[tilespmem:s12], [sflag:$0x1] =	stream.indirect_vreg.gather [hbm4b:s3+s2], $0x80, v3, vm0, $0xb8;
	[tilespmem:$0x14380] =	vst v63  }
0x76: {  	_ = 	snop  }
0x77: {  	[tilespmem:s13], [sflag:$0x1] =	stream.indirect_vreg.gather [hbm4b:s5+s2], $0x80, v3, vm0, $0xb8;
	[tilespmem:$0x14380] =	vst v63  }
0x78: {  	_ = 	snop  }
0x79: {  	[tilespmem:s14], [sflag:$0x1] =	stream.indirect_vreg.gather [hbm4b:s6+s2], $0x80, v3, vm0, $0xb8;
	[tilespmem:$0x14380] =	vst v63  }
0x7a: {  	_ = 	snop  }
0x7b: {  	[tilespmem:s15], [sflag:$0x1] =	stream.indirect_vreg.gather [hbm4b:s7+s2], $0x80, v3, vm0, $0xb8;
	[tilespmem:$0x14380] =	vst v63  }
0x7c: {  	v3 =	vld [tilespmem:s30+$0x0];
	_ =	sdelay $0x4  }
0x7d: {  	v62 =	vshll.u32 v3, $0x3  }
0x7e: {  	v3 =	vand.u32 $0x7, v3;
	v4 =	vand.u32 $0xFFFFFFC0, v62  }
0x7f: {  	v3 =	vor.u32 v3, v4  }
0x80: {  	v4 =	vperm.xlane v3, v0;
	_ =	sdelay $0x1  }
0x81: {  	v4 =	vadd.s32 v1, v4;
	_ =	sdelay $0x4  }
0x82: {  	[tilespmem:s16], [sflag:$0x1] =	stream.indirect_vreg.gather [hbm4b:s3+s2], $0x80, v4, vm0, $0xb8;
	[tilespmem:$0x14380] =	vst v63  }
0x83: {  	v3 =	vperm.xlane v3, v2  }
0x84: {  	[tilespmem:s17], [sflag:$0x1] =	stream.indirect_vreg.gather [hbm4b:s5+s2], $0x80, v4, vm0, $0xb8;
	[tilespmem:$0x14380] =	vst v63  }
0x85: {  	v3 =	vadd.s32 v1, v3  }
0x86: {  	[tilespmem:s18], [sflag:$0x1] =	stream.indirect_vreg.gather [hbm4b:s6+s2], $0x80, v4, vm0, $0xb8;
	[tilespmem:$0x14380] =	vst v63  }
0x87: {  	_ = 	snop  }
0x88: {  	[tilespmem:s19], [sflag:$0x1] =	stream.indirect_vreg.gather [hbm4b:s7+s2], $0x80, v4, vm0, $0xb8;
	[tilespmem:$0x14380] =	vst v63  }
0x89: {  	_ = 	snop  }
0x8a: {  	[tilespmem:s20], [sflag:$0x1] =	stream.indirect_vreg.gather [hbm4b:s3+s2], $0x80, v3, vm0, $0xb8;
	[tilespmem:$0x14380] =	vst v63  }
0x8b: {  	_ = 	snop  }
0x8c: {  	[tilespmem:s21], [sflag:$0x1] =	stream.indirect_vreg.gather [hbm4b:s5+s2], $0x80, v3, vm0, $0xb8;
	[tilespmem:$0x14380] =	vst v63  }
0x8d: {  	_ = 	snop  }
0x8e: {  	[tilespmem:s22], [sflag:$0x1] =	stream.indirect_vreg.gather [hbm4b:s6+s2], $0x80, v3, vm0, $0xb8;
	[tilespmem:$0x14380] =	vst v63  }
0x8f: {  	_ = 	snop  }
0x90: {  	[tilespmem:s23], [sflag:$0x1] =	stream.indirect_vreg.gather [hbm4b:s7+s2], $0x80, v3, vm0, $0xb8;
	[tilespmem:$0x14380] =	vst v63  }
0x91: {  	v3 =	vld.msk [tilespmem:s30+$0x10], $0xff;
	_ =	sdelay $0x4  }
0x92: {  	v63 =	vshll.u32 v3, $0x3  }
0x93: {  	v3 =	vand.u32 $0x7, v3;
	v4 =	vand.u32 $0xFFFFFFC0, v63  }
0x94: {  	v3 =	vor.u32 v3, v4  }
0x95: {  	v3 =	vperm.xlane v3, v0;
	_ =	sdelay $0x1  }
0x96: {  	v3 =	vadd.s32 v1, v3;
	_ =	sdelay $0x4  }
0x97: {  	[tilespmem:s24], [sflag:$0x1] =	stream.indirect_vreg.gather [hbm4b:s3+s2], $0x80, v3, vm0, $0xb8;
	[tilespmem:$0x14380] =	vst v63  }
0x98: {  	_ = 	snop  }
0x99: {  	[tilespmem:s25], [sflag:$0x1] =	stream.indirect_vreg.gather [hbm4b:s5+s2], $0x80, v3, vm0, $0xb8;
	[tilespmem:$0x14380] =	vst v63  }
0x9a: {  	_ = 	snop  }
0x9b: {  	[tilespmem:s26], [sflag:$0x1] =	stream.indirect_vreg.gather [hbm4b:s6+s2], $0x80, v3, vm0, $0xb8;
	[tilespmem:$0x14380] =	vst v63  }
0x9c: {  	_ = 	snop  }
0x9d: {  	[tilespmem:s28], [sflag:$0x1] =	stream.indirect_vreg.gather [hbm4b:s7+s2], $0x80, v3, vm0, $0xb8;
	[tilespmem:$0x14380] =	vst v63  }
0x9e: {  	s4 =	sadd.s32 s31, s9  }
0x9f: {  	[hbm4b:s4+s2] =	stream.linear.scatter [tilespmem:s11], [sflag:$0x2], $0xA000, $0x38;
	[tilespmem:$0x14380] =	vst v63  }
0xa0: {  	p0 =	seq.s32 s31, $0x16800;
	_ =	swait.ge [sflag:s0], $0xA000  }
.Ltmp4:
0xa1: {  	[sflag:s0] =	ssyncset.done $0x0;
	(pc) =	sbr.rel @p0 .LBB2_4-.Ltmp4, $4  }
0xa2: {  	[sflag:s0] =	ssyncadd.s32 $0xFFFF6000  }
0xa3: {  	_ =	swait.ge [sflag:s29], $0xA000  }
0xa4: {  	[sflag:s29] =	ssyncset.done $0x0  }
0xa5: {  	[sflag:s29] =	ssyncadd.s32 $0xFFFF6000  }
0xa6: {  	v3 =	vld [tilespmem:s30+$0x18];
	_ =	sdelay $0x4  }
0xa7: {  	v4 =	vshll.u32 v3, $0x3  }
0xa8: {  	v3 =	vand.u32 $0x7, v3;
	v4 =	vand.u32 $0xFFFFFFC0, v4  }
0xa9: {  	v3 =	vor.u32 v3, v4  }
0xaa: {  	v4 =	vperm.xlane v3, v0;
	_ =	sdelay $0x1  }
0xab: {  	v4 =	vadd.s32 v1, v4;
	_ =	sdelay $0x4  }
0xac: {  	[tilespmem:s11], [sflag:$0x1] =	stream.indirect_vreg.gather [hbm4b:s3+s2], $0x80, v4, vm0, $0xb8;
	[tilespmem:$0x14380] =	vst v63  }
0xad: {  	s8 =	simm.s32 $0xB80;
	v3 =	vperm.xlane v3, v2  }
0xae: {  	[tilespmem:s8], [sflag:$0x1] =	stream.indirect_vreg.gather [hbm4b:s5+s2], $0x80, v4, vm0, $0xb8;
	[tilespmem:$0x14380] =	vst v63  }
0xaf: {  	v3 =	vadd.s32 v1, v3;
	s8 =	simm.s32 $0x1380  }
0xb0: {  	[tilespmem:s8], [sflag:$0x1] =	stream.indirect_vreg.gather [hbm4b:s6+s2], $0x80, v4, vm0, $0xb8;
	[tilespmem:$0x14380] =	vst v63  }
0xb1: {  	s8 =	simm.s32 $0x1B80  }
0xb2: {  	[tilespmem:s8], [sflag:$0x1] =	stream.indirect_vreg.gather [hbm4b:s7+s2], $0x80, v4, vm0, $0xb8;
	[tilespmem:$0x14380] =	vst v63  }
0xb3: {  	s8 =	simm.s32 $0x2380  }
0xb4: {  	[tilespmem:s8], [sflag:$0x1] =	stream.indirect_vreg.gather [hbm4b:s3+s2], $0x80, v3, vm0, $0xb8;
	[tilespmem:$0x14380] =	vst v63  }
0xb5: {  	s8 =	simm.s32 $0x2B80  }
0xb6: {  	[tilespmem:s8], [sflag:$0x1] =	stream.indirect_vreg.gather [hbm4b:s5+s2], $0x80, v3, vm0, $0xb8;
	[tilespmem:$0x14380] =	vst v63  }
0xb7: {  	s8 =	simm.s32 $0x3380  }
0xb8: {  	[tilespmem:s8], [sflag:$0x1] =	stream.indirect_vreg.gather [hbm4b:s6+s2], $0x80, v3, vm0, $0xb8;
	[tilespmem:$0x14380] =	vst v63  }
0xb9: {  	s8 =	simm.s32 $0x3B80  }
0xba: {  	[tilespmem:s8], [sflag:$0x1] =	stream.indirect_vreg.gather [hbm4b:s7+s2], $0x80, v3, vm0, $0xb8;
	[tilespmem:$0x14380] =	vst v63  }
0xbb: {  	v3 =	vld [tilespmem:s30+$0x28];
	_ =	sdelay $0x4  }
0xbc: {  	v62 =	vshll.u32 v3, $0x3  }
0xbd: {  	v3 =	vand.u32 $0x7, v3;
	v4 =	vand.u32 $0xFFFFFFC0, v62  }
0xbe: {  	v3 =	vor.u32 v3, v4  }
0xbf: {  	v4 =	vperm.xlane v3, v0;
	_ =	sdelay $0x1  }
0xc0: {  	v4 =	vadd.s32 v1, v4;
	_ =	sdelay $0x3  }
0xc1: {  	s8 =	simm.s32 $0x4380  }
0xc2: {  	[tilespmem:s8], [sflag:$0x1] =	stream.indirect_vreg.gather [hbm4b:s3+s2], $0x80, v4, vm0, $0xb8;
	[tilespmem:$0x14380] =	vst v63  }
0xc3: {  	v3 =	vperm.xlane v3, v2;
	s8 =	simm.s32 $0x4B80  }
0xc4: {  	[tilespmem:s8], [sflag:$0x1] =	stream.indirect_vreg.gather [hbm4b:s5+s2], $0x80, v4, vm0, $0xb8;
	[tilespmem:$0x14380] =	vst v63  }
0xc5: {  	v3 =	vadd.s32 v1, v3;
	s8 =	simm.s32 $0x5380  }
0xc6: {  	[tilespmem:s8], [sflag:$0x1] =	stream.indirect_vreg.gather [hbm4b:s6+s2], $0x80, v4, vm0, $0xb8;
	[tilespmem:$0x14380] =	vst v63  }
0xc7: {  	s8 =	simm.s32 $0x5B80  }
0xc8: {  	[tilespmem:s8], [sflag:$0x1] =	stream.indirect_vreg.gather [hbm4b:s7+s2], $0x80, v4, vm0, $0xb8;
	[tilespmem:$0x14380] =	vst v63  }
0xc9: {  	s8 =	simm.s32 $0x6380  }
0xca: {  	[tilespmem:s8], [sflag:$0x1] =	stream.indirect_vreg.gather [hbm4b:s3+s2], $0x80, v3, vm0, $0xb8;
	[tilespmem:$0x14380] =	vst v63  }
0xcb: {  	s8 =	simm.s32 $0x6B80  }
0xcc: {  	[tilespmem:s8], [sflag:$0x1] =	stream.indirect_vreg.gather [hbm4b:s5+s2], $0x80, v3, vm0, $0xb8;
	[tilespmem:$0x14380] =	vst v63  }
0xcd: {  	s8 =	simm.s32 $0x7380  }
0xce: {  	[tilespmem:s8], [sflag:$0x1] =	stream.indirect_vreg.gather [hbm4b:s6+s2], $0x80, v3, vm0, $0xb8;
	[tilespmem:$0x14380] =	vst v63  }
0xcf: {  	s8 =	simm.s32 $0x7B80  }
0xd0: {  	[tilespmem:s8], [sflag:$0x1] =	stream.indirect_vreg.gather [hbm4b:s7+s2], $0x80, v3, vm0, $0xb8;
	[tilespmem:$0x14380] =	vst v63  }
0xd1: {  	v3 =	vld.msk [tilespmem:s30+$0x38], $0xff;
	_ =	sdelay $0x4  }
0xd2: {  	v63 =	vshll.u32 v3, $0x3  }
0xd3: {  	v3 =	vand.u32 $0x7, v3;
	v4 =	vand.u32 $0xFFFFFFC0, v63  }
0xd4: {  	v3 =	vor.u32 v3, v4  }
0xd5: {  	v3 =	vperm.xlane v3, v0;
	_ =	sdelay $0x1  }
0xd6: {  	v3 =	vadd.s32 v1, v3;
	_ =	sdelay $0x3  }
0xd7: {  	s8 =	simm.s32 $0x8380  }
0xd8: {  	[tilespmem:s8], [sflag:$0x1] =	stream.indirect_vreg.gather [hbm4b:s3+s2], $0x80, v3, vm0, $0xb8;
	[tilespmem:$0x14380] =	vst v63  }
0xd9: {  	s8 =	simm.s32 $0x8B80  }
0xda: {  	[tilespmem:s8], [sflag:$0x1] =	stream.indirect_vreg.gather [hbm4b:s5+s2], $0x80, v3, vm0, $0xb8;
	[tilespmem:$0x14380] =	vst v63  }
.Ltmp5:
0xdb: {  	s8 =	simm.s32 $0x9380;
	(pc) =	sbr.rel .LBB2_4-.Ltmp5, $4  }
0xdc: {  	[tilespmem:s8], [sflag:$0x1] =	stream.indirect_vreg.gather [hbm4b:s6+s2], $0x80, v3, vm0, $0xb8;
	[tilespmem:$0x14380] =	vst v63  }
0xdd: {  	s8 =	simm.s32 $0x9B80  }
0xde: {  	[tilespmem:s8], [sflag:$0x1] =	stream.indirect_vreg.gather [hbm4b:s7+s2], $0x80, v3, vm0, $0xb8;
	[tilespmem:$0x14380] =	vst v63  }
0xdf: {  	s8 =	simm.s32 $0xAB80  }
.LBB2_6:
0xe0: {  	_ =	sfence.sel $0x180000  }
0xe1: {  	[bflag:$0x0] =	sbarrier.arrive $0xFFFF  }
0xe2: {  	_ =	strace $0x90000059  }
0xe3: {  	s0 =	stileid.u32;
	[bflag:$0x2] =	sbarrier.arrive $0xFFFF  }
0xe4: {  	p0 =	sne.s32 s0, $0x0;
	s0 =	rddreg [dreg:$0x1]  }
0xe5: {  	s0 =	sadd.s32 @!p0 $0x100000, s0  }
0xe6: {  	[sflag:s0] =	ssyncadd.tile.s32 @!p0 $0x1;
	_ =	shalt  }
.Lfunc_end2:
_tile_overlayer_lowered:
.L_overlay_start_2:
0xe7: {  	(tag) =	ssettag $0x2  }
0xe8: {  	s0 =	rddreg [dreg:$0x0];
	s2 =	stileid.u32  }
0xe9: {  	s1 =	rddreg [dreg:$0x1];
	p0 =	sne.s32 s2, $0x0  }
0xea: {  	s3 =	rddreg [dreg:$0x2];
	[bflag:$0x3] =	sbarrier.arrive $0xFFFF;
	s2 =	simm.s32 @!p0 $0x1C03  }
0xeb: {  	[timem:s3], [sflag:s2] =	dma.local @!p0 [hbm:s0], s1  }
0xec: {  	s0 =	simm.s32 @!p0 $0x3  }
0xed: {  	_ =	swait.ge @!p0 [sflag:s0], s1  }
0xee: {  	s1 =	ssub.s32 @!p0 $0x0, s1;
	[sflag:s0] =	ssyncset.done @!p0 $0x0  }
0xef: {  	[sflag:s0] =	ssyncadd.s32 @!p0 s1  }
0xf0: {  	[bflag:$0x3] =	sbarrier.arrive $0xFFFF  }
0xf1: {  	_ =	shalt  }

// kernel: kernel.39.cloned.1.call-start
scs
__scs_entry_jumppad:
0x0: {  	(pc) =	sbr.rel $0x88, $3  }
0x1: {  	(tag) =	ssettag $0x0;
	lr =	simm.s32 $0x1  }
0x2: {  	[smem:$0x3F9E] =	sst lr;
	_ =	strace $0xD0000000  }
0x3: {  	_ = 	snop  }
0x4: {  	_ = 	snop  }
0x5: {  	_ = 	snop  }
0x6: {  	_ = 	snop  }
0x7: {  	_ = 	snop  }
__scs_overlays_trampoline_lowered:
0x8: {  	[smem:$0x3FAD] =	sst s0  }
0x9: {  	[smem:$0x3FAE] =	sst s1  }
0xa: {  	[smem:$0x3FAF] =	sst s2  }
0xb: {  	[smem:$0x3FB0] =	sst s3  }
0xc: {  	[smem:$0x3FB1] =	sst s4  }
0xd: {  	[smem:$0x3FB2] =	sst s5  }
0xe: {  	[smem:$0x3FB3] =	sst s6  }
0xf: {  	[smem:$0x3FB4] =	sst s7  }
0x10: {  	[smem:$0x3FB5] =	sst s8  }
0x11: {  	[smem:$0x3FB6] =	sst s9;
	s0 =	simm.s32 @!p0 $0x0  }
0x12: {  	s1 =	sld [smem:$0x3F9C];
	s0 =	simm.s32 @p0 $0x1  }
0x13: {  	[smem:$0x3FB7] =	sst s0;
	s0 =	simm.s32 @!p1 $0x0  }
0x14: {  	s2 =	sld [smem:$0x3F9B];
	s0 =	simm.s32 @p1 $0x1  }
0x15: {  	[smem:$0x3FB8] =	sst s0;
	s0 =	simm.s32 @!p2 $0x0  }
0x16: {  	s3 =	sld [smem:$0x3FDB];
	s0 =	simm.s32 @p2 $0x1  }
0x17: {  	s4 =	simm.s32 $0x1BF5;
	[smem:$0x3FBA] =	sst s0  }
0x18: {  	s0 =	sld [smem:$0x3F9D];
	_ =	swait.ge [sflag:s4], $0x0  }
0x19: {  	s7 =	sld [smem:$0x3F9E]  }
0x1a: {  	s8 =	sadd.s32 $0xFFFFE003, lr  }
0x1b: {  	s9 =	sadd.s32 $0xFFFFFEF7, lr;
	s5 =	simm.s32 $0xFFFFFFFF;
	p2 =	slt.u32 s8, $0xFFFFF086  }
0x1c: {  	p1 =	slt.u32 s9, $0xF7A;
	s5 =	simm.s32 @!p2 $0x0  }
0x1d: {  	s5 =	simm.s32 @p1 $0x1;
	p0 =	seq.s32 s7, s2  }
0x1e: {  	s7 =	smul.u32 @!p0 $0xF7A, s2;
	p2 =	seq.s32 @!p0 s5, $0x0  }
0x1f: {  	s9 =	smul.u32 $0xF7A, s1;
	s8 =	simm.s32 @!p0 $0x1BF5;
	p2 =	por !p2, p0  }
0x20: {  	[sflag:s8] =	ssyncset.s32 @!p0 $0xFFFFF086;
	s6 =	sadd.s32 @!p0 s3, s7;
	s7 =	simm.s32 @!p0 $0x108  }
0x21: {  	s3 =	sadd.s32 s3, s9;
	s6 =	sadd.s32 @!p0 $0x88, s6;
	s7 =	simm.s32 @p2 $0x1082  }
0x22: {  	[simem:s7], [sflag:s8] =	dma.local @!p0 [hbm:s6], $0xF7A  }
0x23: {  	s9 =	sor.u32 $0xD0000000, s2;
	s6 =	simm.s32 $0x108;
	_ =	swait.ge @!p0 [sflag:s8], $0x0  }
0x24: {  	s3 =	sadd.s32 $0x88, s3;
	s6 =	simm.s32 @!p1 $0x1082;
	[sflag:s4] =	ssyncset.s32 $0xFFFFF086  }
0x25: {  	[simem:s6], [sflag:s4] =	dma.local [hbm:s3], $0xF7A  }
0x26: {  	[smem:$0x3F9E] =	sst s1;
	(tag) =	ssettag s2;
	_ =	strace s9  }
0x27: {  	s1 =	sld [smem:$0x3FAE]  }
0x28: {  	s2 =	sld [smem:$0x3FAF]  }
0x29: {  	s4 =	sld [smem:$0x3FB1]  }
0x2a: {  	p0 =	seq.s32 s5, $0x0;
	s5 =	sld [smem:$0x3FB2]  }
0x2b: {  	s6 =	sld [smem:$0x3FB3]  }
0x2c: {  	s7 =	sld [smem:$0x3FB4]  }
0x2d: {  	s3 =	simm.s32 $0x108;
	s8 =	sld [smem:$0x3FB5]  }
0x2e: {  	s3 =	simm.s32 @!p0 $0x1082;
	s9 =	sld [smem:$0x3FB6]  }
0x2f: {  	lr =	sadd.s32 s0, s3;
	s0 =	sld [smem:$0x3FAD]  }
0x30: {  	s3 =	sld [smem:$0x3FB0]  }
0x31: {  	[smem:$0x3FB9] =	sst s10  }
0x32: {  	s10 =	sld [smem:$0x3FB7];
	_ =	sdelay $0x3  }
0x33: {  	p0 =	seq.s32 s10, $0x1;
	s10 =	sld [smem:$0x3FB9];
	_ =	sdelay $0x3  }
0x34: {  	[smem:$0x3FB9] =	sst s10  }
0x35: {  	s10 =	sld [smem:$0x3FB8];
	_ =	sdelay $0x3  }
0x36: {  	p1 =	seq.s32 s10, $0x1;
	s10 =	sld [smem:$0x3FB9];
	_ =	sdelay $0x3  }
0x37: {  	[smem:$0x3FB9] =	sst s10  }
0x38: {  	s10 =	sld [smem:$0x3FBA]  }
0x39: {  	_ = 	snop;
	(pc) =	sbr.ind lr, $3  }
0x3a: {  	_ = 	snop  }
0x3b: {  	_ = 	snop  }
0x3c: {  	p2 =	seq.s32 s10, $0x1;
	s10 =	sld [smem:$0x3FB9]  }
0x3d: {  	_ =	shalt  }
0x3e: {  	_ =	shalt  }
0x3f: {  	_ =	shalt  }
0x40: {  	_ =	shalt  }
0x41: {  	_ =	shalt  }
0x42: {  	_ =	shalt  }
0x43: {  	_ =	shalt  }
0x44: {  	_ =	shalt  }
0x45: {  	_ =	shalt  }
0x46: {  	_ =	shalt  }
0x47: {  	_ =	shalt  }
0x48: {  	_ =	shalt  }
0x49: {  	_ =	shalt  }
0x4a: {  	_ =	shalt  }
0x4b: {  	_ =	shalt  }
0x4c: {  	_ =	shalt  }
0x4d: {  	_ =	shalt  }
0x4e: {  	_ =	shalt  }
0x4f: {  	_ =	shalt  }
0x50: {  	_ =	shalt  }
0x51: {  	_ =	shalt  }
0x52: {  	_ =	shalt  }
0x53: {  	_ =	shalt  }
0x54: {  	_ =	shalt  }
0x55: {  	_ =	shalt  }
0x56: {  	_ =	shalt  }
0x57: {  	_ =	shalt  }
0x58: {  	_ =	shalt  }
0x59: {  	_ =	shalt  }
0x5a: {  	_ =	shalt  }
0x5b: {  	_ =	shalt  }
0x5c: {  	_ =	shalt  }
0x5d: {  	_ =	shalt  }
0x5e: {  	_ =	shalt  }
0x5f: {  	_ =	shalt  }
0x60: {  	_ =	shalt  }
0x61: {  	_ =	shalt  }
0x62: {  	_ =	shalt  }
0x63: {  	_ =	shalt  }
0x64: {  	_ =	shalt  }
0x65: {  	_ =	shalt  }
0x66: {  	_ =	shalt  }
0x67: {  	_ =	shalt  }
0x68: {  	_ =	shalt  }
0x69: {  	_ =	shalt  }
0x6a: {  	_ =	shalt  }
0x6b: {  	_ =	shalt  }
0x6c: {  	_ =	shalt  }
0x6d: {  	_ =	shalt  }
0x6e: {  	_ =	shalt  }
0x6f: {  	_ =	shalt  }
0x70: {  	_ =	shalt  }
0x71: {  	_ =	shalt  }
0x72: {  	_ =	shalt  }
0x73: {  	_ =	shalt  }
0x74: {  	_ =	shalt  }
0x75: {  	_ =	shalt  }
0x76: {  	_ =	shalt  }
0x77: {  	_ =	shalt  }
0x78: {  	_ =	shalt  }
0x79: {  	_ =	shalt  }
0x7a: {  	_ =	shalt  }
0x7b: {  	_ =	shalt  }
0x7c: {  	_ =	shalt  }
0x7d: {  	_ =	shalt  }
0x7e: {  	_ =	shalt  }
0x7f: {  	_ =	shalt  }
0x80: {  	_ =	shalt  }
0x81: {  	_ =	shalt  }
0x82: {  	_ =	shalt  }
0x83: {  	_ =	shalt  }
0x84: {  	_ =	shalt  }
0x85: {  	_ =	shalt  }
0x86: {  	_ =	shalt  }
0x87: {  	_ =	shalt  }
.Lfunc_end0:
.L_simem_size_0:
called_computation.6_lowered:
.L_overlay_start_0:
0x88: {  	s2 =	sld [smem:$0x3FD9]  }
0x89: {  	s3 =	sld [smem:$0x3FFE];
	_ =	sdelay $0x1  }
0x8a: {  	s1 =	srdreg.scid  }
0x8b: {  	s0 =	sand.u32 $0x1, s1  }
0x8c: {  	s17 =	sshll.u32 s0, $0xA;
	s2 =	sadd.s32 s3, s2  }
0x8d: {  	s2 =	sadd.s32 s2, s17  }
0x8e: {  	[smem:$0x3FC5] =	sst s2  }
0x8f: {  	_ = 	snop  }
0x90: {  	(tm) =	ssettm $0x1  }
0x91: {  	s18 =	sld [smem:$0x3FFB];
	_ =	sdelay $0x3  }
0x92: {  	_ =	strace s18  }
0x93: {  	s2 =	sld [smem:$0x3FFC];
	_ =	sdelay $0x3  }
0x94: {  	_ =	strace s2  }
0x95: {  	s2 =	sld [smem:$0x3FFD];
	_ =	sdelay $0x3  }
0x96: {  	_ =	strace s2  }
0x97: {  	_ =	strace $0x8FFFFFFF  }
0x98: {  	s19 =	sld [smem:$0x3FDB];
	_ =	sdelay $0x1  }
0x99: {  	s20 =	simm.s32 $_scs_section_size  }
0x9a: {  	s4 =	simm.s32 $_size__tile_overlayer_lowered;
	s5 =	simm.s32 $_tile_overlayer_lowered  }
0x9b: {  	s6 =	simm.s32 $0x1BFF;
	s21 =	sshll.u32 s5, $0x1;
	s3 =	sadd.s32 s20, s19  }
0x9c: {  	s22 =	simm.s32 $0x0;
	s4 =	sshll.u32 s4, $0x1;
	s5 =	sadd.s32 s21, s3  }
0x9d: {  	[timem:s22], [sflag:s6] =	dma.local [hbm:s5], s4  }
0x9e: {  	_ =	swait.ge [sflag:s6], s4  }
0x9f: {  	s4 =	ssub.s32 $0x0, s4;
	[sflag:s6] =	ssyncset.done $0x0  }
0xa0: {  	[sflag:s6] =	ssyncadd.s32 s4;
	_ =	sdelay $0x1  }
0xa1: {  	s23 =	simm.s32 $0x1B8B  }
0xa2: {  	_ =	swait.ge [sflag:s23], $0x1  }
0xa3: {  	[sflag:s23] =	ssyncset.done $0x0  }
0xa4: {  	[sflag:s23] =	ssyncadd.s32 $0xFFFFFFFF  }
0xa5: {  	s4 =	sld [smem:$0x0]  }
0xa6: {  	s5 =	sand.u32 $0xFFFFFFFE, s1  }
0xa7: {  	p0 =	sne.s32 s1, s5  }
0xa8: {  	s5 =	sshll.u32 @p0 s5, $0xE  }
0xa9: {  	s5 =	sadd.s32 @p0 $0x11B8D, s5;
	s6 =	sshll.u32 @p0 s4, $0x11  }
0xaa: {  	s5 =	sor.u32 @p0 s6, s5  }
0xab: {  	[sflag:s5] =	ssyncadd.remote.s32 @p0 $0x1;
	_ =	sdelay $0x1  }
0xac: {  	s5 =	simm.s32 @p0 $0x1B8D  }
0xad: {  	_ =	swait.eq @p0 [sflag:s5], $0x1  }
0xae: {  	[sflag:s5] =	ssyncadd.s32 @p0 $0xFFFFFFFF  }
0xaf: {  	s6 =	sshll.u32 @!p0 s1, $0xE  }
0xb0: {  	s6 =	sor.u32 @!p0 $0x4000, s6;
	s5 =	simm.s32 @!p0 $0x1B8D  }
0xb1: {  	s4 =	sshll.u32 @!p0 s4, $0x11;
	s6 =	sadd.s32 @!p0 $0x11B8D, s6;
	_ =	swait.eq @!p0 [sflag:s5], $0x1  }
0xb2: {  	s4 =	sor.u32 @!p0 s4, s6;
	[sflag:s5] =	ssyncadd.s32 @!p0 $0xFFFFFFFF  }
0xb3: {  	s25 =	simm.s32 $0x1B8E;
	s24 =	sld [smem:$0x3FFE];
	[sflag:s4] =	ssyncadd.remote.s32 @!p0 $0x1  }
0xb4: {  	s26 =	simm.s32 $execute0_lowered;
	[smem:$0x3FD2] =	sst s25  }
0xb5: {  	s5 =	sshll.u32 s26, $0x1;
	_ =	strace $0x8000005B;
	[dreg:$0x1] =	wrdreg $0xFFFFFFFF  }
0xb6: {  	s28 =	simm.s32 $_size_execute0_lowered;
	s3 =	sadd.s32 s3, s5;
	[dreg:$0x0] =	wrdreg $0x0  }
0xb7: {  	s5 =	sshll.u32 s28, $0x1;
	[dreg:$0x2] =	wrdreg s3  }
0xb8: {  	[dreg:$0x3] =	wrdreg s5  }
0xb9: {  	[dreg:$0x4] =	wrdreg $0xC0  }
0xba: {  	_ =	task [dreg:s22], $0x5FFFF  }
0xbb: {  	[dreg:$0x1] =	wrdreg $0xFFFFFFFF  }
0xbc: {  	[dreg:$0x0] =	wrdreg $0x60  }
0xbd: {  	[dreg:$0x2] =	wrdreg s24  }
0xbe: {  	[dreg:$0x3] =	wrdreg $0xF  }
0xbf: {  	_ =	task.clear_ibuf [dreg:s22], $0x4FFFF;
	_ =	strace $0x9000005B  }
0xc0: {  	s29 =	simm.s32 $0xF;
	_ =	strace $0x8000005D  }
0xc1: {  	_ =	swait.ge [sflag:s29], $0x1  }
0xc2: {  	[sflag:s29] =	ssyncadd.s32 $0xFFFFFFFF  }
0xc3: {  	_ =	strace $0x9000005D  }
0xc4: {  	_ =	sfence  }
0xc5: {  	s30 =	sld [smem:$0x0];
	_ =	sdelay $0x2  }
0xc6: {  	s31 =	sshll.u32 s1, $0xD;
	s1 =	sshrl.u32 s1, $0x2  }
0xc7: {  	s4 =	sand.u32 $0x4000, s31;
	s1 =	sadd.s32 s1, s30  }
0xc8: {  	s0 =	sor.u32 s4, s0;
	s1 =	sshll.u32 s1, $0x11  }
0xc9: {  	s0 =	sor.u32 s1, s0  }
0xca: {  	s0 =	sadd.s32 $0x8F2B, s0  }
0xcb: {  	[sflag:s0] =	ssyncadd.remote.s32 $0x1  }
0xcc: {  	_ =	sfence.sel $0xFFFF  }
0xcd: {  	[dreg:$0x0] =	wrdreg $0xFFFFFFFF;
	(pc) =	sbr.abs _section_cstart, $3  }
0xce: {  	[dreg:$0x1] =	wrdreg $0xFFFFFFFF  }
0xcf: {  	_ =	task.clear_ibuf [dreg:s22], $0x2FFFF;
	_ =	strace $0x9FFFFFFF  }
0xd0: {  	(tm) =	ssettm $0x7FFFFFFF  }
0xd1: {  	_ =	shalt  }
tec
execute0_lowered:
.L_overlay_start_1:
0x0: {  	(tag) =	ssettag $0x1  }
0x1: {  	s0 =	srdreg.scid  }
0x2: {  	s1 =	rddreg [dreg:$0x0];
	s7 =	stileid.u32;
	s2 =	simm.s32 $0x0  }
0x3: {  	s11 =	simm.s32 $0x380;
	s10 =	simm.s32 $0xBB80;
	s12 =	simm.s32 $0xC380  }
0x4: {  	s13 =	simm.s32 $0xCB80;
	s14 =	simm.s32 $0xD380;
	s15 =	simm.s32 $0xDB80  }
0x5: {  	s16 =	simm.s32 $0xE380;
	s17 =	simm.s32 $0xEB80;
	s18 =	simm.s32 $0xF380  }
0x6: {  	s19 =	simm.s32 $0xFB80;
	s20 =	simm.s32 $0x10380;
	s21 =	simm.s32 $0x10B80  }
0x7: {  	s22 =	simm.s32 $0x11380;
	s23 =	simm.s32 $0x11B80;
	s24 =	simm.s32 $0x12380  }
0x8: {  	s25 =	simm.s32 $0x12B80;
	s26 =	simm.s32 $0x13380;
	s28 =	simm.s32 $0x13B80  }
0x9: {  	s29 =	simm.s32 $0x2;
	s30 =	simm.s32 $0x0;
	s0 =	sand.u32 $0x1, s0  }
0xa: {  	[smem:$0x7FF] =	sst s2;
	s9 =	smul.u32 $0x19000, s7;
	s3 =	sshll.u32 s0, $0x4  }
0xb: {  	_ =	strace $0x8000005C;
	s5 =	smul.u32 $0x190000, s0;
	s0 =	ssub.s32 $0x2, s0  }
0xc: {  	s3 =	sor.u32 s7, s3;
	s6 =	sshrl.u32 s0, $0x1;
	s7 =	sadd.s32 $0x3300, s1  }
0xd: {  	s3 =	smul.u32 $0x320, s3;
	s8 =	sadd.s32 s5, s1;
	s0 =	ssub.s32 s0, s6  }
.Ltmp0:
0xe: {  	s5 =	sadd.s32 $0x3100, s1;
	s6 =	sadd.s32 $0x3200, s1;
	(pc) =	sbr.rel .LBB2_1-.Ltmp0, $4  }
0xf: {  	s0 =	smax.u32 s0, $0x1;
	s31 =	sadd.s32 s9, s8;
	s4 =	sshrl.u32 s3, $0x3  }
0x10: {  	v2 =	vlaneseq.u32;
	s8 =	simm.s32 $0xAB80;
	s3 =	sadd.s32 $0x3000, s1;
	s4 =	sadd.s32 s4, s1  }
0x11: {  	vm0 =	vmmov $0xffff;
	v1 =	vshrl.u32 v2, $0x3;
	[dreg:$0x3] =	wrdreg s0;
	s9 =	sadd.s32 $0x1609400, s31;
	s4 =	sadd.s32 $0x27800, s4  }
0x12: {  	v0 =	vand.u32 $0x7, v2;
	v2 =	vor.u32 $0x8, v2;
	v1 =	vmul.u32 $0x8, v1;
	s0 =	simm.s32 $0x1;
	s1 =	simm.s32 $0xA380;
	[dreg:$0x2] =	wrdreg s4  }
.LBB2_5:
0x13: {  	_ =	swait.ge [sflag:s29], $0xA000  }
0x14: {  	s30 =	rddreg [dreg:$0x4]  }
0x15: {  	s4 =	rddreg [dreg:$0x3];
	s30 =	sadd.s32 $0x1, s30  }
0x16: {  	p0 =	sne.s32 s30, s4  }
.Ltmp1:
0x17: {  	_ = 	snop;
	(pc) =	sbr.rel @!p0 .LBB2_6-.Ltmp1, $3  }
0x18: {  	_ =	sdelay $0x1  }
0x19: {  	[sflag:s29] =	ssyncset.done $0x0  }
0x1a: {  	[sflag:s29] =	ssyncadd.s32 $0xFFFF6000  }
.LBB2_1:
0x1b: {  	s4 =	rddreg [dreg:$0x2]  }
0x1c: {  	[tilespmem:s2], [sflag:$0x3] =	stream.linear.gather [hbm4b:s4+s2], $0x320, $0x38;
	[tilespmem:$0x14380] =	vst v63  }
0x1d: {  	[dreg:$0x4] =	wrdreg s30;
	s4 =	simm.s32 $0x3  }
0x1e: {  	_ =	swait.ge [sflag:s4], $0x320  }
0x1f: {  	[sflag:s4] =	ssyncset.done $0x0  }
0x20: {  	[sflag:s4] =	ssyncadd.s32 $0xFFFFFCE0  }
0x21: {  	v3 =	vld [tilespmem:$0x0];
	_ =	sdelay $0x4  }
0x22: {  	v4 =	vshll.u32 v3, $0x3  }
0x23: {  	v3 =	vand.u32 $0x7, v3;
	v4 =	vand.u32 $0xFFFFFFC0, v4  }
0x24: {  	v3 =	vor.u32 v3, v4  }
0x25: {  	v4 =	vperm.xlane v3, v0;
	_ =	sdelay $0x1  }
0x26: {  	v4 =	vadd.s32 v1, v4;
	_ =	sdelay $0x4  }
0x27: {  	[tilespmem:s11], [sflag:$0x1] =	stream.indirect_vreg.gather [hbm4b:s3+s2], $0x80, v4, vm0, $0xb8;
	[tilespmem:$0x14380] =	vst v63  }
0x28: {  	s4 =	simm.s32 $0xB80;
	v3 =	vperm.xlane v3, v2  }
0x29: {  	[tilespmem:s4], [sflag:$0x1] =	stream.indirect_vreg.gather [hbm4b:s5+s2], $0x80, v4, vm0, $0xb8;
	[tilespmem:$0x14380] =	vst v63  }
0x2a: {  	v3 =	vadd.s32 v1, v3;
	s4 =	simm.s32 $0x1380  }
0x2b: {  	[tilespmem:s4], [sflag:$0x1] =	stream.indirect_vreg.gather [hbm4b:s6+s2], $0x80, v4, vm0, $0xb8;
	[tilespmem:$0x14380] =	vst v63  }
0x2c: {  	s4 =	simm.s32 $0x1B80  }
0x2d: {  	[tilespmem:s4], [sflag:$0x1] =	stream.indirect_vreg.gather [hbm4b:s7+s2], $0x80, v4, vm0, $0xb8;
	[tilespmem:$0x14380] =	vst v63  }
0x2e: {  	s4 =	simm.s32 $0x2380  }
0x2f: {  	[tilespmem:s4], [sflag:$0x1] =	stream.indirect_vreg.gather [hbm4b:s3+s2], $0x80, v3, vm0, $0xb8;
	[tilespmem:$0x14380] =	vst v63  }
0x30: {  	s4 =	simm.s32 $0x2B80  }
0x31: {  	[tilespmem:s4], [sflag:$0x1] =	stream.indirect_vreg.gather [hbm4b:s5+s2], $0x80, v3, vm0, $0xb8;
	[tilespmem:$0x14380] =	vst v63  }
0x32: {  	s4 =	simm.s32 $0x3380  }
0x33: {  	[tilespmem:s4], [sflag:$0x1] =	stream.indirect_vreg.gather [hbm4b:s6+s2], $0x80, v3, vm0, $0xb8;
	[tilespmem:$0x14380] =	vst v63  }
0x34: {  	s4 =	simm.s32 $0x3B80  }
0x35: {  	[tilespmem:s4], [sflag:$0x1] =	stream.indirect_vreg.gather [hbm4b:s7+s2], $0x80, v3, vm0, $0xb8;
	[tilespmem:$0x14380] =	vst v63  }
0x36: {  	v3 =	vld [tilespmem:$0x10];
	_ =	sdelay $0x4  }
0x37: {  	v62 =	vshll.u32 v3, $0x3  }
0x38: {  	v3 =	vand.u32 $0x7, v3;
	v4 =	vand.u32 $0xFFFFFFC0, v62  }
0x39: {  	v3 =	vor.u32 v3, v4  }
0x3a: {  	v4 =	vperm.xlane v3, v0;
	_ =	sdelay $0x1  }
0x3b: {  	v4 =	vadd.s32 v1, v4;
	_ =	sdelay $0x3  }
0x3c: {  	s4 =	simm.s32 $0x4380  }
0x3d: {  	[tilespmem:s4], [sflag:$0x1] =	stream.indirect_vreg.gather [hbm4b:s3+s2], $0x80, v4, vm0, $0xb8;
	[tilespmem:$0x14380] =	vst v63  }
0x3e: {  	v3 =	vperm.xlane v3, v2;
	s4 =	simm.s32 $0x4B80  }
0x3f: {  	[tilespmem:s4], [sflag:$0x1] =	stream.indirect_vreg.gather [hbm4b:s5+s2], $0x80, v4, vm0, $0xb8;
	[tilespmem:$0x14380] =	vst v63  }
0x40: {  	v3 =	vadd.s32 v1, v3;
	s4 =	simm.s32 $0x5380  }
0x41: {  	[tilespmem:s4], [sflag:$0x1] =	stream.indirect_vreg.gather [hbm4b:s6+s2], $0x80, v4, vm0, $0xb8;
	[tilespmem:$0x14380] =	vst v63  }
0x42: {  	s4 =	simm.s32 $0x5B80  }
0x43: {  	[tilespmem:s4], [sflag:$0x1] =	stream.indirect_vreg.gather [hbm4b:s7+s2], $0x80, v4, vm0, $0xb8;
	[tilespmem:$0x14380] =	vst v63  }
0x44: {  	s4 =	simm.s32 $0x6380  }
0x45: {  	[tilespmem:s4], [sflag:$0x1] =	stream.indirect_vreg.gather [hbm4b:s3+s2], $0x80, v3, vm0, $0xb8;
	[tilespmem:$0x14380] =	vst v63  }
0x46: {  	s4 =	simm.s32 $0x6B80  }
0x47: {  	[tilespmem:s4], [sflag:$0x1] =	stream.indirect_vreg.gather [hbm4b:s5+s2], $0x80, v3, vm0, $0xb8;
	[tilespmem:$0x14380] =	vst v63  }
0x48: {  	s4 =	simm.s32 $0x7380  }
0x49: {  	[tilespmem:s4], [sflag:$0x1] =	stream.indirect_vreg.gather [hbm4b:s6+s2], $0x80, v3, vm0, $0xb8;
	[tilespmem:$0x14380] =	vst v63  }
0x4a: {  	s4 =	simm.s32 $0x7B80  }
0x4b: {  	[tilespmem:s4], [sflag:$0x1] =	stream.indirect_vreg.gather [hbm4b:s7+s2], $0x80, v3, vm0, $0xb8;
	[tilespmem:$0x14380] =	vst v63  }
0x4c: {  	v3 =	vld.msk [tilespmem:$0x20], $0xff;
	_ =	sdelay $0x4  }
0x4d: {  	v63 =	vshll.u32 v3, $0x3  }
0x4e: {  	v3 =	vand.u32 $0x7, v3;
	v4 =	vand.u32 $0xFFFFFFC0, v63  }
0x4f: {  	v3 =	vor.u32 v3, v4  }
0x50: {  	v3 =	vperm.xlane v3, v0;
	_ =	sdelay $0x1  }
0x51: {  	v3 =	vadd.s32 v1, v3;
	_ =	sdelay $0x3  }
0x52: {  	s4 =	simm.s32 $0x8380  }
0x53: {  	[tilespmem:s4], [sflag:$0x1] =	stream.indirect_vreg.gather [hbm4b:s3+s2], $0x80, v3, vm0, $0xb8;
	[tilespmem:$0x14380] =	vst v63  }
0x54: {  	s4 =	simm.s32 $0x8B80  }
0x55: {  	[tilespmem:s4], [sflag:$0x1] =	stream.indirect_vreg.gather [hbm4b:s5+s2], $0x80, v3, vm0, $0xb8;
	[tilespmem:$0x14380] =	vst v63  }
.Ltmp2:
0x56: {  	_ = 	snop;
	(pc) =	sbr.rel .LBB2_2-.Ltmp2, $4  }
0x57: {  	s4 =	simm.s32 $0x9380  }
0x58: {  	[tilespmem:s4], [sflag:$0x1] =	stream.indirect_vreg.gather [hbm4b:s6+s2], $0x80, v3, vm0, $0xb8;
	[tilespmem:$0x14380] =	vst v63  }
0x59: {  	s30 =	simm.s32 $0x38;
	s31 =	simm.s32 $0x0;
	s4 =	simm.s32 $0x9B80  }
0x5a: {  	[tilespmem:s4], [sflag:$0x1] =	stream.indirect_vreg.gather [hbm4b:s7+s2], $0x80, v3, vm0, $0xb8;
	[tilespmem:$0x14380] =	vst v63  }
.LBB2_4:
0x5b: {  	s31 =	sadd.s32 $0x2800, s31  }
0x5c: {  	p0 =	sne.s32 s31, $0x19000  }
.Ltmp3:
0x5d: {  	_ = 	snop;
	(pc) =	sbr.rel @!p0 .LBB2_5-.Ltmp3, $3  }
0x5e: {  	_ =	sdelay $0x1  }
0x5f: {  	s4 =	sadd.s32 $0x1400, s4;
	s30 =	sadd.s32 $0x50, s30  }
0x60: {  	[hbm4b:s4+s2] =	stream.linear.scatter [tilespmem:s1], [sflag:$0x2], $0xA000, $0x38;
	[tilespmem:$0x14380] =	vst v63  }
.LBB2_2:
0x61: {  	_ =	swait.ge [sflag:s0], $0xA000  }
0x62: {  	p0 =	seq.s32 s31, $0x0;
	[sflag:s0] =	ssyncset.done $0x0  }
0x63: {  	s4 =	simm.s32 @!p0 $0x2;
	[sflag:s0] =	ssyncadd.s32 $0xFFFF6000  }
0x64: {  	_ =	swait.ge @!p0 [sflag:s4], $0xA000  }
0x65: {  	[sflag:s4] =	ssyncset.done @!p0 $0x0  }
0x66: {  	[sflag:s4] =	ssyncadd.s32 @!p0 $0xFFFF6000  }
0x67: {  	v3 =	vld [tilespmem:s30+$0xFFFFFFF0];
	_ =	sdelay $0x4  }
0x68: {  	v4 =	vshll.u32 v3, $0x3  }
0x69: {  	v3 =	vand.u32 $0x7, v3;
	v4 =	vand.u32 $0xFFFFFFC0, v4  }
0x6a: {  	v3 =	vor.u32 v3, v4  }
0x6b: {  	v4 =	vperm.xlane v3, v0;
	_ =	sdelay $0x1  }
0x6c: {  	v4 =	vadd.s32 v1, v4;
	_ =	sdelay $0x4  }
0x6d: {  	[tilespmem:s1], [sflag:$0x1] =	stream.indirect_vreg.gather [hbm4b:s3+s2], $0x80, v4, vm0, $0xb8;
	[tilespmem:$0x14380] =	vst v63  }
0x6e: {  	v3 =	vperm.xlane v3, v2  }
0x6f: {  	[tilespmem:s8], [sflag:$0x1] =	stream.indirect_vreg.gather [hbm4b:s5+s2], $0x80, v4, vm0, $0xb8;
	[tilespmem:$0x14380] =	vst v63  }
0x70: {  	s4 =	simm.s32 $0xB380;
	v3 =	vadd.s32 v1, v3  }
0x71: {  	[tilespmem:s4], [sflag:$0x1] =	stream.indirect_vreg.gather [hbm4b:s6+s2], $0x80, v4, vm0, $0xb8;
	[tilespmem:$0x14380] =	vst v63  }
0x72: {  	_ = 	snop  }
0x73: {  	[tilespmem:s10], [sflag:$0x1] =	stream.indirect_vreg.gather [hbm4b:s7+s2], $0x80, v4, vm0, $0xb8;
	[tilespmem:$0x14380] =	vst v63  }
0x74: {  	_ = 	snop  }
0x75: {  	[tilespmem:s12], [sflag:$0x1] =	stream.indirect_vreg.gather [hbm4b:s3+s2], $0x80, v3, vm0, $0xb8;
	[tilespmem:$0x14380] =	vst v63  }
0x76: {  	_ = 	snop  }
0x77: {  	[tilespmem:s13], [sflag:$0x1] =	stream.indirect_vreg.gather [hbm4b:s5+s2], $0x80, v3, vm0, $0xb8;
	[tilespmem:$0x14380] =	vst v63  }
0x78: {  	_ = 	snop  }
0x79: {  	[tilespmem:s14], [sflag:$0x1] =	stream.indirect_vreg.gather [hbm4b:s6+s2], $0x80, v3, vm0, $0xb8;
	[tilespmem:$0x14380] =	vst v63  }
0x7a: {  	_ = 	snop  }
0x7b: {  	[tilespmem:s15], [sflag:$0x1] =	stream.indirect_vreg.gather [hbm4b:s7+s2], $0x80, v3, vm0, $0xb8;
	[tilespmem:$0x14380] =	vst v63  }
0x7c: {  	v3 =	vld [tilespmem:s30+$0x0];
	_ =	sdelay $0x4  }
0x7d: {  	v62 =	vshll.u32 v3, $0x3  }
0x7e: {  	v3 =	vand.u32 $0x7, v3;
	v4 =	vand.u32 $0xFFFFFFC0, v62  }
0x7f: {  	v3 =	vor.u32 v3, v4  }
0x80: {  	v4 =	vperm.xlane v3, v0;
	_ =	sdelay $0x1  }
0x81: {  	v4 =	vadd.s32 v1, v4;
	_ =	sdelay $0x4  }
0x82: {  	[tilespmem:s16], [sflag:$0x1] =	stream.indirect_vreg.gather [hbm4b:s3+s2], $0x80, v4, vm0, $0xb8;
	[tilespmem:$0x14380] =	vst v63  }
0x83: {  	v3 =	vperm.xlane v3, v2  }
0x84: {  	[tilespmem:s17], [sflag:$0x1] =	stream.indirect_vreg.gather [hbm4b:s5+s2], $0x80, v4, vm0, $0xb8;
	[tilespmem:$0x14380] =	vst v63  }
0x85: {  	v3 =	vadd.s32 v1, v3  }
0x86: {  	[tilespmem:s18], [sflag:$0x1] =	stream.indirect_vreg.gather [hbm4b:s6+s2], $0x80, v4, vm0, $0xb8;
	[tilespmem:$0x14380] =	vst v63  }
0x87: {  	_ = 	snop  }
0x88: {  	[tilespmem:s19], [sflag:$0x1] =	stream.indirect_vreg.gather [hbm4b:s7+s2], $0x80, v4, vm0, $0xb8;
	[tilespmem:$0x14380] =	vst v63  }
0x89: {  	_ = 	snop  }
0x8a: {  	[tilespmem:s20], [sflag:$0x1] =	stream.indirect_vreg.gather [hbm4b:s3+s2], $0x80, v3, vm0, $0xb8;
	[tilespmem:$0x14380] =	vst v63  }
0x8b: {  	_ = 	snop  }
0x8c: {  	[tilespmem:s21], [sflag:$0x1] =	stream.indirect_vreg.gather [hbm4b:s5+s2], $0x80, v3, vm0, $0xb8;
	[tilespmem:$0x14380] =	vst v63  }
0x8d: {  	_ = 	snop  }
0x8e: {  	[tilespmem:s22], [sflag:$0x1] =	stream.indirect_vreg.gather [hbm4b:s6+s2], $0x80, v3, vm0, $0xb8;
	[tilespmem:$0x14380] =	vst v63  }
0x8f: {  	_ = 	snop  }
0x90: {  	[tilespmem:s23], [sflag:$0x1] =	stream.indirect_vreg.gather [hbm4b:s7+s2], $0x80, v3, vm0, $0xb8;
	[tilespmem:$0x14380] =	vst v63  }
0x91: {  	v3 =	vld.msk [tilespmem:s30+$0x10], $0xff;
	_ =	sdelay $0x4  }
0x92: {  	v63 =	vshll.u32 v3, $0x3  }
0x93: {  	v3 =	vand.u32 $0x7, v3;
	v4 =	vand.u32 $0xFFFFFFC0, v63  }
0x94: {  	v3 =	vor.u32 v3, v4  }
0x95: {  	v3 =	vperm.xlane v3, v0;
	_ =	sdelay $0x1  }
0x96: {  	v3 =	vadd.s32 v1, v3;
	_ =	sdelay $0x4  }
0x97: {  	[tilespmem:s24], [sflag:$0x1] =	stream.indirect_vreg.gather [hbm4b:s3+s2], $0x80, v3, vm0, $0xb8;
	[tilespmem:$0x14380] =	vst v63  }
0x98: {  	_ = 	snop  }
0x99: {  	[tilespmem:s25], [sflag:$0x1] =	stream.indirect_vreg.gather [hbm4b:s5+s2], $0x80, v3, vm0, $0xb8;
	[tilespmem:$0x14380] =	vst v63  }
0x9a: {  	_ = 	snop  }
0x9b: {  	[tilespmem:s26], [sflag:$0x1] =	stream.indirect_vreg.gather [hbm4b:s6+s2], $0x80, v3, vm0, $0xb8;
	[tilespmem:$0x14380] =	vst v63  }
0x9c: {  	_ = 	snop  }
0x9d: {  	[tilespmem:s28], [sflag:$0x1] =	stream.indirect_vreg.gather [hbm4b:s7+s2], $0x80, v3, vm0, $0xb8;
	[tilespmem:$0x14380] =	vst v63  }
0x9e: {  	s4 =	sadd.s32 s31, s9  }
0x9f: {  	[hbm4b:s4+s2] =	stream.linear.scatter [tilespmem:s11], [sflag:$0x2], $0xA000, $0x38;
	[tilespmem:$0x14380] =	vst v63  }
0xa0: {  	p0 =	seq.s32 s31, $0x16800;
	_ =	swait.ge [sflag:s0], $0xA000  }
.Ltmp4:
0xa1: {  	[sflag:s0] =	ssyncset.done $0x0;
	(pc) =	sbr.rel @p0 .LBB2_4-.Ltmp4, $4  }
0xa2: {  	[sflag:s0] =	ssyncadd.s32 $0xFFFF6000  }
0xa3: {  	_ =	swait.ge [sflag:s29], $0xA000  }
0xa4: {  	[sflag:s29] =	ssyncset.done $0x0  }
0xa5: {  	[sflag:s29] =	ssyncadd.s32 $0xFFFF6000  }
0xa6: {  	v3 =	vld [tilespmem:s30+$0x18];
	_ =	sdelay $0x4  }
0xa7: {  	v4 =	vshll.u32 v3, $0x3  }
0xa8: {  	v3 =	vand.u32 $0x7, v3;
	v4 =	vand.u32 $0xFFFFFFC0, v4  }
0xa9: {  	v3 =	vor.u32 v3, v4  }
0xaa: {  	v4 =	vperm.xlane v3, v0;
	_ =	sdelay $0x1  }
0xab: {  	v4 =	vadd.s32 v1, v4;
	_ =	sdelay $0x4  }
0xac: {  	[tilespmem:s11], [sflag:$0x1] =	stream.indirect_vreg.gather [hbm4b:s3+s2], $0x80, v4, vm0, $0xb8;
	[tilespmem:$0x14380] =	vst v63  }
0xad: {  	s8 =	simm.s32 $0xB80;
	v3 =	vperm.xlane v3, v2  }
0xae: {  	[tilespmem:s8], [sflag:$0x1] =	stream.indirect_vreg.gather [hbm4b:s5+s2], $0x80, v4, vm0, $0xb8;
	[tilespmem:$0x14380] =	vst v63  }
0xaf: {  	v3 =	vadd.s32 v1, v3;
	s8 =	simm.s32 $0x1380  }
0xb0: {  	[tilespmem:s8], [sflag:$0x1] =	stream.indirect_vreg.gather [hbm4b:s6+s2], $0x80, v4, vm0, $0xb8;
	[tilespmem:$0x14380] =	vst v63  }
0xb1: {  	s8 =	simm.s32 $0x1B80  }
0xb2: {  	[tilespmem:s8], [sflag:$0x1] =	stream.indirect_vreg.gather [hbm4b:s7+s2], $0x80, v4, vm0, $0xb8;
	[tilespmem:$0x14380] =	vst v63  }
0xb3: {  	s8 =	simm.s32 $0x2380  }
0xb4: {  	[tilespmem:s8], [sflag:$0x1] =	stream.indirect_vreg.gather [hbm4b:s3+s2], $0x80, v3, vm0, $0xb8;
	[tilespmem:$0x14380] =	vst v63  }
0xb5: {  	s8 =	simm.s32 $0x2B80  }
0xb6: {  	[tilespmem:s8], [sflag:$0x1] =	stream.indirect_vreg.gather [hbm4b:s5+s2], $0x80, v3, vm0, $0xb8;
	[tilespmem:$0x14380] =	vst v63  }
0xb7: {  	s8 =	simm.s32 $0x3380  }
0xb8: {  	[tilespmem:s8], [sflag:$0x1] =	stream.indirect_vreg.gather [hbm4b:s6+s2], $0x80, v3, vm0, $0xb8;
	[tilespmem:$0x14380] =	vst v63  }
0xb9: {  	s8 =	simm.s32 $0x3B80  }
0xba: {  	[tilespmem:s8], [sflag:$0x1] =	stream.indirect_vreg.gather [hbm4b:s7+s2], $0x80, v3, vm0, $0xb8;
	[tilespmem:$0x14380] =	vst v63  }
0xbb: {  	v3 =	vld [tilespmem:s30+$0x28];
	_ =	sdelay $0x4  }
0xbc: {  	v62 =	vshll.u32 v3, $0x3  }
0xbd: {  	v3 =	vand.u32 $0x7, v3;
	v4 =	vand.u32 $0xFFFFFFC0, v62  }
0xbe: {  	v3 =	vor.u32 v3, v4  }
0xbf: {  	v4 =	vperm.xlane v3, v0;
	_ =	sdelay $0x1  }
0xc0: {  	v4 =	vadd.s32 v1, v4;
	_ =	sdelay $0x3  }
0xc1: {  	s8 =	simm.s32 $0x4380  }
0xc2: {  	[tilespmem:s8], [sflag:$0x1] =	stream.indirect_vreg.gather [hbm4b:s3+s2], $0x80, v4, vm0, $0xb8;
	[tilespmem:$0x14380] =	vst v63  }
0xc3: {  	v3 =	vperm.xlane v3, v2;
	s8 =	simm.s32 $0x4B80  }
0xc4: {  	[tilespmem:s8], [sflag:$0x1] =	stream.indirect_vreg.gather [hbm4b:s5+s2], $0x80, v4, vm0, $0xb8;
	[tilespmem:$0x14380] =	vst v63  }
0xc5: {  	v3 =	vadd.s32 v1, v3;
	s8 =	simm.s32 $0x5380  }
0xc6: {  	[tilespmem:s8], [sflag:$0x1] =	stream.indirect_vreg.gather [hbm4b:s6+s2], $0x80, v4, vm0, $0xb8;
	[tilespmem:$0x14380] =	vst v63  }
0xc7: {  	s8 =	simm.s32 $0x5B80  }
0xc8: {  	[tilespmem:s8], [sflag:$0x1] =	stream.indirect_vreg.gather [hbm4b:s7+s2], $0x80, v4, vm0, $0xb8;
	[tilespmem:$0x14380] =	vst v63  }
0xc9: {  	s8 =	simm.s32 $0x6380  }
0xca: {  	[tilespmem:s8], [sflag:$0x1] =	stream.indirect_vreg.gather [hbm4b:s3+s2], $0x80, v3, vm0, $0xb8;
	[tilespmem:$0x14380] =	vst v63  }
0xcb: {  	s8 =	simm.s32 $0x6B80  }
0xcc: {  	[tilespmem:s8], [sflag:$0x1] =	stream.indirect_vreg.gather [hbm4b:s5+s2], $0x80, v3, vm0, $0xb8;
	[tilespmem:$0x14380] =	vst v63  }
0xcd: {  	s8 =	simm.s32 $0x7380  }
0xce: {  	[tilespmem:s8], [sflag:$0x1] =	stream.indirect_vreg.gather [hbm4b:s6+s2], $0x80, v3, vm0, $0xb8;
	[tilespmem:$0x14380] =	vst v63  }
0xcf: {  	s8 =	simm.s32 $0x7B80  }
0xd0: {  	[tilespmem:s8], [sflag:$0x1] =	stream.indirect_vreg.gather [hbm4b:s7+s2], $0x80, v3, vm0, $0xb8;
	[tilespmem:$0x14380] =	vst v63  }
0xd1: {  	v3 =	vld.msk [tilespmem:s30+$0x38], $0xff;
	_ =	sdelay $0x4  }
0xd2: {  	v63 =	vshll.u32 v3, $0x3  }
0xd3: {  	v3 =	vand.u32 $0x7, v3;
	v4 =	vand.u32 $0xFFFFFFC0, v63  }
0xd4: {  	v3 =	vor.u32 v3, v4  }
0xd5: {  	v3 =	vperm.xlane v3, v0;
	_ =	sdelay $0x1  }
0xd6: {  	v3 =	vadd.s32 v1, v3;
	_ =	sdelay $0x3  }
0xd7: {  	s8 =	simm.s32 $0x8380  }
0xd8: {  	[tilespmem:s8], [sflag:$0x1] =	stream.indirect_vreg.gather [hbm4b:s3+s2], $0x80, v3, vm0, $0xb8;
	[tilespmem:$0x14380] =	vst v63  }
0xd9: {  	s8 =	simm.s32 $0x8B80  }
0xda: {  	[tilespmem:s8], [sflag:$0x1] =	stream.indirect_vreg.gather [hbm4b:s5+s2], $0x80, v3, vm0, $0xb8;
	[tilespmem:$0x14380] =	vst v63  }
.Ltmp5:
0xdb: {  	s8 =	simm.s32 $0x9380;
	(pc) =	sbr.rel .LBB2_4-.Ltmp5, $4  }
0xdc: {  	[tilespmem:s8], [sflag:$0x1] =	stream.indirect_vreg.gather [hbm4b:s6+s2], $0x80, v3, vm0, $0xb8;
	[tilespmem:$0x14380] =	vst v63  }
0xdd: {  	s8 =	simm.s32 $0x9B80  }
0xde: {  	[tilespmem:s8], [sflag:$0x1] =	stream.indirect_vreg.gather [hbm4b:s7+s2], $0x80, v3, vm0, $0xb8;
	[tilespmem:$0x14380] =	vst v63  }
0xdf: {  	s8 =	simm.s32 $0xAB80  }
.LBB2_6:
0xe0: {  	_ =	sfence.sel $0x180000  }
0xe1: {  	[bflag:$0x0] =	sbarrier.arrive $0xFFFF  }
0xe2: {  	_ =	strace $0x9000005C  }
0xe3: {  	s0 =	stileid.u32;
	[bflag:$0x2] =	sbarrier.arrive $0xFFFF  }
0xe4: {  	p0 =	sne.s32 s0, $0x0;
	s0 =	rddreg [dreg:$0x1]  }
0xe5: {  	s0 =	sadd.s32 @!p0 $0x100000, s0  }
0xe6: {  	[sflag:s0] =	ssyncadd.tile.s32 @!p0 $0x1;
	_ =	shalt  }
.Lfunc_end2:
_tile_overlayer_lowered:
.L_overlay_start_2:
0xe7: {  	(tag) =	ssettag $0x2  }
0xe8: {  	s0 =	rddreg [dreg:$0x0];
	s2 =	stileid.u32  }
0xe9: {  	s1 =	rddreg [dreg:$0x1];
	p0 =	sne.s32 s2, $0x0  }
0xea: {  	s3 =	rddreg [dreg:$0x2];
	[bflag:$0x3] =	sbarrier.arrive $0xFFFF;
	s2 =	simm.s32 @!p0 $0x1C03  }
0xeb: {  	[timem:s3], [sflag:s2] =	dma.local @!p0 [hbm:s0], s1  }
0xec: {  	s0 =	simm.s32 @!p0 $0x3  }
0xed: {  	_ =	swait.ge @!p0 [sflag:s0], s1  }
0xee: {  	s1 =	ssub.s32 @!p0 $0x0, s1;
	[sflag:s0] =	ssyncset.done @!p0 $0x0  }
0xef: {  	[sflag:s0] =	ssyncadd.s32 @!p0 s1  }
0xf0: {  	[bflag:$0x3] =	sbarrier.arrive $0xFFFF  }
0xf1: {  	_ =	shalt  }

// kernel: kernel.42.cloned.1.call-start
scs
__scs_entry_jumppad:
0x0: {  	(pc) =	sbr.rel $0x88, $3  }
0x1: {  	(tag) =	ssettag $0x0;
	lr =	simm.s32 $0x1  }
0x2: {  	[smem:$0x3F9E] =	sst lr;
	_ =	strace $0xD0000000  }
0x3: {  	_ = 	snop  }
0x4: {  	_ = 	snop  }
0x5: {  	_ = 	snop  }
0x6: {  	_ = 	snop  }
0x7: {  	_ = 	snop  }
__scs_overlays_trampoline_lowered:
0x8: {  	[smem:$0x3FAD] =	sst s0  }
0x9: {  	[smem:$0x3FAE] =	sst s1  }
0xa: {  	[smem:$0x3FAF] =	sst s2  }
0xb: {  	[smem:$0x3FB0] =	sst s3  }
0xc: {  	[smem:$0x3FB1] =	sst s4  }
0xd: {  	[smem:$0x3FB2] =	sst s5  }
0xe: {  	[smem:$0x3FB3] =	sst s6  }
0xf: {  	[smem:$0x3FB4] =	sst s7  }
0x10: {  	[smem:$0x3FB5] =	sst s8  }
0x11: {  	[smem:$0x3FB6] =	sst s9;
	s0 =	simm.s32 @!p0 $0x0  }
0x12: {  	s1 =	sld [smem:$0x3F9C];
	s0 =	simm.s32 @p0 $0x1  }
0x13: {  	[smem:$0x3FB7] =	sst s0;
	s0 =	simm.s32 @!p1 $0x0  }
0x14: {  	s2 =	sld [smem:$0x3F9B];
	s0 =	simm.s32 @p1 $0x1  }
0x15: {  	[smem:$0x3FB8] =	sst s0;
	s0 =	simm.s32 @!p2 $0x0  }
0x16: {  	s3 =	sld [smem:$0x3FDB];
	s0 =	simm.s32 @p2 $0x1  }
0x17: {  	s4 =	simm.s32 $0x1BF5;
	[smem:$0x3FBA] =	sst s0  }
0x18: {  	s0 =	sld [smem:$0x3F9D];
	_ =	swait.ge [sflag:s4], $0x0  }
0x19: {  	s7 =	sld [smem:$0x3F9E]  }
0x1a: {  	s8 =	sadd.s32 $0xFFFFE003, lr  }
0x1b: {  	s9 =	sadd.s32 $0xFFFFFEF7, lr;
	s5 =	simm.s32 $0xFFFFFFFF;
	p2 =	slt.u32 s8, $0xFFFFF086  }
0x1c: {  	p1 =	slt.u32 s9, $0xF7A;
	s5 =	simm.s32 @!p2 $0x0  }
0x1d: {  	s5 =	simm.s32 @p1 $0x1;
	p0 =	seq.s32 s7, s2  }
0x1e: {  	s7 =	smul.u32 @!p0 $0xF7A, s2;
	p2 =	seq.s32 @!p0 s5, $0x0  }
0x1f: {  	s9 =	smul.u32 $0xF7A, s1;
	s8 =	simm.s32 @!p0 $0x1BF5;
	p2 =	por !p2, p0  }
0x20: {  	[sflag:s8] =	ssyncset.s32 @!p0 $0xFFFFF086;
	s6 =	sadd.s32 @!p0 s3, s7;
	s7 =	simm.s32 @!p0 $0x108  }
0x21: {  	s3 =	sadd.s32 s3, s9;
	s6 =	sadd.s32 @!p0 $0x88, s6;
	s7 =	simm.s32 @p2 $0x1082  }
0x22: {  	[simem:s7], [sflag:s8] =	dma.local @!p0 [hbm:s6], $0xF7A  }
0x23: {  	s9 =	sor.u32 $0xD0000000, s2;
	s6 =	simm.s32 $0x108;
	_ =	swait.ge @!p0 [sflag:s8], $0x0  }
0x24: {  	s3 =	sadd.s32 $0x88, s3;
	s6 =	simm.s32 @!p1 $0x1082;
	[sflag:s4] =	ssyncset.s32 $0xFFFFF086  }
0x25: {  	[simem:s6], [sflag:s4] =	dma.local [hbm:s3], $0xF7A  }
0x26: {  	[smem:$0x3F9E] =	sst s1;
	(tag) =	ssettag s2;
	_ =	strace s9  }
0x27: {  	s1 =	sld [smem:$0x3FAE]  }
0x28: {  	s2 =	sld [smem:$0x3FAF]  }
0x29: {  	s4 =	sld [smem:$0x3FB1]  }
0x2a: {  	p0 =	seq.s32 s5, $0x0;
	s5 =	sld [smem:$0x3FB2]  }
0x2b: {  	s6 =	sld [smem:$0x3FB3]  }
0x2c: {  	s7 =	sld [smem:$0x3FB4]  }
0x2d: {  	s3 =	simm.s32 $0x108;
	s8 =	sld [smem:$0x3FB5]  }
0x2e: {  	s3 =	simm.s32 @!p0 $0x1082;
	s9 =	sld [smem:$0x3FB6]  }
0x2f: {  	lr =	sadd.s32 s0, s3;
	s0 =	sld [smem:$0x3FAD]  }
0x30: {  	s3 =	sld [smem:$0x3FB0]  }
0x31: {  	[smem:$0x3FB9] =	sst s10  }
0x32: {  	s10 =	sld [smem:$0x3FB7];
	_ =	sdelay $0x3  }
0x33: {  	p0 =	seq.s32 s10, $0x1;
	s10 =	sld [smem:$0x3FB9];
	_ =	sdelay $0x3  }
0x34: {  	[smem:$0x3FB9] =	sst s10  }
0x35: {  	s10 =	sld [smem:$0x3FB8];
	_ =	sdelay $0x3  }
0x36: {  	p1 =	seq.s32 s10, $0x1;
	s10 =	sld [smem:$0x3FB9];
	_ =	sdelay $0x3  }
0x37: {  	[smem:$0x3FB9] =	sst s10  }
0x38: {  	s10 =	sld [smem:$0x3FBA]  }
0x39: {  	_ = 	snop;
	(pc) =	sbr.ind lr, $3  }
0x3a: {  	_ = 	snop  }
0x3b: {  	_ = 	snop  }
0x3c: {  	p2 =	seq.s32 s10, $0x1;
	s10 =	sld [smem:$0x3FB9]  }
0x3d: {  	_ =	shalt  }
0x3e: {  	_ =	shalt  }
0x3f: {  	_ =	shalt  }
0x40: {  	_ =	shalt  }
0x41: {  	_ =	shalt  }
0x42: {  	_ =	shalt  }
0x43: {  	_ =	shalt  }
0x44: {  	_ =	shalt  }
0x45: {  	_ =	shalt  }
0x46: {  	_ =	shalt  }
0x47: {  	_ =	shalt  }
0x48: {  	_ =	shalt  }
0x49: {  	_ =	shalt  }
0x4a: {  	_ =	shalt  }
0x4b: {  	_ =	shalt  }
0x4c: {  	_ =	shalt  }
0x4d: {  	_ =	shalt  }
0x4e: {  	_ =	shalt  }
0x4f: {  	_ =	shalt  }
0x50: {  	_ =	shalt  }
0x51: {  	_ =	shalt  }
0x52: {  	_ =	shalt  }
0x53: {  	_ =	shalt  }
0x54: {  	_ =	shalt  }
0x55: {  	_ =	shalt  }
0x56: {  	_ =	shalt  }
0x57: {  	_ =	shalt  }
0x58: {  	_ =	shalt  }
0x59: {  	_ =	shalt  }
0x5a: {  	_ =	shalt  }
0x5b: {  	_ =	shalt  }
0x5c: {  	_ =	shalt  }
0x5d: {  	_ =	shalt  }
0x5e: {  	_ =	shalt  }
0x5f: {  	_ =	shalt  }
0x60: {  	_ =	shalt  }
0x61: {  	_ =	shalt  }
0x62: {  	_ =	shalt  }
0x63: {  	_ =	shalt  }
0x64: {  	_ =	shalt  }
0x65: {  	_ =	shalt  }
0x66: {  	_ =	shalt  }
0x67: {  	_ =	shalt  }
0x68: {  	_ =	shalt  }
0x69: {  	_ =	shalt  }
0x6a: {  	_ =	shalt  }
0x6b: {  	_ =	shalt  }
0x6c: {  	_ =	shalt  }
0x6d: {  	_ =	shalt  }
0x6e: {  	_ =	shalt  }
0x6f: {  	_ =	shalt  }
0x70: {  	_ =	shalt  }
0x71: {  	_ =	shalt  }
0x72: {  	_ =	shalt  }
0x73: {  	_ =	shalt  }
0x74: {  	_ =	shalt  }
0x75: {  	_ =	shalt  }
0x76: {  	_ =	shalt  }
0x77: {  	_ =	shalt  }
0x78: {  	_ =	shalt  }
0x79: {  	_ =	shalt  }
0x7a: {  	_ =	shalt  }
0x7b: {  	_ =	shalt  }
0x7c: {  	_ =	shalt  }
0x7d: {  	_ =	shalt  }
0x7e: {  	_ =	shalt  }
0x7f: {  	_ =	shalt  }
0x80: {  	_ =	shalt  }
0x81: {  	_ =	shalt  }
0x82: {  	_ =	shalt  }
0x83: {  	_ =	shalt  }
0x84: {  	_ =	shalt  }
0x85: {  	_ =	shalt  }
0x86: {  	_ =	shalt  }
0x87: {  	_ =	shalt  }
.Lfunc_end0:
.L_simem_size_0:
called_computation.7_lowered:
.L_overlay_start_0:
0x88: {  	s2 =	sld [smem:$0x3FD9]  }
0x89: {  	s3 =	sld [smem:$0x3FFE];
	_ =	sdelay $0x1  }
0x8a: {  	s1 =	srdreg.scid  }
0x8b: {  	s0 =	sand.u32 $0x1, s1  }
0x8c: {  	s16 =	sshll.u32 s0, $0xA;
	s2 =	sadd.s32 s3, s2  }
0x8d: {  	s2 =	sadd.s32 s2, s16  }
0x8e: {  	[smem:$0x3FC5] =	sst s2  }
0x8f: {  	_ = 	snop  }
0x90: {  	(tm) =	ssettm $0x1  }
0x91: {  	s17 =	sld [smem:$0x3FFB];
	_ =	sdelay $0x3  }
0x92: {  	_ =	strace s17  }
0x93: {  	s2 =	sld [smem:$0x3FFC];
	_ =	sdelay $0x3  }
0x94: {  	_ =	strace s2  }
0x95: {  	s2 =	sld [smem:$0x3FFD];
	_ =	sdelay $0x3  }
0x96: {  	_ =	strace s2  }
0x97: {  	_ =	strace $0x8FFFFFFF  }
0x98: {  	s18 =	sld [smem:$0x3FDB];
	_ =	sdelay $0x1  }
0x99: {  	s19 =	simm.s32 $_scs_section_size  }
0x9a: {  	s4 =	simm.s32 $_size__tile_overlayer_lowered;
	s5 =	simm.s32 $_tile_overlayer_lowered  }
0x9b: {  	s22 =	simm.s32 $0x1BFF;
	s21 =	sshll.u32 s5, $0x1;
	s2 =	sadd.s32 s19, s18  }
0x9c: {  	s6 =	simm.s32 $0x0;
	s20 =	sshll.u32 s4, $0x1;
	s4 =	sadd.s32 s21, s2  }
0x9d: {  	[timem:s6], [sflag:s22] =	dma.local [hbm:s4], s20  }
0x9e: {  	_ =	swait.ge [sflag:s22], s20  }
0x9f: {  	s3 =	ssub.s32 $0x0, s20;
	[sflag:s22] =	ssyncset.done $0x0  }
0xa0: {  	[sflag:s22] =	ssyncadd.s32 s3;
	_ =	sdelay $0x1  }
0xa1: {  	s23 =	simm.s32 $0x1B8B  }
0xa2: {  	_ =	swait.ge [sflag:s23], $0x1  }
0xa3: {  	[sflag:s23] =	ssyncset.done $0x0  }
0xa4: {  	s25 =	simm.s32 $0x1B8E;
	s24 =	sld [smem:$0x3FFE];
	[sflag:s23] =	ssyncadd.s32 $0xFFFFFFFF  }
0xa5: {  	s26 =	simm.s32 $execute0_lowered;
	[smem:$0x3FD2] =	sst s25  }
0xa6: {  	s4 =	sshll.u32 s26, $0x1;
	_ =	strace $0x80000046;
	[dreg:$0x1] =	wrdreg $0xFFFFFFFF  }
0xa7: {  	s28 =	simm.s32 $_size_execute0_lowered;
	s2 =	sadd.s32 s2, s4;
	[dreg:$0x0] =	wrdreg $0x0  }
0xa8: {  	s4 =	sshll.u32 s28, $0x1;
	[dreg:$0x2] =	wrdreg s2  }
0xa9: {  	[dreg:$0x3] =	wrdreg s4  }
0xaa: {  	[dreg:$0x4] =	wrdreg $0xC0  }
0xab: {  	_ =	task [dreg:s6], $0x5FFFF  }
0xac: {  	[dreg:$0x1] =	wrdreg $0xFFFFFFFF  }
0xad: {  	[dreg:$0x0] =	wrdreg $0x60  }
0xae: {  	[dreg:$0x2] =	wrdreg s24  }
0xaf: {  	[dreg:$0x3] =	wrdreg $0x10  }
0xb0: {  	_ =	task.clear_ibuf [dreg:s6], $0x4FFFF;
	_ =	strace $0x90000046  }
0xb1: {  	s29 =	simm.s32 $0x10;
	_ =	strace $0x80000048  }
0xb2: {  	_ =	swait.ge [sflag:s29], $0x1  }
0xb3: {  	[sflag:s29] =	ssyncadd.s32 $0xFFFFFFFF  }
0xb4: {  	_ =	strace $0x90000048  }
0xb5: {  	_ =	sfence  }
0xb6: {  	s30 =	sld [smem:$0x0];
	_ =	sdelay $0x2  }
0xb7: {  	s31 =	sshll.u32 s1, $0xD;
	s1 =	sshrl.u32 s1, $0x2  }
0xb8: {  	s3 =	sand.u32 $0x4000, s31;
	s1 =	sadd.s32 s1, s30  }
0xb9: {  	s0 =	sor.u32 s3, s0;
	s1 =	sshll.u32 s1, $0x11  }
0xba: {  	s0 =	sor.u32 s1, s0  }
0xbb: {  	s0 =	sadd.s32 $0x8F2B, s0  }
0xbc: {  	[sflag:s0] =	ssyncadd.remote.s32 $0x1  }
0xbd: {  	_ =	sfence.sel $0xFFFF  }
0xbe: {  	[dreg:$0x0] =	wrdreg $0xFFFFFFFF;
	(pc) =	sbr.abs _section_cstart, $3  }
0xbf: {  	[dreg:$0x1] =	wrdreg $0xFFFFFFFF  }
0xc0: {  	_ =	task.clear_ibuf [dreg:s6], $0x2FFFF;
	_ =	strace $0x9FFFFFFF  }
0xc1: {  	(tm) =	ssettm $0x7FFFFFFF  }
tec
execute0_lowered:
.L_overlay_start_1:
0x0: {  	(tag) =	ssettag $0x1  }
0x1: {  	s0 =	srdreg.scid  }
0x2: {  	s1 =	rddreg [dreg:$0x0];
	s7 =	stileid.u32;
	s2 =	simm.s32 $0x0  }
0x3: {  	s11 =	simm.s32 $0x380;
	s10 =	simm.s32 $0xBB80;
	s12 =	simm.s32 $0xC380  }
0x4: {  	s13 =	simm.s32 $0xCB80;
	s14 =	simm.s32 $0xD380;
	s15 =	simm.s32 $0xDB80  }
0x5: {  	s16 =	simm.s32 $0xE380;
	s17 =	simm.s32 $0xEB80;
	s18 =	simm.s32 $0xF380  }
0x6: {  	s19 =	simm.s32 $0xFB80;
	s20 =	simm.s32 $0x10380;
	s21 =	simm.s32 $0x10B80  }
0x7: {  	s22 =	simm.s32 $0x11380;
	s23 =	simm.s32 $0x11B80;
	s24 =	simm.s32 $0x12380  }
0x8: {  	s25 =	simm.s32 $0x12B80;
	s26 =	simm.s32 $0x13380;
	s28 =	simm.s32 $0x13B80  }
0x9: {  	s29 =	simm.s32 $0x2;
	s30 =	simm.s32 $0x0;
	s0 =	sand.u32 $0x1, s0  }
0xa: {  	[smem:$0x7FF] =	sst s2;
	s9 =	smul.u32 $0x19000, s7;
	s3 =	sshll.u32 s0, $0x4  }
0xb: {  	_ =	strace $0x80000047;
	s5 =	smul.u32 $0x190000, s0;
	s0 =	ssub.s32 $0x2, s0  }
0xc: {  	s3 =	sor.u32 s7, s3;
	s6 =	sshrl.u32 s0, $0x1;
	s7 =	sadd.s32 $0x3300, s1  }
0xd: {  	s3 =	smul.u32 $0x320, s3;
	s8 =	sadd.s32 s5, s1;
	s0 =	ssub.s32 s0, s6  }
.Ltmp0:
0xe: {  	s5 =	sadd.s32 $0x3100, s1;
	s6 =	sadd.s32 $0x3200, s1;
	(pc) =	sbr.rel .LBB2_1-.Ltmp0, $4  }
0xf: {  	s0 =	smax.u32 s0, $0x1;
	s31 =	sadd.s32 s9, s8;
	s4 =	sshrl.u32 s3, $0x3  }
0x10: {  	v2 =	vlaneseq.u32;
	s8 =	simm.s32 $0xAB80;
	s3 =	sadd.s32 $0x3000, s1;
	s4 =	sadd.s32 s4, s1  }
0x11: {  	vm0 =	vmmov $0xffff;
	v1 =	vshrl.u32 v2, $0x3;
	[dreg:$0x3] =	wrdreg s0;
	s9 =	sadd.s32 $0x28600, s31;
	s4 =	sadd.s32 $0x22400, s4  }
0x12: {  	v0 =	vand.u32 $0x7, v2;
	v2 =	vor.u32 $0x8, v2;
	v1 =	vmul.u32 $0x8, v1;
	s0 =	simm.s32 $0x1;
	s1 =	simm.s32 $0xA380;
	[dreg:$0x2] =	wrdreg s4  }
.LBB2_5:
0x13: {  	_ =	swait.ge [sflag:s29], $0xA000  }
0x14: {  	s30 =	rddreg [dreg:$0x4]  }
0x15: {  	s4 =	rddreg [dreg:$0x3];
	s30 =	sadd.s32 $0x1, s30  }
0x16: {  	p0 =	sne.s32 s30, s4  }
.Ltmp1:
0x17: {  	_ = 	snop;
	(pc) =	sbr.rel @!p0 .LBB2_6-.Ltmp1, $3  }
0x18: {  	_ =	sdelay $0x1  }
0x19: {  	[sflag:s29] =	ssyncset.done $0x0  }
0x1a: {  	[sflag:s29] =	ssyncadd.s32 $0xFFFF6000  }
.LBB2_1:
0x1b: {  	s4 =	rddreg [dreg:$0x2]  }
0x1c: {  	[tilespmem:s2], [sflag:$0x3] =	stream.linear.gather [hbm4b:s4+s2], $0x320, $0x38;
	[tilespmem:$0x14380] =	vst v63  }
0x1d: {  	[dreg:$0x4] =	wrdreg s30;
	s4 =	simm.s32 $0x3  }
0x1e: {  	_ =	swait.ge [sflag:s4], $0x320  }
0x1f: {  	[sflag:s4] =	ssyncset.done $0x0  }
0x20: {  	[sflag:s4] =	ssyncadd.s32 $0xFFFFFCE0  }
0x21: {  	v3 =	vld [tilespmem:$0x0];
	_ =	sdelay $0x4  }
0x22: {  	v4 =	vshll.u32 v3, $0x3  }
0x23: {  	v3 =	vand.u32 $0x7, v3;
	v4 =	vand.u32 $0xFFFFFFC0, v4  }
0x24: {  	v3 =	vor.u32 v3, v4  }
0x25: {  	v4 =	vperm.xlane v3, v0;
	_ =	sdelay $0x1  }
0x26: {  	v4 =	vadd.s32 v1, v4;
	_ =	sdelay $0x4  }
0x27: {  	[tilespmem:s11], [sflag:$0x1] =	stream.indirect_vreg.gather [hbm4b:s3+s2], $0x80, v4, vm0, $0xb8;
	[tilespmem:$0x14380] =	vst v63  }
0x28: {  	s4 =	simm.s32 $0xB80;
	v3 =	vperm.xlane v3, v2  }
0x29: {  	[tilespmem:s4], [sflag:$0x1] =	stream.indirect_vreg.gather [hbm4b:s5+s2], $0x80, v4, vm0, $0xb8;
	[tilespmem:$0x14380] =	vst v63  }
0x2a: {  	v3 =	vadd.s32 v1, v3;
	s4 =	simm.s32 $0x1380  }
0x2b: {  	[tilespmem:s4], [sflag:$0x1] =	stream.indirect_vreg.gather [hbm4b:s6+s2], $0x80, v4, vm0, $0xb8;
	[tilespmem:$0x14380] =	vst v63  }
0x2c: {  	s4 =	simm.s32 $0x1B80  }
0x2d: {  	[tilespmem:s4], [sflag:$0x1] =	stream.indirect_vreg.gather [hbm4b:s7+s2], $0x80, v4, vm0, $0xb8;
	[tilespmem:$0x14380] =	vst v63  }
0x2e: {  	s4 =	simm.s32 $0x2380  }
0x2f: {  	[tilespmem:s4], [sflag:$0x1] =	stream.indirect_vreg.gather [hbm4b:s3+s2], $0x80, v3, vm0, $0xb8;
	[tilespmem:$0x14380] =	vst v63  }
0x30: {  	s4 =	simm.s32 $0x2B80  }
0x31: {  	[tilespmem:s4], [sflag:$0x1] =	stream.indirect_vreg.gather [hbm4b:s5+s2], $0x80, v3, vm0, $0xb8;
	[tilespmem:$0x14380] =	vst v63  }
0x32: {  	s4 =	simm.s32 $0x3380  }
0x33: {  	[tilespmem:s4], [sflag:$0x1] =	stream.indirect_vreg.gather [hbm4b:s6+s2], $0x80, v3, vm0, $0xb8;
	[tilespmem:$0x14380] =	vst v63  }
0x34: {  	s4 =	simm.s32 $0x3B80  }
0x35: {  	[tilespmem:s4], [sflag:$0x1] =	stream.indirect_vreg.gather [hbm4b:s7+s2], $0x80, v3, vm0, $0xb8;
	[tilespmem:$0x14380] =	vst v63  }
0x36: {  	v3 =	vld [tilespmem:$0x10];
	_ =	sdelay $0x4  }
0x37: {  	v62 =	vshll.u32 v3, $0x3  }
0x38: {  	v3 =	vand.u32 $0x7, v3;
	v4 =	vand.u32 $0xFFFFFFC0, v62  }
0x39: {  	v3 =	vor.u32 v3, v4  }
0x3a: {  	v4 =	vperm.xlane v3, v0;
	_ =	sdelay $0x1  }
0x3b: {  	v4 =	vadd.s32 v1, v4;
	_ =	sdelay $0x3  }
0x3c: {  	s4 =	simm.s32 $0x4380  }
0x3d: {  	[tilespmem:s4], [sflag:$0x1] =	stream.indirect_vreg.gather [hbm4b:s3+s2], $0x80, v4, vm0, $0xb8;
	[tilespmem:$0x14380] =	vst v63  }
0x3e: {  	v3 =	vperm.xlane v3, v2;
	s4 =	simm.s32 $0x4B80  }
0x3f: {  	[tilespmem:s4], [sflag:$0x1] =	stream.indirect_vreg.gather [hbm4b:s5+s2], $0x80, v4, vm0, $0xb8;
	[tilespmem:$0x14380] =	vst v63  }
0x40: {  	v3 =	vadd.s32 v1, v3;
	s4 =	simm.s32 $0x5380  }
0x41: {  	[tilespmem:s4], [sflag:$0x1] =	stream.indirect_vreg.gather [hbm4b:s6+s2], $0x80, v4, vm0, $0xb8;
	[tilespmem:$0x14380] =	vst v63  }
0x42: {  	s4 =	simm.s32 $0x5B80  }
0x43: {  	[tilespmem:s4], [sflag:$0x1] =	stream.indirect_vreg.gather [hbm4b:s7+s2], $0x80, v4, vm0, $0xb8;
	[tilespmem:$0x14380] =	vst v63  }
0x44: {  	s4 =	simm.s32 $0x6380  }
0x45: {  	[tilespmem:s4], [sflag:$0x1] =	stream.indirect_vreg.gather [hbm4b:s3+s2], $0x80, v3, vm0, $0xb8;
	[tilespmem:$0x14380] =	vst v63  }
0x46: {  	s4 =	simm.s32 $0x6B80  }
0x47: {  	[tilespmem:s4], [sflag:$0x1] =	stream.indirect_vreg.gather [hbm4b:s5+s2], $0x80, v3, vm0, $0xb8;
	[tilespmem:$0x14380] =	vst v63  }
0x48: {  	s4 =	simm.s32 $0x7380  }
0x49: {  	[tilespmem:s4], [sflag:$0x1] =	stream.indirect_vreg.gather [hbm4b:s6+s2], $0x80, v3, vm0, $0xb8;
	[tilespmem:$0x14380] =	vst v63  }
0x4a: {  	s4 =	simm.s32 $0x7B80  }
0x4b: {  	[tilespmem:s4], [sflag:$0x1] =	stream.indirect_vreg.gather [hbm4b:s7+s2], $0x80, v3, vm0, $0xb8;
	[tilespmem:$0x14380] =	vst v63  }
0x4c: {  	v3 =	vld.msk [tilespmem:$0x20], $0xff;
	_ =	sdelay $0x4  }
0x4d: {  	v63 =	vshll.u32 v3, $0x3  }
0x4e: {  	v3 =	vand.u32 $0x7, v3;
	v4 =	vand.u32 $0xFFFFFFC0, v63  }
0x4f: {  	v3 =	vor.u32 v3, v4  }
0x50: {  	v3 =	vperm.xlane v3, v0;
	_ =	sdelay $0x1  }
0x51: {  	v3 =	vadd.s32 v1, v3;
	_ =	sdelay $0x3  }
0x52: {  	s4 =	simm.s32 $0x8380  }
0x53: {  	[tilespmem:s4], [sflag:$0x1] =	stream.indirect_vreg.gather [hbm4b:s3+s2], $0x80, v3, vm0, $0xb8;
	[tilespmem:$0x14380] =	vst v63  }
0x54: {  	s4 =	simm.s32 $0x8B80  }
0x55: {  	[tilespmem:s4], [sflag:$0x1] =	stream.indirect_vreg.gather [hbm4b:s5+s2], $0x80, v3, vm0, $0xb8;
	[tilespmem:$0x14380] =	vst v63  }
.Ltmp2:
0x56: {  	_ = 	snop;
	(pc) =	sbr.rel .LBB2_2-.Ltmp2, $4  }
0x57: {  	s4 =	simm.s32 $0x9380  }
0x58: {  	[tilespmem:s4], [sflag:$0x1] =	stream.indirect_vreg.gather [hbm4b:s6+s2], $0x80, v3, vm0, $0xb8;
	[tilespmem:$0x14380] =	vst v63  }
0x59: {  	s30 =	simm.s32 $0x38;
	s31 =	simm.s32 $0x0;
	s4 =	simm.s32 $0x9B80  }
0x5a: {  	[tilespmem:s4], [sflag:$0x1] =	stream.indirect_vreg.gather [hbm4b:s7+s2], $0x80, v3, vm0, $0xb8;
	[tilespmem:$0x14380] =	vst v63  }
.LBB2_4:
0x5b: {  	s31 =	sadd.s32 $0x2800, s31  }
0x5c: {  	p0 =	sne.s32 s31, $0x19000  }
.Ltmp3:
0x5d: {  	_ = 	snop;
	(pc) =	sbr.rel @!p0 .LBB2_5-.Ltmp3, $3  }
0x5e: {  	_ =	sdelay $0x1  }
0x5f: {  	s4 =	sadd.s32 $0x1400, s4;
	s30 =	sadd.s32 $0x50, s30  }
0x60: {  	[hbm4b:s4+s2] =	stream.linear.scatter [tilespmem:s1], [sflag:$0x2], $0xA000, $0x38;
	[tilespmem:$0x14380] =	vst v63  }
.LBB2_2:
0x61: {  	_ =	swait.ge [sflag:s0], $0xA000  }
0x62: {  	p0 =	seq.s32 s31, $0x0;
	[sflag:s0] =	ssyncset.done $0x0  }
0x63: {  	s4 =	simm.s32 @!p0 $0x2;
	[sflag:s0] =	ssyncadd.s32 $0xFFFF6000  }
0x64: {  	_ =	swait.ge @!p0 [sflag:s4], $0xA000  }
0x65: {  	[sflag:s4] =	ssyncset.done @!p0 $0x0  }
0x66: {  	[sflag:s4] =	ssyncadd.s32 @!p0 $0xFFFF6000  }
0x67: {  	v3 =	vld [tilespmem:s30+$0xFFFFFFF0];
	_ =	sdelay $0x4  }
0x68: {  	v4 =	vshll.u32 v3, $0x3  }
0x69: {  	v3 =	vand.u32 $0x7, v3;
	v4 =	vand.u32 $0xFFFFFFC0, v4  }
0x6a: {  	v3 =	vor.u32 v3, v4  }
0x6b: {  	v4 =	vperm.xlane v3, v0;
	_ =	sdelay $0x1  }
0x6c: {  	v4 =	vadd.s32 v1, v4;
	_ =	sdelay $0x4  }
0x6d: {  	[tilespmem:s1], [sflag:$0x1] =	stream.indirect_vreg.gather [hbm4b:s3+s2], $0x80, v4, vm0, $0xb8;
	[tilespmem:$0x14380] =	vst v63  }
0x6e: {  	v3 =	vperm.xlane v3, v2  }
0x6f: {  	[tilespmem:s8], [sflag:$0x1] =	stream.indirect_vreg.gather [hbm4b:s5+s2], $0x80, v4, vm0, $0xb8;
	[tilespmem:$0x14380] =	vst v63  }
0x70: {  	s4 =	simm.s32 $0xB380;
	v3 =	vadd.s32 v1, v3  }
0x71: {  	[tilespmem:s4], [sflag:$0x1] =	stream.indirect_vreg.gather [hbm4b:s6+s2], $0x80, v4, vm0, $0xb8;
	[tilespmem:$0x14380] =	vst v63  }
0x72: {  	_ = 	snop  }
0x73: {  	[tilespmem:s10], [sflag:$0x1] =	stream.indirect_vreg.gather [hbm4b:s7+s2], $0x80, v4, vm0, $0xb8;
	[tilespmem:$0x14380] =	vst v63  }
0x74: {  	_ = 	snop  }
0x75: {  	[tilespmem:s12], [sflag:$0x1] =	stream.indirect_vreg.gather [hbm4b:s3+s2], $0x80, v3, vm0, $0xb8;
	[tilespmem:$0x14380] =	vst v63  }
0x76: {  	_ = 	snop  }
0x77: {  	[tilespmem:s13], [sflag:$0x1] =	stream.indirect_vreg.gather [hbm4b:s5+s2], $0x80, v3, vm0, $0xb8;
	[tilespmem:$0x14380] =	vst v63  }
0x78: {  	_ = 	snop  }
0x79: {  	[tilespmem:s14], [sflag:$0x1] =	stream.indirect_vreg.gather [hbm4b:s6+s2], $0x80, v3, vm0, $0xb8;
	[tilespmem:$0x14380] =	vst v63  }
0x7a: {  	_ = 	snop  }
0x7b: {  	[tilespmem:s15], [sflag:$0x1] =	stream.indirect_vreg.gather [hbm4b:s7+s2], $0x80, v3, vm0, $0xb8;
	[tilespmem:$0x14380] =	vst v63  }
0x7c: {  	v3 =	vld [tilespmem:s30+$0x0];
	_ =	sdelay $0x4  }
0x7d: {  	v62 =	vshll.u32 v3, $0x3  }
0x7e: {  	v3 =	vand.u32 $0x7, v3;
	v4 =	vand.u32 $0xFFFFFFC0, v62  }
0x7f: {  	v3 =	vor.u32 v3, v4  }
0x80: {  	v4 =	vperm.xlane v3, v0;
	_ =	sdelay $0x1  }
0x81: {  	v4 =	vadd.s32 v1, v4;
	_ =	sdelay $0x4  }
0x82: {  	[tilespmem:s16], [sflag:$0x1] =	stream.indirect_vreg.gather [hbm4b:s3+s2], $0x80, v4, vm0, $0xb8;
	[tilespmem:$0x14380] =	vst v63  }
0x83: {  	v3 =	vperm.xlane v3, v2  }
0x84: {  	[tilespmem:s17], [sflag:$0x1] =	stream.indirect_vreg.gather [hbm4b:s5+s2], $0x80, v4, vm0, $0xb8;
	[tilespmem:$0x14380] =	vst v63  }
0x85: {  	v3 =	vadd.s32 v1, v3  }
0x86: {  	[tilespmem:s18], [sflag:$0x1] =	stream.indirect_vreg.gather [hbm4b:s6+s2], $0x80, v4, vm0, $0xb8;
	[tilespmem:$0x14380] =	vst v63  }
0x87: {  	_ = 	snop  }
0x88: {  	[tilespmem:s19], [sflag:$0x1] =	stream.indirect_vreg.gather [hbm4b:s7+s2], $0x80, v4, vm0, $0xb8;
	[tilespmem:$0x14380] =	vst v63  }
0x89: {  	_ = 	snop  }
0x8a: {  	[tilespmem:s20], [sflag:$0x1] =	stream.indirect_vreg.gather [hbm4b:s3+s2], $0x80, v3, vm0, $0xb8;
	[tilespmem:$0x14380] =	vst v63  }
0x8b: {  	_ = 	snop  }
0x8c: {  	[tilespmem:s21], [sflag:$0x1] =	stream.indirect_vreg.gather [hbm4b:s5+s2], $0x80, v3, vm0, $0xb8;
	[tilespmem:$0x14380] =	vst v63  }
0x8d: {  	_ = 	snop  }
0x8e: {  	[tilespmem:s22], [sflag:$0x1] =	stream.indirect_vreg.gather [hbm4b:s6+s2], $0x80, v3, vm0, $0xb8;
	[tilespmem:$0x14380] =	vst v63  }
0x8f: {  	_ = 	snop  }
0x90: {  	[tilespmem:s23], [sflag:$0x1] =	stream.indirect_vreg.gather [hbm4b:s7+s2], $0x80, v3, vm0, $0xb8;
	[tilespmem:$0x14380] =	vst v63  }
0x91: {  	v3 =	vld.msk [tilespmem:s30+$0x10], $0xff;
	_ =	sdelay $0x4  }
0x92: {  	v63 =	vshll.u32 v3, $0x3  }
0x93: {  	v3 =	vand.u32 $0x7, v3;
	v4 =	vand.u32 $0xFFFFFFC0, v63  }
0x94: {  	v3 =	vor.u32 v3, v4  }
0x95: {  	v3 =	vperm.xlane v3, v0;
	_ =	sdelay $0x1  }
0x96: {  	v3 =	vadd.s32 v1, v3;
	_ =	sdelay $0x4  }
0x97: {  	[tilespmem:s24], [sflag:$0x1] =	stream.indirect_vreg.gather [hbm4b:s3+s2], $0x80, v3, vm0, $0xb8;
	[tilespmem:$0x14380] =	vst v63  }
0x98: {  	_ = 	snop  }
0x99: {  	[tilespmem:s25], [sflag:$0x1] =	stream.indirect_vreg.gather [hbm4b:s5+s2], $0x80, v3, vm0, $0xb8;
	[tilespmem:$0x14380] =	vst v63  }
0x9a: {  	_ = 	snop  }
0x9b: {  	[tilespmem:s26], [sflag:$0x1] =	stream.indirect_vreg.gather [hbm4b:s6+s2], $0x80, v3, vm0, $0xb8;
	[tilespmem:$0x14380] =	vst v63  }
0x9c: {  	_ = 	snop  }
0x9d: {  	[tilespmem:s28], [sflag:$0x1] =	stream.indirect_vreg.gather [hbm4b:s7+s2], $0x80, v3, vm0, $0xb8;
	[tilespmem:$0x14380] =	vst v63  }
0x9e: {  	s4 =	sadd.s32 s31, s9  }
0x9f: {  	[hbm4b:s4+s2] =	stream.linear.scatter [tilespmem:s11], [sflag:$0x2], $0xA000, $0x38;
	[tilespmem:$0x14380] =	vst v63  }
0xa0: {  	p0 =	seq.s32 s31, $0x16800;
	_ =	swait.ge [sflag:s0], $0xA000  }
.Ltmp4:
0xa1: {  	[sflag:s0] =	ssyncset.done $0x0;
	(pc) =	sbr.rel @p0 .LBB2_4-.Ltmp4, $4  }
0xa2: {  	[sflag:s0] =	ssyncadd.s32 $0xFFFF6000  }
0xa3: {  	_ =	swait.ge [sflag:s29], $0xA000  }
0xa4: {  	[sflag:s29] =	ssyncset.done $0x0  }
0xa5: {  	[sflag:s29] =	ssyncadd.s32 $0xFFFF6000  }
0xa6: {  	v3 =	vld [tilespmem:s30+$0x18];
	_ =	sdelay $0x4  }
0xa7: {  	v4 =	vshll.u32 v3, $0x3  }
0xa8: {  	v3 =	vand.u32 $0x7, v3;
	v4 =	vand.u32 $0xFFFFFFC0, v4  }
0xa9: {  	v3 =	vor.u32 v3, v4  }
0xaa: {  	v4 =	vperm.xlane v3, v0;
	_ =	sdelay $0x1  }
0xab: {  	v4 =	vadd.s32 v1, v4;
	_ =	sdelay $0x4  }
0xac: {  	[tilespmem:s11], [sflag:$0x1] =	stream.indirect_vreg.gather [hbm4b:s3+s2], $0x80, v4, vm0, $0xb8;
	[tilespmem:$0x14380] =	vst v63  }
0xad: {  	s8 =	simm.s32 $0xB80;
	v3 =	vperm.xlane v3, v2  }
0xae: {  	[tilespmem:s8], [sflag:$0x1] =	stream.indirect_vreg.gather [hbm4b:s5+s2], $0x80, v4, vm0, $0xb8;
	[tilespmem:$0x14380] =	vst v63  }
0xaf: {  	v3 =	vadd.s32 v1, v3;
	s8 =	simm.s32 $0x1380  }
0xb0: {  	[tilespmem:s8], [sflag:$0x1] =	stream.indirect_vreg.gather [hbm4b:s6+s2], $0x80, v4, vm0, $0xb8;
	[tilespmem:$0x14380] =	vst v63  }
0xb1: {  	s8 =	simm.s32 $0x1B80  }
0xb2: {  	[tilespmem:s8], [sflag:$0x1] =	stream.indirect_vreg.gather [hbm4b:s7+s2], $0x80, v4, vm0, $0xb8;
	[tilespmem:$0x14380] =	vst v63  }
0xb3: {  	s8 =	simm.s32 $0x2380  }
0xb4: {  	[tilespmem:s8], [sflag:$0x1] =	stream.indirect_vreg.gather [hbm4b:s3+s2], $0x80, v3, vm0, $0xb8;
	[tilespmem:$0x14380] =	vst v63  }
0xb5: {  	s8 =	simm.s32 $0x2B80  }
0xb6: {  	[tilespmem:s8], [sflag:$0x1] =	stream.indirect_vreg.gather [hbm4b:s5+s2], $0x80, v3, vm0, $0xb8;
	[tilespmem:$0x14380] =	vst v63  }
0xb7: {  	s8 =	simm.s32 $0x3380  }
0xb8: {  	[tilespmem:s8], [sflag:$0x1] =	stream.indirect_vreg.gather [hbm4b:s6+s2], $0x80, v3, vm0, $0xb8;
	[tilespmem:$0x14380] =	vst v63  }
0xb9: {  	s8 =	simm.s32 $0x3B80  }
0xba: {  	[tilespmem:s8], [sflag:$0x1] =	stream.indirect_vreg.gather [hbm4b:s7+s2], $0x80, v3, vm0, $0xb8;
	[tilespmem:$0x14380] =	vst v63  }
0xbb: {  	v3 =	vld [tilespmem:s30+$0x28];
	_ =	sdelay $0x4  }
0xbc: {  	v62 =	vshll.u32 v3, $0x3  }
0xbd: {  	v3 =	vand.u32 $0x7, v3;
	v4 =	vand.u32 $0xFFFFFFC0, v62  }
0xbe: {  	v3 =	vor.u32 v3, v4  }
0xbf: {  	v4 =	vperm.xlane v3, v0;
	_ =	sdelay $0x1  }
0xc0: {  	v4 =	vadd.s32 v1, v4;
	_ =	sdelay $0x3  }
0xc1: {  	s8 =	simm.s32 $0x4380  }
0xc2: {  	[tilespmem:s8], [sflag:$0x1] =	stream.indirect_vreg.gather [hbm4b:s3+s2], $0x80, v4, vm0, $0xb8;
	[tilespmem:$0x14380] =	vst v63  }
0xc3: {  	v3 =	vperm.xlane v3, v2;
	s8 =	simm.s32 $0x4B80  }
0xc4: {  	[tilespmem:s8], [sflag:$0x1] =	stream.indirect_vreg.gather [hbm4b:s5+s2], $0x80, v4, vm0, $0xb8;
	[tilespmem:$0x14380] =	vst v63  }
0xc5: {  	v3 =	vadd.s32 v1, v3;
	s8 =	simm.s32 $0x5380  }
0xc6: {  	[tilespmem:s8], [sflag:$0x1] =	stream.indirect_vreg.gather [hbm4b:s6+s2], $0x80, v4, vm0, $0xb8;
	[tilespmem:$0x14380] =	vst v63  }
0xc7: {  	s8 =	simm.s32 $0x5B80  }
0xc8: {  	[tilespmem:s8], [sflag:$0x1] =	stream.indirect_vreg.gather [hbm4b:s7+s2], $0x80, v4, vm0, $0xb8;
	[tilespmem:$0x14380] =	vst v63  }
0xc9: {  	s8 =	simm.s32 $0x6380  }
0xca: {  	[tilespmem:s8], [sflag:$0x1] =	stream.indirect_vreg.gather [hbm4b:s3+s2], $0x80, v3, vm0, $0xb8;
	[tilespmem:$0x14380] =	vst v63  }
0xcb: {  	s8 =	simm.s32 $0x6B80  }
0xcc: {  	[tilespmem:s8], [sflag:$0x1] =	stream.indirect_vreg.gather [hbm4b:s5+s2], $0x80, v3, vm0, $0xb8;
	[tilespmem:$0x14380] =	vst v63  }
0xcd: {  	s8 =	simm.s32 $0x7380  }
0xce: {  	[tilespmem:s8], [sflag:$0x1] =	stream.indirect_vreg.gather [hbm4b:s6+s2], $0x80, v3, vm0, $0xb8;
	[tilespmem:$0x14380] =	vst v63  }
0xcf: {  	s8 =	simm.s32 $0x7B80  }
0xd0: {  	[tilespmem:s8], [sflag:$0x1] =	stream.indirect_vreg.gather [hbm4b:s7+s2], $0x80, v3, vm0, $0xb8;
	[tilespmem:$0x14380] =	vst v63  }
0xd1: {  	v3 =	vld.msk [tilespmem:s30+$0x38], $0xff;
	_ =	sdelay $0x4  }
0xd2: {  	v63 =	vshll.u32 v3, $0x3  }
0xd3: {  	v3 =	vand.u32 $0x7, v3;
	v4 =	vand.u32 $0xFFFFFFC0, v63  }
0xd4: {  	v3 =	vor.u32 v3, v4  }
0xd5: {  	v3 =	vperm.xlane v3, v0;
	_ =	sdelay $0x1  }
0xd6: {  	v3 =	vadd.s32 v1, v3;
	_ =	sdelay $0x3  }
0xd7: {  	s8 =	simm.s32 $0x8380  }
0xd8: {  	[tilespmem:s8], [sflag:$0x1] =	stream.indirect_vreg.gather [hbm4b:s3+s2], $0x80, v3, vm0, $0xb8;
	[tilespmem:$0x14380] =	vst v63  }
0xd9: {  	s8 =	simm.s32 $0x8B80  }
0xda: {  	[tilespmem:s8], [sflag:$0x1] =	stream.indirect_vreg.gather [hbm4b:s5+s2], $0x80, v3, vm0, $0xb8;
	[tilespmem:$0x14380] =	vst v63  }
.Ltmp5:
0xdb: {  	s8 =	simm.s32 $0x9380;
	(pc) =	sbr.rel .LBB2_4-.Ltmp5, $4  }
0xdc: {  	[tilespmem:s8], [sflag:$0x1] =	stream.indirect_vreg.gather [hbm4b:s6+s2], $0x80, v3, vm0, $0xb8;
	[tilespmem:$0x14380] =	vst v63  }
0xdd: {  	s8 =	simm.s32 $0x9B80  }
0xde: {  	[tilespmem:s8], [sflag:$0x1] =	stream.indirect_vreg.gather [hbm4b:s7+s2], $0x80, v3, vm0, $0xb8;
	[tilespmem:$0x14380] =	vst v63  }
0xdf: {  	s8 =	simm.s32 $0xAB80  }
.LBB2_6:
0xe0: {  	_ =	sfence.sel $0x180000  }
0xe1: {  	[bflag:$0x0] =	sbarrier.arrive $0xFFFF  }
0xe2: {  	_ =	strace $0x90000047  }
0xe3: {  	s0 =	stileid.u32;
	[bflag:$0x2] =	sbarrier.arrive $0xFFFF  }
0xe4: {  	p0 =	sne.s32 s0, $0x0;
	s0 =	rddreg [dreg:$0x1]  }
0xe5: {  	s0 =	sadd.s32 @!p0 $0x100000, s0  }
0xe6: {  	[sflag:s0] =	ssyncadd.tile.s32 @!p0 $0x1;
	_ =	shalt  }
.Lfunc_end2:
_tile_overlayer_lowered:
.L_overlay_start_2:
0xe7: {  	(tag) =	ssettag $0x2  }
0xe8: {  	s0 =	rddreg [dreg:$0x0];
	s2 =	stileid.u32  }
0xe9: {  	s1 =	rddreg [dreg:$0x1];
	p0 =	sne.s32 s2, $0x0  }
0xea: {  	s3 =	rddreg [dreg:$0x2];
	[bflag:$0x3] =	sbarrier.arrive $0xFFFF;
	s2 =	simm.s32 @!p0 $0x1C03  }
0xeb: {  	[timem:s3], [sflag:s2] =	dma.local @!p0 [hbm:s0], s1  }
0xec: {  	s0 =	simm.s32 @!p0 $0x3  }
0xed: {  	_ =	swait.ge @!p0 [sflag:s0], s1  }
0xee: {  	s1 =	ssub.s32 @!p0 $0x0, s1;
	[sflag:s0] =	ssyncset.done @!p0 $0x0  }
0xef: {  	[sflag:s0] =	ssyncadd.s32 @!p0 s1  }
0xf0: {  	[bflag:$0x3] =	sbarrier.arrive $0xFFFF  }
0xf1: {  	_ =	shalt  }

// kernel: kernel.45.cloned.1.call-start
scs
__scs_entry_jumppad:
0x0: {  	(pc) =	sbr.rel $0x88, $3  }
0x1: {  	(tag) =	ssettag $0x0;
	lr =	simm.s32 $0x1  }
0x2: {  	[smem:$0x3F9E] =	sst lr;
	_ =	strace $0xD0000000  }
0x3: {  	_ = 	snop  }
0x4: {  	_ = 	snop  }
0x5: {  	_ = 	snop  }
0x6: {  	_ = 	snop  }
0x7: {  	_ = 	snop  }
__scs_overlays_trampoline_lowered:
0x8: {  	[smem:$0x3FAD] =	sst s0  }
0x9: {  	[smem:$0x3FAE] =	sst s1  }
0xa: {  	[smem:$0x3FAF] =	sst s2  }
0xb: {  	[smem:$0x3FB0] =	sst s3  }
0xc: {  	[smem:$0x3FB1] =	sst s4  }
0xd: {  	[smem:$0x3FB2] =	sst s5  }
0xe: {  	[smem:$0x3FB3] =	sst s6  }
0xf: {  	[smem:$0x3FB4] =	sst s7  }
0x10: {  	[smem:$0x3FB5] =	sst s8  }
0x11: {  	[smem:$0x3FB6] =	sst s9;
	s0 =	simm.s32 @!p0 $0x0  }
0x12: {  	s1 =	sld [smem:$0x3F9C];
	s0 =	simm.s32 @p0 $0x1  }
0x13: {  	[smem:$0x3FB7] =	sst s0;
	s0 =	simm.s32 @!p1 $0x0  }
0x14: {  	s2 =	sld [smem:$0x3F9B];
	s0 =	simm.s32 @p1 $0x1  }
0x15: {  	[smem:$0x3FB8] =	sst s0;
	s0 =	simm.s32 @!p2 $0x0  }
0x16: {  	s3 =	sld [smem:$0x3FDB];
	s0 =	simm.s32 @p2 $0x1  }
0x17: {  	s4 =	simm.s32 $0x1BF5;
	[smem:$0x3FBA] =	sst s0  }
0x18: {  	s0 =	sld [smem:$0x3F9D];
	_ =	swait.ge [sflag:s4], $0x0  }
0x19: {  	s7 =	sld [smem:$0x3F9E]  }
0x1a: {  	s8 =	sadd.s32 $0xFFFFE003, lr  }
0x1b: {  	s9 =	sadd.s32 $0xFFFFFEF7, lr;
	s5 =	simm.s32 $0xFFFFFFFF;
	p2 =	slt.u32 s8, $0xFFFFF086  }
0x1c: {  	p1 =	slt.u32 s9, $0xF7A;
	s5 =	simm.s32 @!p2 $0x0  }
0x1d: {  	s5 =	simm.s32 @p1 $0x1;
	p0 =	seq.s32 s7, s2  }
0x1e: {  	s7 =	smul.u32 @!p0 $0xF7A, s2;
	p2 =	seq.s32 @!p0 s5, $0x0  }
0x1f: {  	s9 =	smul.u32 $0xF7A, s1;
	s8 =	simm.s32 @!p0 $0x1BF5;
	p2 =	por !p2, p0  }
0x20: {  	[sflag:s8] =	ssyncset.s32 @!p0 $0xFFFFF086;
	s6 =	sadd.s32 @!p0 s3, s7;
	s7 =	simm.s32 @!p0 $0x108  }
0x21: {  	s3 =	sadd.s32 s3, s9;
	s6 =	sadd.s32 @!p0 $0x88, s6;
	s7 =	simm.s32 @p2 $0x1082  }
0x22: {  	[simem:s7], [sflag:s8] =	dma.local @!p0 [hbm:s6], $0xF7A  }
0x23: {  	s9 =	sor.u32 $0xD0000000, s2;
	s6 =	simm.s32 $0x108;
	_ =	swait.ge @!p0 [sflag:s8], $0x0  }
0x24: {  	s3 =	sadd.s32 $0x88, s3;
	s6 =	simm.s32 @!p1 $0x1082;
	[sflag:s4] =	ssyncset.s32 $0xFFFFF086  }
0x25: {  	[simem:s6], [sflag:s4] =	dma.local [hbm:s3], $0xF7A  }
0x26: {  	[smem:$0x3F9E] =	sst s1;
	(tag) =	ssettag s2;
	_ =	strace s9  }
0x27: {  	s1 =	sld [smem:$0x3FAE]  }
0x28: {  	s2 =	sld [smem:$0x3FAF]  }
0x29: {  	s4 =	sld [smem:$0x3FB1]  }
0x2a: {  	p0 =	seq.s32 s5, $0x0;
	s5 =	sld [smem:$0x3FB2]  }
0x2b: {  	s6 =	sld [smem:$0x3FB3]  }
0x2c: {  	s7 =	sld [smem:$0x3FB4]  }
0x2d: {  	s3 =	simm.s32 $0x108;
	s8 =	sld [smem:$0x3FB5]  }
0x2e: {  	s3 =	simm.s32 @!p0 $0x1082;
	s9 =	sld [smem:$0x3FB6]  }
0x2f: {  	lr =	sadd.s32 s0, s3;
	s0 =	sld [smem:$0x3FAD]  }
0x30: {  	s3 =	sld [smem:$0x3FB0]  }
0x31: {  	[smem:$0x3FB9] =	sst s10  }
0x32: {  	s10 =	sld [smem:$0x3FB7];
	_ =	sdelay $0x3  }
0x33: {  	p0 =	seq.s32 s10, $0x1;
	s10 =	sld [smem:$0x3FB9];
	_ =	sdelay $0x3  }
0x34: {  	[smem:$0x3FB9] =	sst s10  }
0x35: {  	s10 =	sld [smem:$0x3FB8];
	_ =	sdelay $0x3  }
0x36: {  	p1 =	seq.s32 s10, $0x1;
	s10 =	sld [smem:$0x3FB9];
	_ =	sdelay $0x3  }
0x37: {  	[smem:$0x3FB9] =	sst s10  }
0x38: {  	s10 =	sld [smem:$0x3FBA]  }
0x39: {  	_ = 	snop;
	(pc) =	sbr.ind lr, $3  }
0x3a: {  	_ = 	snop  }
0x3b: {  	_ = 	snop  }
0x3c: {  	p2 =	seq.s32 s10, $0x1;
	s10 =	sld [smem:$0x3FB9]  }
0x3d: {  	_ =	shalt  }
0x3e: {  	_ =	shalt  }
0x3f: {  	_ =	shalt  }
0x40: {  	_ =	shalt  }
0x41: {  	_ =	shalt  }
0x42: {  	_ =	shalt  }
0x43: {  	_ =	shalt  }
0x44: {  	_ =	shalt  }
0x45: {  	_ =	shalt  }
0x46: {  	_ =	shalt  }
0x47: {  	_ =	shalt  }
0x48: {  	_ =	shalt  }
0x49: {  	_ =	shalt  }
0x4a: {  	_ =	shalt  }
0x4b: {  	_ =	shalt  }
0x4c: {  	_ =	shalt  }
0x4d: {  	_ =	shalt  }
0x4e: {  	_ =	shalt  }
0x4f: {  	_ =	shalt  }
0x50: {  	_ =	shalt  }
0x51: {  	_ =	shalt  }
0x52: {  	_ =	shalt  }
0x53: {  	_ =	shalt  }
0x54: {  	_ =	shalt  }
0x55: {  	_ =	shalt  }
0x56: {  	_ =	shalt  }
0x57: {  	_ =	shalt  }
0x58: {  	_ =	shalt  }
0x59: {  	_ =	shalt  }
0x5a: {  	_ =	shalt  }
0x5b: {  	_ =	shalt  }
0x5c: {  	_ =	shalt  }
0x5d: {  	_ =	shalt  }
0x5e: {  	_ =	shalt  }
0x5f: {  	_ =	shalt  }
0x60: {  	_ =	shalt  }
0x61: {  	_ =	shalt  }
0x62: {  	_ =	shalt  }
0x63: {  	_ =	shalt  }
0x64: {  	_ =	shalt  }
0x65: {  	_ =	shalt  }
0x66: {  	_ =	shalt  }
0x67: {  	_ =	shalt  }
0x68: {  	_ =	shalt  }
0x69: {  	_ =	shalt  }
0x6a: {  	_ =	shalt  }
0x6b: {  	_ =	shalt  }
0x6c: {  	_ =	shalt  }
0x6d: {  	_ =	shalt  }
0x6e: {  	_ =	shalt  }
0x6f: {  	_ =	shalt  }
0x70: {  	_ =	shalt  }
0x71: {  	_ =	shalt  }
0x72: {  	_ =	shalt  }
0x73: {  	_ =	shalt  }
0x74: {  	_ =	shalt  }
0x75: {  	_ =	shalt  }
0x76: {  	_ =	shalt  }
0x77: {  	_ =	shalt  }
0x78: {  	_ =	shalt  }
0x79: {  	_ =	shalt  }
0x7a: {  	_ =	shalt  }
0x7b: {  	_ =	shalt  }
0x7c: {  	_ =	shalt  }
0x7d: {  	_ =	shalt  }
0x7e: {  	_ =	shalt  }
0x7f: {  	_ =	shalt  }
0x80: {  	_ =	shalt  }
0x81: {  	_ =	shalt  }
0x82: {  	_ =	shalt  }
0x83: {  	_ =	shalt  }
0x84: {  	_ =	shalt  }
0x85: {  	_ =	shalt  }
0x86: {  	_ =	shalt  }
0x87: {  	_ =	shalt  }
.Lfunc_end0:
.L_simem_size_0:
called_computation.8_lowered:
.L_overlay_start_0:
0x88: {  	s2 =	sld [smem:$0x3FD9]  }
0x89: {  	s3 =	sld [smem:$0x3FFE];
	_ =	sdelay $0x1  }
0x8a: {  	s1 =	srdreg.scid  }
0x8b: {  	s0 =	sand.u32 $0x1, s1  }
0x8c: {  	s17 =	sshll.u32 s0, $0xA;
	s2 =	sadd.s32 s3, s2  }
0x8d: {  	s2 =	sadd.s32 s2, s17  }
0x8e: {  	[smem:$0x3FC5] =	sst s2  }
0x8f: {  	_ = 	snop  }
0x90: {  	(tm) =	ssettm $0x1  }
0x91: {  	s18 =	sld [smem:$0x3FFB];
	_ =	sdelay $0x3  }
0x92: {  	_ =	strace s18  }
0x93: {  	s2 =	sld [smem:$0x3FFC];
	_ =	sdelay $0x3  }
0x94: {  	_ =	strace s2  }
0x95: {  	s2 =	sld [smem:$0x3FFD];
	_ =	sdelay $0x3  }
0x96: {  	_ =	strace s2  }
0x97: {  	_ =	strace $0x8FFFFFFF  }
0x98: {  	s19 =	sld [smem:$0x3FDB];
	_ =	sdelay $0x1  }
0x99: {  	s20 =	simm.s32 $_scs_section_size  }
0x9a: {  	s4 =	simm.s32 $_size__tile_overlayer_lowered;
	s5 =	simm.s32 $_tile_overlayer_lowered  }
0x9b: {  	s6 =	simm.s32 $0x1BFF;
	s21 =	sshll.u32 s5, $0x1;
	s3 =	sadd.s32 s20, s19  }
0x9c: {  	s22 =	simm.s32 $0x0;
	s4 =	sshll.u32 s4, $0x1;
	s5 =	sadd.s32 s21, s3  }
0x9d: {  	[timem:s22], [sflag:s6] =	dma.local [hbm:s5], s4  }
0x9e: {  	_ =	swait.ge [sflag:s6], s4  }
0x9f: {  	s4 =	ssub.s32 $0x0, s4;
	[sflag:s6] =	ssyncset.done $0x0  }
0xa0: {  	[sflag:s6] =	ssyncadd.s32 s4;
	_ =	sdelay $0x1  }
0xa1: {  	s23 =	simm.s32 $0x1B8B  }
0xa2: {  	_ =	swait.ge [sflag:s23], $0x1  }
0xa3: {  	[sflag:s23] =	ssyncset.done $0x0  }
0xa4: {  	[sflag:s23] =	ssyncadd.s32 $0xFFFFFFFF  }
0xa5: {  	s4 =	sld [smem:$0x0]  }
0xa6: {  	s5 =	sand.u32 $0xFFFFFFFE, s1  }
0xa7: {  	p0 =	sne.s32 s1, s5  }
0xa8: {  	s5 =	sshll.u32 @p0 s5, $0xE  }
0xa9: {  	s5 =	sadd.s32 @p0 $0x11B8D, s5;
	s6 =	sshll.u32 @p0 s4, $0x11  }
0xaa: {  	s5 =	sor.u32 @p0 s6, s5  }
0xab: {  	[sflag:s5] =	ssyncadd.remote.s32 @p0 $0x1;
	_ =	sdelay $0x1  }
0xac: {  	s5 =	simm.s32 @p0 $0x1B8D  }
0xad: {  	_ =	swait.eq @p0 [sflag:s5], $0x1  }
0xae: {  	[sflag:s5] =	ssyncadd.s32 @p0 $0xFFFFFFFF  }
0xaf: {  	s6 =	sshll.u32 @!p0 s1, $0xE  }
0xb0: {  	s6 =	sor.u32 @!p0 $0x4000, s6;
	s5 =	simm.s32 @!p0 $0x1B8D  }
0xb1: {  	s4 =	sshll.u32 @!p0 s4, $0x11;
	s6 =	sadd.s32 @!p0 $0x11B8D, s6;
	_ =	swait.eq @!p0 [sflag:s5], $0x1  }
0xb2: {  	s4 =	sor.u32 @!p0 s4, s6;
	[sflag:s5] =	ssyncadd.s32 @!p0 $0xFFFFFFFF  }
0xb3: {  	s25 =	simm.s32 $0x1B8E;
	s24 =	sld [smem:$0x3FFE];
	[sflag:s4] =	ssyncadd.remote.s32 @!p0 $0x1  }
0xb4: {  	s26 =	simm.s32 $execute0_lowered;
	[smem:$0x3FD2] =	sst s25  }
0xb5: {  	s5 =	sshll.u32 s26, $0x1;
	_ =	strace $0x8000005E;
	[dreg:$0x1] =	wrdreg $0xFFFFFFFF  }
0xb6: {  	s28 =	simm.s32 $_size_execute0_lowered;
	s3 =	sadd.s32 s3, s5;
	[dreg:$0x0] =	wrdreg $0x0  }
0xb7: {  	s5 =	sshll.u32 s28, $0x1;
	[dreg:$0x2] =	wrdreg s3  }
0xb8: {  	[dreg:$0x3] =	wrdreg s5  }
0xb9: {  	[dreg:$0x4] =	wrdreg $0xC0  }
0xba: {  	_ =	task [dreg:s22], $0x5FFFF  }
0xbb: {  	[dreg:$0x1] =	wrdreg $0xFFFFFFFF  }
0xbc: {  	[dreg:$0x0] =	wrdreg $0x60  }
0xbd: {  	[dreg:$0x2] =	wrdreg s24  }
0xbe: {  	[dreg:$0x3] =	wrdreg $0x10  }
0xbf: {  	_ =	task.clear_ibuf [dreg:s22], $0x4FFFF;
	_ =	strace $0x9000005E  }
0xc0: {  	s29 =	simm.s32 $0x10;
	_ =	strace $0x80000060  }
0xc1: {  	_ =	swait.ge [sflag:s29], $0x1  }
0xc2: {  	[sflag:s29] =	ssyncadd.s32 $0xFFFFFFFF  }
0xc3: {  	_ =	strace $0x90000060  }
0xc4: {  	_ =	sfence  }
0xc5: {  	s30 =	sld [smem:$0x0];
	_ =	sdelay $0x2  }
0xc6: {  	s31 =	sshll.u32 s1, $0xD;
	s1 =	sshrl.u32 s1, $0x2  }
0xc7: {  	s4 =	sand.u32 $0x4000, s31;
	s1 =	sadd.s32 s1, s30  }
0xc8: {  	s0 =	sor.u32 s4, s0;
	s1 =	sshll.u32 s1, $0x11  }
0xc9: {  	s0 =	sor.u32 s1, s0  }
0xca: {  	s0 =	sadd.s32 $0x8F2B, s0  }
0xcb: {  	[sflag:s0] =	ssyncadd.remote.s32 $0x1  }
0xcc: {  	_ =	sfence.sel $0xFFFF  }
0xcd: {  	[dreg:$0x0] =	wrdreg $0xFFFFFFFF;
	(pc) =	sbr.abs _section_cstart, $3  }
0xce: {  	[dreg:$0x1] =	wrdreg $0xFFFFFFFF  }
0xcf: {  	_ =	task.clear_ibuf [dreg:s22], $0x2FFFF;
	_ =	strace $0x9FFFFFFF  }
0xd0: {  	(tm) =	ssettm $0x7FFFFFFF  }
0xd1: {  	_ =	shalt  }
tec
execute0_lowered:
.L_overlay_start_1:
0x0: {  	(tag) =	ssettag $0x1  }
0x1: {  	s5 =	rddreg [dreg:$0x0]  }
0x2: {  	s0 =	rddreg [dreg:$0x1];
	s2 =	simm.s32 $0x0  }
0x3: {  	s1 =	srdreg.scid;
	s10 =	simm.s32 $0x2;
	s11 =	simm.s32 $0x790  }
0x4: {  	s12 =	simm.s32 $0x280;
	s13 =	simm.s32 $0x1;
	s6 =	sand.u32 $0x1, s1  }
0x5: {  	s14 =	simm.s32 $0x500;
	s1 =	stileid.u32;
	s7 =	smul.u32 $0x19000, s6  }
0x6: {  	[smem:$0x7FF] =	sst s2;
	s3 =	sadd.s32 $0x1929400, s5;
	s8 =	smul.u32 $0x1900, s1  }
0x7: {  	s15 =	simm.s32 $0x0;
	s4 =	sadd.s32 $0x22400, s5;
	_ =	strace $0x8000005F  }
0x8: {  	s29 =	sshll.u32 s1, $0x1;
	s9 =	sshll.u32 s6, $0x5;
	s7 =	sadd.s32 s8, s7  }
0x9: {  	s6 =	ssub.s32 $0x2, s6;
	s8 =	sor.u32 s29, s9;
	s7 =	sshrl.u32 s7, $0x3  }
0xa: {  	s31 =	sshrl.u32 s6, $0x1;
	s30 =	sadd.s32 s7, s5;
	s5 =	sadd.s32 s8, s5  }
0xb: {  	s9 =	simm.s32 $0x510;
	s7 =	ssub.s32 s6, s31;
	s5 =	sadd.s32 $0x22600, s5  }
0xc: {  	v0 =	vimm.f32 $0.0e+00;
	s6 =	sadd.s32 $0x1948800, s30;
	s7 =	smax.u32 s7, $0x1;
	s8 =	sadd.s32 $0x194EC00, s30  }
.LBB2_1:
0xd: {  	[tilespmem:$0x500] =	vst v0;
	s16 =	sadd.s32 $0x0, s8  }
0xe: {  	[tilespmem:s9], [sflag:$0x2] =	stream.linear.gather [hbm4b:s16+s2], $0x280, $0x38;
	[tilespmem:$0xA10] =	vst v63  }
0xf: {  	_ =	swait.ge [sflag:s10], $0x280  }
0x10: {  	[sflag:s10] =	ssyncset.done $0x0  }
0x11: {  	s31 =	sadd.s32 $0x0, s6;
	[sflag:s10] =	ssyncadd.s32 $0xFFFFFD80  }
0x12: {  	[tilespmem:s11], [sflag:$0x2] =	stream.linear.gather [hbm4b:s31+s2], $0x280, $0x38;
	[tilespmem:$0xA10] =	vst v63  }
0x13: {  	_ =	swait.ge [sflag:s10], $0x280  }
0x14: {  	[sflag:s10] =	ssyncset.done $0x0  }
0x15: {  	[sflag:s10] =	ssyncadd.s32 $0xFFFFFD80  }
0x16: {  	[tilespmem:s2], [sflag:$0x1] =	stream.indirect.gather [hbm4b:s3+s12], $0x1, s9, s12, $0xb8;
	[tilespmem:$0xA10] =	vst v63  }
0x17: {  	_ =	swait.ge [sflag:s13], $0x280  }
0x18: {  	[sflag:s13] =	ssyncset.done $0x0  }
0x19: {  	[sflag:s13] =	ssyncadd.s32 $0xFFFFFD80  }
0x1a: {  	[tilespmem:s12], [sflag:$0x1] =	stream.indirect.gather [hbm4b:s4+s12], $0x1, s11, s12, $0xb8;
	[tilespmem:$0xA10] =	vst v63  }
0x1b: {  	_ =	swait.ge [sflag:s13], $0x280  }
0x1c: {  	[sflag:s13] =	ssyncset.done $0x0  }
0x1d: {  	[sflag:s13] =	ssyncadd.s32 $0xFFFFFD80  }
0x1e: {  	v1 =	vld [tilespmem:$0x10]  }
0x1f: {  	v2 =	vld [tilespmem:$0x280]  }
0x20: {  	v3 =	vld [tilespmem:$0x0]  }
0x21: {  	v4 =	vld [tilespmem:$0x290]  }
0x22: {  	v5 =	vld [tilespmem:$0x500]  }
0x23: {  	v6 =	vld [tilespmem:$0x2A0]  }
0x24: {  	v7 =	vld [tilespmem:$0x20]  }
0x25: {  	v8 =	vld [tilespmem:$0x2B0];
	v2 =	vsub.f32 v2, v3  }
0x26: {  	v3 =	vld [tilespmem:$0x30]  }
0x27: {  	v46 =	vld [tilespmem:$0x2C0];
	v1 =	vsub.f32 v4, v1;
	v2 =	vadd.f32 v2, v5  }
0x28: {  	v47 =	vld [tilespmem:$0x40]  }
0x29: {  	v48 =	vld [tilespmem:$0x2D0];
	v6 =	vsub.f32 v6, v7;
	v1 =	vadd.f32 v1, v2  }
0x2a: {  	v9 =	vld [tilespmem:$0x50]  }
0x2b: {  	v49 =	vld [tilespmem:$0x2E0];
	v3 =	vsub.f32 v8, v3;
	v6 =	vadd.f32 v6, v1  }
0x2c: {  	v10 =	vld [tilespmem:$0x60]  }
0x2d: {  	v50 =	vld [tilespmem:$0x2F0];
	v4 =	vsub.f32 v46, v47;
	v3 =	vadd.f32 v3, v6  }
0x2e: {  	v11 =	vld [tilespmem:$0x70]  }
0x2f: {  	v51 =	vld [tilespmem:$0x300];
	v7 =	vsub.f32 v48, v9;
	v4 =	vadd.f32 v4, v3  }
0x30: {  	v12 =	vld [tilespmem:$0x80]  }
0x31: {  	v52 =	vld [tilespmem:$0x310];
	v8 =	vsub.f32 v49, v10;
	v7 =	vadd.f32 v7, v4  }
0x32: {  	v13 =	vld [tilespmem:$0x90]  }
0x33: {  	v53 =	vld [tilespmem:$0x320];
	v5 =	vsub.f32 v50, v11;
	v8 =	vadd.f32 v8, v7  }
0x34: {  	v14 =	vld [tilespmem:$0xA0]  }
0x35: {  	v54 =	vld [tilespmem:$0x330];
	v9 =	vsub.f32 v51, v12;
	v5 =	vadd.f32 v5, v8  }
0x36: {  	v15 =	vld [tilespmem:$0xB0]  }
0x37: {  	v55 =	vld [tilespmem:$0x340];
	v10 =	vsub.f32 v52, v13;
	v9 =	vadd.f32 v9, v5  }
0x38: {  	v16 =	vld [tilespmem:$0xC0]  }
0x39: {  	v56 =	vld [tilespmem:$0x350];
	v11 =	vsub.f32 v53, v14;
	v10 =	vadd.f32 v10, v9  }
0x3a: {  	v17 =	vld [tilespmem:$0xD0]  }
0x3b: {  	v57 =	vld [tilespmem:$0x360];
	v12 =	vsub.f32 v54, v15;
	v11 =	vadd.f32 v11, v10  }
0x3c: {  	v18 =	vld [tilespmem:$0xE0]  }
0x3d: {  	v58 =	vld [tilespmem:$0x370];
	v13 =	vsub.f32 v55, v16;
	v12 =	vadd.f32 v12, v11  }
0x3e: {  	v19 =	vld [tilespmem:$0xF0]  }
0x3f: {  	v59 =	vld [tilespmem:$0x380];
	v14 =	vsub.f32 v56, v17;
	v13 =	vadd.f32 v13, v12  }
0x40: {  	v20 =	vld [tilespmem:$0x100]  }
0x41: {  	v60 =	vld [tilespmem:$0x390];
	v15 =	vsub.f32 v57, v18;
	v14 =	vadd.f32 v14, v13  }
0x42: {  	v21 =	vld [tilespmem:$0x110]  }
0x43: {  	v61 =	vld [tilespmem:$0x3A0];
	v16 =	vsub.f32 v58, v19;
	v15 =	vadd.f32 v15, v14  }
0x44: {  	v22 =	vld [tilespmem:$0x120]  }
0x45: {  	v62 =	vld [tilespmem:$0x3B0];
	v17 =	vsub.f32 v59, v20;
	v16 =	vadd.f32 v16, v15  }
0x46: {  	v23 =	vld [tilespmem:$0x130]  }
0x47: {  	v63 =	vld [tilespmem:$0x3C0];
	v18 =	vsub.f32 v60, v21;
	v17 =	vadd.f32 v17, v16  }
0x48: {  	v24 =	vld [tilespmem:$0x140]  }
0x49: {  	v28 =	vld [tilespmem:$0x3D0];
	v19 =	vsub.f32 v61, v22;
	v18 =	vadd.f32 v18, v17  }
0x4a: {  	v25 =	vld [tilespmem:$0x150]  }
0x4b: {  	v29 =	vld [tilespmem:$0x3E0];
	v20 =	vsub.f32 v62, v23;
	v19 =	vadd.f32 v19, v18  }
0x4c: {  	v26 =	vld [tilespmem:$0x160]  }
0x4d: {  	v30 =	vld [tilespmem:$0x3F0];
	v21 =	vsub.f32 v63, v24;
	v20 =	vadd.f32 v20, v19  }
0x4e: {  	[tilespmem:$0x500] =	vst v2;
	v2 =	vld [tilespmem:$0x170]  }
0x4f: {  	v31 =	vld [tilespmem:$0x400];
	[tilespmem:$0x500] =	vst v1;
	v1 =	vsub.f32 v28, v25;
	v21 =	vadd.f32 v21, v20  }
0x50: {  	v32 =	vld [tilespmem:$0x180];
	[tilespmem:$0x500] =	vst v6  }
0x51: {  	v33 =	vld [tilespmem:$0x410];
	[tilespmem:$0x500] =	vst v3;
	v3 =	vsub.f32 v29, v26;
	v1 =	vadd.f32 v1, v21  }
0x52: {  	v34 =	vld [tilespmem:$0x190];
	[tilespmem:$0x500] =	vst v4  }
0x53: {  	v35 =	vld [tilespmem:$0x420];
	v2 =	vsub.f32 v30, v2;
	[tilespmem:$0x500] =	vst v7;
	v3 =	vadd.f32 v3, v1  }
0x54: {  	v36 =	vld [tilespmem:$0x1A0];
	[tilespmem:$0x500] =	vst v8  }
0x55: {  	v38 =	vld [tilespmem:$0x430];
	v37 =	vsub.f32 v31, v32;
	[tilespmem:$0x500] =	vst v5;
	v2 =	vadd.f32 v2, v3  }
0x56: {  	v39 =	vld [tilespmem:$0x1B0];
	[tilespmem:$0x500] =	vst v9  }
0x57: {  	v40 =	vld [tilespmem:$0x440];
	v4 =	vsub.f32 v33, v34;
	[tilespmem:$0x500] =	vst v10;
	v5 =	vadd.f32 v37, v2  }
0x58: {  	v41 =	vld [tilespmem:$0x1C0];
	[tilespmem:$0x500] =	vst v11  }
0x59: {  	v42 =	vld [tilespmem:$0x450];
	v7 =	vsub.f32 v35, v36;
	[tilespmem:$0x500] =	vst v12;
	v4 =	vadd.f32 v4, v5  }
0x5a: {  	v43 =	vld [tilespmem:$0x1D0];
	[tilespmem:$0x500] =	vst v13  }
0x5b: {  	v44 =	vld [tilespmem:$0x460];
	v6 =	vsub.f32 v38, v39;
	[tilespmem:$0x500] =	vst v14;
	v7 =	vadd.f32 v7, v4  }
0x5c: {  	v45 =	vld [tilespmem:$0x1E0];
	[tilespmem:$0x500] =	vst v15  }
0x5d: {  	v46 =	vld [tilespmem:$0x470];
	v10 =	vsub.f32 v40, v41;
	[tilespmem:$0x500] =	vst v16;
	v6 =	vadd.f32 v6, v7  }
0x5e: {  	v47 =	vld [tilespmem:$0x1F0];
	[tilespmem:$0x500] =	vst v17  }
0x5f: {  	v48 =	vld [tilespmem:$0x480];
	v8 =	vsub.f32 v42, v43;
	[tilespmem:$0x500] =	vst v18;
	v10 =	vadd.f32 v10, v6  }
0x60: {  	v49 =	vld [tilespmem:$0x200];
	[tilespmem:$0x500] =	vst v19  }
0x61: {  	v51 =	vld [tilespmem:$0x210];
	v9 =	vsub.f32 v44, v45;
	[tilespmem:$0x500] =	vst v20;
	v8 =	vadd.f32 v8, v10  }
0x62: {  	v50 =	vld [tilespmem:$0x490];
	[tilespmem:$0x500] =	vst v21  }
0x63: {  	v52 =	vld [tilespmem:$0x4A0];
	[tilespmem:$0x500] =	vst v1;
	v1 =	vsub.f32 v46, v47;
	v9 =	vadd.f32 v9, v8  }
0x64: {  	[tilespmem:$0x500] =	vst v3;
	v3 =	vld [tilespmem:$0x220]  }
0x65: {  	v54 =	vld [tilespmem:$0x230];
	[tilespmem:$0x500] =	vst v2;
	v2 =	vsub.f32 v48, v49;
	v1 =	vadd.f32 v1, v9  }
0x66: {  	v53 =	vld [tilespmem:$0x4B0];
	[tilespmem:$0x500] =	vst v5  }
0x67: {  	v57 =	vld [tilespmem:$0x240];
	v55 =	vsub.f32 v50, v51;
	[tilespmem:$0x500] =	vst v4;
	v2 =	vadd.f32 v2, v1  }
0x68: {  	v56 =	vld [tilespmem:$0x4C0];
	[tilespmem:$0x500] =	vst v7  }
0x69: {  	v59 =	vld [tilespmem:$0x250];
	v3 =	vsub.f32 v52, v3;
	[tilespmem:$0x500] =	vst v6;
	v4 =	vadd.f32 v55, v2  }
0x6a: {  	v58 =	vld [tilespmem:$0x4D0];
	[tilespmem:$0x500] =	vst v10  }
0x6b: {  	v60 =	vld [tilespmem:$0x4E0];
	v5 =	vsub.f32 v53, v54;
	[tilespmem:$0x500] =	vst v8;
	v3 =	vadd.f32 v3, v4  }
0x6c: {  	v61 =	vld [tilespmem:$0x260];
	[tilespmem:$0x500] =	vst v9  }
0x6d: {  	v62 =	vld [tilespmem:$0x4F0];
	[tilespmem:$0x500] =	vst v1;
	v1 =	vsub.f32 v56, v57;
	v5 =	vadd.f32 v5, v3  }
0x6e: {  	[tilespmem:$0x500] =	vst v2;
	v2 =	vld [tilespmem:$0x270]  }
0x6f: {  	v63 =	vsub.f32 v58, v59;
	[tilespmem:$0x500] =	vst v4;
	v1 =	vadd.f32 v1, v5  }
0x70: {  	[tilespmem:$0x500] =	vst v3  }
0x71: {  	v3 =	vsub.f32 v60, v61;
	[tilespmem:$0x500] =	vst v5;
	v4 =	vadd.f32 v63, v1  }
0x72: {  	[tilespmem:$0x500] =	vst v1  }
0x73: {  	s16 =	simm.s32 $0x50;
	v1 =	vsub.f32 v62, v2;
	[tilespmem:$0x500] =	vst v4;
	v2 =	vadd.f32 v3, v4  }
.LBB2_2:
0x74: {  	p0 =	sne.s32 s16, $0x2D0;
	s17 =	smov.u32 s16;
	s16 =	sadd.s32 $0x50, s16  }
0x75: {  	[tilespmem:$0x500] =	vst v2;
	v1 =	vadd.f32 v1, v2;
	_ =	sdelay $0x1  }
0x76: {  	s18 =	sadd.s32 s17, s8;
	[tilespmem:$0x500] =	vst v1  }
0x77: {  	[tilespmem:s9], [sflag:$0x2] =	stream.linear.gather [hbm4b:s18+s2], $0x280, $0x38;
	[tilespmem:$0xA10] =	vst v63  }
0x78: {  	_ =	swait.ge [sflag:s10], $0x280  }
0x79: {  	[sflag:s10] =	ssyncset.done $0x0  }
0x7a: {  	s17 =	sadd.s32 s17, s6;
	[sflag:s10] =	ssyncadd.s32 $0xFFFFFD80  }
0x7b: {  	[tilespmem:s11], [sflag:$0x2] =	stream.linear.gather [hbm4b:s17+s2], $0x280, $0x38;
	[tilespmem:$0xA10] =	vst v63  }
0x7c: {  	_ =	swait.ge [sflag:s10], $0x280  }
0x7d: {  	[sflag:s10] =	ssyncset.done $0x0  }
0x7e: {  	[sflag:s10] =	ssyncadd.s32 $0xFFFFFD80  }
0x7f: {  	[tilespmem:s2], [sflag:$0x1] =	stream.indirect.gather [hbm4b:s3+s12], $0x1, s9, s12, $0xb8;
	[tilespmem:$0xA10] =	vst v63  }
0x80: {  	_ =	swait.ge [sflag:s13], $0x280  }
0x81: {  	[sflag:s13] =	ssyncset.done $0x0  }
0x82: {  	[sflag:s13] =	ssyncadd.s32 $0xFFFFFD80  }
0x83: {  	[tilespmem:s12], [sflag:$0x1] =	stream.indirect.gather [hbm4b:s4+s12], $0x1, s11, s12, $0xb8;
	[tilespmem:$0xA10] =	vst v63  }
0x84: {  	_ =	swait.ge [sflag:s13], $0x280  }
0x85: {  	[sflag:s13] =	ssyncset.done $0x0  }
0x86: {  	[sflag:s13] =	ssyncadd.s32 $0xFFFFFD80  }
0x87: {  	v1 =	vld [tilespmem:$0x10]  }
0x88: {  	v2 =	vld [tilespmem:$0x290]  }
0x89: {  	v3 =	vld [tilespmem:$0x280]  }
0x8a: {  	v4 =	vld [tilespmem:$0x0]  }
0x8b: {  	v5 =	vld [tilespmem:$0x500]  }
0x8c: {  	v6 =	vld [tilespmem:$0x2A0]  }
0x8d: {  	v1 =	vsub.f32 v2, v1;
	v2 =	vld [tilespmem:$0x20]  }
0x8e: {  	v7 =	vld [tilespmem:$0x2B0]  }
0x8f: {  	v3 =	vsub.f32 v3, v4;
	v4 =	vld [tilespmem:$0x30]  }
0x90: {  	v8 =	vld [tilespmem:$0x2C0]  }
0x91: {  	v3 =	vadd.f32 v3, v5;
	v5 =	vld [tilespmem:$0x40]  }
0x92: {  	v2 =	vsub.f32 v6, v2;
	v6 =	vld [tilespmem:$0x2D0]  }
0x93: {  	v1 =	vadd.f32 v1, v3;
	v9 =	vld [tilespmem:$0x50]  }
0x94: {  	v4 =	vsub.f32 v7, v4;
	v7 =	vld [tilespmem:$0x2E0]  }
0x95: {  	v2 =	vadd.f32 v2, v1;
	v10 =	vld [tilespmem:$0x60]  }
0x96: {  	v5 =	vsub.f32 v8, v5;
	v8 =	vld [tilespmem:$0x2F0]  }
0x97: {  	v4 =	vadd.f32 v4, v2;
	v11 =	vld [tilespmem:$0x70]  }
0x98: {  	v6 =	vsub.f32 v6, v9;
	v9 =	vld [tilespmem:$0x300]  }
0x99: {  	v5 =	vadd.f32 v5, v4;
	v12 =	vld [tilespmem:$0x80]  }
0x9a: {  	v7 =	vsub.f32 v7, v10;
	v10 =	vld [tilespmem:$0x310]  }
0x9b: {  	v6 =	vadd.f32 v6, v5;
	v13 =	vld [tilespmem:$0x90]  }
0x9c: {  	v8 =	vsub.f32 v8, v11;
	v11 =	vld [tilespmem:$0x320]  }
0x9d: {  	v7 =	vadd.f32 v7, v6;
	v14 =	vld [tilespmem:$0xA0]  }
0x9e: {  	v9 =	vsub.f32 v9, v12;
	v12 =	vld [tilespmem:$0x330]  }
0x9f: {  	v8 =	vadd.f32 v8, v7;
	v15 =	vld [tilespmem:$0xB0]  }
0xa0: {  	v10 =	vsub.f32 v10, v13;
	v13 =	vld [tilespmem:$0x340]  }
0xa1: {  	v9 =	vadd.f32 v9, v8;
	v16 =	vld [tilespmem:$0xC0]  }
0xa2: {  	v11 =	vsub.f32 v11, v14;
	v14 =	vld [tilespmem:$0x350]  }
0xa3: {  	v10 =	vadd.f32 v10, v9;
	v17 =	vld [tilespmem:$0xD0]  }
0xa4: {  	v12 =	vsub.f32 v12, v15;
	v15 =	vld [tilespmem:$0x360]  }
0xa5: {  	v11 =	vadd.f32 v11, v10;
	v18 =	vld [tilespmem:$0xE0]  }
0xa6: {  	v13 =	vsub.f32 v13, v16;
	v16 =	vld [tilespmem:$0x370]  }
0xa7: {  	v12 =	vadd.f32 v12, v11;
	v19 =	vld [tilespmem:$0xF0]  }
0xa8: {  	v14 =	vsub.f32 v14, v17;
	v17 =	vld [tilespmem:$0x380]  }
0xa9: {  	v13 =	vadd.f32 v13, v12;
	v20 =	vld [tilespmem:$0x100]  }
0xaa: {  	v15 =	vsub.f32 v15, v18;
	v18 =	vld [tilespmem:$0x390]  }
0xab: {  	v14 =	vadd.f32 v14, v13;
	v21 =	vld [tilespmem:$0x110]  }
0xac: {  	v16 =	vsub.f32 v16, v19;
	v19 =	vld [tilespmem:$0x3A0]  }
0xad: {  	v15 =	vadd.f32 v15, v14;
	v22 =	vld [tilespmem:$0x120]  }
0xae: {  	v17 =	vsub.f32 v17, v20;
	v20 =	vld [tilespmem:$0x3B0]  }
0xaf: {  	v16 =	vadd.f32 v16, v15;
	v23 =	vld [tilespmem:$0x130]  }
0xb0: {  	v18 =	vsub.f32 v18, v21;
	v21 =	vld [tilespmem:$0x3C0]  }
0xb1: {  	v17 =	vadd.f32 v17, v16;
	v24 =	vld [tilespmem:$0x140]  }
0xb2: {  	v19 =	vsub.f32 v19, v22;
	v22 =	vld [tilespmem:$0x3D0]  }
0xb3: {  	v18 =	vadd.f32 v18, v17;
	v25 =	vld [tilespmem:$0x150]  }
0xb4: {  	v20 =	vsub.f32 v20, v23;
	v23 =	vld [tilespmem:$0x3E0]  }
0xb5: {  	v19 =	vadd.f32 v19, v18;
	v26 =	vld [tilespmem:$0x160]  }
0xb6: {  	[tilespmem:$0x500] =	vst v3;
	v3 =	vsub.f32 v21, v24;
	v21 =	vld [tilespmem:$0x3F0]  }
0xb7: {  	[tilespmem:$0x500] =	vst v1;
	v1 =	vadd.f32 v20, v19;
	v20 =	vld [tilespmem:$0x170]  }
0xb8: {  	[tilespmem:$0x500] =	vst v2;
	v2 =	vsub.f32 v22, v25;
	v22 =	vld [tilespmem:$0x400]  }
0xb9: {  	[tilespmem:$0x500] =	vst v4;
	v3 =	vadd.f32 v3, v1;
	v4 =	vld [tilespmem:$0x180]  }
0xba: {  	[tilespmem:$0x500] =	vst v5;
	v5 =	vsub.f32 v23, v26;
	v23 =	vld [tilespmem:$0x410]  }
0xbb: {  	[tilespmem:$0x500] =	vst v6;
	v2 =	vadd.f32 v2, v3;
	v6 =	vld [tilespmem:$0x190]  }
0xbc: {  	[tilespmem:$0x500] =	vst v7;
	v7 =	vsub.f32 v21, v20;
	v20 =	vld [tilespmem:$0x420]  }
0xbd: {  	[tilespmem:$0x500] =	vst v8;
	v5 =	vadd.f32 v5, v2;
	v8 =	vld [tilespmem:$0x1A0]  }
0xbe: {  	[tilespmem:$0x500] =	vst v9;
	v4 =	vsub.f32 v22, v4;
	v9 =	vld [tilespmem:$0x430]  }
0xbf: {  	[tilespmem:$0x500] =	vst v10;
	v7 =	vadd.f32 v7, v5;
	v10 =	vld [tilespmem:$0x1B0]  }
0xc0: {  	[tilespmem:$0x500] =	vst v11;
	v6 =	vsub.f32 v23, v6;
	v11 =	vld [tilespmem:$0x440]  }
0xc1: {  	[tilespmem:$0x500] =	vst v12;
	v4 =	vadd.f32 v4, v7;
	v12 =	vld [tilespmem:$0x1C0]  }
0xc2: {  	[tilespmem:$0x500] =	vst v13;
	v8 =	vsub.f32 v20, v8;
	v13 =	vld [tilespmem:$0x450]  }
0xc3: {  	[tilespmem:$0x500] =	vst v14;
	v6 =	vadd.f32 v6, v4;
	v14 =	vld [tilespmem:$0x1D0]  }
0xc4: {  	[tilespmem:$0x500] =	vst v15;
	v9 =	vsub.f32 v9, v10;
	v10 =	vld [tilespmem:$0x460]  }
0xc5: {  	[tilespmem:$0x500] =	vst v16;
	v8 =	vadd.f32 v8, v6;
	v15 =	vld [tilespmem:$0x1E0]  }
0xc6: {  	[tilespmem:$0x500] =	vst v17;
	v11 =	vsub.f32 v11, v12;
	v12 =	vld [tilespmem:$0x470]  }
0xc7: {  	[tilespmem:$0x500] =	vst v18;
	v9 =	vadd.f32 v9, v8;
	v16 =	vld [tilespmem:$0x1F0]  }
0xc8: {  	[tilespmem:$0x500] =	vst v19;
	v13 =	vsub.f32 v13, v14;
	v14 =	vld [tilespmem:$0x480]  }
0xc9: {  	[tilespmem:$0x500] =	vst v1;
	v1 =	vadd.f32 v11, v9;
	v11 =	vld [tilespmem:$0x200]  }
0xca: {  	[tilespmem:$0x500] =	vst v3;
	v3 =	vsub.f32 v10, v15;
	v10 =	vld [tilespmem:$0x490]  }
0xcb: {  	[tilespmem:$0x500] =	vst v2;
	v2 =	vadd.f32 v13, v1;
	v13 =	vld [tilespmem:$0x210]  }
0xcc: {  	[tilespmem:$0x500] =	vst v5;
	v5 =	vsub.f32 v12, v16;
	v12 =	vld [tilespmem:$0x4A0]  }
0xcd: {  	[tilespmem:$0x500] =	vst v7;
	v3 =	vadd.f32 v3, v2;
	v7 =	vld [tilespmem:$0x220]  }
0xce: {  	[tilespmem:$0x500] =	vst v4;
	v4 =	vsub.f32 v14, v11;
	v11 =	vld [tilespmem:$0x4B0]  }
0xcf: {  	[tilespmem:$0x500] =	vst v6;
	v5 =	vadd.f32 v5, v3;
	v6 =	vld [tilespmem:$0x230]  }
0xd0: {  	[tilespmem:$0x500] =	vst v8;
	v8 =	vsub.f32 v10, v13;
	v10 =	vld [tilespmem:$0x4C0]  }
0xd1: {  	[tilespmem:$0x500] =	vst v9;
	v4 =	vadd.f32 v4, v5;
	v9 =	vld [tilespmem:$0x240]  }
0xd2: {  	[tilespmem:$0x500] =	vst v1;
	v1 =	vsub.f32 v12, v7;
	v7 =	vld [tilespmem:$0x4D0]  }
0xd3: {  	[tilespmem:$0x500] =	vst v2;
	v2 =	vadd.f32 v8, v4;
	v8 =	vld [tilespmem:$0x250]  }
0xd4: {  	[tilespmem:$0x500] =	vst v3;
	v3 =	vsub.f32 v11, v6;
	v6 =	vld [tilespmem:$0x4E0]  }
0xd5: {  	[tilespmem:$0x500] =	vst v5;
	v1 =	vadd.f32 v1, v2;
	v5 =	vld [tilespmem:$0x260]  }
0xd6: {  	[tilespmem:$0x500] =	vst v4;
	v4 =	vsub.f32 v10, v9;
	v9 =	vld [tilespmem:$0x4F0]  }
0xd7: {  	[tilespmem:$0x500] =	vst v2;
	v2 =	vadd.f32 v3, v1;
	v3 =	vld [tilespmem:$0x270]  }
0xd8: {  	[tilespmem:$0x500] =	vst v1;
	v1 =	vsub.f32 v7, v8  }
.Ltmp0:
0xd9: {  	[tilespmem:$0x500] =	vst v2;
	v2 =	vadd.f32 v4, v2;
	(pc) =	sbr.rel @p0 .LBB2_2-.Ltmp0, $4  }
0xda: {  	v4 =	vsub.f32 v6, v5  }
0xdb: {  	[tilespmem:$0x500] =	vst v2;
	v2 =	vadd.f32 v1, v2  }
0xdc: {  	v1 =	vsub.f32 v9, v3  }
0xdd: {  	[tilespmem:$0x500] =	vst v2;
	v2 =	vadd.f32 v4, v2  }
0xde: {  	_ = 	snop  }
0xdf: {  	s15 =	sadd.s32 $0x1, s15;
	v1 =	vadd.f32 v1, v2  }
0xe0: {  	[tilespmem:$0x500] =	vst v2;
	p0 =	sne.s32 s15, s7  }
.Ltmp1:
0xe1: {  	[tilespmem:$0x500] =	vst v1;
	(pc) =	sbr.rel @p0 .LBB2_1-.Ltmp1, $4  }
0xe2: {  	[hbm4b:s5+s2] =	stream.linear.scatter [tilespmem:s14], [sflag:$0x2], $0x10, $0x38;
	[tilespmem:$0xA10] =	vst v63  }
0xe3: {  	_ =	swait.ge [sflag:s10], $0x10  }
0xe4: {  	[sflag:s10] =	ssyncset.done $0x0  }
0xe5: {  	[sflag:s10] =	ssyncadd.s32 $0xFFFFFFF0  }
0xe6: {  	_ =	sfence.sel $0x180000  }
0xe7: {  	[bflag:$0x0] =	sbarrier.arrive $0xFFFF  }
0xe8: {  	p0 =	sne.s32 s1, $0x0;
	_ =	strace $0x9000005F  }
0xe9: {  	s0 =	sadd.s32 @!p0 $0x100000, s0;
	[bflag:$0x2] =	sbarrier.arrive $0xFFFF  }
0xea: {  	[sflag:s0] =	ssyncadd.tile.s32 @!p0 $0x1;
	_ =	shalt  }
.Lfunc_end2:
_tile_overlayer_lowered:
.L_overlay_start_2:
0xeb: {  	(tag) =	ssettag $0x2  }
0xec: {  	s0 =	rddreg [dreg:$0x0];
	s2 =	stileid.u32  }
0xed: {  	s1 =	rddreg [dreg:$0x1];
	p0 =	sne.s32 s2, $0x0  }
0xee: {  	s3 =	rddreg [dreg:$0x2];
	[bflag:$0x3] =	sbarrier.arrive $0xFFFF;
	s2 =	simm.s32 @!p0 $0x1C02  }
0xef: {  	[timem:s3], [sflag:s2] =	dma.local @!p0 [hbm:s0], s1  }
0xf0: {  	s0 =	simm.s32 @!p0 $0x2  }
0xf1: {  	_ =	swait.ge @!p0 [sflag:s0], s1  }
0xf2: {  	s1 =	ssub.s32 @!p0 $0x0, s1;
	[sflag:s0] =	ssyncset.done @!p0 $0x0  }
0xf3: {  	[sflag:s0] =	ssyncadd.s32 @!p0 s1  }
0xf4: {  	[bflag:$0x3] =	sbarrier.arrive $0xFFFF  }
0xf5: {  	_ =	shalt  }

</sc_bundles>
